<compile_context>
chip_gen: v7x
topology: tpu7x:2x2x1
jax: 0.10.2.dev20260603
libtpu: 0.0.44.dev20260713+nightly
codegen_flags: <defaults>
</compile_context>

<pallas_src>
import jax
import jax.numpy as jnp
from jax import lax
from jax.experimental import pallas as pl
from jax.experimental.pallas import tpu as pltpu
from jax.experimental.pallas import tpu_sc as plsc

N = 50000
E = 800000
G = 128
V = 64
D = 64
H = 64

NC = 2
NS = 16
NPH = 2
HALF = N // NC
QROWS = HALF // NPH

CH = 2048
SUB = 128
NSUB = CH // SUB
NCHUNK = 26
EPT = NCHUNK * CH
EPAD = EPT * NS

HWQ = 819200
HSPANQ = HWQ // NS
HZQ = HSPANQ // 4
HDUM = QROWS * V

WQ = H // 2
RQR = 25600
RSPANQ = RQR // NS
RZQ = RSPANQ // 4
RDUM = HALF

BN = 1000
NB = N // BN


def _mesh():
    return plsc.VectorSubcoreMesh(core_axis_name="c", subcore_axis_name="s")


def _sc_hist(srcp, dstp, x):

    def body(src_h, dst_h, x_h, out_h, x_v, svA, dvA, svB, dvB,
             idxA, idxB, ones_v, bounce,
             stAs, stAd, stBs, stBd, scA, scB, hist_sh):
        c = lax.axis_index("c")
        s = lax.axis_index("s")

        def fo(i, _):
            ones_v[pl.ds(i * 16, 16)] = jnp.ones((16,), jnp.float32)
            return 0

        lax.fori_loop(0, CH // 16, fo, 0)
        pltpu.sync_copy(x_h, x_v)

        zv = jnp.zeros((16,), jnp.float32)
        ebase = s * EPT
        base = s * HSPANQ

        for q in range(NPH):
            lo = c * HALF + q * QROWS

            def zi(i, _):
                bounce[pl.ds(i * 16, 16)] = zv
                return 0

            lax.fori_loop(0, HZQ // 16, zi, 0)
            for i in range(4):
                pltpu.sync_copy(bounce,
                                hist_sh.at[pl.ds(base + i * HZQ, HZQ)])
            plsc.subcore_barrier()

            pltpu.async_copy(src_h.at[pl.ds(ebase, CH)], svA, stAs)
            pltpu.async_copy(dst_h.at[pl.ds(ebase, CH)], dvA, stAd)

            def jb(j, _):
                o0 = ebase + (2 * j) * CH
                o1 = o0 + CH

                def do_chunk(sv, dv, idx, sc, guard):
                    @pl.when(guard)
                    def _():
                        pltpu.make_async_copy(
                            ones_v, hist_sh.at[idx.at[0]], sc).wait()

                    def ib(g, _):
                        sj = sv[pl.ds(g * 16, 16)]
                        dj = dv[pl.ds(g * 16, 16)]
                        t = plsc.load_gather(x_v, [sj])
                        dl = dj - lo
                        m = (dl >= 0) & (dl < QROWS)
                        idx[0, pl.ds(g * 16, 16)] = jnp.where(
                            m, dl * V + t, HDUM)
                        return 0

                    lax.fori_loop(0, CH // 16, ib, 0)
                    pltpu.async_copy(ones_v, hist_sh.at[idx.at[0]], sc,
                                     add=True)

                pltpu.make_async_copy(src_h.at[pl.ds(o0, CH)], svA,
                                      stAs).wait()
                pltpu.make_async_copy(dst_h.at[pl.ds(o0, CH)], dvA,
                                      stAd).wait()
                pltpu.async_copy(src_h.at[pl.ds(o1, CH)], svB, stBs)
                pltpu.async_copy(dst_h.at[pl.ds(o1, CH)], dvB, stBd)
                do_chunk(svA, dvA, idxA, scA, j > 0)
                o2 = ebase + jnp.minimum(2 * j + 2, NCHUNK - 1) * CH
                pltpu.async_copy(src_h.at[pl.ds(o2, CH)], svA, stAs)
                pltpu.async_copy(dst_h.at[pl.ds(o2, CH)], dvA, stAd)
                pltpu.make_async_copy(src_h.at[pl.ds(o1, CH)], svB,
                                      stBs).wait()
                pltpu.make_async_copy(dst_h.at[pl.ds(o1, CH)], dvB,
                                      stBd).wait()
                do_chunk(svB, dvB, idxB, scB, j > 0)
                return 0

            lax.fori_loop(0, NCHUNK // 2, jb, 0)

            olast = ebase + (NCHUNK - 1) * CH
            pltpu.make_async_copy(src_h.at[pl.ds(olast, CH)], svA,
                                  stAs).wait()
            pltpu.make_async_copy(dst_h.at[pl.ds(olast, CH)], dvA,
                                  stAd).wait()
            pltpu.make_async_copy(ones_v, hist_sh.at[idxA.at[0]],
                                  scA).wait()
            pltpu.make_async_copy(ones_v, hist_sh.at[idxB.at[0]],
                                  scB).wait()
            plsc.subcore_barrier()

            hbase = (c * NPH + q) * HWQ + base
            for i in range(4):
                pltpu.sync_copy(hist_sh.at[pl.ds(base + i * HZQ, HZQ)],
                                bounce)
                pltpu.sync_copy(bounce, out_h.at[pl.ds(hbase + i * HZQ,
                                                       HZQ)])

    f = pl.kernel(
        body,
        out_type=jax.ShapeDtypeStruct((NC * NPH * HWQ,), jnp.float32),
        mesh=_mesh(),
        scratch_types=[
            pltpu.VMEM((N,), jnp.int32),
            pltpu.VMEM((CH,), jnp.int32),
            pltpu.VMEM((CH,), jnp.int32),
            pltpu.VMEM((CH,), jnp.int32),
            pltpu.VMEM((CH,), jnp.int32),
            pltpu.VMEM((1, CH), jnp.int32),
            pltpu.VMEM((1, CH), jnp.int32),
            pltpu.VMEM((CH,), jnp.float32),
            pltpu.VMEM((HZQ,), jnp.float32),
            pltpu.SemaphoreType.DMA,
            pltpu.SemaphoreType.DMA,
            pltpu.SemaphoreType.DMA,
            pltpu.SemaphoreType.DMA,
            pltpu.SemaphoreType.DMA,
            pltpu.SemaphoreType.DMA,
            pltpu.VMEM_SHARED((HWQ,), jnp.float32),
        ],
        compiler_params=pltpu.CompilerParams(needs_layout_passes=False),
    )
    return f(srcp, dstp, x)


def _sc_rowsum(srcp, dstp, h1a, h1b):

    def body(src_h, dst_h, ha_h, hb_h, out_h, sv, dv, gidx, sidx, r0, r1,
             bounce, sem0, sem1, ssem0, ssem1, agg_sh):
        c = lax.axis_index("c")
        s = lax.axis_index("s")
        lo = c * HALF

        zv = jnp.zeros((16,), jnp.float32)
        ebase = s * EPT
        rbase = s * RSPANQ

        for q in range(NPH):
            h_h = ha_h if q == 0 else hb_h

            def zi(i, _):
                bounce[i // 2, pl.ds((i % 2) * 16, 16)] = zv
                return 0

            lax.fori_loop(0, RZQ * (WQ // 16), zi, 0)
            for i in range(4):
                pltpu.sync_copy(bounce,
                                agg_sh.at[pl.ds(rbase + i * RZQ, RZQ)])
            plsc.subcore_barrier()

            def chunk(ci, _):
                off = ebase + ci * CH
                pltpu.sync_copy(src_h.at[pl.ds(off, CH)], sv)
                pltpu.sync_copy(dst_h.at[pl.ds(off, CH)], dv)
                for r in range(NSUB):
                    def qq(qi, _):
                        st = r * SUB + qi * 16
                        sj = sv[pl.ds(st, 16)]
                        dj = dv[pl.ds(st, 16)]
                        dl = dj - lo
                        m = (dl >= 0) & (dl < HALF)
                        gidx[r, pl.ds(qi * 16, 16)] = sj
                        sidx[r, pl.ds(qi * 16, 16)] = jnp.where(m, dl,
                                                                RDUM)
                        return 0
                    lax.fori_loop(0, SUB // 16, qq, 0)
                d_cur = pltpu.async_copy(h_h.at[gidx.at[0]], r0, sem0)
                for r in range(NSUB):
                    if r + 1 < NSUB:
                        nbuf = r1 if r % 2 == 0 else r0
                        nsem = sem1 if r % 2 == 0 else sem0
                        if r >= 1:
                            psem = ssem1 if r % 2 == 0 else ssem0
                            pltpu.make_async_copy(
                                nbuf, agg_sh.at[sidx.at[r - 1]],
                                psem).wait()
                        d_next = pltpu.async_copy(h_h.at[gidx.at[r + 1]],
                                                  nbuf, nsem)
                    d_cur.wait()
                    buf = r0 if r % 2 == 0 else r1
                    ssem = ssem0 if r % 2 == 0 else ssem1
                    pltpu.async_copy(buf, agg_sh.at[sidx.at[r]], ssem,
                                     add=True)
                    if r + 1 < NSUB:
                        d_cur = d_next
                pltpu.make_async_copy(r0, agg_sh.at[sidx.at[NSUB - 2]],
                                      ssem0).wait()
                pltpu.make_async_copy(r1, agg_sh.at[sidx.at[NSUB - 1]],
                                      ssem1).wait()
                return 0

            lax.fori_loop(0, NCHUNK, chunk, 0)
            plsc.subcore_barrier()

            obase = (c * NPH + q) * RQR + rbase
            for i in range(4):
                pltpu.sync_copy(agg_sh.at[pl.ds(rbase + i * RZQ, RZQ)],
                                bounce)
                pltpu.sync_copy(bounce, out_h.at[pl.ds(obase + i * RZQ,
                                                       RZQ)])

    f = pl.kernel(
        body,
        out_type=jax.ShapeDtypeStruct((NC * NPH * RQR, WQ), jnp.float32),
        mesh=_mesh(),
        scratch_types=[
            pltpu.VMEM((CH,), jnp.int32),
            pltpu.VMEM((CH,), jnp.int32),
            pltpu.VMEM((NSUB, SUB), jnp.int32),
            pltpu.VMEM((NSUB, SUB), jnp.int32),
            pltpu.VMEM((SUB, WQ), jnp.float32),
            pltpu.VMEM((SUB, WQ), jnp.float32),
            pltpu.VMEM((RZQ, WQ), jnp.float32),
            pltpu.SemaphoreType.DMA,
            pltpu.SemaphoreType.DMA,
            pltpu.SemaphoreType.DMA,
            pltpu.SemaphoreType.DMA,
            pltpu.VMEM_SHARED((RQR, WQ), jnp.float32),
        ],
        compiler_params=pltpu.CompilerParams(needs_layout_passes=False,
                                             use_tc_tiling_on_sc=False),
    )
    return f(srcp, dstp, h1a, h1b)


def _tc_layer1(counts2d, x3, emb, W1l, W1r, b1):
    def body(c_ref, x_ref, emb_ref, wl_ref, wr_ref, b_ref, oa_ref, ob_ref):
        cb = c_ref[...]
        denom = jnp.maximum(jnp.sum(cb, axis=1, keepdims=True), 1.0)
        Ml = jnp.dot(emb_ref[...], wl_ref[...],
                     preferred_element_type=jnp.float32)
        Mr = jnp.dot(emb_ref[...], wr_ref[...],
                     preferred_element_type=jnp.float32)
        xb = x_ref[0, 0, :]
        oh = (xb[:, None] == lax.broadcasted_iota(jnp.int32, (BN, V), 1)
              ).astype(jnp.float32)
        h1 = (jnp.dot(cb, Ml, preferred_element_type=jnp.float32) / denom
              + jnp.dot(oh, Mr, preferred_element_type=jnp.float32)
              + b_ref[...][None, :])
        h1 = jnp.maximum(h1, 0.0)
        oa_ref[...] = h1[:, :WQ]
        ob_ref[...] = h1[:, WQ:]

    return pl.pallas_call(
        body,
        grid=(NB,),
        in_specs=[
            pl.BlockSpec((BN, V), lambda i: (i, 0)),
            pl.BlockSpec((1, 1, BN), lambda i: (i, 0, 0)),
            pl.BlockSpec((V, D), lambda i: (0, 0)),
            pl.BlockSpec((D, H), lambda i: (0, 0)),
            pl.BlockSpec((D, H), lambda i: (0, 0)),
            pl.BlockSpec((H,), lambda i: (0,)),
        ],
        out_specs=[
            pl.BlockSpec((BN, WQ), lambda i: (i, 0)),
            pl.BlockSpec((BN, WQ), lambda i: (i, 0)),
        ],
        out_shape=[
            jax.ShapeDtypeStruct((N, WQ), jnp.float32),
            jax.ShapeDtypeStruct((N, WQ), jnp.float32),
        ],
    )(counts2d, x3, emb, W1l, W1r, b1)


def _tc_layer2(h1a, h1b, aggA, aggB, counts2d, b3, W2l, W2r, b2, WlinP,
               blinP):
    def body(ha_ref, hb_ref, aa_ref, ab_ref, c_ref, b3_ref, wl_ref,
             wr_ref, b2_ref, wlin_ref, blin_ref, o_ref, sums_sc, cnt_sc):
        i = pl.program_id(0)

        @pl.when(i == 0)
        def _():
            sums_sc[...] = jnp.zeros_like(sums_sc)
            cnt_sc[...] = jnp.zeros_like(cnt_sc)

        cb = c_ref[...]
        denom = jnp.maximum(jnp.sum(cb, axis=1, keepdims=True), 1.0)
        wl = wl_ref[...]
        wr = wr_ref[...]
        h2 = jnp.maximum(
            jnp.dot(aa_ref[...] / denom, wl[:WQ, :],
                    preferred_element_type=jnp.float32)
            + jnp.dot(ab_ref[...] / denom, wl[WQ:, :],
                      preferred_element_type=jnp.float32)
            + jnp.dot(ha_ref[...], wr[:WQ, :],
                      preferred_element_type=jnp.float32)
            + jnp.dot(hb_ref[...], wr[WQ:, :],
                      preferred_element_type=jnp.float32)
            + b2_ref[...][None, :], 0.0)
        bb = b3_ref[0, 0, :]
        oh = (bb[:, None] == lax.broadcasted_iota(jnp.int32, (BN, G), 1)
              ).astype(jnp.float32)
        dn = (((0,), (0,)), ((), ()))
        sums_sc[...] += lax.dot_general(
            oh, h2, dn, preferred_element_type=jnp.float32)
        cnt_sc[...] += lax.dot_general(
            oh, jnp.ones((BN, H), jnp.float32), dn,
            preferred_element_type=jnp.float32)

        @pl.when(i == NB - 1)
        def _():
            pooled = sums_sc[...] / jnp.maximum(cnt_sc[...], 1.0)
            o_ref[...] = (jnp.dot(pooled, wlin_ref[...],
                                  preferred_element_type=jnp.float32)
                          + blin_ref[...][None, :])

    return pl.pallas_call(
        body,
        grid=(NB,),
        in_specs=[
            pl.BlockSpec((BN, WQ), lambda i: (i, 0)),
            pl.BlockSpec((BN, WQ), lambda i: (i, 0)),
            pl.BlockSpec((BN, WQ), lambda i: (i, 0)),
            pl.BlockSpec((BN, WQ), lambda i: (i, 0)),
            pl.BlockSpec((BN, V), lambda i: (i, 0)),
            pl.BlockSpec((1, 1, BN), lambda i: (i, 0, 0)),
            pl.BlockSpec((H, H), lambda i: (0, 0)),
            pl.BlockSpec((H, H), lambda i: (0, 0)),
            pl.BlockSpec((H,), lambda i: (0,)),
            pl.BlockSpec((H, 128), lambda i: (0, 0)),
            pl.BlockSpec((128,), lambda i: (0,)),
        ],
        out_specs=pl.BlockSpec((G, 128), lambda i: (0, 0)),
        out_shape=jax.ShapeDtypeStruct((G, 128), jnp.float32),
        scratch_shapes=[
            pltpu.VMEM((G, H), jnp.float32),
            pltpu.VMEM((G, H), jnp.float32),
        ],
    )(h1a, h1b, aggA, aggB, counts2d, b3, W2l, W2r, b2, WlinP, blinP)


def kernel(x, edge_index, batch, emb, W1l, W1r, b1, W2l, W2r, b2, Wlin, blin):
    x = x.astype(jnp.int32)
    src = edge_index[0].astype(jnp.int32)
    dst = edge_index[1].astype(jnp.int32)
    npad = EPAD - E
    srcp = jnp.concatenate([src, jnp.zeros((npad,), jnp.int32)])
    dstp = jnp.concatenate([dst, jnp.full((npad,), N, jnp.int32)])

    cf = _sc_hist(srcp, dstp, x)
    counts2d = jnp.concatenate(
        [cf[k * HWQ: k * HWQ + QROWS * V] for k in range(NC * NPH)]
    ).reshape(N, V)

    x3 = x.reshape(NB, 1, BN)
    h1a, h1b = _tc_layer1(counts2d, x3, emb, W1l, W1r, b1)

    aggp = _sc_rowsum(srcp, dstp, h1a, h1b)
    aggA = jnp.concatenate([aggp[0 * RQR: 0 * RQR + HALF],
                            aggp[2 * RQR: 2 * RQR + HALF]], axis=0)
    aggB = jnp.concatenate([aggp[1 * RQR: 1 * RQR + HALF],
                            aggp[3 * RQR: 3 * RQR + HALF]], axis=0)

    b3 = batch.astype(jnp.int32).reshape(NB, 1, BN)
    WlinP = jnp.pad(Wlin, ((0, 0), (0, 128 - Wlin.shape[1])))
    blinP = jnp.pad(blin, (0, 128 - blin.shape[0]))
    outp = _tc_layer2(h1a, h1b, aggA, aggB, counts2d, b3, W2l, W2r, b2,
                      WlinP, blinP)
    return outp[:, :2]

# --- scband reference (transcript-rebuilt; emitter-appended) ---
"""Pipeline reference for scband-gnnclassifier-88648124990545 (READ-ONLY COPY).

The authoritative reference and input builder live on the scoring server;
editing this copy changes nothing except your own understanding.
"""

import jax, jax.numpy as jnp
import numpy as np

N = 50000   # nodes
E = 800000  # edges
G = 128     # graphs in batch
V = 64      # vocab size
D = 64      # emb_dim
H = 64      # hidden_dim
C = 2       # num_classes

def setup_inputs(seed: int = 0):
    key = jax.random.key(seed)
    ks = jax.random.split(key, 12)
    x = jax.random.randint(ks[0], (N,), 0, V)
    edge_index = jax.random.randint(ks[1], (2, E), 0, N)
    batch = jnp.sort(jax.random.randint(ks[2], (N,), 0, G))
    s = 0.05
    emb = jax.random.normal(ks[3], (V, D), dtype=jnp.float32) * s
    W1l = jax.random.normal(ks[4], (D, H), dtype=jnp.float32) * s
    W1r = jax.random.normal(ks[5], (D, H), dtype=jnp.float32) * s
    b1 = jnp.zeros((H,), dtype=jnp.float32)
    W2l = jax.random.normal(ks[6], (H, H), dtype=jnp.float32) * s
    W2r = jax.random.normal(ks[7], (H, H), dtype=jnp.float32) * s
    b2 = jnp.zeros((H,), dtype=jnp.float32)
    Wlin = jax.random.normal(ks[8], (H, C), dtype=jnp.float32) * s
    blin = jnp.zeros((C,), dtype=jnp.float32)
    return {"x": x, "edge_index": edge_index, "batch": batch, "emb": emb,
            "W1l": W1l, "W1r": W1r, "b1": b1,
            "W2l": W2l, "W2r": W2r, "b2": b2,
            "Wlin": Wlin, "blin": blin}

def _sage(h, src, dst, Wl, Wr, b):
    # PyG SAGEConv (mean aggr): out = lin_l(mean_{j->i} x_j) + lin_r(x_i)
    msg = jnp.take(h, src, axis=0)
    summed = jax.ops.segment_sum(msg, dst, num_segments=N)
    cnt = jax.ops.segment_sum(jnp.ones((msg.shape[0], 1), dtype=h.dtype), dst, num_segments=N)
    mean = summed / jnp.maximum(cnt, 1.0)
    return mean @ Wl + h @ Wr + b

def reference(x, edge_index, batch, emb, W1l, W1r, b1, W2l, W2r, b2, Wlin, blin):
    src = edge_index[0]
    dst = edge_index[1]
    h = jnp.take(emb, x, axis=0)                       # embedding lookup
    h = jax.nn.relu(_sage(h, src, dst, W1l, W1r, b1))  # conv1
    h = jax.nn.relu(_sage(h, src, dst, W2l, W2r, b2))  # conv2
    # global_mean_pool over batch ids
    sums = jax.ops.segment_sum(h, batch, num_segments=G)
    cnts = jax.ops.segment_sum(jnp.ones((N, 1), dtype=h.dtype), batch, num_segments=G)
    pooled = sums / jnp.maximum(cnts, 1.0)
    return pooled @ Wlin + blin

if __name__ == "__main__":
    import jax
    _d = setup_inputs()
    print(jax.jit(kernel)(*tuple(_d.values())))

</pallas_src>

<mosaic_0001>
#map = affine_map<(d0, d1) -> (0)>
module attributes {stable_mosaic.version = 14 : i64} {
  func.func @body(%arg0: i32, %arg1: i32, %arg2: memref<851968xi32, #tpu.memory_space<hbm>>, %arg3: memref<851968xi32, #tpu.memory_space<hbm>>, %arg4: memref<50000xi32, #tpu.memory_space<hbm>>, %arg5: memref<3276800xf32, #tpu.memory_space<hbm>>, %arg6: memref<50000xi32, #tpu.memory_space<vmem>>, %arg7: memref<2048xi32, #tpu.memory_space<vmem>>, %arg8: memref<2048xi32, #tpu.memory_space<vmem>>, %arg9: memref<2048xi32, #tpu.memory_space<vmem>>, %arg10: memref<2048xi32, #tpu.memory_space<vmem>>, %arg11: memref<1x2048xi32, #tpu.memory_space<vmem>>, %arg12: memref<1x2048xi32, #tpu.memory_space<vmem>>, %arg13: memref<2048xf32, #tpu.memory_space<vmem>>, %arg14: memref<12800xf32, #tpu.memory_space<vmem>>, %arg15: memref<!tpu.dma_semaphore, #tpu.memory_space<semaphore_mem>>, %arg16: memref<!tpu.dma_semaphore, #tpu.memory_space<semaphore_mem>>, %arg17: memref<!tpu.dma_semaphore, #tpu.memory_space<semaphore_mem>>, %arg18: memref<!tpu.dma_semaphore, #tpu.memory_space<semaphore_mem>>, %arg19: memref<!tpu.dma_semaphore, #tpu.memory_space<semaphore_mem>>, %arg20: memref<!tpu.dma_semaphore, #tpu.memory_space<semaphore_mem>>, %arg21: memref<819200xf32, #tpu.memory_space<vmem_shared>>) attributes {dimension_semantics = [#tpu.dimension_semantics<core_parallel>, #tpu.dimension_semantics<subcore_parallel>], iteration_bounds = array<i64: 2, 16>, scalar_prefetch = 0 : i64, scratch_operands = 16 : i64, tpu.core_type = #tpu.core_type<sc_vector_subcore>, window_params = [{transform_indices = #map}, {transform_indices = #map}, {transform_indices = #map}, {transform_indices = #map}]} {
    %scan3A = arith.constant 0 : i32
    %scan3A_0 = arith.constant 0 : i32
    %scan3A_1 = arith.constant 128 : i32
    %scan3A_2 = arith.addi %scan3A_0, %scan3A_1 : i32
    %scan3A_3 = arith.constant 1 : i32
    %scan3A_4 = scf.for %scan3A_152 = %scan3A_0 to %scan3A_2 step %scan3A_3 iter_args(%scan3A_153 = %scan3A) -> (i32)  : i32 {
      %broadcast_in_dim3A_154 = arith.constant 1.000000e+00 : f32
      %broadcast_in_dim3A_155 = vector.broadcast %broadcast_in_dim3A_154 : f32 to vector<16xf32>
      %mul3A_156 = arith.constant 16 : i32
      %mul3A_157 = arith.muli %scan3A_152, %mul3A_156 : i32
      %swap3A = arith.index_cast %mul3A_157 : i32 to index
      %swap3A_158 = tpu.vector_load %arg13[%swap3A] {strides = array<i32>} : memref<2048xf32, #tpu.memory_space<vmem>>, vector<16xf32>,
      tpu.vector_store %arg13[%swap3A], %broadcast_in_dim3A_155 {strides = array<i32>} : memref<2048xf32, #tpu.memory_space<vmem>>, vector<16xf32>,
      %scan3A_159 = arith.constant 0 : i32
      scf.yield %scan3A_159 : i32
    }
    %scan3A_5 = arith.constant 128 : i32
    "tpu.region"() ({
      %run_scoped3A = tpu.sem_alloc : memref<!tpu.dma_semaphore, #tpu.memory_space<semaphore_mem>>
      tpu.enqueue_dma source(%arg4 : memref<50000xi32, #tpu.memory_space<hbm>>) target(%arg6 : memref<50000xi32, #tpu.memory_space<vmem>>) target_semaphore(%run_scoped3A : memref<!tpu.dma_semaphore, #tpu.memory_space<semaphore_mem>>)
      tpu.wait_dma2 semaphore(%run_scoped3A : memref<!tpu.dma_semaphore, #tpu.memory_space<semaphore_mem>>) src(%arg4 : memref<50000xi32, #tpu.memory_space<hbm>>) dst(%arg6 : memref<50000xi32, #tpu.memory_space<vmem>>)
      tpu.yield
    }) : () -> ()
    %broadcast_in_dim3A = arith.constant 0.000000e+00 : f32
    %broadcast_in_dim3A_6 = vector.broadcast %broadcast_in_dim3A : f32 to vector<16xf32>
    %mul3A = arith.constant 53248 : i32
    %mul3A_7 = arith.muli %arg1, %mul3A : i32
    %mul3A_8 = arith.constant 51200 : i32
    %mul3A_9 = arith.muli %arg1, %mul3A_8 : i32
    %mul3A_10 = arith.constant 25000 : i32
    %mul3A_11 = arith.muli %arg0, %mul3A_10 : i32
    %add3A = arith.constant 0 : i32
    %add3A_12 = arith.addi %mul3A_11, %add3A : i32
    %scan3A_13 = arith.constant 0 : i32
    %scan3A_14 = arith.constant 0 : i32
    %scan3A_15 = arith.constant 800 : i32
    %scan3A_16 = arith.addi %scan3A_14, %scan3A_15 : i32
    %scan3A_17 = arith.constant 1 : i32
    %scan3A_18 = scf.for %scan3A_152 = %scan3A_14 to %scan3A_16 step %scan3A_17 iter_args(%scan3A_153 = %scan3A_13) -> (i32)  : i32 {
      %mul3A_154 = arith.constant 16 : i32
      %mul3A_155 = arith.muli %scan3A_152, %mul3A_154 : i32
      %swap3A = arith.index_cast %mul3A_155 : i32 to index
      %swap3A_156 = tpu.vector_load %arg14[%swap3A] {strides = array<i32>} : memref<12800xf32, #tpu.memory_space<vmem>>, vector<16xf32>,
      tpu.vector_store %arg14[%swap3A], %broadcast_in_dim3A_6 {strides = array<i32>} : memref<12800xf32, #tpu.memory_space<vmem>>, vector<16xf32>,
      %scan3A_157 = arith.constant 0 : i32
      scf.yield %scan3A_157 : i32
    }
    %scan3A_19 = arith.constant 800 : i32
    %add3A_20 = arith.constant 0 : i32
    %add3A_21 = arith.addi %mul3A_9, %add3A_20 : i32
    "tpu.region"() ({
      %run_scoped3A = tpu.sem_alloc : memref<!tpu.dma_semaphore, #tpu.memory_space<semaphore_mem>>
      %dma_start3A_152 = tpu.memref_slice %arg21[%add3A_21] : memref<819200xf32, #tpu.memory_space<vmem_shared>> -> memref<12800xf32, #tpu.memory_space<vmem_shared>>
      %dma_start3A_153 = tpu.memref_slice %arg21[%add3A_21] : memref<819200xf32, #tpu.memory_space<vmem_shared>> -> memref<12800xf32, #tpu.memory_space<vmem_shared>>
      tpu.enqueue_dma source(%arg14 : memref<12800xf32, #tpu.memory_space<vmem>>) target(%dma_start3A_153 : memref<12800xf32, #tpu.memory_space<vmem_shared>>) target_semaphore(%run_scoped3A : memref<!tpu.dma_semaphore, #tpu.memory_space<semaphore_mem>>)
      %dma_wait3A_154 = tpu.memref_slice %arg21[%add3A_21] : memref<819200xf32, #tpu.memory_space<vmem_shared>> -> memref<12800xf32, #tpu.memory_space<vmem_shared>>
      %dma_wait3A_155 = tpu.memref_slice %arg21[%add3A_21] : memref<819200xf32, #tpu.memory_space<vmem_shared>> -> memref<12800xf32, #tpu.memory_space<vmem_shared>>
      tpu.wait_dma2 semaphore(%run_scoped3A : memref<!tpu.dma_semaphore, #tpu.memory_space<semaphore_mem>>) src(%arg14 : memref<12800xf32, #tpu.memory_space<vmem>>) dst(%dma_wait3A_155 : memref<12800xf32, #tpu.memory_space<vmem_shared>>)
      tpu.yield
    }) : () -> ()
    %add3A_22 = arith.constant 12800 : i32
    %add3A_23 = arith.addi %mul3A_9, %add3A_22 : i32
    "tpu.region"() ({
      %run_scoped3A = tpu.sem_alloc : memref<!tpu.dma_semaphore, #tpu.memory_space<semaphore_mem>>
      %dma_start3A_152 = tpu.memref_slice %arg21[%add3A_23] : memref<819200xf32, #tpu.memory_space<vmem_shared>> -> memref<12800xf32, #tpu.memory_space<vmem_shared>>
      %dma_start3A_153 = tpu.memref_slice %arg21[%add3A_23] : memref<819200xf32, #tpu.memory_space<vmem_shared>> -> memref<12800xf32, #tpu.memory_space<vmem_shared>>
      tpu.enqueue_dma source(%arg14 : memref<12800xf32, #tpu.memory_space<vmem>>) target(%dma_start3A_153 : memref<12800xf32, #tpu.memory_space<vmem_shared>>) target_semaphore(%run_scoped3A : memref<!tpu.dma_semaphore, #tpu.memory_space<semaphore_mem>>)
      %dma_wait3A_154 = tpu.memref_slice %arg21[%add3A_23] : memref<819200xf32, #tpu.memory_space<vmem_shared>> -> memref<12800xf32, #tpu.memory_space<vmem_shared>>
      %dma_wait3A_155 = tpu.memref_slice %arg21[%add3A_23] : memref<819200xf32, #tpu.memory_space<vmem_shared>> -> memref<12800xf32, #tpu.memory_space<vmem_shared>>
      tpu.wait_dma2 semaphore(%run_scoped3A : memref<!tpu.dma_semaphore, #tpu.memory_space<semaphore_mem>>) src(%arg14 : memref<12800xf32, #tpu.memory_space<vmem>>) dst(%dma_wait3A_155 : memref<12800xf32, #tpu.memory_space<vmem_shared>>)
      tpu.yield
    }) : () -> ()
    %add3A_24 = arith.constant 25600 : i32
    %add3A_25 = arith.addi %mul3A_9, %add3A_24 : i32
    "tpu.region"() ({
      %run_scoped3A = tpu.sem_alloc : memref<!tpu.dma_semaphore, #tpu.memory_space<semaphore_mem>>
      %dma_start3A_152 = tpu.memref_slice %arg21[%add3A_25] : memref<819200xf32, #tpu.memory_space<vmem_shared>> -> memref<12800xf32, #tpu.memory_space<vmem_shared>>
      %dma_start3A_153 = tpu.memref_slice %arg21[%add3A_25] : memref<819200xf32, #tpu.memory_space<vmem_shared>> -> memref<12800xf32, #tpu.memory_space<vmem_shared>>
      tpu.enqueue_dma source(%arg14 : memref<12800xf32, #tpu.memory_space<vmem>>) target(%dma_start3A_153 : memref<12800xf32, #tpu.memory_space<vmem_shared>>) target_semaphore(%run_scoped3A : memref<!tpu.dma_semaphore, #tpu.memory_space<semaphore_mem>>)
      %dma_wait3A_154 = tpu.memref_slice %arg21[%add3A_25] : memref<819200xf32, #tpu.memory_space<vmem_shared>> -> memref<12800xf32, #tpu.memory_space<vmem_shared>>
      %dma_wait3A_155 = tpu.memref_slice %arg21[%add3A_25] : memref<819200xf32, #tpu.memory_space<vmem_shared>> -> memref<12800xf32, #tpu.memory_space<vmem_shared>>
      tpu.wait_dma2 semaphore(%run_scoped3A : memref<!tpu.dma_semaphore, #tpu.memory_space<semaphore_mem>>) src(%arg14 : memref<12800xf32, #tpu.memory_space<vmem>>) dst(%dma_wait3A_155 : memref<12800xf32, #tpu.memory_space<vmem_shared>>)
      tpu.yield
    }) : () -> ()
    %add3A_26 = arith.constant 38400 : i32
    %add3A_27 = arith.addi %mul3A_9, %add3A_26 : i32
    "tpu.region"() ({
      %run_scoped3A = tpu.sem_alloc : memref<!tpu.dma_semaphore, #tpu.memory_space<semaphore_mem>>
      %dma_start3A_152 = tpu.memref_slice %arg21[%add3A_27] : memref<819200xf32, #tpu.memory_space<vmem_shared>> -> memref<12800xf32, #tpu.memory_space<vmem_shared>>
      %dma_start3A_153 = tpu.memref_slice %arg21[%add3A_27] : memref<819200xf32, #tpu.memory_space<vmem_shared>> -> memref<12800xf32, #tpu.memory_space<vmem_shared>>
      tpu.enqueue_dma source(%arg14 : memref<12800xf32, #tpu.memory_space<vmem>>) target(%dma_start3A_153 : memref<12800xf32, #tpu.memory_space<vmem_shared>>) target_semaphore(%run_scoped3A : memref<!tpu.dma_semaphore, #tpu.memory_space<semaphore_mem>>)
      %dma_wait3A_154 = tpu.memref_slice %arg21[%add3A_27] : memref<819200xf32, #tpu.memory_space<vmem_shared>> -> memref<12800xf32, #tpu.memory_space<vmem_shared>>
      %dma_wait3A_155 = tpu.memref_slice %arg21[%add3A_27] : memref<819200xf32, #tpu.memory_space<vmem_shared>> -> memref<12800xf32, #tpu.memory_space<vmem_shared>>
      tpu.wait_dma2 semaphore(%run_scoped3A : memref<!tpu.dma_semaphore, #tpu.memory_space<semaphore_mem>>) src(%arg14 : memref<12800xf32, #tpu.memory_space<vmem>>) dst(%dma_wait3A_155 : memref<12800xf32, #tpu.memory_space<vmem_shared>>)
      tpu.yield
    }) : () -> ()
    %barrier3A = arith.constant 0 : index
    tpu.barrier barrier_id(%barrier3A)
    %dma_start3A = tpu.memref_slice %arg2[%mul3A_7] : memref<851968xi32, #tpu.memory_space<hbm>> -> memref<2048xi32, #tpu.memory_space<hbm>>
    %dma_start3A_28 = tpu.memref_slice %arg2[%mul3A_7] : memref<851968xi32, #tpu.memory_space<hbm>> -> memref<2048xi32, #tpu.memory_space<hbm>>
    tpu.enqueue_dma source(%dma_start3A_28 : memref<2048xi32, #tpu.memory_space<hbm>>) target(%arg7 : memref<2048xi32, #tpu.memory_space<vmem>>) target_semaphore(%arg15 : memref<!tpu.dma_semaphore, #tpu.memory_space<semaphore_mem>>)
    %dma_start3A_29 = tpu.memref_slice %arg3[%mul3A_7] : memref<851968xi32, #tpu.memory_space<hbm>> -> memref<2048xi32, #tpu.memory_space<hbm>>
    %dma_start3A_30 = tpu.memref_slice %arg3[%mul3A_7] : memref<851968xi32, #tpu.memory_space<hbm>> -> memref<2048xi32, #tpu.memory_space<hbm>>
    tpu.enqueue_dma source(%dma_start3A_30 : memref<2048xi32, #tpu.memory_space<hbm>>) target(%arg8 : memref<2048xi32, #tpu.memory_space<vmem>>) target_semaphore(%arg16 : memref<!tpu.dma_semaphore, #tpu.memory_space<semaphore_mem>>)
    %scan3A_31 = arith.constant 0 : i32
    %scan3A_32 = arith.constant 0 : i32
    %scan3A_33 = arith.constant 13 : i32
    %scan3A_34 = arith.addi %scan3A_32, %scan3A_33 : i32
    %scan3A_35 = arith.constant 1 : i32
    %scan3A_36 = scf.for %scan3A_152 = %scan3A_32 to %scan3A_34 step %scan3A_35 iter_args(%scan3A_153 = %scan3A_31) -> (i32)  : i32 {
      %mul3A_154 = arith.constant 2 : i32
      %mul3A_155 = arith.muli %mul3A_154, %scan3A_152 : i32
      %mul3A_156 = arith.constant 2048 : i32
      %mul3A_157 = arith.muli %mul3A_155, %mul3A_156 : i32
      %add3A_158 = arith.addi %mul3A_7, %mul3A_157 : i32
      %add3A_159 = arith.constant 2048 : i32
      %add3A_160 = arith.addi %add3A_158, %add3A_159 : i32
      %dma_wait3A_161 = tpu.memref_slice %arg2[%add3A_158] : memref<851968xi32, #tpu.memory_space<hbm>> -> memref<2048xi32, #tpu.memory_space<hbm>>
      %dma_wait3A_162 = tpu.memref_slice %arg2[%add3A_158] : memref<851968xi32, #tpu.memory_space<hbm>> -> memref<2048xi32, #tpu.memory_space<hbm>>
      tpu.wait_dma2 semaphore(%arg15 : memref<!tpu.dma_semaphore, #tpu.memory_space<semaphore_mem>>) src(%dma_wait3A_162 : memref<2048xi32, #tpu.memory_space<hbm>>) dst(%arg7 : memref<2048xi32, #tpu.memory_space<vmem>>)
      %dma_wait3A_163 = tpu.memref_slice %arg3[%add3A_158] : memref<851968xi32, #tpu.memory_space<hbm>> -> memref<2048xi32, #tpu.memory_space<hbm>>
      %dma_wait3A_164 = tpu.memref_slice %arg3[%add3A_158] : memref<851968xi32, #tpu.memory_space<hbm>> -> memref<2048xi32, #tpu.memory_space<hbm>>
      tpu.wait_dma2 semaphore(%arg16 : memref<!tpu.dma_semaphore, #tpu.memory_space<semaphore_mem>>) src(%dma_wait3A_164 : memref<2048xi32, #tpu.memory_space<hbm>>) dst(%arg8 : memref<2048xi32, #tpu.memory_space<vmem>>)
      %dma_start3A_165 = tpu.memref_slice %arg2[%add3A_160] : memref<851968xi32, #tpu.memory_space<hbm>> -> memref<2048xi32, #tpu.memory_space<hbm>>
      %dma_start3A_166 = tpu.memref_slice %arg2[%add3A_160] : memref<851968xi32, #tpu.memory_space<hbm>> -> memref<2048xi32, #tpu.memory_space<hbm>>
      tpu.enqueue_dma source(%dma_start3A_166 : memref<2048xi32, #tpu.memory_space<hbm>>) target(%arg9 : memref<2048xi32, #tpu.memory_space<vmem>>) target_semaphore(%arg17 : memref<!tpu.dma_semaphore, #tpu.memory_space<semaphore_mem>>)
      %dma_start3A_167 = tpu.memref_slice %arg3[%add3A_160] : memref<851968xi32, #tpu.memory_space<hbm>> -> memref<2048xi32, #tpu.memory_space<hbm>>
      %dma_start3A_168 = tpu.memref_slice %arg3[%add3A_160] : memref<851968xi32, #tpu.memory_space<hbm>> -> memref<2048xi32, #tpu.memory_space<hbm>>
      tpu.enqueue_dma source(%dma_start3A_168 : memref<2048xi32, #tpu.memory_space<hbm>>) target(%arg10 : memref<2048xi32, #tpu.memory_space<vmem>>) target_semaphore(%arg18 : memref<!tpu.dma_semaphore, #tpu.memory_space<semaphore_mem>>)
      %gt3A = arith.constant 0 : i32
      %gt3A_169 = arith.cmpi sgt, %scan3A_152, %gt3A : i32
      %convert_element_type3A = arith.extui %gt3A_169 : i1 to i32
      %cond3A = arith.constant 0 : i32
      %cond3A_170 = arith.cmpi ne, %convert_element_type3A, %cond3A : i32
      scf.if %cond3A_170 {
        %dma_wait3A_219 = arith.constant 0 : i32
        %dma_wait3A_220 = arith.constant 0 : i32
        %dma_wait3A_221 = tpu.memref_slice %arg11[%dma_wait3A_219, %dma_wait3A_220] : memref<1x2048xi32, #tpu.memory_space<vmem>> -> memref<1x2048xi32, #tpu.memory_space<vmem>>
        %dma_wait3A_222 = tpu.memref_squeeze %dma_wait3A_221 : memref<1x2048xi32, #tpu.memory_space<vmem>> -> memref<2048xi32, #tpu.memory_space<vmem>>
        %dma_wait3A_223 = arith.constant 0 : i32
        %dma_wait3A_224 = tpu.memref_slice %arg21[%dma_wait3A_223] : memref<819200xf32, #tpu.memory_space<vmem_shared>> -> memref<819200xf32, #tpu.memory_space<vmem_shared>>
        tpu.wait_indirect_dma semaphore(%arg19 : memref<!tpu.dma_semaphore, #tpu.memory_space<semaphore_mem>>) src(%arg13 : memref<2048xf32, #tpu.memory_space<vmem>>) dst(%dma_wait3A_224 : memref<819200xf32, #tpu.memory_space<vmem_shared>>)
      } else {
      }
      %scan3A_171 = arith.constant 0 : i32
      %scan3A_172 = arith.constant 0 : i32
      %scan3A_173 = arith.constant 128 : i32
      %scan3A_174 = arith.addi %scan3A_172, %scan3A_173 : i32
      %scan3A_175 = arith.constant 1 : i32
      %scan3A_176 = scf.for %scan3A_219 = %scan3A_172 to %scan3A_174 step %scan3A_175 iter_args(%scan3A_220 = %scan3A_171) -> (i32)  : i32 {
        %mul3A_221 = arith.constant 16 : i32
        %mul3A_222 = arith.muli %scan3A_219, %mul3A_221 : i32
        %get3A = arith.index_cast %mul3A_222 : i32 to index
        %get3A_223 = tpu.vector_load %arg7[%get3A] {strides = array<i32>} : memref<2048xi32, #tpu.memory_space<vmem>>, vector<16xi32>,
        %mul3A_224 = arith.constant 16 : i32
        %mul3A_225 = arith.muli %scan3A_219, %mul3A_224 : i32
        %get3A_226 = arith.index_cast %mul3A_225 : i32 to index
        %get3A_227 = tpu.vector_load %arg8[%get3A_226] {strides = array<i32>} : memref<2048xi32, #tpu.memory_space<vmem>>, vector<16xi32>,
        %gather3A = tpu.vector_load_idx %arg6[%get3A_223] : memref<50000xi32, #tpu.memory_space<vmem>>[vector<16xi32>], vector<16xi32>,
        %sub3A = vector.broadcast %add3A_12 : i32 to vector<16xi32>
        %sub3A_228 = arith.subi %get3A_227, %sub3A : vector<16xi32>
        %ge3A = arith.constant 0 : i32
        %ge3A_229 = vector.broadcast %ge3A : i32 to vector<16xi32>
        %ge3A_230 = arith.cmpi sge, %sub3A_228, %ge3A_229 : vector<16xi32>
        %lt3A = arith.constant 12500 : i32
        %lt3A_231 = vector.broadcast %lt3A : i32 to vector<16xi32>
        %lt3A_232 = arith.cmpi slt, %sub3A_228, %lt3A_231 : vector<16xi32>
        %and3A = arith.andi %ge3A_230, %lt3A_232 : vector<16xi1>
        %mul3A_233 = arith.constant 64 : i32
        %mul3A_234 = vector.broadcast %mul3A_233 : i32 to vector<16xi32>
        %mul3A_235 = arith.muli %sub3A_228, %mul3A_234 : vector<16xi32>
        %add3A_236 = arith.addi %mul3A_235, %gather3A : vector<16xi32>
        %jit3A = arith.constant 800000 : i32
        %broadcast_in_dim3A_237 = vector.broadcast %jit3A : i32 to vector<16xi32>
        %select_n3A = arith.select %and3A, %add3A_236, %broadcast_in_dim3A_237 : vector<16xi1>, vector<16xi32>
        %mul3A_238 = arith.constant 16 : i32
        %mul3A_239 = arith.muli %scan3A_219, %mul3A_238 : i32
        %swap3A = arith.constant 0 : i32
        %swap3A_240 = arith.index_cast %swap3A : i32 to index
        %swap3A_241 = arith.index_cast %mul3A_239 : i32 to index
        %swap3A_242 = tpu.vector_load %arg11[%swap3A_240, %swap3A_241] {strides = array<i32>} : memref<1x2048xi32, #tpu.memory_space<vmem>>, vector<16xi32>,
        tpu.vector_store %arg11[%swap3A_240, %swap3A_241], %select_n3A {strides = array<i32>} : memref<1x2048xi32, #tpu.memory_space<vmem>>, vector<16xi32>,
        %scan3A_243 = arith.constant 0 : i32
        scf.yield %scan3A_243 : i32
      }
      %scan3A_177 = arith.constant 128 : i32
      %dma_start3A_178 = arith.constant 0 : i32
      %dma_start3A_179 = arith.constant 0 : i32
      %dma_start3A_180 = tpu.memref_slice %arg11[%dma_start3A_178, %dma_start3A_179] : memref<1x2048xi32, #tpu.memory_space<vmem>> -> memref<1x2048xi32, #tpu.memory_space<vmem>>
      %dma_start3A_181 = tpu.memref_squeeze %dma_start3A_180 : memref<1x2048xi32, #tpu.memory_space<vmem>> -> memref<2048xi32, #tpu.memory_space<vmem>>
      %dma_start3A_182 = arith.constant 0 : i32
      %dma_start3A_183 = tpu.memref_slice %arg21[%dma_start3A_182] : memref<819200xf32, #tpu.memory_space<vmem_shared>> -> memref<819200xf32, #tpu.memory_space<vmem_shared>>
      tpu.enqueue_indirect_dma source(%arg13 : memref<2048xf32, #tpu.memory_space<vmem>>) target(%dma_start3A_183 : memref<819200xf32, #tpu.memory_space<vmem_shared>>) offsets(%dma_start3A_181 : memref<2048xi32, #tpu.memory_space<vmem>>) semaphore(%arg19 : memref<!tpu.dma_semaphore, #tpu.memory_space<semaphore_mem>>) {add = true}
      %mul3A_184 = arith.constant 2 : i32
      %mul3A_185 = arith.muli %mul3A_184, %scan3A_152 : i32
      %add3A_186 = arith.constant 2 : i32
      %add3A_187 = arith.addi %mul3A_185, %add3A_186 : i32
      %min3A = arith.constant 25 : i32
      %min3A_188 = arith.minsi %add3A_187, %min3A : i32
      %mul3A_189 = arith.constant 2048 : i32
      %mul3A_190 = arith.muli %min3A_188, %mul3A_189 : i32
      %add3A_191 = arith.addi %mul3A_7, %mul3A_190 : i32
      %dma_start3A_192 = tpu.memref_slice %arg2[%add3A_191] : memref<851968xi32, #tpu.memory_space<hbm>> -> memref<2048xi32, #tpu.memory_space<hbm>>
      %dma_start3A_193 = tpu.memref_slice %arg2[%add3A_191] : memref<851968xi32, #tpu.memory_space<hbm>> -> memref<2048xi32, #tpu.memory_space<hbm>>
      tpu.enqueue_dma source(%dma_start3A_193 : memref<2048xi32, #tpu.memory_space<hbm>>) target(%arg7 : memref<2048xi32, #tpu.memory_space<vmem>>) target_semaphore(%arg15 : memref<!tpu.dma_semaphore, #tpu.memory_space<semaphore_mem>>)
      %dma_start3A_194 = tpu.memref_slice %arg3[%add3A_191] : memref<851968xi32, #tpu.memory_space<hbm>> -> memref<2048xi32, #tpu.memory_space<hbm>>
      %dma_start3A_195 = tpu.memref_slice %arg3[%add3A_191] : memref<851968xi32, #tpu.memory_space<hbm>> -> memref<2048xi32, #tpu.memory_space<hbm>>
      tpu.enqueue_dma source(%dma_start3A_195 : memref<2048xi32, #tpu.memory_space<hbm>>) target(%arg8 : memref<2048xi32, #tpu.memory_space<vmem>>) target_semaphore(%arg16 : memref<!tpu.dma_semaphore, #tpu.memory_space<semaphore_mem>>)
      %dma_wait3A_196 = tpu.memref_slice %arg2[%add3A_160] : memref<851968xi32, #tpu.memory_space<hbm>> -> memref<2048xi32, #tpu.memory_space<hbm>>
      %dma_wait3A_197 = tpu.memref_slice %arg2[%add3A_160] : memref<851968xi32, #tpu.memory_space<hbm>> -> memref<2048xi32, #tpu.memory_space<hbm>>
      tpu.wait_dma2 semaphore(%arg17 : memref<!tpu.dma_semaphore, #tpu.memory_space<semaphore_mem>>) src(%dma_wait3A_197 : memref<2048xi32, #tpu.memory_space<hbm>>) dst(%arg9 : memref<2048xi32, #tpu.memory_space<vmem>>)
      %dma_wait3A_198 = tpu.memref_slice %arg3[%add3A_160] : memref<851968xi32, #tpu.memory_space<hbm>> -> memref<2048xi32, #tpu.memory_space<hbm>>
      %dma_wait3A_199 = tpu.memref_slice %arg3[%add3A_160] : memref<851968xi32, #tpu.memory_space<hbm>> -> memref<2048xi32, #tpu.memory_space<hbm>>
      tpu.wait_dma2 semaphore(%arg18 : memref<!tpu.dma_semaphore, #tpu.memory_space<semaphore_mem>>) src(%dma_wait3A_199 : memref<2048xi32, #tpu.memory_space<hbm>>) dst(%arg10 : memref<2048xi32, #tpu.memory_space<vmem>>)
      %gt3A_200 = arith.constant 0 : i32
      %gt3A_201 = arith.cmpi sgt, %scan3A_152, %gt3A_200 : i32
      %convert_element_type3A_202 = arith.extui %gt3A_201 : i1 to i32
      %cond3A_203 = arith.constant 0 : i32
      %cond3A_204 = arith.cmpi ne, %convert_element_type3A_202, %cond3A_203 : i32
      scf.if %cond3A_204 {
        %dma_wait3A_219 = arith.constant 0 : i32
        %dma_wait3A_220 = arith.constant 0 : i32
        %dma_wait3A_221 = tpu.memref_slice %arg12[%dma_wait3A_219, %dma_wait3A_220] : memref<1x2048xi32, #tpu.memory_space<vmem>> -> memref<1x2048xi32, #tpu.memory_space<vmem>>
        %dma_wait3A_222 = tpu.memref_squeeze %dma_wait3A_221 : memref<1x2048xi32, #tpu.memory_space<vmem>> -> memref<2048xi32, #tpu.memory_space<vmem>>
        %dma_wait3A_223 = arith.constant 0 : i32
        %dma_wait3A_224 = tpu.memref_slice %arg21[%dma_wait3A_223] : memref<819200xf32, #tpu.memory_space<vmem_shared>> -> memref<819200xf32, #tpu.memory_space<vmem_shared>>
        tpu.wait_indirect_dma semaphore(%arg20 : memref<!tpu.dma_semaphore, #tpu.memory_space<semaphore_mem>>) src(%arg13 : memref<2048xf32, #tpu.memory_space<vmem>>) dst(%dma_wait3A_224 : memref<819200xf32, #tpu.memory_space<vmem_shared>>)
      } else {
      }
      %scan3A_205 = arith.constant 0 : i32
      %scan3A_206 = arith.constant 0 : i32
      %scan3A_207 = arith.constant 128 : i32
      %scan3A_208 = arith.addi %scan3A_206, %scan3A_207 : i32
      %scan3A_209 = arith.constant 1 : i32
      %scan3A_210 = scf.for %scan3A_219 = %scan3A_206 to %scan3A_208 step %scan3A_209 iter_args(%scan3A_220 = %scan3A_205) -> (i32)  : i32 {
        %mul3A_221 = arith.constant 16 : i32
        %mul3A_222 = arith.muli %scan3A_219, %mul3A_221 : i32
        %get3A = arith.index_cast %mul3A_222 : i32 to index
        %get3A_223 = tpu.vector_load %arg9[%get3A] {strides = array<i32>} : memref<2048xi32, #tpu.memory_space<vmem>>, vector<16xi32>,
        %mul3A_224 = arith.constant 16 : i32
        %mul3A_225 = arith.muli %scan3A_219, %mul3A_224 : i32
        %get3A_226 = arith.index_cast %mul3A_225 : i32 to index
        %get3A_227 = tpu.vector_load %arg10[%get3A_226] {strides = array<i32>} : memref<2048xi32, #tpu.memory_space<vmem>>, vector<16xi32>,
        %gather3A = tpu.vector_load_idx %arg6[%get3A_223] : memref<50000xi32, #tpu.memory_space<vmem>>[vector<16xi32>], vector<16xi32>,
        %sub3A = vector.broadcast %add3A_12 : i32 to vector<16xi32>
        %sub3A_228 = arith.subi %get3A_227, %sub3A : vector<16xi32>
        %ge3A = arith.constant 0 : i32
        %ge3A_229 = vector.broadcast %ge3A : i32 to vector<16xi32>
        %ge3A_230 = arith.cmpi sge, %sub3A_228, %ge3A_229 : vector<16xi32>
        %lt3A = arith.constant 12500 : i32
        %lt3A_231 = vector.broadcast %lt3A : i32 to vector<16xi32>
        %lt3A_232 = arith.cmpi slt, %sub3A_228, %lt3A_231 : vector<16xi32>
        %and3A = arith.andi %ge3A_230, %lt3A_232 : vector<16xi1>
        %mul3A_233 = arith.constant 64 : i32
        %mul3A_234 = vector.broadcast %mul3A_233 : i32 to vector<16xi32>
        %mul3A_235 = arith.muli %sub3A_228, %mul3A_234 : vector<16xi32>
        %add3A_236 = arith.addi %mul3A_235, %gather3A : vector<16xi32>
        %jit3A = arith.constant 800000 : i32
        %broadcast_in_dim3A_237 = vector.broadcast %jit3A : i32 to vector<16xi32>
        %select_n3A = arith.select %and3A, %add3A_236, %broadcast_in_dim3A_237 : vector<16xi1>, vector<16xi32>
        %mul3A_238 = arith.constant 16 : i32
        %mul3A_239 = arith.muli %scan3A_219, %mul3A_238 : i32
        %swap3A = arith.constant 0 : i32
        %swap3A_240 = arith.index_cast %swap3A : i32 to index
        %swap3A_241 = arith.index_cast %mul3A_239 : i32 to index
        %swap3A_242 = tpu.vector_load %arg12[%swap3A_240, %swap3A_241] {strides = array<i32>} : memref<1x2048xi32, #tpu.memory_space<vmem>>, vector<16xi32>,
        tpu.vector_store %arg12[%swap3A_240, %swap3A_241], %select_n3A {strides = array<i32>} : memref<1x2048xi32, #tpu.memory_space<vmem>>, vector<16xi32>,
        %scan3A_243 = arith.constant 0 : i32
        scf.yield %scan3A_243 : i32
      }
      %scan3A_211 = arith.constant 128 : i32
      %dma_start3A_212 = arith.constant 0 : i32
      %dma_start3A_213 = arith.constant 0 : i32
      %dma_start3A_214 = tpu.memref_slice %arg12[%dma_start3A_212, %dma_start3A_213] : memref<1x2048xi32, #tpu.memory_space<vmem>> -> memref<1x2048xi32, #tpu.memory_space<vmem>>
      %dma_start3A_215 = tpu.memref_squeeze %dma_start3A_214 : memref<1x2048xi32, #tpu.memory_space<vmem>> -> memref<2048xi32, #tpu.memory_space<vmem>>
      %dma_start3A_216 = arith.constant 0 : i32
      %dma_start3A_217 = tpu.memref_slice %arg21[%dma_start3A_216] : memref<819200xf32, #tpu.memory_space<vmem_shared>> -> memref<819200xf32, #tpu.memory_space<vmem_shared>>
      tpu.enqueue_indirect_dma source(%arg13 : memref<2048xf32, #tpu.memory_space<vmem>>) target(%dma_start3A_217 : memref<819200xf32, #tpu.memory_space<vmem_shared>>) offsets(%dma_start3A_215 : memref<2048xi32, #tpu.memory_space<vmem>>) semaphore(%arg20 : memref<!tpu.dma_semaphore, #tpu.memory_space<semaphore_mem>>) {add = true}
      %scan3A_218 = arith.constant 0 : i32
      scf.yield %scan3A_218 : i32
    }
    %scan3A_37 = arith.constant 13 : i32
    %add3A_38 = arith.constant 51200 : i32
    %add3A_39 = arith.addi %mul3A_7, %add3A_38 : i32
    %dma_wait3A = tpu.memref_slice %arg2[%add3A_39] : memref<851968xi32, #tpu.memory_space<hbm>> -> memref<2048xi32, #tpu.memory_space<hbm>>
    %dma_wait3A_40 = tpu.memref_slice %arg2[%add3A_39] : memref<851968xi32, #tpu.memory_space<hbm>> -> memref<2048xi32, #tpu.memory_space<hbm>>
    tpu.wait_dma2 semaphore(%arg15 : memref<!tpu.dma_semaphore, #tpu.memory_space<semaphore_mem>>) src(%dma_wait3A_40 : memref<2048xi32, #tpu.memory_space<hbm>>) dst(%arg7 : memref<2048xi32, #tpu.memory_space<vmem>>)
    %dma_wait3A_41 = tpu.memref_slice %arg3[%add3A_39] : memref<851968xi32, #tpu.memory_space<hbm>> -> memref<2048xi32, #tpu.memory_space<hbm>>
    %dma_wait3A_42 = tpu.memref_slice %arg3[%add3A_39] : memref<851968xi32, #tpu.memory_space<hbm>> -> memref<2048xi32, #tpu.memory_space<hbm>>
    tpu.wait_dma2 semaphore(%arg16 : memref<!tpu.dma_semaphore, #tpu.memory_space<semaphore_mem>>) src(%dma_wait3A_42 : memref<2048xi32, #tpu.memory_space<hbm>>) dst(%arg8 : memref<2048xi32, #tpu.memory_space<vmem>>)
    %dma_wait3A_43 = arith.constant 0 : i32
    %dma_wait3A_44 = arith.constant 0 : i32
    %dma_wait3A_45 = tpu.memref_slice %arg11[%dma_wait3A_43, %dma_wait3A_44] : memref<1x2048xi32, #tpu.memory_space<vmem>> -> memref<1x2048xi32, #tpu.memory_space<vmem>>
    %dma_wait3A_46 = tpu.memref_squeeze %dma_wait3A_45 : memref<1x2048xi32, #tpu.memory_space<vmem>> -> memref<2048xi32, #tpu.memory_space<vmem>>
    %dma_wait3A_47 = arith.constant 0 : i32
    %dma_wait3A_48 = tpu.memref_slice %arg21[%dma_wait3A_47] : memref<819200xf32, #tpu.memory_space<vmem_shared>> -> memref<819200xf32, #tpu.memory_space<vmem_shared>>
    tpu.wait_indirect_dma semaphore(%arg19 : memref<!tpu.dma_semaphore, #tpu.memory_space<semaphore_mem>>) src(%arg13 : memref<2048xf32, #tpu.memory_space<vmem>>) dst(%dma_wait3A_48 : memref<819200xf32, #tpu.memory_space<vmem_shared>>)
    %dma_wait3A_49 = arith.constant 0 : i32
    %dma_wait3A_50 = arith.constant 0 : i32
    %dma_wait3A_51 = tpu.memref_slice %arg12[%dma_wait3A_49, %dma_wait3A_50] : memref<1x2048xi32, #tpu.memory_space<vmem>> -> memref<1x2048xi32, #tpu.memory_space<vmem>>
    %dma_wait3A_52 = tpu.memref_squeeze %dma_wait3A_51 : memref<1x2048xi32, #tpu.memory_space<vmem>> -> memref<2048xi32, #tpu.memory_space<vmem>>
    %dma_wait3A_53 = arith.constant 0 : i32
    %dma_wait3A_54 = tpu.memref_slice %arg21[%dma_wait3A_53] : memref<819200xf32, #tpu.memory_space<vmem_shared>> -> memref<819200xf32, #tpu.memory_space<vmem_shared>>
    tpu.wait_indirect_dma semaphore(%arg20 : memref<!tpu.dma_semaphore, #tpu.memory_space<semaphore_mem>>) src(%arg13 : memref<2048xf32, #tpu.memory_space<vmem>>) dst(%dma_wait3A_54 : memref<819200xf32, #tpu.memory_space<vmem_shared>>)
    %barrier3A_55 = arith.constant 0 : index
    tpu.barrier barrier_id(%barrier3A_55)
    %mul3A_56 = arith.constant 2 : i32
    %mul3A_57 = arith.muli %arg0, %mul3A_56 : i32
    %add3A_58 = arith.constant 0 : i32
    %add3A_59 = arith.addi %mul3A_57, %add3A_58 : i32
    %mul3A_60 = arith.constant 819200 : i32
    %mul3A_61 = arith.muli %add3A_59, %mul3A_60 : i32
    %add3A_62 = arith.addi %mul3A_61, %mul3A_9 : i32
    %add3A_63 = arith.constant 0 : i32
    %add3A_64 = arith.addi %mul3A_9, %add3A_63 : i32
    "tpu.region"() ({
      %run_scoped3A = tpu.sem_alloc : memref<!tpu.dma_semaphore, #tpu.memory_space<semaphore_mem>>
      %dma_start3A_152 = tpu.memref_slice %arg21[%add3A_64] : memref<819200xf32, #tpu.memory_space<vmem_shared>> -> memref<12800xf32, #tpu.memory_space<vmem_shared>>
      %dma_start3A_153 = tpu.memref_slice %arg21[%add3A_64] : memref<819200xf32, #tpu.memory_space<vmem_shared>> -> memref<12800xf32, #tpu.memory_space<vmem_shared>>
      tpu.enqueue_dma source(%dma_start3A_153 : memref<12800xf32, #tpu.memory_space<vmem_shared>>) target(%arg14 : memref<12800xf32, #tpu.memory_space<vmem>>) target_semaphore(%run_scoped3A : memref<!tpu.dma_semaphore, #tpu.memory_space<semaphore_mem>>)
      %dma_wait3A_154 = tpu.memref_slice %arg21[%add3A_64] : memref<819200xf32, #tpu.memory_space<vmem_shared>> -> memref<12800xf32, #tpu.memory_space<vmem_shared>>
      %dma_wait3A_155 = tpu.memref_slice %arg21[%add3A_64] : memref<819200xf32, #tpu.memory_space<vmem_shared>> -> memref<12800xf32, #tpu.memory_space<vmem_shared>>
      tpu.wait_dma2 semaphore(%run_scoped3A : memref<!tpu.dma_semaphore, #tpu.memory_space<semaphore_mem>>) src(%dma_wait3A_155 : memref<12800xf32, #tpu.memory_space<vmem_shared>>) dst(%arg14 : memref<12800xf32, #tpu.memory_space<vmem>>)
      tpu.yield
    }) : () -> ()
    %add3A_65 = arith.constant 0 : i32
    %add3A_66 = arith.addi %add3A_62, %add3A_65 : i32
    "tpu.region"() ({
      %run_scoped3A = tpu.sem_alloc : memref<!tpu.dma_semaphore, #tpu.memory_space<semaphore_mem>>
      %dma_start3A_152 = tpu.memref_slice %arg5[%add3A_66] : memref<3276800xf32, #tpu.memory_space<hbm>> -> memref<12800xf32, #tpu.memory_space<hbm>>
      %dma_start3A_153 = tpu.memref_slice %arg5[%add3A_66] : memref<3276800xf32, #tpu.memory_space<hbm>> -> memref<12800xf32, #tpu.memory_space<hbm>>
      tpu.enqueue_dma source(%arg14 : memref<12800xf32, #tpu.memory_space<vmem>>) target(%dma_start3A_153 : memref<12800xf32, #tpu.memory_space<hbm>>) target_semaphore(%run_scoped3A : memref<!tpu.dma_semaphore, #tpu.memory_space<semaphore_mem>>)
      %dma_wait3A_154 = tpu.memref_slice %arg5[%add3A_66] : memref<3276800xf32, #tpu.memory_space<hbm>> -> memref<12800xf32, #tpu.memory_space<hbm>>
      %dma_wait3A_155 = tpu.memref_slice %arg5[%add3A_66] : memref<3276800xf32, #tpu.memory_space<hbm>> -> memref<12800xf32, #tpu.memory_space<hbm>>
      tpu.wait_dma2 semaphore(%run_scoped3A : memref<!tpu.dma_semaphore, #tpu.memory_space<semaphore_mem>>) src(%arg14 : memref<12800xf32, #tpu.memory_space<vmem>>) dst(%dma_wait3A_155 : memref<12800xf32, #tpu.memory_space<hbm>>)
      tpu.yield
    }) : () -> ()
    %add3A_67 = arith.constant 12800 : i32
    %add3A_68 = arith.addi %mul3A_9, %add3A_67 : i32
    "tpu.region"() ({
      %run_scoped3A = tpu.sem_alloc : memref<!tpu.dma_semaphore, #tpu.memory_space<semaphore_mem>>
      %dma_start3A_152 = tpu.memref_slice %arg21[%add3A_68] : memref<819200xf32, #tpu.memory_space<vmem_shared>> -> memref<12800xf32, #tpu.memory_space<vmem_shared>>
      %dma_start3A_153 = tpu.memref_slice %arg21[%add3A_68] : memref<819200xf32, #tpu.memory_space<vmem_shared>> -> memref<12800xf32, #tpu.memory_space<vmem_shared>>
      tpu.enqueue_dma source(%dma_start3A_153 : memref<12800xf32, #tpu.memory_space<vmem_shared>>) target(%arg14 : memref<12800xf32, #tpu.memory_space<vmem>>) target_semaphore(%run_scoped3A : memref<!tpu.dma_semaphore, #tpu.memory_space<semaphore_mem>>)
      %dma_wait3A_154 = tpu.memref_slice %arg21[%add3A_68] : memref<819200xf32, #tpu.memory_space<vmem_shared>> -> memref<12800xf32, #tpu.memory_space<vmem_shared>>
      %dma_wait3A_155 = tpu.memref_slice %arg21[%add3A_68] : memref<819200xf32, #tpu.memory_space<vmem_shared>> -> memref<12800xf32, #tpu.memory_space<vmem_shared>>
      tpu.wait_dma2 semaphore(%run_scoped3A : memref<!tpu.dma_semaphore, #tpu.memory_space<semaphore_mem>>) src(%dma_wait3A_155 : memref<12800xf32, #tpu.memory_space<vmem_shared>>) dst(%arg14 : memref<12800xf32, #tpu.memory_space<vmem>>)
      tpu.yield
    }) : () -> ()
    %add3A_69 = arith.constant 12800 : i32
    %add3A_70 = arith.addi %add3A_62, %add3A_69 : i32
    "tpu.region"() ({
      %run_scoped3A = tpu.sem_alloc : memref<!tpu.dma_semaphore, #tpu.memory_space<semaphore_mem>>
      %dma_start3A_152 = tpu.memref_slice %arg5[%add3A_70] : memref<3276800xf32, #tpu.memory_space<hbm>> -> memref<12800xf32, #tpu.memory_space<hbm>>
      %dma_start3A_153 = tpu.memref_slice %arg5[%add3A_70] : memref<3276800xf32, #tpu.memory_space<hbm>> -> memref<12800xf32, #tpu.memory_space<hbm>>
      tpu.enqueue_dma source(%arg14 : memref<12800xf32, #tpu.memory_space<vmem>>) target(%dma_start3A_153 : memref<12800xf32, #tpu.memory_space<hbm>>) target_semaphore(%run_scoped3A : memref<!tpu.dma_semaphore, #tpu.memory_space<semaphore_mem>>)
      %dma_wait3A_154 = tpu.memref_slice %arg5[%add3A_70] : memref<3276800xf32, #tpu.memory_space<hbm>> -> memref<12800xf32, #tpu.memory_space<hbm>>
      %dma_wait3A_155 = tpu.memref_slice %arg5[%add3A_70] : memref<3276800xf32, #tpu.memory_space<hbm>> -> memref<12800xf32, #tpu.memory_space<hbm>>
      tpu.wait_dma2 semaphore(%run_scoped3A : memref<!tpu.dma_semaphore, #tpu.memory_space<semaphore_mem>>) src(%arg14 : memref<12800xf32, #tpu.memory_space<vmem>>) dst(%dma_wait3A_155 : memref<12800xf32, #tpu.memory_space<hbm>>)
      tpu.yield
    }) : () -> ()
    %add3A_71 = arith.constant 25600 : i32
    %add3A_72 = arith.addi %mul3A_9, %add3A_71 : i32
    "tpu.region"() ({
      %run_scoped3A = tpu.sem_alloc : memref<!tpu.dma_semaphore, #tpu.memory_space<semaphore_mem>>
      %dma_start3A_152 = tpu.memref_slice %arg21[%add3A_72] : memref<819200xf32, #tpu.memory_space<vmem_shared>> -> memref<12800xf32, #tpu.memory_space<vmem_shared>>
      %dma_start3A_153 = tpu.memref_slice %arg21[%add3A_72] : memref<819200xf32, #tpu.memory_space<vmem_shared>> -> memref<12800xf32, #tpu.memory_space<vmem_shared>>
      tpu.enqueue_dma source(%dma_start3A_153 : memref<12800xf32, #tpu.memory_space<vmem_shared>>) target(%arg14 : memref<12800xf32, #tpu.memory_space<vmem>>) target_semaphore(%run_scoped3A : memref<!tpu.dma_semaphore, #tpu.memory_space<semaphore_mem>>)
      %dma_wait3A_154 = tpu.memref_slice %arg21[%add3A_72] : memref<819200xf32, #tpu.memory_space<vmem_shared>> -> memref<12800xf32, #tpu.memory_space<vmem_shared>>
      %dma_wait3A_155 = tpu.memref_slice %arg21[%add3A_72] : memref<819200xf32, #tpu.memory_space<vmem_shared>> -> memref<12800xf32, #tpu.memory_space<vmem_shared>>
      tpu.wait_dma2 semaphore(%run_scoped3A : memref<!tpu.dma_semaphore, #tpu.memory_space<semaphore_mem>>) src(%dma_wait3A_155 : memref<12800xf32, #tpu.memory_space<vmem_shared>>) dst(%arg14 : memref<12800xf32, #tpu.memory_space<vmem>>)
      tpu.yield
    }) : () -> ()
    %add3A_73 = arith.constant 25600 : i32
    %add3A_74 = arith.addi %add3A_62, %add3A_73 : i32
    "tpu.region"() ({
      %run_scoped3A = tpu.sem_alloc : memref<!tpu.dma_semaphore, #tpu.memory_space<semaphore_mem>>
      %dma_start3A_152 = tpu.memref_slice %arg5[%add3A_74] : memref<3276800xf32, #tpu.memory_space<hbm>> -> memref<12800xf32, #tpu.memory_space<hbm>>
      %dma_start3A_153 = tpu.memref_slice %arg5[%add3A_74] : memref<3276800xf32, #tpu.memory_space<hbm>> -> memref<12800xf32, #tpu.memory_space<hbm>>
      tpu.enqueue_dma source(%arg14 : memref<12800xf32, #tpu.memory_space<vmem>>) target(%dma_start3A_153 : memref<12800xf32, #tpu.memory_space<hbm>>) target_semaphore(%run_scoped3A : memref<!tpu.dma_semaphore, #tpu.memory_space<semaphore_mem>>)
      %dma_wait3A_154 = tpu.memref_slice %arg5[%add3A_74] : memref<3276800xf32, #tpu.memory_space<hbm>> -> memref<12800xf32, #tpu.memory_space<hbm>>
      %dma_wait3A_155 = tpu.memref_slice %arg5[%add3A_74] : memref<3276800xf32, #tpu.memory_space<hbm>> -> memref<12800xf32, #tpu.memory_space<hbm>>
      tpu.wait_dma2 semaphore(%run_scoped3A : memref<!tpu.dma_semaphore, #tpu.memory_space<semaphore_mem>>) src(%arg14 : memref<12800xf32, #tpu.memory_space<vmem>>) dst(%dma_wait3A_155 : memref<12800xf32, #tpu.memory_space<hbm>>)
      tpu.yield
    }) : () -> ()
    %add3A_75 = arith.constant 38400 : i32
    %add3A_76 = arith.addi %mul3A_9, %add3A_75 : i32
    "tpu.region"() ({
      %run_scoped3A = tpu.sem_alloc : memref<!tpu.dma_semaphore, #tpu.memory_space<semaphore_mem>>
      %dma_start3A_152 = tpu.memref_slice %arg21[%add3A_76] : memref<819200xf32, #tpu.memory_space<vmem_shared>> -> memref<12800xf32, #tpu.memory_space<vmem_shared>>
      %dma_start3A_153 = tpu.memref_slice %arg21[%add3A_76] : memref<819200xf32, #tpu.memory_space<vmem_shared>> -> memref<12800xf32, #tpu.memory_space<vmem_shared>>
      tpu.enqueue_dma source(%dma_start3A_153 : memref<12800xf32, #tpu.memory_space<vmem_shared>>) target(%arg14 : memref<12800xf32, #tpu.memory_space<vmem>>) target_semaphore(%run_scoped3A : memref<!tpu.dma_semaphore, #tpu.memory_space<semaphore_mem>>)
      %dma_wait3A_154 = tpu.memref_slice %arg21[%add3A_76] : memref<819200xf32, #tpu.memory_space<vmem_shared>> -> memref<12800xf32, #tpu.memory_space<vmem_shared>>
      %dma_wait3A_155 = tpu.memref_slice %arg21[%add3A_76] : memref<819200xf32, #tpu.memory_space<vmem_shared>> -> memref<12800xf32, #tpu.memory_space<vmem_shared>>
      tpu.wait_dma2 semaphore(%run_scoped3A : memref<!tpu.dma_semaphore, #tpu.memory_space<semaphore_mem>>) src(%dma_wait3A_155 : memref<12800xf32, #tpu.memory_space<vmem_shared>>) dst(%arg14 : memref<12800xf32, #tpu.memory_space<vmem>>)
      tpu.yield
    }) : () -> ()
    %add3A_77 = arith.constant 38400 : i32
    %add3A_78 = arith.addi %add3A_62, %add3A_77 : i32
    "tpu.region"() ({
      %run_scoped3A = tpu.sem_alloc : memref<!tpu.dma_semaphore, #tpu.memory_space<semaphore_mem>>
      %dma_start3A_152 = tpu.memref_slice %arg5[%add3A_78] : memref<3276800xf32, #tpu.memory_space<hbm>> -> memref<12800xf32, #tpu.memory_space<hbm>>
      %dma_start3A_153 = tpu.memref_slice %arg5[%add3A_78] : memref<3276800xf32, #tpu.memory_space<hbm>> -> memref<12800xf32, #tpu.memory_space<hbm>>
      tpu.enqueue_dma source(%arg14 : memref<12800xf32, #tpu.memory_space<vmem>>) target(%dma_start3A_153 : memref<12800xf32, #tpu.memory_space<hbm>>) target_semaphore(%run_scoped3A : memref<!tpu.dma_semaphore, #tpu.memory_space<semaphore_mem>>)
      %dma_wait3A_154 = tpu.memref_slice %arg5[%add3A_78] : memref<3276800xf32, #tpu.memory_space<hbm>> -> memref<12800xf32, #tpu.memory_space<hbm>>
      %dma_wait3A_155 = tpu.memref_slice %arg5[%add3A_78] : memref<3276800xf32, #tpu.memory_space<hbm>> -> memref<12800xf32, #tpu.memory_space<hbm>>
      tpu.wait_dma2 semaphore(%run_scoped3A : memref<!tpu.dma_semaphore, #tpu.memory_space<semaphore_mem>>) src(%arg14 : memref<12800xf32, #tpu.memory_space<vmem>>) dst(%dma_wait3A_155 : memref<12800xf32, #tpu.memory_space<hbm>>)
      tpu.yield
    }) : () -> ()
    %mul3A_79 = arith.constant 25000 : i32
    %mul3A_80 = arith.muli %arg0, %mul3A_79 : i32
    %add3A_81 = arith.constant 12500 : i32
    %add3A_82 = arith.addi %mul3A_80, %add3A_81 : i32
    %scan3A_83 = arith.constant 0 : i32
    %scan3A_84 = arith.constant 0 : i32
    %scan3A_85 = arith.constant 800 : i32
    %scan3A_86 = arith.addi %scan3A_84, %scan3A_85 : i32
    %scan3A_87 = arith.constant 1 : i32
    %scan3A_88 = scf.for %scan3A_152 = %scan3A_84 to %scan3A_86 step %scan3A_87 iter_args(%scan3A_153 = %scan3A_83) -> (i32)  : i32 {
      %mul3A_154 = arith.constant 16 : i32
      %mul3A_155 = arith.muli %scan3A_152, %mul3A_154 : i32
      %swap3A = arith.index_cast %mul3A_155 : i32 to index
      %swap3A_156 = tpu.vector_load %arg14[%swap3A] {strides = array<i32>} : memref<12800xf32, #tpu.memory_space<vmem>>, vector<16xf32>,
      tpu.vector_store %arg14[%swap3A], %broadcast_in_dim3A_6 {strides = array<i32>} : memref<12800xf32, #tpu.memory_space<vmem>>, vector<16xf32>,
      %scan3A_157 = arith.constant 0 : i32
      scf.yield %scan3A_157 : i32
    }
    %scan3A_89 = arith.constant 800 : i32
    %add3A_90 = arith.constant 0 : i32
    %add3A_91 = arith.addi %mul3A_9, %add3A_90 : i32
    "tpu.region"() ({
      %run_scoped3A = tpu.sem_alloc : memref<!tpu.dma_semaphore, #tpu.memory_space<semaphore_mem>>
      %dma_start3A_152 = tpu.memref_slice %arg21[%add3A_91] : memref<819200xf32, #tpu.memory_space<vmem_shared>> -> memref<12800xf32, #tpu.memory_space<vmem_shared>>
      %dma_start3A_153 = tpu.memref_slice %arg21[%add3A_91] : memref<819200xf32, #tpu.memory_space<vmem_shared>> -> memref<12800xf32, #tpu.memory_space<vmem_shared>>
      tpu.enqueue_dma source(%arg14 : memref<12800xf32, #tpu.memory_space<vmem>>) target(%dma_start3A_153 : memref<12800xf32, #tpu.memory_space<vmem_shared>>) target_semaphore(%run_scoped3A : memref<!tpu.dma_semaphore, #tpu.memory_space<semaphore_mem>>)
      %dma_wait3A_154 = tpu.memref_slice %arg21[%add3A_91] : memref<819200xf32, #tpu.memory_space<vmem_shared>> -> memref<12800xf32, #tpu.memory_space<vmem_shared>>
      %dma_wait3A_155 = tpu.memref_slice %arg21[%add3A_91] : memref<819200xf32, #tpu.memory_space<vmem_shared>> -> memref<12800xf32, #tpu.memory_space<vmem_shared>>
      tpu.wait_dma2 semaphore(%run_scoped3A : memref<!tpu.dma_semaphore, #tpu.memory_space<semaphore_mem>>) src(%arg14 : memref<12800xf32, #tpu.memory_space<vmem>>) dst(%dma_wait3A_155 : memref<12800xf32, #tpu.memory_space<vmem_shared>>)
      tpu.yield
    }) : () -> ()
    %add3A_92 = arith.constant 12800 : i32
    %add3A_93 = arith.addi %mul3A_9, %add3A_92 : i32
    "tpu.region"() ({
      %run_scoped3A = tpu.sem_alloc : memref<!tpu.dma_semaphore, #tpu.memory_space<semaphore_mem>>
      %dma_start3A_152 = tpu.memref_slice %arg21[%add3A_93] : memref<819200xf32, #tpu.memory_space<vmem_shared>> -> memref<12800xf32, #tpu.memory_space<vmem_shared>>
      %dma_start3A_153 = tpu.memref_slice %arg21[%add3A_93] : memref<819200xf32, #tpu.memory_space<vmem_shared>> -> memref<12800xf32, #tpu.memory_space<vmem_shared>>
      tpu.enqueue_dma source(%arg14 : memref<12800xf32, #tpu.memory_space<vmem>>) target(%dma_start3A_153 : memref<12800xf32, #tpu.memory_space<vmem_shared>>) target_semaphore(%run_scoped3A : memref<!tpu.dma_semaphore, #tpu.memory_space<semaphore_mem>>)
      %dma_wait3A_154 = tpu.memref_slice %arg21[%add3A_93] : memref<819200xf32, #tpu.memory_space<vmem_shared>> -> memref<12800xf32, #tpu.memory_space<vmem_shared>>
      %dma_wait3A_155 = tpu.memref_slice %arg21[%add3A_93] : memref<819200xf32, #tpu.memory_space<vmem_shared>> -> memref<12800xf32, #tpu.memory_space<vmem_shared>>
      tpu.wait_dma2 semaphore(%run_scoped3A : memref<!tpu.dma_semaphore, #tpu.memory_space<semaphore_mem>>) src(%arg14 : memref<12800xf32, #tpu.memory_space<vmem>>) dst(%dma_wait3A_155 : memref<12800xf32, #tpu.memory_space<vmem_shared>>)
      tpu.yield
    }) : () -> ()
    %add3A_94 = arith.constant 25600 : i32
    %add3A_95 = arith.addi %mul3A_9, %add3A_94 : i32
    "tpu.region"() ({
      %run_scoped3A = tpu.sem_alloc : memref<!tpu.dma_semaphore, #tpu.memory_space<semaphore_mem>>
      %dma_start3A_152 = tpu.memref_slice %arg21[%add3A_95] : memref<819200xf32, #tpu.memory_space<vmem_shared>> -> memref<12800xf32, #tpu.memory_space<vmem_shared>>
      %dma_start3A_153 = tpu.memref_slice %arg21[%add3A_95] : memref<819200xf32, #tpu.memory_space<vmem_shared>> -> memref<12800xf32, #tpu.memory_space<vmem_shared>>
      tpu.enqueue_dma source(%arg14 : memref<12800xf32, #tpu.memory_space<vmem>>) target(%dma_start3A_153 : memref<12800xf32, #tpu.memory_space<vmem_shared>>) target_semaphore(%run_scoped3A : memref<!tpu.dma_semaphore, #tpu.memory_space<semaphore_mem>>)
      %dma_wait3A_154 = tpu.memref_slice %arg21[%add3A_95] : memref<819200xf32, #tpu.memory_space<vmem_shared>> -> memref<12800xf32, #tpu.memory_space<vmem_shared>>
      %dma_wait3A_155 = tpu.memref_slice %arg21[%add3A_95] : memref<819200xf32, #tpu.memory_space<vmem_shared>> -> memref<12800xf32, #tpu.memory_space<vmem_shared>>
      tpu.wait_dma2 semaphore(%run_scoped3A : memref<!tpu.dma_semaphore, #tpu.memory_space<semaphore_mem>>) src(%arg14 : memref<12800xf32, #tpu.memory_space<vmem>>) dst(%dma_wait3A_155 : memref<12800xf32, #tpu.memory_space<vmem_shared>>)
      tpu.yield
    }) : () -> ()
    %add3A_96 = arith.constant 38400 : i32
    %add3A_97 = arith.addi %mul3A_9, %add3A_96 : i32
    "tpu.region"() ({
      %run_scoped3A = tpu.sem_alloc : memref<!tpu.dma_semaphore, #tpu.memory_space<semaphore_mem>>
      %dma_start3A_152 = tpu.memref_slice %arg21[%add3A_97] : memref<819200xf32, #tpu.memory_space<vmem_shared>> -> memref<12800xf32, #tpu.memory_space<vmem_shared>>
      %dma_start3A_153 = tpu.memref_slice %arg21[%add3A_97] : memref<819200xf32, #tpu.memory_space<vmem_shared>> -> memref<12800xf32, #tpu.memory_space<vmem_shared>>
      tpu.enqueue_dma source(%arg14 : memref<12800xf32, #tpu.memory_space<vmem>>) target(%dma_start3A_153 : memref<12800xf32, #tpu.memory_space<vmem_shared>>) target_semaphore(%run_scoped3A : memref<!tpu.dma_semaphore, #tpu.memory_space<semaphore_mem>>)
      %dma_wait3A_154 = tpu.memref_slice %arg21[%add3A_97] : memref<819200xf32, #tpu.memory_space<vmem_shared>> -> memref<12800xf32, #tpu.memory_space<vmem_shared>>
      %dma_wait3A_155 = tpu.memref_slice %arg21[%add3A_97] : memref<819200xf32, #tpu.memory_space<vmem_shared>> -> memref<12800xf32, #tpu.memory_space<vmem_shared>>
      tpu.wait_dma2 semaphore(%run_scoped3A : memref<!tpu.dma_semaphore, #tpu.memory_space<semaphore_mem>>) src(%arg14 : memref<12800xf32, #tpu.memory_space<vmem>>) dst(%dma_wait3A_155 : memref<12800xf32, #tpu.memory_space<vmem_shared>>)
      tpu.yield
    }) : () -> ()
    %barrier3A_98 = arith.constant 0 : index
    tpu.barrier barrier_id(%barrier3A_98)
    %dma_start3A_99 = tpu.memref_slice %arg2[%mul3A_7] : memref<851968xi32, #tpu.memory_space<hbm>> -> memref<2048xi32, #tpu.memory_space<hbm>>
    %dma_start3A_100 = tpu.memref_slice %arg2[%mul3A_7] : memref<851968xi32, #tpu.memory_space<hbm>> -> memref<2048xi32, #tpu.memory_space<hbm>>
    tpu.enqueue_dma source(%dma_start3A_100 : memref<2048xi32, #tpu.memory_space<hbm>>) target(%arg7 : memref<2048xi32, #tpu.memory_space<vmem>>) target_semaphore(%arg15 : memref<!tpu.dma_semaphore, #tpu.memory_space<semaphore_mem>>)
    %dma_start3A_101 = tpu.memref_slice %arg3[%mul3A_7] : memref<851968xi32, #tpu.memory_space<hbm>> -> memref<2048xi32, #tpu.memory_space<hbm>>
    %dma_start3A_102 = tpu.memref_slice %arg3[%mul3A_7] : memref<851968xi32, #tpu.memory_space<hbm>> -> memref<2048xi32, #tpu.memory_space<hbm>>
    tpu.enqueue_dma source(%dma_start3A_102 : memref<2048xi32, #tpu.memory_space<hbm>>) target(%arg8 : memref<2048xi32, #tpu.memory_space<vmem>>) target_semaphore(%arg16 : memref<!tpu.dma_semaphore, #tpu.memory_space<semaphore_mem>>)
    %scan3A_103 = arith.constant 0 : i32
    %scan3A_104 = arith.constant 0 : i32
    %scan3A_105 = arith.constant 13 : i32
    %scan3A_106 = arith.addi %scan3A_104, %scan3A_105 : i32
    %scan3A_107 = arith.constant 1 : i32
    %scan3A_108 = scf.for %scan3A_152 = %scan3A_104 to %scan3A_106 step %scan3A_107 iter_args(%scan3A_153 = %scan3A_103) -> (i32)  : i32 {
      %mul3A_154 = arith.constant 2 : i32
      %mul3A_155 = arith.muli %mul3A_154, %scan3A_152 : i32
      %mul3A_156 = arith.constant 2048 : i32
      %mul3A_157 = arith.muli %mul3A_155, %mul3A_156 : i32
      %add3A_158 = arith.addi %mul3A_7, %mul3A_157 : i32
      %add3A_159 = arith.constant 2048 : i32
      %add3A_160 = arith.addi %add3A_158, %add3A_159 : i32
      %dma_wait3A_161 = tpu.memref_slice %arg2[%add3A_158] : memref<851968xi32, #tpu.memory_space<hbm>> -> memref<2048xi32, #tpu.memory_space<hbm>>
      %dma_wait3A_162 = tpu.memref_slice %arg2[%add3A_158] : memref<851968xi32, #tpu.memory_space<hbm>> -> memref<2048xi32, #tpu.memory_space<hbm>>
      tpu.wait_dma2 semaphore(%arg15 : memref<!tpu.dma_semaphore, #tpu.memory_space<semaphore_mem>>) src(%dma_wait3A_162 : memref<2048xi32, #tpu.memory_space<hbm>>) dst(%arg7 : memref<2048xi32, #tpu.memory_space<vmem>>)
      %dma_wait3A_163 = tpu.memref_slice %arg3[%add3A_158] : memref<851968xi32, #tpu.memory_space<hbm>> -> memref<2048xi32, #tpu.memory_space<hbm>>
      %dma_wait3A_164 = tpu.memref_slice %arg3[%add3A_158] : memref<851968xi32, #tpu.memory_space<hbm>> -> memref<2048xi32, #tpu.memory_space<hbm>>
      tpu.wait_dma2 semaphore(%arg16 : memref<!tpu.dma_semaphore, #tpu.memory_space<semaphore_mem>>) src(%dma_wait3A_164 : memref<2048xi32, #tpu.memory_space<hbm>>) dst(%arg8 : memref<2048xi32, #tpu.memory_space<vmem>>)
      %dma_start3A_165 = tpu.memref_slice %arg2[%add3A_160] : memref<851968xi32, #tpu.memory_space<hbm>> -> memref<2048xi32, #tpu.memory_space<hbm>>
      %dma_start3A_166 = tpu.memref_slice %arg2[%add3A_160] : memref<851968xi32, #tpu.memory_space<hbm>> -> memref<2048xi32, #tpu.memory_space<hbm>>
      tpu.enqueue_dma source(%dma_start3A_166 : memref<2048xi32, #tpu.memory_space<hbm>>) target(%arg9 : memref<2048xi32, #tpu.memory_space<vmem>>) target_semaphore(%arg17 : memref<!tpu.dma_semaphore, #tpu.memory_space<semaphore_mem>>)
      %dma_start3A_167 = tpu.memref_slice %arg3[%add3A_160] : memref<851968xi32, #tpu.memory_space<hbm>> -> memref<2048xi32, #tpu.memory_space<hbm>>
      %dma_start3A_168 = tpu.memref_slice %arg3[%add3A_160] : memref<851968xi32, #tpu.memory_space<hbm>> -> memref<2048xi32, #tpu.memory_space<hbm>>
      tpu.enqueue_dma source(%dma_start3A_168 : memref<2048xi32, #tpu.memory_space<hbm>>) target(%arg10 : memref<2048xi32, #tpu.memory_space<vmem>>) target_semaphore(%arg18 : memref<!tpu.dma_semaphore, #tpu.memory_space<semaphore_mem>>)
      %gt3A = arith.constant 0 : i32
      %gt3A_169 = arith.cmpi sgt, %scan3A_152, %gt3A : i32
      %convert_element_type3A = arith.extui %gt3A_169 : i1 to i32
      %cond3A = arith.constant 0 : i32
      %cond3A_170 = arith.cmpi ne, %convert_element_type3A, %cond3A : i32
      scf.if %cond3A_170 {
        %dma_wait3A_219 = arith.constant 0 : i32
        %dma_wait3A_220 = arith.constant 0 : i32
        %dma_wait3A_221 = tpu.memref_slice %arg11[%dma_wait3A_219, %dma_wait3A_220] : memref<1x2048xi32, #tpu.memory_space<vmem>> -> memref<1x2048xi32, #tpu.memory_space<vmem>>
        %dma_wait3A_222 = tpu.memref_squeeze %dma_wait3A_221 : memref<1x2048xi32, #tpu.memory_space<vmem>> -> memref<2048xi32, #tpu.memory_space<vmem>>
        %dma_wait3A_223 = arith.constant 0 : i32
        %dma_wait3A_224 = tpu.memref_slice %arg21[%dma_wait3A_223] : memref<819200xf32, #tpu.memory_space<vmem_shared>> -> memref<819200xf32, #tpu.memory_space<vmem_shared>>
        tpu.wait_indirect_dma semaphore(%arg19 : memref<!tpu.dma_semaphore, #tpu.memory_space<semaphore_mem>>) src(%arg13 : memref<2048xf32, #tpu.memory_space<vmem>>) dst(%dma_wait3A_224 : memref<819200xf32, #tpu.memory_space<vmem_shared>>)
      } else {
      }
      %scan3A_171 = arith.constant 0 : i32
      %scan3A_172 = arith.constant 0 : i32
      %scan3A_173 = arith.constant 128 : i32
      %scan3A_174 = arith.addi %scan3A_172, %scan3A_173 : i32
      %scan3A_175 = arith.constant 1 : i32
      %scan3A_176 = scf.for %scan3A_219 = %scan3A_172 to %scan3A_174 step %scan3A_175 iter_args(%scan3A_220 = %scan3A_171) -> (i32)  : i32 {
        %mul3A_221 = arith.constant 16 : i32
        %mul3A_222 = arith.muli %scan3A_219, %mul3A_221 : i32
        %get3A = arith.index_cast %mul3A_222 : i32 to index
        %get3A_223 = tpu.vector_load %arg7[%get3A] {strides = array<i32>} : memref<2048xi32, #tpu.memory_space<vmem>>, vector<16xi32>,
        %mul3A_224 = arith.constant 16 : i32
        %mul3A_225 = arith.muli %scan3A_219, %mul3A_224 : i32
        %get3A_226 = arith.index_cast %mul3A_225 : i32 to index
        %get3A_227 = tpu.vector_load %arg8[%get3A_226] {strides = array<i32>} : memref<2048xi32, #tpu.memory_space<vmem>>, vector<16xi32>,
        %gather3A = tpu.vector_load_idx %arg6[%get3A_223] : memref<50000xi32, #tpu.memory_space<vmem>>[vector<16xi32>], vector<16xi32>,
        %sub3A = vector.broadcast %add3A_82 : i32 to vector<16xi32>
        %sub3A_228 = arith.subi %get3A_227, %sub3A : vector<16xi32>
        %ge3A = arith.constant 0 : i32
        %ge3A_229 = vector.broadcast %ge3A : i32 to vector<16xi32>
        %ge3A_230 = arith.cmpi sge, %sub3A_228, %ge3A_229 : vector<16xi32>
        %lt3A = arith.constant 12500 : i32
        %lt3A_231 = vector.broadcast %lt3A : i32 to vector<16xi32>
        %lt3A_232 = arith.cmpi slt, %sub3A_228, %lt3A_231 : vector<16xi32>
        %and3A = arith.andi %ge3A_230, %lt3A_232 : vector<16xi1>
        %mul3A_233 = arith.constant 64 : i32
        %mul3A_234 = vector.broadcast %mul3A_233 : i32 to vector<16xi32>
        %mul3A_235 = arith.muli %sub3A_228, %mul3A_234 : vector<16xi32>
        %add3A_236 = arith.addi %mul3A_235, %gather3A : vector<16xi32>
        %jit3A = arith.constant 800000 : i32
        %broadcast_in_dim3A_237 = vector.broadcast %jit3A : i32 to vector<16xi32>
        %select_n3A = arith.select %and3A, %add3A_236, %broadcast_in_dim3A_237 : vector<16xi1>, vector<16xi32>
        %mul3A_238 = arith.constant 16 : i32
        %mul3A_239 = arith.muli %scan3A_219, %mul3A_238 : i32
        %swap3A = arith.constant 0 : i32
        %swap3A_240 = arith.index_cast %swap3A : i32 to index
        %swap3A_241 = arith.index_cast %mul3A_239 : i32 to index
        %swap3A_242 = tpu.vector_load %arg11[%swap3A_240, %swap3A_241] {strides = array<i32>} : memref<1x2048xi32, #tpu.memory_space<vmem>>, vector<16xi32>,
        tpu.vector_store %arg11[%swap3A_240, %swap3A_241], %select_n3A {strides = array<i32>} : memref<1x2048xi32, #tpu.memory_space<vmem>>, vector<16xi32>,
        %scan3A_243 = arith.constant 0 : i32
        scf.yield %scan3A_243 : i32
      }
      %scan3A_177 = arith.constant 128 : i32
      %dma_start3A_178 = arith.constant 0 : i32
      %dma_start3A_179 = arith.constant 0 : i32
      %dma_start3A_180 = tpu.memref_slice %arg11[%dma_start3A_178, %dma_start3A_179] : memref<1x2048xi32, #tpu.memory_space<vmem>> -> memref<1x2048xi32, #tpu.memory_space<vmem>>
      %dma_start3A_181 = tpu.memref_squeeze %dma_start3A_180 : memref<1x2048xi32, #tpu.memory_space<vmem>> -> memref<2048xi32, #tpu.memory_space<vmem>>
      %dma_start3A_182 = arith.constant 0 : i32
      %dma_start3A_183 = tpu.memref_slice %arg21[%dma_start3A_182] : memref<819200xf32, #tpu.memory_space<vmem_shared>> -> memref<819200xf32, #tpu.memory_space<vmem_shared>>
      tpu.enqueue_indirect_dma source(%arg13 : memref<2048xf32, #tpu.memory_space<vmem>>) target(%dma_start3A_183 : memref<819200xf32, #tpu.memory_space<vmem_shared>>) offsets(%dma_start3A_181 : memref<2048xi32, #tpu.memory_space<vmem>>) semaphore(%arg19 : memref<!tpu.dma_semaphore, #tpu.memory_space<semaphore_mem>>) {add = true}
      %mul3A_184 = arith.constant 2 : i32
      %mul3A_185 = arith.muli %mul3A_184, %scan3A_152 : i32
      %add3A_186 = arith.constant 2 : i32
      %add3A_187 = arith.addi %mul3A_185, %add3A_186 : i32
      %min3A = arith.constant 25 : i32
      %min3A_188 = arith.minsi %add3A_187, %min3A : i32
      %mul3A_189 = arith.constant 2048 : i32
      %mul3A_190 = arith.muli %min3A_188, %mul3A_189 : i32
      %add3A_191 = arith.addi %mul3A_7, %mul3A_190 : i32
      %dma_start3A_192 = tpu.memref_slice %arg2[%add3A_191] : memref<851968xi32, #tpu.memory_space<hbm>> -> memref<2048xi32, #tpu.memory_space<hbm>>
      %dma_start3A_193 = tpu.memref_slice %arg2[%add3A_191] : memref<851968xi32, #tpu.memory_space<hbm>> -> memref<2048xi32, #tpu.memory_space<hbm>>
      tpu.enqueue_dma source(%dma_start3A_193 : memref<2048xi32, #tpu.memory_space<hbm>>) target(%arg7 : memref<2048xi32, #tpu.memory_space<vmem>>) target_semaphore(%arg15 : memref<!tpu.dma_semaphore, #tpu.memory_space<semaphore_mem>>)
      %dma_start3A_194 = tpu.memref_slice %arg3[%add3A_191] : memref<851968xi32, #tpu.memory_space<hbm>> -> memref<2048xi32, #tpu.memory_space<hbm>>
      %dma_start3A_195 = tpu.memref_slice %arg3[%add3A_191] : memref<851968xi32, #tpu.memory_space<hbm>> -> memref<2048xi32, #tpu.memory_space<hbm>>
      tpu.enqueue_dma source(%dma_start3A_195 : memref<2048xi32, #tpu.memory_space<hbm>>) target(%arg8 : memref<2048xi32, #tpu.memory_space<vmem>>) target_semaphore(%arg16 : memref<!tpu.dma_semaphore, #tpu.memory_space<semaphore_mem>>)
      %dma_wait3A_196 = tpu.memref_slice %arg2[%add3A_160] : memref<851968xi32, #tpu.memory_space<hbm>> -> memref<2048xi32, #tpu.memory_space<hbm>>
      %dma_wait3A_197 = tpu.memref_slice %arg2[%add3A_160] : memref<851968xi32, #tpu.memory_space<hbm>> -> memref<2048xi32, #tpu.memory_space<hbm>>
      tpu.wait_dma2 semaphore(%arg17 : memref<!tpu.dma_semaphore, #tpu.memory_space<semaphore_mem>>) src(%dma_wait3A_197 : memref<2048xi32, #tpu.memory_space<hbm>>) dst(%arg9 : memref<2048xi32, #tpu.memory_space<vmem>>)
      %dma_wait3A_198 = tpu.memref_slice %arg3[%add3A_160] : memref<851968xi32, #tpu.memory_space<hbm>> -> memref<2048xi32, #tpu.memory_space<hbm>>
      %dma_wait3A_199 = tpu.memref_slice %arg3[%add3A_160] : memref<851968xi32, #tpu.memory_space<hbm>> -> memref<2048xi32, #tpu.memory_space<hbm>>
      tpu.wait_dma2 semaphore(%arg18 : memref<!tpu.dma_semaphore, #tpu.memory_space<semaphore_mem>>) src(%dma_wait3A_199 : memref<2048xi32, #tpu.memory_space<hbm>>) dst(%arg10 : memref<2048xi32, #tpu.memory_space<vmem>>)
      %gt3A_200 = arith.constant 0 : i32
      %gt3A_201 = arith.cmpi sgt, %scan3A_152, %gt3A_200 : i32
      %convert_element_type3A_202 = arith.extui %gt3A_201 : i1 to i32
      %cond3A_203 = arith.constant 0 : i32
      %cond3A_204 = arith.cmpi ne, %convert_element_type3A_202, %cond3A_203 : i32
      scf.if %cond3A_204 {
        %dma_wait3A_219 = arith.constant 0 : i32
        %dma_wait3A_220 = arith.constant 0 : i32
        %dma_wait3A_221 = tpu.memref_slice %arg12[%dma_wait3A_219, %dma_wait3A_220] : memref<1x2048xi32, #tpu.memory_space<vmem>> -> memref<1x2048xi32, #tpu.memory_space<vmem>>
        %dma_wait3A_222 = tpu.memref_squeeze %dma_wait3A_221 : memref<1x2048xi32, #tpu.memory_space<vmem>> -> memref<2048xi32, #tpu.memory_space<vmem>>
        %dma_wait3A_223 = arith.constant 0 : i32
        %dma_wait3A_224 = tpu.memref_slice %arg21[%dma_wait3A_223] : memref<819200xf32, #tpu.memory_space<vmem_shared>> -> memref<819200xf32, #tpu.memory_space<vmem_shared>>
        tpu.wait_indirect_dma semaphore(%arg20 : memref<!tpu.dma_semaphore, #tpu.memory_space<semaphore_mem>>) src(%arg13 : memref<2048xf32, #tpu.memory_space<vmem>>) dst(%dma_wait3A_224 : memref<819200xf32, #tpu.memory_space<vmem_shared>>)
      } else {
      }
      %scan3A_205 = arith.constant 0 : i32
      %scan3A_206 = arith.constant 0 : i32
      %scan3A_207 = arith.constant 128 : i32
      %scan3A_208 = arith.addi %scan3A_206, %scan3A_207 : i32
      %scan3A_209 = arith.constant 1 : i32
      %scan3A_210 = scf.for %scan3A_219 = %scan3A_206 to %scan3A_208 step %scan3A_209 iter_args(%scan3A_220 = %scan3A_205) -> (i32)  : i32 {
        %mul3A_221 = arith.constant 16 : i32
        %mul3A_222 = arith.muli %scan3A_219, %mul3A_221 : i32
        %get3A = arith.index_cast %mul3A_222 : i32 to index
        %get3A_223 = tpu.vector_load %arg9[%get3A] {strides = array<i32>} : memref<2048xi32, #tpu.memory_space<vmem>>, vector<16xi32>,
        %mul3A_224 = arith.constant 16 : i32
        %mul3A_225 = arith.muli %scan3A_219, %mul3A_224 : i32
        %get3A_226 = arith.index_cast %mul3A_225 : i32 to index
        %get3A_227 = tpu.vector_load %arg10[%get3A_226] {strides = array<i32>} : memref<2048xi32, #tpu.memory_space<vmem>>, vector<16xi32>,
        %gather3A = tpu.vector_load_idx %arg6[%get3A_223] : memref<50000xi32, #tpu.memory_space<vmem>>[vector<16xi32>], vector<16xi32>,
        %sub3A = vector.broadcast %add3A_82 : i32 to vector<16xi32>
        %sub3A_228 = arith.subi %get3A_227, %sub3A : vector<16xi32>
        %ge3A = arith.constant 0 : i32
        %ge3A_229 = vector.broadcast %ge3A : i32 to vector<16xi32>
        %ge3A_230 = arith.cmpi sge, %sub3A_228, %ge3A_229 : vector<16xi32>
        %lt3A = arith.constant 12500 : i32
        %lt3A_231 = vector.broadcast %lt3A : i32 to vector<16xi32>
        %lt3A_232 = arith.cmpi slt, %sub3A_228, %lt3A_231 : vector<16xi32>
        %and3A = arith.andi %ge3A_230, %lt3A_232 : vector<16xi1>
        %mul3A_233 = arith.constant 64 : i32
        %mul3A_234 = vector.broadcast %mul3A_233 : i32 to vector<16xi32>
        %mul3A_235 = arith.muli %sub3A_228, %mul3A_234 : vector<16xi32>
        %add3A_236 = arith.addi %mul3A_235, %gather3A : vector<16xi32>
        %jit3A = arith.constant 800000 : i32
        %broadcast_in_dim3A_237 = vector.broadcast %jit3A : i32 to vector<16xi32>
        %select_n3A = arith.select %and3A, %add3A_236, %broadcast_in_dim3A_237 : vector<16xi1>, vector<16xi32>
        %mul3A_238 = arith.constant 16 : i32
        %mul3A_239 = arith.muli %scan3A_219, %mul3A_238 : i32
        %swap3A = arith.constant 0 : i32
        %swap3A_240 = arith.index_cast %swap3A : i32 to index
        %swap3A_241 = arith.index_cast %mul3A_239 : i32 to index
        %swap3A_242 = tpu.vector_load %arg12[%swap3A_240, %swap3A_241] {strides = array<i32>} : memref<1x2048xi32, #tpu.memory_space<vmem>>, vector<16xi32>,
        tpu.vector_store %arg12[%swap3A_240, %swap3A_241], %select_n3A {strides = array<i32>} : memref<1x2048xi32, #tpu.memory_space<vmem>>, vector<16xi32>,
        %scan3A_243 = arith.constant 0 : i32
        scf.yield %scan3A_243 : i32
      }
      %scan3A_211 = arith.constant 128 : i32
      %dma_start3A_212 = arith.constant 0 : i32
      %dma_start3A_213 = arith.constant 0 : i32
      %dma_start3A_214 = tpu.memref_slice %arg12[%dma_start3A_212, %dma_start3A_213] : memref<1x2048xi32, #tpu.memory_space<vmem>> -> memref<1x2048xi32, #tpu.memory_space<vmem>>
      %dma_start3A_215 = tpu.memref_squeeze %dma_start3A_214 : memref<1x2048xi32, #tpu.memory_space<vmem>> -> memref<2048xi32, #tpu.memory_space<vmem>>
      %dma_start3A_216 = arith.constant 0 : i32
      %dma_start3A_217 = tpu.memref_slice %arg21[%dma_start3A_216] : memref<819200xf32, #tpu.memory_space<vmem_shared>> -> memref<819200xf32, #tpu.memory_space<vmem_shared>>
      tpu.enqueue_indirect_dma source(%arg13 : memref<2048xf32, #tpu.memory_space<vmem>>) target(%dma_start3A_217 : memref<819200xf32, #tpu.memory_space<vmem_shared>>) offsets(%dma_start3A_215 : memref<2048xi32, #tpu.memory_space<vmem>>) semaphore(%arg20 : memref<!tpu.dma_semaphore, #tpu.memory_space<semaphore_mem>>) {add = true}
      %scan3A_218 = arith.constant 0 : i32
      scf.yield %scan3A_218 : i32
    }
    %scan3A_109 = arith.constant 13 : i32
    %add3A_110 = arith.constant 51200 : i32
    %add3A_111 = arith.addi %mul3A_7, %add3A_110 : i32
    %dma_wait3A_112 = tpu.memref_slice %arg2[%add3A_111] : memref<851968xi32, #tpu.memory_space<hbm>> -> memref<2048xi32, #tpu.memory_space<hbm>>
    %dma_wait3A_113 = tpu.memref_slice %arg2[%add3A_111] : memref<851968xi32, #tpu.memory_space<hbm>> -> memref<2048xi32, #tpu.memory_space<hbm>>
    tpu.wait_dma2 semaphore(%arg15 : memref<!tpu.dma_semaphore, #tpu.memory_space<semaphore_mem>>) src(%dma_wait3A_113 : memref<2048xi32, #tpu.memory_space<hbm>>) dst(%arg7 : memref<2048xi32, #tpu.memory_space<vmem>>)
    %dma_wait3A_114 = tpu.memref_slice %arg3[%add3A_111] : memref<851968xi32, #tpu.memory_space<hbm>> -> memref<2048xi32, #tpu.memory_space<hbm>>
    %dma_wait3A_115 = tpu.memref_slice %arg3[%add3A_111] : memref<851968xi32, #tpu.memory_space<hbm>> -> memref<2048xi32, #tpu.memory_space<hbm>>
    tpu.wait_dma2 semaphore(%arg16 : memref<!tpu.dma_semaphore, #tpu.memory_space<semaphore_mem>>) src(%dma_wait3A_115 : memref<2048xi32, #tpu.memory_space<hbm>>) dst(%arg8 : memref<2048xi32, #tpu.memory_space<vmem>>)
    %dma_wait3A_116 = arith.constant 0 : i32
    %dma_wait3A_117 = arith.constant 0 : i32
    %dma_wait3A_118 = tpu.memref_slice %arg11[%dma_wait3A_116, %dma_wait3A_117] : memref<1x2048xi32, #tpu.memory_space<vmem>> -> memref<1x2048xi32, #tpu.memory_space<vmem>>
    %dma_wait3A_119 = tpu.memref_squeeze %dma_wait3A_118 : memref<1x2048xi32, #tpu.memory_space<vmem>> -> memref<2048xi32, #tpu.memory_space<vmem>>
    %dma_wait3A_120 = arith.constant 0 : i32
    %dma_wait3A_121 = tpu.memref_slice %arg21[%dma_wait3A_120] : memref<819200xf32, #tpu.memory_space<vmem_shared>> -> memref<819200xf32, #tpu.memory_space<vmem_shared>>
    tpu.wait_indirect_dma semaphore(%arg19 : memref<!tpu.dma_semaphore, #tpu.memory_space<semaphore_mem>>) src(%arg13 : memref<2048xf32, #tpu.memory_space<vmem>>) dst(%dma_wait3A_121 : memref<819200xf32, #tpu.memory_space<vmem_shared>>)
    %dma_wait3A_122 = arith.constant 0 : i32
    %dma_wait3A_123 = arith.constant 0 : i32
    %dma_wait3A_124 = tpu.memref_slice %arg12[%dma_wait3A_122, %dma_wait3A_123] : memref<1x2048xi32, #tpu.memory_space<vmem>> -> memref<1x2048xi32, #tpu.memory_space<vmem>>
    %dma_wait3A_125 = tpu.memref_squeeze %dma_wait3A_124 : memref<1x2048xi32, #tpu.memory_space<vmem>> -> memref<2048xi32, #tpu.memory_space<vmem>>
    %dma_wait3A_126 = arith.constant 0 : i32
    %dma_wait3A_127 = tpu.memref_slice %arg21[%dma_wait3A_126] : memref<819200xf32, #tpu.memory_space<vmem_shared>> -> memref<819200xf32, #tpu.memory_space<vmem_shared>>
    tpu.wait_indirect_dma semaphore(%arg20 : memref<!tpu.dma_semaphore, #tpu.memory_space<semaphore_mem>>) src(%arg13 : memref<2048xf32, #tpu.memory_space<vmem>>) dst(%dma_wait3A_127 : memref<819200xf32, #tpu.memory_space<vmem_shared>>)
    %barrier3A_128 = arith.constant 0 : index
    tpu.barrier barrier_id(%barrier3A_128)
    %mul3A_129 = arith.constant 2 : i32
    %mul3A_130 = arith.muli %arg0, %mul3A_129 : i32
    %add3A_131 = arith.constant 1 : i32
    %add3A_132 = arith.addi %mul3A_130, %add3A_131 : i32
    %mul3A_133 = arith.constant 819200 : i32
    %mul3A_134 = arith.muli %add3A_132, %mul3A_133 : i32
    %add3A_135 = arith.addi %mul3A_134, %mul3A_9 : i32
    %add3A_136 = arith.constant 0 : i32
    %add3A_137 = arith.addi %mul3A_9, %add3A_136 : i32
    "tpu.region"() ({
      %run_scoped3A = tpu.sem_alloc : memref<!tpu.dma_semaphore, #tpu.memory_space<semaphore_mem>>
      %dma_start3A_152 = tpu.memref_slice %arg21[%add3A_137] : memref<819200xf32, #tpu.memory_space<vmem_shared>> -> memref<12800xf32, #tpu.memory_space<vmem_shared>>
      %dma_start3A_153 = tpu.memref_slice %arg21[%add3A_137] : memref<819200xf32, #tpu.memory_space<vmem_shared>> -> memref<12800xf32, #tpu.memory_space<vmem_shared>>
      tpu.enqueue_dma source(%dma_start3A_153 : memref<12800xf32, #tpu.memory_space<vmem_shared>>) target(%arg14 : memref<12800xf32, #tpu.memory_space<vmem>>) target_semaphore(%run_scoped3A : memref<!tpu.dma_semaphore, #tpu.memory_space<semaphore_mem>>)
      %dma_wait3A_154 = tpu.memref_slice %arg21[%add3A_137] : memref<819200xf32, #tpu.memory_space<vmem_shared>> -> memref<12800xf32, #tpu.memory_space<vmem_shared>>
      %dma_wait3A_155 = tpu.memref_slice %arg21[%add3A_137] : memref<819200xf32, #tpu.memory_space<vmem_shared>> -> memref<12800xf32, #tpu.memory_space<vmem_shared>>
      tpu.wait_dma2 semaphore(%run_scoped3A : memref<!tpu.dma_semaphore, #tpu.memory_space<semaphore_mem>>) src(%dma_wait3A_155 : memref<12800xf32, #tpu.memory_space<vmem_shared>>) dst(%arg14 : memref<12800xf32, #tpu.memory_space<vmem>>)
      tpu.yield
    }) : () -> ()
    %add3A_138 = arith.constant 0 : i32
    %add3A_139 = arith.addi %add3A_135, %add3A_138 : i32
    "tpu.region"() ({
      %run_scoped3A = tpu.sem_alloc : memref<!tpu.dma_semaphore, #tpu.memory_space<semaphore_mem>>
      %dma_start3A_152 = tpu.memref_slice %arg5[%add3A_139] : memref<3276800xf32, #tpu.memory_space<hbm>> -> memref<12800xf32, #tpu.memory_space<hbm>>
      %dma_start3A_153 = tpu.memref_slice %arg5[%add3A_139] : memref<3276800xf32, #tpu.memory_space<hbm>> -> memref<12800xf32, #tpu.memory_space<hbm>>
      tpu.enqueue_dma source(%arg14 : memref<12800xf32, #tpu.memory_space<vmem>>) target(%dma_start3A_153 : memref<12800xf32, #tpu.memory_space<hbm>>) target_semaphore(%run_scoped3A : memref<!tpu.dma_semaphore, #tpu.memory_space<semaphore_mem>>)
      %dma_wait3A_154 = tpu.memref_slice %arg5[%add3A_139] : memref<3276800xf32, #tpu.memory_space<hbm>> -> memref<12800xf32, #tpu.memory_space<hbm>>
      %dma_wait3A_155 = tpu.memref_slice %arg5[%add3A_139] : memref<3276800xf32, #tpu.memory_space<hbm>> -> memref<12800xf32, #tpu.memory_space<hbm>>
      tpu.wait_dma2 semaphore(%run_scoped3A : memref<!tpu.dma_semaphore, #tpu.memory_space<semaphore_mem>>) src(%arg14 : memref<12800xf32, #tpu.memory_space<vmem>>) dst(%dma_wait3A_155 : memref<12800xf32, #tpu.memory_space<hbm>>)
      tpu.yield
    }) : () -> ()
    %add3A_140 = arith.constant 12800 : i32
    %add3A_141 = arith.addi %mul3A_9, %add3A_140 : i32
    "tpu.region"() ({
      %run_scoped3A = tpu.sem_alloc : memref<!tpu.dma_semaphore, #tpu.memory_space<semaphore_mem>>
      %dma_start3A_152 = tpu.memref_slice %arg21[%add3A_141] : memref<819200xf32, #tpu.memory_space<vmem_shared>> -> memref<12800xf32, #tpu.memory_space<vmem_shared>>
      %dma_start3A_153 = tpu.memref_slice %arg21[%add3A_141] : memref<819200xf32, #tpu.memory_space<vmem_shared>> -> memref<12800xf32, #tpu.memory_space<vmem_shared>>
      tpu.enqueue_dma source(%dma_start3A_153 : memref<12800xf32, #tpu.memory_space<vmem_shared>>) target(%arg14 : memref<12800xf32, #tpu.memory_space<vmem>>) target_semaphore(%run_scoped3A : memref<!tpu.dma_semaphore, #tpu.memory_space<semaphore_mem>>)
      %dma_wait3A_154 = tpu.memref_slice %arg21[%add3A_141] : memref<819200xf32, #tpu.memory_space<vmem_shared>> -> memref<12800xf32, #tpu.memory_space<vmem_shared>>
      %dma_wait3A_155 = tpu.memref_slice %arg21[%add3A_141] : memref<819200xf32, #tpu.memory_space<vmem_shared>> -> memref<12800xf32, #tpu.memory_space<vmem_shared>>
      tpu.wait_dma2 semaphore(%run_scoped3A : memref<!tpu.dma_semaphore, #tpu.memory_space<semaphore_mem>>) src(%dma_wait3A_155 : memref<12800xf32, #tpu.memory_space<vmem_shared>>) dst(%arg14 : memref<12800xf32, #tpu.memory_space<vmem>>)
      tpu.yield
    }) : () -> ()
    %add3A_142 = arith.constant 12800 : i32
    %add3A_143 = arith.addi %add3A_135, %add3A_142 : i32
    "tpu.region"() ({
      %run_scoped3A = tpu.sem_alloc : memref<!tpu.dma_semaphore, #tpu.memory_space<semaphore_mem>>
      %dma_start3A_152 = tpu.memref_slice %arg5[%add3A_143] : memref<3276800xf32, #tpu.memory_space<hbm>> -> memref<12800xf32, #tpu.memory_space<hbm>>
      %dma_start3A_153 = tpu.memref_slice %arg5[%add3A_143] : memref<3276800xf32, #tpu.memory_space<hbm>> -> memref<12800xf32, #tpu.memory_space<hbm>>
      tpu.enqueue_dma source(%arg14 : memref<12800xf32, #tpu.memory_space<vmem>>) target(%dma_start3A_153 : memref<12800xf32, #tpu.memory_space<hbm>>) target_semaphore(%run_scoped3A : memref<!tpu.dma_semaphore, #tpu.memory_space<semaphore_mem>>)
      %dma_wait3A_154 = tpu.memref_slice %arg5[%add3A_143] : memref<3276800xf32, #tpu.memory_space<hbm>> -> memref<12800xf32, #tpu.memory_space<hbm>>
      %dma_wait3A_155 = tpu.memref_slice %arg5[%add3A_143] : memref<3276800xf32, #tpu.memory_space<hbm>> -> memref<12800xf32, #tpu.memory_space<hbm>>
      tpu.wait_dma2 semaphore(%run_scoped3A : memref<!tpu.dma_semaphore, #tpu.memory_space<semaphore_mem>>) src(%arg14 : memref<12800xf32, #tpu.memory_space<vmem>>) dst(%dma_wait3A_155 : memref<12800xf32, #tpu.memory_space<hbm>>)
      tpu.yield
    }) : () -> ()
    %add3A_144 = arith.constant 25600 : i32
    %add3A_145 = arith.addi %mul3A_9, %add3A_144 : i32
    "tpu.region"() ({
      %run_scoped3A = tpu.sem_alloc : memref<!tpu.dma_semaphore, #tpu.memory_space<semaphore_mem>>
      %dma_start3A_152 = tpu.memref_slice %arg21[%add3A_145] : memref<819200xf32, #tpu.memory_space<vmem_shared>> -> memref<12800xf32, #tpu.memory_space<vmem_shared>>
      %dma_start3A_153 = tpu.memref_slice %arg21[%add3A_145] : memref<819200xf32, #tpu.memory_space<vmem_shared>> -> memref<12800xf32, #tpu.memory_space<vmem_shared>>
      tpu.enqueue_dma source(%dma_start3A_153 : memref<12800xf32, #tpu.memory_space<vmem_shared>>) target(%arg14 : memref<12800xf32, #tpu.memory_space<vmem>>) target_semaphore(%run_scoped3A : memref<!tpu.dma_semaphore, #tpu.memory_space<semaphore_mem>>)
      %dma_wait3A_154 = tpu.memref_slice %arg21[%add3A_145] : memref<819200xf32, #tpu.memory_space<vmem_shared>> -> memref<12800xf32, #tpu.memory_space<vmem_shared>>
      %dma_wait3A_155 = tpu.memref_slice %arg21[%add3A_145] : memref<819200xf32, #tpu.memory_space<vmem_shared>> -> memref<12800xf32, #tpu.memory_space<vmem_shared>>
      tpu.wait_dma2 semaphore(%run_scoped3A : memref<!tpu.dma_semaphore, #tpu.memory_space<semaphore_mem>>) src(%dma_wait3A_155 : memref<12800xf32, #tpu.memory_space<vmem_shared>>) dst(%arg14 : memref<12800xf32, #tpu.memory_space<vmem>>)
      tpu.yield
    }) : () -> ()
    %add3A_146 = arith.constant 25600 : i32
    %add3A_147 = arith.addi %add3A_135, %add3A_146 : i32
    "tpu.region"() ({
      %run_scoped3A = tpu.sem_alloc : memref<!tpu.dma_semaphore, #tpu.memory_space<semaphore_mem>>
      %dma_start3A_152 = tpu.memref_slice %arg5[%add3A_147] : memref<3276800xf32, #tpu.memory_space<hbm>> -> memref<12800xf32, #tpu.memory_space<hbm>>
      %dma_start3A_153 = tpu.memref_slice %arg5[%add3A_147] : memref<3276800xf32, #tpu.memory_space<hbm>> -> memref<12800xf32, #tpu.memory_space<hbm>>
      tpu.enqueue_dma source(%arg14 : memref<12800xf32, #tpu.memory_space<vmem>>) target(%dma_start3A_153 : memref<12800xf32, #tpu.memory_space<hbm>>) target_semaphore(%run_scoped3A : memref<!tpu.dma_semaphore, #tpu.memory_space<semaphore_mem>>)
      %dma_wait3A_154 = tpu.memref_slice %arg5[%add3A_147] : memref<3276800xf32, #tpu.memory_space<hbm>> -> memref<12800xf32, #tpu.memory_space<hbm>>
      %dma_wait3A_155 = tpu.memref_slice %arg5[%add3A_147] : memref<3276800xf32, #tpu.memory_space<hbm>> -> memref<12800xf32, #tpu.memory_space<hbm>>
      tpu.wait_dma2 semaphore(%run_scoped3A : memref<!tpu.dma_semaphore, #tpu.memory_space<semaphore_mem>>) src(%arg14 : memref<12800xf32, #tpu.memory_space<vmem>>) dst(%dma_wait3A_155 : memref<12800xf32, #tpu.memory_space<hbm>>)
      tpu.yield
    }) : () -> ()
    %add3A_148 = arith.constant 38400 : i32
    %add3A_149 = arith.addi %mul3A_9, %add3A_148 : i32
    "tpu.region"() ({
      %run_scoped3A = tpu.sem_alloc : memref<!tpu.dma_semaphore, #tpu.memory_space<semaphore_mem>>
      %dma_start3A_152 = tpu.memref_slice %arg21[%add3A_149] : memref<819200xf32, #tpu.memory_space<vmem_shared>> -> memref<12800xf32, #tpu.memory_space<vmem_shared>>
      %dma_start3A_153 = tpu.memref_slice %arg21[%add3A_149] : memref<819200xf32, #tpu.memory_space<vmem_shared>> -> memref<12800xf32, #tpu.memory_space<vmem_shared>>
      tpu.enqueue_dma source(%dma_start3A_153 : memref<12800xf32, #tpu.memory_space<vmem_shared>>) target(%arg14 : memref<12800xf32, #tpu.memory_space<vmem>>) target_semaphore(%run_scoped3A : memref<!tpu.dma_semaphore, #tpu.memory_space<semaphore_mem>>)
      %dma_wait3A_154 = tpu.memref_slice %arg21[%add3A_149] : memref<819200xf32, #tpu.memory_space<vmem_shared>> -> memref<12800xf32, #tpu.memory_space<vmem_shared>>
      %dma_wait3A_155 = tpu.memref_slice %arg21[%add3A_149] : memref<819200xf32, #tpu.memory_space<vmem_shared>> -> memref<12800xf32, #tpu.memory_space<vmem_shared>>
      tpu.wait_dma2 semaphore(%run_scoped3A : memref<!tpu.dma_semaphore, #tpu.memory_space<semaphore_mem>>) src(%dma_wait3A_155 : memref<12800xf32, #tpu.memory_space<vmem_shared>>) dst(%arg14 : memref<12800xf32, #tpu.memory_space<vmem>>)
      tpu.yield
    }) : () -> ()
    %add3A_150 = arith.constant 38400 : i32
    %add3A_151 = arith.addi %add3A_135, %add3A_150 : i32
    "tpu.region"() ({
      %run_scoped3A = tpu.sem_alloc : memref<!tpu.dma_semaphore, #tpu.memory_space<semaphore_mem>>
      %dma_start3A_152 = tpu.memref_slice %arg5[%add3A_151] : memref<3276800xf32, #tpu.memory_space<hbm>> -> memref<12800xf32, #tpu.memory_space<hbm>>
      %dma_start3A_153 = tpu.memref_slice %arg5[%add3A_151] : memref<3276800xf32, #tpu.memory_space<hbm>> -> memref<12800xf32, #tpu.memory_space<hbm>>
      tpu.enqueue_dma source(%arg14 : memref<12800xf32, #tpu.memory_space<vmem>>) target(%dma_start3A_153 : memref<12800xf32, #tpu.memory_space<hbm>>) target_semaphore(%run_scoped3A : memref<!tpu.dma_semaphore, #tpu.memory_space<semaphore_mem>>)
      %dma_wait3A_154 = tpu.memref_slice %arg5[%add3A_151] : memref<3276800xf32, #tpu.memory_space<hbm>> -> memref<12800xf32, #tpu.memory_space<hbm>>
      %dma_wait3A_155 = tpu.memref_slice %arg5[%add3A_151] : memref<3276800xf32, #tpu.memory_space<hbm>> -> memref<12800xf32, #tpu.memory_space<hbm>>
      tpu.wait_dma2 semaphore(%run_scoped3A : memref<!tpu.dma_semaphore, #tpu.memory_space<semaphore_mem>>) src(%arg14 : memref<12800xf32, #tpu.memory_space<vmem>>) dst(%dma_wait3A_155 : memref<12800xf32, #tpu.memory_space<hbm>>)
      tpu.yield
    }) : () -> ()
    return
  }
}

#map = affine_map<(d0, d1) -> (0)>
#map1 = affine_map<(d0, d1) -> (0, 0)>
module attributes {stable_mosaic.version = 14 : i64} {
  func.func @body(%arg0: i32, %arg1: i32, %arg2: memref<851968xi32, #tpu.memory_space<hbm>>, %arg3: memref<851968xi32, #tpu.memory_space<hbm>>, %arg4: memref<50000x32xf32, #tpu.memory_space<hbm>>, %arg5: memref<50000x32xf32, #tpu.memory_space<hbm>>, %arg6: memref<102400x32xf32, #tpu.memory_space<hbm>>, %arg7: memref<2048xi32, #tpu.memory_space<vmem>>, %arg8: memref<2048xi32, #tpu.memory_space<vmem>>, %arg9: memref<16x128xi32, #tpu.memory_space<vmem>>, %arg10: memref<16x128xi32, #tpu.memory_space<vmem>>, %arg11: memref<128x32xf32, #tpu.memory_space<vmem>>, %arg12: memref<128x32xf32, #tpu.memory_space<vmem>>, %arg13: memref<400x32xf32, #tpu.memory_space<vmem>>, %arg14: memref<!tpu.dma_semaphore, #tpu.memory_space<semaphore_mem>>, %arg15: memref<!tpu.dma_semaphore, #tpu.memory_space<semaphore_mem>>, %arg16: memref<!tpu.dma_semaphore, #tpu.memory_space<semaphore_mem>>, %arg17: memref<!tpu.dma_semaphore, #tpu.memory_space<semaphore_mem>>, %arg18: memref<25600x32xf32, #tpu.memory_space<vmem_shared>>) attributes {dimension_semantics = [#tpu.dimension_semantics<core_parallel>, #tpu.dimension_semantics<subcore_parallel>], iteration_bounds = array<i64: 2, 16>, scalar_prefetch = 0 : i64, scratch_operands = 12 : i64, tpu.core_type = #tpu.core_type<sc_vector_subcore>, window_params = [{transform_indices = #map}, {transform_indices = #map}, {transform_indices = #map1}, {transform_indices = #map1}, {transform_indices = #map1}]} {
    %mul3A = arith.constant 25000 : i32
    %mul3A_0 = arith.muli %arg0, %mul3A : i32
    %broadcast_in_dim3A = arith.constant 0.000000e+00 : f32
    %broadcast_in_dim3A_1 = vector.broadcast %broadcast_in_dim3A : f32 to vector<16xf32>
    %mul3A_2 = arith.constant 53248 : i32
    %mul3A_3 = arith.muli %arg1, %mul3A_2 : i32
    %mul3A_4 = arith.constant 1600 : i32
    %mul3A_5 = arith.muli %arg1, %mul3A_4 : i32
    %scan3A = arith.constant 0 : i32
    %scan3A_6 = arith.constant 0 : i32
    %scan3A_7 = arith.constant 800 : i32
    %scan3A_8 = arith.addi %scan3A_6, %scan3A_7 : i32
    %scan3A_9 = arith.constant 1 : i32
    %scan3A_10 = scf.for %scan3A_97 = %scan3A_6 to %scan3A_8 step %scan3A_9 iter_args(%scan3A_98 = %scan3A) -> (i32)  : i32 {
      %jit3A = arith.constant 2 : i32
      %div3A = arith.divsi %scan3A_97, %jit3A : i32
      %sign3A = arith.constant 0 : i32
      %sign3A_99 = arith.cmpi sgt, %scan3A_97, %sign3A : i32
      %sign3A_100 = arith.extui %sign3A_99 : i1 to i32
      %sign3A_101 = arith.constant 0 : i32
      %sign3A_102 = arith.cmpi slt, %scan3A_97, %sign3A_101 : i32
      %sign3A_103 = arith.extui %sign3A_102 : i1 to i32
      %sign3A_104 = arith.subi %sign3A_100, %sign3A_103 : i32
      %sign3A_105 = arith.constant 0 : i32
      %sign3A_106 = arith.cmpi sgt, %jit3A, %sign3A_105 : i32
      %sign3A_107 = arith.extui %sign3A_106 : i1 to i32
      %sign3A_108 = arith.constant 0 : i32
      %sign3A_109 = arith.cmpi slt, %jit3A, %sign3A_108 : i32
      %sign3A_110 = arith.extui %sign3A_109 : i1 to i32
      %sign3A_111 = arith.subi %sign3A_107, %sign3A_110 : i32
      %ne3A = arith.cmpi ne, %sign3A_104, %sign3A_111 : i32
      %rem3A = arith.remsi %scan3A_97, %jit3A : i32
      %ne3A_112 = arith.constant 0 : i32
      %ne3A_113 = arith.cmpi ne, %rem3A, %ne3A_112 : i32
      %and3A = arith.andi %ne3A, %ne3A_113 : i1
      %sub3A = arith.constant 1 : i32
      %sub3A_114 = arith.subi %div3A, %sub3A : i32
      %select_n3A = arith.select %and3A, %sub3A_114, %div3A : i32
      %jit3A_115 = arith.constant 2 : i32
      %eq3A = arith.constant 0 : i32
      %eq3A_116 = arith.cmpi eq, %jit3A_115, %eq3A : i32
      %jit3A_117 = arith.constant 1 : i32
      %select_n3A_118 = arith.select %eq3A_116, %jit3A_117, %jit3A_115 : i32
      %rem3A_119 = arith.remsi %scan3A_97, %select_n3A_118 : i32
      %ne3A_120 = arith.constant 0 : i32
      %ne3A_121 = arith.cmpi ne, %rem3A_119, %ne3A_120 : i32
      %lt3A = arith.constant 0 : i32
      %lt3A_122 = arith.cmpi slt, %rem3A_119, %lt3A : i32
      %lt3A_123 = arith.constant 0 : i32
      %lt3A_124 = arith.cmpi slt, %select_n3A_118, %lt3A_123 : i32
      %ne3A_125 = arith.xori %lt3A_122, %lt3A_124 : i1
      %and3A_126 = arith.andi %ne3A_125, %ne3A_121 : i1
      %add3A_127 = arith.addi %rem3A_119, %select_n3A_118 : i32
      %select_n3A_128 = arith.select %and3A_126, %add3A_127, %rem3A_119 : i32
      %mul3A_129 = arith.constant 16 : i32
      %mul3A_130 = arith.muli %select_n3A_128, %mul3A_129 : i32
      %swap3A = arith.index_cast %select_n3A : i32 to index
      %swap3A_131 = arith.index_cast %mul3A_130 : i32 to index
      %swap3A_132 = tpu.vector_load %arg13[%swap3A, %swap3A_131] {strides = array<i32>} : memref<400x32xf32, #tpu.memory_space<vmem>>, vector<16xf32>,
      tpu.vector_store %arg13[%swap3A, %swap3A_131], %broadcast_in_dim3A_1 {strides = array<i32>} : memref<400x32xf32, #tpu.memory_space<vmem>>, vector<16xf32>,
      %scan3A_133 = arith.constant 0 : i32
      scf.yield %scan3A_133 : i32
    }
    %scan3A_11 = arith.constant 800 : i32
    %add3A = arith.constant 0 : i32
    %add3A_12 = arith.addi %mul3A_5, %add3A : i32
    "tpu.region"() ({
      %run_scoped3A = tpu.sem_alloc : memref<!tpu.dma_semaphore, #tpu.memory_space<semaphore_mem>>
      %dma_start3A = arith.constant 0 : i32
      %dma_start3A_97 = tpu.memref_slice %arg18[%add3A_12, %dma_start3A] : memref<25600x32xf32, #tpu.memory_space<vmem_shared>> -> memref<400x32xf32, #tpu.memory_space<vmem_shared>>
      %dma_start3A_98 = arith.constant 0 : i32
      %dma_start3A_99 = tpu.memref_slice %arg18[%add3A_12, %dma_start3A_98] : memref<25600x32xf32, #tpu.memory_space<vmem_shared>> -> memref<400x32xf32, #tpu.memory_space<vmem_shared>>
      tpu.enqueue_dma source(%arg13 : memref<400x32xf32, #tpu.memory_space<vmem>>) target(%dma_start3A_99 : memref<400x32xf32, #tpu.memory_space<vmem_shared>>) target_semaphore(%run_scoped3A : memref<!tpu.dma_semaphore, #tpu.memory_space<semaphore_mem>>)
      %dma_wait3A = arith.constant 0 : i32
      %dma_wait3A_100 = tpu.memref_slice %arg18[%add3A_12, %dma_wait3A] : memref<25600x32xf32, #tpu.memory_space<vmem_shared>> -> memref<400x32xf32, #tpu.memory_space<vmem_shared>>
      %dma_wait3A_101 = arith.constant 0 : i32
      %dma_wait3A_102 = tpu.memref_slice %arg18[%add3A_12, %dma_wait3A_101] : memref<25600x32xf32, #tpu.memory_space<vmem_shared>> -> memref<400x32xf32, #tpu.memory_space<vmem_shared>>
      tpu.wait_dma2 semaphore(%run_scoped3A : memref<!tpu.dma_semaphore, #tpu.memory_space<semaphore_mem>>) src(%arg13 : memref<400x32xf32, #tpu.memory_space<vmem>>) dst(%dma_wait3A_102 : memref<400x32xf32, #tpu.memory_space<vmem_shared>>)
      tpu.yield
    }) : () -> ()
    %add3A_13 = arith.constant 400 : i32
    %add3A_14 = arith.addi %mul3A_5, %add3A_13 : i32
    "tpu.region"() ({
      %run_scoped3A = tpu.sem_alloc : memref<!tpu.dma_semaphore, #tpu.memory_space<semaphore_mem>>
      %dma_start3A = arith.constant 0 : i32
      %dma_start3A_97 = tpu.memref_slice %arg18[%add3A_14, %dma_start3A] : memref<25600x32xf32, #tpu.memory_space<vmem_shared>> -> memref<400x32xf32, #tpu.memory_space<vmem_shared>>
      %dma_start3A_98 = arith.constant 0 : i32
      %dma_start3A_99 = tpu.memref_slice %arg18[%add3A_14, %dma_start3A_98] : memref<25600x32xf32, #tpu.memory_space<vmem_shared>> -> memref<400x32xf32, #tpu.memory_space<vmem_shared>>
      tpu.enqueue_dma source(%arg13 : memref<400x32xf32, #tpu.memory_space<vmem>>) target(%dma_start3A_99 : memref<400x32xf32, #tpu.memory_space<vmem_shared>>) target_semaphore(%run_scoped3A : memref<!tpu.dma_semaphore, #tpu.memory_space<semaphore_mem>>)
      %dma_wait3A = arith.constant 0 : i32
      %dma_wait3A_100 = tpu.memref_slice %arg18[%add3A_14, %dma_wait3A] : memref<25600x32xf32, #tpu.memory_space<vmem_shared>> -> memref<400x32xf32, #tpu.memory_space<vmem_shared>>
      %dma_wait3A_101 = arith.constant 0 : i32
      %dma_wait3A_102 = tpu.memref_slice %arg18[%add3A_14, %dma_wait3A_101] : memref<25600x32xf32, #tpu.memory_space<vmem_shared>> -> memref<400x32xf32, #tpu.memory_space<vmem_shared>>
      tpu.wait_dma2 semaphore(%run_scoped3A : memref<!tpu.dma_semaphore, #tpu.memory_space<semaphore_mem>>) src(%arg13 : memref<400x32xf32, #tpu.memory_space<vmem>>) dst(%dma_wait3A_102 : memref<400x32xf32, #tpu.memory_space<vmem_shared>>)
      tpu.yield
    }) : () -> ()
    %add3A_15 = arith.constant 800 : i32
    %add3A_16 = arith.addi %mul3A_5, %add3A_15 : i32
    "tpu.region"() ({
      %run_scoped3A = tpu.sem_alloc : memref<!tpu.dma_semaphore, #tpu.memory_space<semaphore_mem>>
      %dma_start3A = arith.constant 0 : i32
      %dma_start3A_97 = tpu.memref_slice %arg18[%add3A_16, %dma_start3A] : memref<25600x32xf32, #tpu.memory_space<vmem_shared>> -> memref<400x32xf32, #tpu.memory_space<vmem_shared>>
      %dma_start3A_98 = arith.constant 0 : i32
      %dma_start3A_99 = tpu.memref_slice %arg18[%add3A_16, %dma_start3A_98] : memref<25600x32xf32, #tpu.memory_space<vmem_shared>> -> memref<400x32xf32, #tpu.memory_space<vmem_shared>>
      tpu.enqueue_dma source(%arg13 : memref<400x32xf32, #tpu.memory_space<vmem>>) target(%dma_start3A_99 : memref<400x32xf32, #tpu.memory_space<vmem_shared>>) target_semaphore(%run_scoped3A : memref<!tpu.dma_semaphore, #tpu.memory_space<semaphore_mem>>)
      %dma_wait3A = arith.constant 0 : i32
      %dma_wait3A_100 = tpu.memref_slice %arg18[%add3A_16, %dma_wait3A] : memref<25600x32xf32, #tpu.memory_space<vmem_shared>> -> memref<400x32xf32, #tpu.memory_space<vmem_shared>>
      %dma_wait3A_101 = arith.constant 0 : i32
      %dma_wait3A_102 = tpu.memref_slice %arg18[%add3A_16, %dma_wait3A_101] : memref<25600x32xf32, #tpu.memory_space<vmem_shared>> -> memref<400x32xf32, #tpu.memory_space<vmem_shared>>
      tpu.wait_dma2 semaphore(%run_scoped3A : memref<!tpu.dma_semaphore, #tpu.memory_space<semaphore_mem>>) src(%arg13 : memref<400x32xf32, #tpu.memory_space<vmem>>) dst(%dma_wait3A_102 : memref<400x32xf32, #tpu.memory_space<vmem_shared>>)
      tpu.yield
    }) : () -> ()
    %add3A_17 = arith.constant 1200 : i32
    %add3A_18 = arith.addi %mul3A_5, %add3A_17 : i32
    "tpu.region"() ({
      %run_scoped3A = tpu.sem_alloc : memref<!tpu.dma_semaphore, #tpu.memory_space<semaphore_mem>>
      %dma_start3A = arith.constant 0 : i32
      %dma_start3A_97 = tpu.memref_slice %arg18[%add3A_18, %dma_start3A] : memref<25600x32xf32, #tpu.memory_space<vmem_shared>> -> memref<400x32xf32, #tpu.memory_space<vmem_shared>>
      %dma_start3A_98 = arith.constant 0 : i32
      %dma_start3A_99 = tpu.memref_slice %arg18[%add3A_18, %dma_start3A_98] : memref<25600x32xf32, #tpu.memory_space<vmem_shared>> -> memref<400x32xf32, #tpu.memory_space<vmem_shared>>
      tpu.enqueue_dma source(%arg13 : memref<400x32xf32, #tpu.memory_space<vmem>>) target(%dma_start3A_99 : memref<400x32xf32, #tpu.memory_space<vmem_shared>>) target_semaphore(%run_scoped3A : memref<!tpu.dma_semaphore, #tpu.memory_space<semaphore_mem>>)
      %dma_wait3A = arith.constant 0 : i32
      %dma_wait3A_100 = tpu.memref_slice %arg18[%add3A_18, %dma_wait3A] : memref<25600x32xf32, #tpu.memory_space<vmem_shared>> -> memref<400x32xf32, #tpu.memory_space<vmem_shared>>
      %dma_wait3A_101 = arith.constant 0 : i32
      %dma_wait3A_102 = tpu.memref_slice %arg18[%add3A_18, %dma_wait3A_101] : memref<25600x32xf32, #tpu.memory_space<vmem_shared>> -> memref<400x32xf32, #tpu.memory_space<vmem_shared>>
      tpu.wait_dma2 semaphore(%run_scoped3A : memref<!tpu.dma_semaphore, #tpu.memory_space<semaphore_mem>>) src(%arg13 : memref<400x32xf32, #tpu.memory_space<vmem>>) dst(%dma_wait3A_102 : memref<400x32xf32, #tpu.memory_space<vmem_shared>>)
      tpu.yield
    }) : () -> ()
    %barrier3A = arith.constant 0 : index
    tpu.barrier barrier_id(%barrier3A)
    %scan3A_19 = arith.constant 0 : i32
    %scan3A_20 = arith.constant 0 : i32
    %scan3A_21 = arith.constant 26 : i32
    %scan3A_22 = arith.addi %scan3A_20, %scan3A_21 : i32
    %scan3A_23 = arith.constant 1 : i32
    %scan3A_24 = scf.for %scan3A_97 = %scan3A_20 to %scan3A_22 step %scan3A_23 iter_args(%scan3A_98 = %scan3A_19) -> (i32)  : i32 {
      %mul3A_99 = arith.constant 2048 : i32
      %mul3A_100 = arith.muli %scan3A_97, %mul3A_99 : i32
      %add3A_101 = arith.addi %mul3A_3, %mul3A_100 : i32
      "tpu.region"() ({
        %run_scoped3A = tpu.sem_alloc : memref<!tpu.dma_semaphore, #tpu.memory_space<semaphore_mem>>
        %dma_start3A_661 = tpu.memref_slice %arg2[%add3A_101] : memref<851968xi32, #tpu.memory_space<hbm>> -> memref<2048xi32, #tpu.memory_space<hbm>>
        %dma_start3A_662 = tpu.memref_slice %arg2[%add3A_101] : memref<851968xi32, #tpu.memory_space<hbm>> -> memref<2048xi32, #tpu.memory_space<hbm>>
        tpu.enqueue_dma source(%dma_start3A_662 : memref<2048xi32, #tpu.memory_space<hbm>>) target(%arg7 : memref<2048xi32, #tpu.memory_space<vmem>>) target_semaphore(%run_scoped3A : memref<!tpu.dma_semaphore, #tpu.memory_space<semaphore_mem>>)
        %dma_wait3A_663 = tpu.memref_slice %arg2[%add3A_101] : memref<851968xi32, #tpu.memory_space<hbm>> -> memref<2048xi32, #tpu.memory_space<hbm>>
        %dma_wait3A_664 = tpu.memref_slice %arg2[%add3A_101] : memref<851968xi32, #tpu.memory_space<hbm>> -> memref<2048xi32, #tpu.memory_space<hbm>>
        tpu.wait_dma2 semaphore(%run_scoped3A : memref<!tpu.dma_semaphore, #tpu.memory_space<semaphore_mem>>) src(%dma_wait3A_664 : memref<2048xi32, #tpu.memory_space<hbm>>) dst(%arg7 : memref<2048xi32, #tpu.memory_space<vmem>>)
        tpu.yield
      }) : () -> ()
      "tpu.region"() ({
        %run_scoped3A = tpu.sem_alloc : memref<!tpu.dma_semaphore, #tpu.memory_space<semaphore_mem>>
        %dma_start3A_661 = tpu.memref_slice %arg3[%add3A_101] : memref<851968xi32, #tpu.memory_space<hbm>> -> memref<2048xi32, #tpu.memory_space<hbm>>
        %dma_start3A_662 = tpu.memref_slice %arg3[%add3A_101] : memref<851968xi32, #tpu.memory_space<hbm>> -> memref<2048xi32, #tpu.memory_space<hbm>>
        tpu.enqueue_dma source(%dma_start3A_662 : memref<2048xi32, #tpu.memory_space<hbm>>) target(%arg8 : memref<2048xi32, #tpu.memory_space<vmem>>) target_semaphore(%run_scoped3A : memref<!tpu.dma_semaphore, #tpu.memory_space<semaphore_mem>>)
        %dma_wait3A_663 = tpu.memref_slice %arg3[%add3A_101] : memref<851968xi32, #tpu.memory_space<hbm>> -> memref<2048xi32, #tpu.memory_space<hbm>>
        %dma_wait3A_664 = tpu.memref_slice %arg3[%add3A_101] : memref<851968xi32, #tpu.memory_space<hbm>> -> memref<2048xi32, #tpu.memory_space<hbm>>
        tpu.wait_dma2 semaphore(%run_scoped3A : memref<!tpu.dma_semaphore, #tpu.memory_space<semaphore_mem>>) src(%dma_wait3A_664 : memref<2048xi32, #tpu.memory_space<hbm>>) dst(%arg8 : memref<2048xi32, #tpu.memory_space<vmem>>)
        tpu.yield
      }) : () -> ()
      %scan3A_102 = arith.constant 0 : i32
      %scan3A_103 = arith.constant 0 : i32
      %scan3A_104 = arith.constant 8 : i32
      %scan3A_105 = arith.addi %scan3A_103, %scan3A_104 : i32
      %scan3A_106 = arith.constant 1 : i32
      %scan3A_107 = scf.for %scan3A_661 = %scan3A_103 to %scan3A_105 step %scan3A_106 iter_args(%scan3A_662 = %scan3A_102) -> (i32)  : i32 {
        %mul3A_663 = arith.constant 16 : i32
        %mul3A_664 = arith.muli %scan3A_661, %mul3A_663 : i32
        %add3A_665 = arith.constant 0 : i32
        %add3A_666 = arith.addi %add3A_665, %mul3A_664 : i32
        %get3A = arith.index_cast %add3A_666 : i32 to index
        %get3A_667 = tpu.vector_load %arg7[%get3A] {strides = array<i32>} : memref<2048xi32, #tpu.memory_space<vmem>>, vector<16xi32>,
        %get3A_668 = arith.index_cast %add3A_666 : i32 to index
        %get3A_669 = tpu.vector_load %arg8[%get3A_668] {strides = array<i32>} : memref<2048xi32, #tpu.memory_space<vmem>>, vector<16xi32>,
        %sub3A = vector.broadcast %mul3A_0 : i32 to vector<16xi32>
        %sub3A_670 = arith.subi %get3A_669, %sub3A : vector<16xi32>
        %ge3A = arith.constant 0 : i32
        %ge3A_671 = vector.broadcast %ge3A : i32 to vector<16xi32>
        %ge3A_672 = arith.cmpi sge, %sub3A_670, %ge3A_671 : vector<16xi32>
        %lt3A = arith.constant 25000 : i32
        %lt3A_673 = vector.broadcast %lt3A : i32 to vector<16xi32>
        %lt3A_674 = arith.cmpi slt, %sub3A_670, %lt3A_673 : vector<16xi32>
        %and3A = arith.andi %ge3A_672, %lt3A_674 : vector<16xi1>
        %mul3A_675 = arith.constant 16 : i32
        %mul3A_676 = arith.muli %scan3A_661, %mul3A_675 : i32
        %swap3A = arith.constant 0 : i32
        %swap3A_677 = arith.index_cast %swap3A : i32 to index
        %swap3A_678 = arith.index_cast %mul3A_676 : i32 to index
        %swap3A_679 = tpu.vector_load %arg9[%swap3A_677, %swap3A_678] {strides = array<i32>} : memref<16x128xi32, #tpu.memory_space<vmem>>, vector<16xi32>,
        tpu.vector_store %arg9[%swap3A_677, %swap3A_678], %get3A_667 {strides = array<i32>} : memref<16x128xi32, #tpu.memory_space<vmem>>, vector<16xi32>,
        %jit3A = arith.constant 25000 : i32
        %broadcast_in_dim3A_680 = vector.broadcast %jit3A : i32 to vector<16xi32>
        %select_n3A = arith.select %and3A, %sub3A_670, %broadcast_in_dim3A_680 : vector<16xi1>, vector<16xi32>
        %mul3A_681 = arith.constant 16 : i32
        %mul3A_682 = arith.muli %scan3A_661, %mul3A_681 : i32
        %swap3A_683 = arith.constant 0 : i32
        %swap3A_684 = arith.index_cast %swap3A_683 : i32 to index
        %swap3A_685 = arith.index_cast %mul3A_682 : i32 to index
        %swap3A_686 = tpu.vector_load %arg10[%swap3A_684, %swap3A_685] {strides = array<i32>} : memref<16x128xi32, #tpu.memory_space<vmem>>, vector<16xi32>,
        tpu.vector_store %arg10[%swap3A_684, %swap3A_685], %select_n3A {strides = array<i32>} : memref<16x128xi32, #tpu.memory_space<vmem>>, vector<16xi32>,
        %scan3A_687 = arith.constant 0 : i32
        scf.yield %scan3A_687 : i32
      }
      %scan3A_108 = arith.constant 8 : i32
      %scan3A_109 = arith.constant 0 : i32
      %scan3A_110 = arith.constant 0 : i32
      %scan3A_111 = arith.constant 8 : i32
      %scan3A_112 = arith.addi %scan3A_110, %scan3A_111 : i32
      %scan3A_113 = arith.constant 1 : i32
      %scan3A_114 = scf.for %scan3A_661 = %scan3A_110 to %scan3A_112 step %scan3A_113 iter_args(%scan3A_662 = %scan3A_109) -> (i32)  : i32 {
        %mul3A_663 = arith.constant 16 : i32
        %mul3A_664 = arith.muli %scan3A_661, %mul3A_663 : i32
        %add3A_665 = arith.constant 128 : i32
        %add3A_666 = arith.addi %add3A_665, %mul3A_664 : i32
        %get3A = arith.index_cast %add3A_666 : i32 to index
        %get3A_667 = tpu.vector_load %arg7[%get3A] {strides = array<i32>} : memref<2048xi32, #tpu.memory_space<vmem>>, vector<16xi32>,
        %get3A_668 = arith.index_cast %add3A_666 : i32 to index
        %get3A_669 = tpu.vector_load %arg8[%get3A_668] {strides = array<i32>} : memref<2048xi32, #tpu.memory_space<vmem>>, vector<16xi32>,
        %sub3A = vector.broadcast %mul3A_0 : i32 to vector<16xi32>
        %sub3A_670 = arith.subi %get3A_669, %sub3A : vector<16xi32>
        %ge3A = arith.constant 0 : i32
        %ge3A_671 = vector.broadcast %ge3A : i32 to vector<16xi32>
        %ge3A_672 = arith.cmpi sge, %sub3A_670, %ge3A_671 : vector<16xi32>
        %lt3A = arith.constant 25000 : i32
        %lt3A_673 = vector.broadcast %lt3A : i32 to vector<16xi32>
        %lt3A_674 = arith.cmpi slt, %sub3A_670, %lt3A_673 : vector<16xi32>
        %and3A = arith.andi %ge3A_672, %lt3A_674 : vector<16xi1>
        %mul3A_675 = arith.constant 16 : i32
        %mul3A_676 = arith.muli %scan3A_661, %mul3A_675 : i32
        %swap3A = arith.constant 1 : i32
        %swap3A_677 = arith.index_cast %swap3A : i32 to index
        %swap3A_678 = arith.index_cast %mul3A_676 : i32 to index
        %swap3A_679 = tpu.vector_load %arg9[%swap3A_677, %swap3A_678] {strides = array<i32>} : memref<16x128xi32, #tpu.memory_space<vmem>>, vector<16xi32>,
        tpu.vector_store %arg9[%swap3A_677, %swap3A_678], %get3A_667 {strides = array<i32>} : memref<16x128xi32, #tpu.memory_space<vmem>>, vector<16xi32>,
        %jit3A = arith.constant 25000 : i32
        %broadcast_in_dim3A_680 = vector.broadcast %jit3A : i32 to vector<16xi32>
        %select_n3A = arith.select %and3A, %sub3A_670, %broadcast_in_dim3A_680 : vector<16xi1>, vector<16xi32>
        %mul3A_681 = arith.constant 16 : i32
        %mul3A_682 = arith.muli %scan3A_661, %mul3A_681 : i32
        %swap3A_683 = arith.constant 1 : i32
        %swap3A_684 = arith.index_cast %swap3A_683 : i32 to index
        %swap3A_685 = arith.index_cast %mul3A_682 : i32 to index
        %swap3A_686 = tpu.vector_load %arg10[%swap3A_684, %swap3A_685] {strides = array<i32>} : memref<16x128xi32, #tpu.memory_space<vmem>>, vector<16xi32>,
        tpu.vector_store %arg10[%swap3A_684, %swap3A_685], %select_n3A {strides = array<i32>} : memref<16x128xi32, #tpu.memory_space<vmem>>, vector<16xi32>,
        %scan3A_687 = arith.constant 0 : i32
        scf.yield %scan3A_687 : i32
      }
      %scan3A_115 = arith.constant 8 : i32
      %scan3A_116 = arith.constant 0 : i32
      %scan3A_117 = arith.constant 0 : i32
      %scan3A_118 = arith.constant 8 : i32
      %scan3A_119 = arith.addi %scan3A_117, %scan3A_118 : i32
      %scan3A_120 = arith.constant 1 : i32
      %scan3A_121 = scf.for %scan3A_661 = %scan3A_117 to %scan3A_119 step %scan3A_120 iter_args(%scan3A_662 = %scan3A_116) -> (i32)  : i32 {
        %mul3A_663 = arith.constant 16 : i32
        %mul3A_664 = arith.muli %scan3A_661, %mul3A_663 : i32
        %add3A_665 = arith.constant 256 : i32
        %add3A_666 = arith.addi %add3A_665, %mul3A_664 : i32
        %get3A = arith.index_cast %add3A_666 : i32 to index
        %get3A_667 = tpu.vector_load %arg7[%get3A] {strides = array<i32>} : memref<2048xi32, #tpu.memory_space<vmem>>, vector<16xi32>,
        %get3A_668 = arith.index_cast %add3A_666 : i32 to index
        %get3A_669 = tpu.vector_load %arg8[%get3A_668] {strides = array<i32>} : memref<2048xi32, #tpu.memory_space<vmem>>, vector<16xi32>,
        %sub3A = vector.broadcast %mul3A_0 : i32 to vector<16xi32>
        %sub3A_670 = arith.subi %get3A_669, %sub3A : vector<16xi32>
        %ge3A = arith.constant 0 : i32
        %ge3A_671 = vector.broadcast %ge3A : i32 to vector<16xi32>
        %ge3A_672 = arith.cmpi sge, %sub3A_670, %ge3A_671 : vector<16xi32>
        %lt3A = arith.constant 25000 : i32
        %lt3A_673 = vector.broadcast %lt3A : i32 to vector<16xi32>
        %lt3A_674 = arith.cmpi slt, %sub3A_670, %lt3A_673 : vector<16xi32>
        %and3A = arith.andi %ge3A_672, %lt3A_674 : vector<16xi1>
        %mul3A_675 = arith.constant 16 : i32
        %mul3A_676 = arith.muli %scan3A_661, %mul3A_675 : i32
        %swap3A = arith.constant 2 : i32
        %swap3A_677 = arith.index_cast %swap3A : i32 to index
        %swap3A_678 = arith.index_cast %mul3A_676 : i32 to index
        %swap3A_679 = tpu.vector_load %arg9[%swap3A_677, %swap3A_678] {strides = array<i32>} : memref<16x128xi32, #tpu.memory_space<vmem>>, vector<16xi32>,
        tpu.vector_store %arg9[%swap3A_677, %swap3A_678], %get3A_667 {strides = array<i32>} : memref<16x128xi32, #tpu.memory_space<vmem>>, vector<16xi32>,
        %jit3A = arith.constant 25000 : i32
        %broadcast_in_dim3A_680 = vector.broadcast %jit3A : i32 to vector<16xi32>
        %select_n3A = arith.select %and3A, %sub3A_670, %broadcast_in_dim3A_680 : vector<16xi1>, vector<16xi32>
        %mul3A_681 = arith.constant 16 : i32
        %mul3A_682 = arith.muli %scan3A_661, %mul3A_681 : i32
        %swap3A_683 = arith.constant 2 : i32
        %swap3A_684 = arith.index_cast %swap3A_683 : i32 to index
        %swap3A_685 = arith.index_cast %mul3A_682 : i32 to index
        %swap3A_686 = tpu.vector_load %arg10[%swap3A_684, %swap3A_685] {strides = array<i32>} : memref<16x128xi32, #tpu.memory_space<vmem>>, vector<16xi32>,
        tpu.vector_store %arg10[%swap3A_684, %swap3A_685], %select_n3A {strides = array<i32>} : memref<16x128xi32, #tpu.memory_space<vmem>>, vector<16xi32>,
        %scan3A_687 = arith.constant 0 : i32
        scf.yield %scan3A_687 : i32
      }
      %scan3A_122 = arith.constant 8 : i32
      %scan3A_123 = arith.constant 0 : i32
      %scan3A_124 = arith.constant 0 : i32
      %scan3A_125 = arith.constant 8 : i32
      %scan3A_126 = arith.addi %scan3A_124, %scan3A_125 : i32
      %scan3A_127 = arith.constant 1 : i32
      %scan3A_128 = scf.for %scan3A_661 = %scan3A_124 to %scan3A_126 step %scan3A_127 iter_args(%scan3A_662 = %scan3A_123) -> (i32)  : i32 {
        %mul3A_663 = arith.constant 16 : i32
        %mul3A_664 = arith.muli %scan3A_661, %mul3A_663 : i32
        %add3A_665 = arith.constant 384 : i32
        %add3A_666 = arith.addi %add3A_665, %mul3A_664 : i32
        %get3A = arith.index_cast %add3A_666 : i32 to index
        %get3A_667 = tpu.vector_load %arg7[%get3A] {strides = array<i32>} : memref<2048xi32, #tpu.memory_space<vmem>>, vector<16xi32>,
        %get3A_668 = arith.index_cast %add3A_666 : i32 to index
        %get3A_669 = tpu.vector_load %arg8[%get3A_668] {strides = array<i32>} : memref<2048xi32, #tpu.memory_space<vmem>>, vector<16xi32>,
        %sub3A = vector.broadcast %mul3A_0 : i32 to vector<16xi32>
        %sub3A_670 = arith.subi %get3A_669, %sub3A : vector<16xi32>
        %ge3A = arith.constant 0 : i32
        %ge3A_671 = vector.broadcast %ge3A : i32 to vector<16xi32>
        %ge3A_672 = arith.cmpi sge, %sub3A_670, %ge3A_671 : vector<16xi32>
        %lt3A = arith.constant 25000 : i32
        %lt3A_673 = vector.broadcast %lt3A : i32 to vector<16xi32>
        %lt3A_674 = arith.cmpi slt, %sub3A_670, %lt3A_673 : vector<16xi32>
        %and3A = arith.andi %ge3A_672, %lt3A_674 : vector<16xi1>
        %mul3A_675 = arith.constant 16 : i32
        %mul3A_676 = arith.muli %scan3A_661, %mul3A_675 : i32
        %swap3A = arith.constant 3 : i32
        %swap3A_677 = arith.index_cast %swap3A : i32 to index
        %swap3A_678 = arith.index_cast %mul3A_676 : i32 to index
        %swap3A_679 = tpu.vector_load %arg9[%swap3A_677, %swap3A_678] {strides = array<i32>} : memref<16x128xi32, #tpu.memory_space<vmem>>, vector<16xi32>,
        tpu.vector_store %arg9[%swap3A_677, %swap3A_678], %get3A_667 {strides = array<i32>} : memref<16x128xi32, #tpu.memory_space<vmem>>, vector<16xi32>,
        %jit3A = arith.constant 25000 : i32
        %broadcast_in_dim3A_680 = vector.broadcast %jit3A : i32 to vector<16xi32>
        %select_n3A = arith.select %and3A, %sub3A_670, %broadcast_in_dim3A_680 : vector<16xi1>, vector<16xi32>
        %mul3A_681 = arith.constant 16 : i32
        %mul3A_682 = arith.muli %scan3A_661, %mul3A_681 : i32
        %swap3A_683 = arith.constant 3 : i32
        %swap3A_684 = arith.index_cast %swap3A_683 : i32 to index
        %swap3A_685 = arith.index_cast %mul3A_682 : i32 to index
        %swap3A_686 = tpu.vector_load %arg10[%swap3A_684, %swap3A_685] {strides = array<i32>} : memref<16x128xi32, #tpu.memory_space<vmem>>, vector<16xi32>,
        tpu.vector_store %arg10[%swap3A_684, %swap3A_685], %select_n3A {strides = array<i32>} : memref<16x128xi32, #tpu.memory_space<vmem>>, vector<16xi32>,
        %scan3A_687 = arith.constant 0 : i32
        scf.yield %scan3A_687 : i32
      }
      %scan3A_129 = arith.constant 8 : i32
      %scan3A_130 = arith.constant 0 : i32
      %scan3A_131 = arith.constant 0 : i32
      %scan3A_132 = arith.constant 8 : i32
      %scan3A_133 = arith.addi %scan3A_131, %scan3A_132 : i32
      %scan3A_134 = arith.constant 1 : i32
      %scan3A_135 = scf.for %scan3A_661 = %scan3A_131 to %scan3A_133 step %scan3A_134 iter_args(%scan3A_662 = %scan3A_130) -> (i32)  : i32 {
        %mul3A_663 = arith.constant 16 : i32
        %mul3A_664 = arith.muli %scan3A_661, %mul3A_663 : i32
        %add3A_665 = arith.constant 512 : i32
        %add3A_666 = arith.addi %add3A_665, %mul3A_664 : i32
        %get3A = arith.index_cast %add3A_666 : i32 to index
        %get3A_667 = tpu.vector_load %arg7[%get3A] {strides = array<i32>} : memref<2048xi32, #tpu.memory_space<vmem>>, vector<16xi32>,
        %get3A_668 = arith.index_cast %add3A_666 : i32 to index
        %get3A_669 = tpu.vector_load %arg8[%get3A_668] {strides = array<i32>} : memref<2048xi32, #tpu.memory_space<vmem>>, vector<16xi32>,
        %sub3A = vector.broadcast %mul3A_0 : i32 to vector<16xi32>
        %sub3A_670 = arith.subi %get3A_669, %sub3A : vector<16xi32>
        %ge3A = arith.constant 0 : i32
        %ge3A_671 = vector.broadcast %ge3A : i32 to vector<16xi32>
        %ge3A_672 = arith.cmpi sge, %sub3A_670, %ge3A_671 : vector<16xi32>
        %lt3A = arith.constant 25000 : i32
        %lt3A_673 = vector.broadcast %lt3A : i32 to vector<16xi32>
        %lt3A_674 = arith.cmpi slt, %sub3A_670, %lt3A_673 : vector<16xi32>
        %and3A = arith.andi %ge3A_672, %lt3A_674 : vector<16xi1>
        %mul3A_675 = arith.constant 16 : i32
        %mul3A_676 = arith.muli %scan3A_661, %mul3A_675 : i32
        %swap3A = arith.constant 4 : i32
        %swap3A_677 = arith.index_cast %swap3A : i32 to index
        %swap3A_678 = arith.index_cast %mul3A_676 : i32 to index
        %swap3A_679 = tpu.vector_load %arg9[%swap3A_677, %swap3A_678] {strides = array<i32>} : memref<16x128xi32, #tpu.memory_space<vmem>>, vector<16xi32>,
        tpu.vector_store %arg9[%swap3A_677, %swap3A_678], %get3A_667 {strides = array<i32>} : memref<16x128xi32, #tpu.memory_space<vmem>>, vector<16xi32>,
        %jit3A = arith.constant 25000 : i32
        %broadcast_in_dim3A_680 = vector.broadcast %jit3A : i32 to vector<16xi32>
        %select_n3A = arith.select %and3A, %sub3A_670, %broadcast_in_dim3A_680 : vector<16xi1>, vector<16xi32>
        %mul3A_681 = arith.constant 16 : i32
        %mul3A_682 = arith.muli %scan3A_661, %mul3A_681 : i32
        %swap3A_683 = arith.constant 4 : i32
        %swap3A_684 = arith.index_cast %swap3A_683 : i32 to index
        %swap3A_685 = arith.index_cast %mul3A_682 : i32 to index
        %swap3A_686 = tpu.vector_load %arg10[%swap3A_684, %swap3A_685] {strides = array<i32>} : memref<16x128xi32, #tpu.memory_space<vmem>>, vector<16xi32>,
        tpu.vector_store %arg10[%swap3A_684, %swap3A_685], %select_n3A {strides = array<i32>} : memref<16x128xi32, #tpu.memory_space<vmem>>, vector<16xi32>,
        %scan3A_687 = arith.constant 0 : i32
        scf.yield %scan3A_687 : i32
      }
      %scan3A_136 = arith.constant 8 : i32
      %scan3A_137 = arith.constant 0 : i32
      %scan3A_138 = arith.constant 0 : i32
      %scan3A_139 = arith.constant 8 : i32
      %scan3A_140 = arith.addi %scan3A_138, %scan3A_139 : i32
      %scan3A_141 = arith.constant 1 : i32
      %scan3A_142 = scf.for %scan3A_661 = %scan3A_138 to %scan3A_140 step %scan3A_141 iter_args(%scan3A_662 = %scan3A_137) -> (i32)  : i32 {
        %mul3A_663 = arith.constant 16 : i32
        %mul3A_664 = arith.muli %scan3A_661, %mul3A_663 : i32
        %add3A_665 = arith.constant 640 : i32
        %add3A_666 = arith.addi %add3A_665, %mul3A_664 : i32
        %get3A = arith.index_cast %add3A_666 : i32 to index
        %get3A_667 = tpu.vector_load %arg7[%get3A] {strides = array<i32>} : memref<2048xi32, #tpu.memory_space<vmem>>, vector<16xi32>,
        %get3A_668 = arith.index_cast %add3A_666 : i32 to index
        %get3A_669 = tpu.vector_load %arg8[%get3A_668] {strides = array<i32>} : memref<2048xi32, #tpu.memory_space<vmem>>, vector<16xi32>,
        %sub3A = vector.broadcast %mul3A_0 : i32 to vector<16xi32>
        %sub3A_670 = arith.subi %get3A_669, %sub3A : vector<16xi32>
        %ge3A = arith.constant 0 : i32
        %ge3A_671 = vector.broadcast %ge3A : i32 to vector<16xi32>
        %ge3A_672 = arith.cmpi sge, %sub3A_670, %ge3A_671 : vector<16xi32>
        %lt3A = arith.constant 25000 : i32
        %lt3A_673 = vector.broadcast %lt3A : i32 to vector<16xi32>
        %lt3A_674 = arith.cmpi slt, %sub3A_670, %lt3A_673 : vector<16xi32>
        %and3A = arith.andi %ge3A_672, %lt3A_674 : vector<16xi1>
        %mul3A_675 = arith.constant 16 : i32
        %mul3A_676 = arith.muli %scan3A_661, %mul3A_675 : i32
        %swap3A = arith.constant 5 : i32
        %swap3A_677 = arith.index_cast %swap3A : i32 to index
        %swap3A_678 = arith.index_cast %mul3A_676 : i32 to index
        %swap3A_679 = tpu.vector_load %arg9[%swap3A_677, %swap3A_678] {strides = array<i32>} : memref<16x128xi32, #tpu.memory_space<vmem>>, vector<16xi32>,
        tpu.vector_store %arg9[%swap3A_677, %swap3A_678], %get3A_667 {strides = array<i32>} : memref<16x128xi32, #tpu.memory_space<vmem>>, vector<16xi32>,
        %jit3A = arith.constant 25000 : i32
        %broadcast_in_dim3A_680 = vector.broadcast %jit3A : i32 to vector<16xi32>
        %select_n3A = arith.select %and3A, %sub3A_670, %broadcast_in_dim3A_680 : vector<16xi1>, vector<16xi32>
        %mul3A_681 = arith.constant 16 : i32
        %mul3A_682 = arith.muli %scan3A_661, %mul3A_681 : i32
        %swap3A_683 = arith.constant 5 : i32
        %swap3A_684 = arith.index_cast %swap3A_683 : i32 to index
        %swap3A_685 = arith.index_cast %mul3A_682 : i32 to index
        %swap3A_686 = tpu.vector_load %arg10[%swap3A_684, %swap3A_685] {strides = array<i32>} : memref<16x128xi32, #tpu.memory_space<vmem>>, vector<16xi32>,
        tpu.vector_store %arg10[%swap3A_684, %swap3A_685], %select_n3A {strides = array<i32>} : memref<16x128xi32, #tpu.memory_space<vmem>>, vector<16xi32>,
        %scan3A_687 = arith.constant 0 : i32
        scf.yield %scan3A_687 : i32
      }
      %scan3A_143 = arith.constant 8 : i32
      %scan3A_144 = arith.constant 0 : i32
      %scan3A_145 = arith.constant 0 : i32
      %scan3A_146 = arith.constant 8 : i32
      %scan3A_147 = arith.addi %scan3A_145, %scan3A_146 : i32
      %scan3A_148 = arith.constant 1 : i32
      %scan3A_149 = scf.for %scan3A_661 = %scan3A_145 to %scan3A_147 step %scan3A_148 iter_args(%scan3A_662 = %scan3A_144) -> (i32)  : i32 {
        %mul3A_663 = arith.constant 16 : i32
        %mul3A_664 = arith.muli %scan3A_661, %mul3A_663 : i32
        %add3A_665 = arith.constant 768 : i32
        %add3A_666 = arith.addi %add3A_665, %mul3A_664 : i32
        %get3A = arith.index_cast %add3A_666 : i32 to index
        %get3A_667 = tpu.vector_load %arg7[%get3A] {strides = array<i32>} : memref<2048xi32, #tpu.memory_space<vmem>>, vector<16xi32>,
        %get3A_668 = arith.index_cast %add3A_666 : i32 to index
        %get3A_669 = tpu.vector_load %arg8[%get3A_668] {strides = array<i32>} : memref<2048xi32, #tpu.memory_space<vmem>>, vector<16xi32>,
        %sub3A = vector.broadcast %mul3A_0 : i32 to vector<16xi32>
        %sub3A_670 = arith.subi %get3A_669, %sub3A : vector<16xi32>
        %ge3A = arith.constant 0 : i32
        %ge3A_671 = vector.broadcast %ge3A : i32 to vector<16xi32>
        %ge3A_672 = arith.cmpi sge, %sub3A_670, %ge3A_671 : vector<16xi32>
        %lt3A = arith.constant 25000 : i32
        %lt3A_673 = vector.broadcast %lt3A : i32 to vector<16xi32>
        %lt3A_674 = arith.cmpi slt, %sub3A_670, %lt3A_673 : vector<16xi32>
        %and3A = arith.andi %ge3A_672, %lt3A_674 : vector<16xi1>
        %mul3A_675 = arith.constant 16 : i32
        %mul3A_676 = arith.muli %scan3A_661, %mul3A_675 : i32
        %swap3A = arith.constant 6 : i32
        %swap3A_677 = arith.index_cast %swap3A : i32 to index
        %swap3A_678 = arith.index_cast %mul3A_676 : i32 to index
        %swap3A_679 = tpu.vector_load %arg9[%swap3A_677, %swap3A_678] {strides = array<i32>} : memref<16x128xi32, #tpu.memory_space<vmem>>, vector<16xi32>,
        tpu.vector_store %arg9[%swap3A_677, %swap3A_678], %get3A_667 {strides = array<i32>} : memref<16x128xi32, #tpu.memory_space<vmem>>, vector<16xi32>,
        %jit3A = arith.constant 25000 : i32
        %broadcast_in_dim3A_680 = vector.broadcast %jit3A : i32 to vector<16xi32>
        %select_n3A = arith.select %and3A, %sub3A_670, %broadcast_in_dim3A_680 : vector<16xi1>, vector<16xi32>
        %mul3A_681 = arith.constant 16 : i32
        %mul3A_682 = arith.muli %scan3A_661, %mul3A_681 : i32
        %swap3A_683 = arith.constant 6 : i32
        %swap3A_684 = arith.index_cast %swap3A_683 : i32 to index
        %swap3A_685 = arith.index_cast %mul3A_682 : i32 to index
        %swap3A_686 = tpu.vector_load %arg10[%swap3A_684, %swap3A_685] {strides = array<i32>} : memref<16x128xi32, #tpu.memory_space<vmem>>, vector<16xi32>,
        tpu.vector_store %arg10[%swap3A_684, %swap3A_685], %select_n3A {strides = array<i32>} : memref<16x128xi32, #tpu.memory_space<vmem>>, vector<16xi32>,
        %scan3A_687 = arith.constant 0 : i32
        scf.yield %scan3A_687 : i32
      }
      %scan3A_150 = arith.constant 8 : i32
      %scan3A_151 = arith.constant 0 : i32
      %scan3A_152 = arith.constant 0 : i32
      %scan3A_153 = arith.constant 8 : i32
      %scan3A_154 = arith.addi %scan3A_152, %scan3A_153 : i32
      %scan3A_155 = arith.constant 1 : i32
      %scan3A_156 = scf.for %scan3A_661 = %scan3A_152 to %scan3A_154 step %scan3A_155 iter_args(%scan3A_662 = %scan3A_151) -> (i32)  : i32 {
        %mul3A_663 = arith.constant 16 : i32
        %mul3A_664 = arith.muli %scan3A_661, %mul3A_663 : i32
        %add3A_665 = arith.constant 896 : i32
        %add3A_666 = arith.addi %add3A_665, %mul3A_664 : i32
        %get3A = arith.index_cast %add3A_666 : i32 to index
        %get3A_667 = tpu.vector_load %arg7[%get3A] {strides = array<i32>} : memref<2048xi32, #tpu.memory_space<vmem>>, vector<16xi32>,
        %get3A_668 = arith.index_cast %add3A_666 : i32 to index
        %get3A_669 = tpu.vector_load %arg8[%get3A_668] {strides = array<i32>} : memref<2048xi32, #tpu.memory_space<vmem>>, vector<16xi32>,
        %sub3A = vector.broadcast %mul3A_0 : i32 to vector<16xi32>
        %sub3A_670 = arith.subi %get3A_669, %sub3A : vector<16xi32>
        %ge3A = arith.constant 0 : i32
        %ge3A_671 = vector.broadcast %ge3A : i32 to vector<16xi32>
        %ge3A_672 = arith.cmpi sge, %sub3A_670, %ge3A_671 : vector<16xi32>
        %lt3A = arith.constant 25000 : i32
        %lt3A_673 = vector.broadcast %lt3A : i32 to vector<16xi32>
        %lt3A_674 = arith.cmpi slt, %sub3A_670, %lt3A_673 : vector<16xi32>
        %and3A = arith.andi %ge3A_672, %lt3A_674 : vector<16xi1>
        %mul3A_675 = arith.constant 16 : i32
        %mul3A_676 = arith.muli %scan3A_661, %mul3A_675 : i32
        %swap3A = arith.constant 7 : i32
        %swap3A_677 = arith.index_cast %swap3A : i32 to index
        %swap3A_678 = arith.index_cast %mul3A_676 : i32 to index
        %swap3A_679 = tpu.vector_load %arg9[%swap3A_677, %swap3A_678] {strides = array<i32>} : memref<16x128xi32, #tpu.memory_space<vmem>>, vector<16xi32>,
        tpu.vector_store %arg9[%swap3A_677, %swap3A_678], %get3A_667 {strides = array<i32>} : memref<16x128xi32, #tpu.memory_space<vmem>>, vector<16xi32>,
        %jit3A = arith.constant 25000 : i32
        %broadcast_in_dim3A_680 = vector.broadcast %jit3A : i32 to vector<16xi32>
        %select_n3A = arith.select %and3A, %sub3A_670, %broadcast_in_dim3A_680 : vector<16xi1>, vector<16xi32>
        %mul3A_681 = arith.constant 16 : i32
        %mul3A_682 = arith.muli %scan3A_661, %mul3A_681 : i32
        %swap3A_683 = arith.constant 7 : i32
        %swap3A_684 = arith.index_cast %swap3A_683 : i32 to index
        %swap3A_685 = arith.index_cast %mul3A_682 : i32 to index
        %swap3A_686 = tpu.vector_load %arg10[%swap3A_684, %swap3A_685] {strides = array<i32>} : memref<16x128xi32, #tpu.memory_space<vmem>>, vector<16xi32>,
        tpu.vector_store %arg10[%swap3A_684, %swap3A_685], %select_n3A {strides = array<i32>} : memref<16x128xi32, #tpu.memory_space<vmem>>, vector<16xi32>,
        %scan3A_687 = arith.constant 0 : i32
        scf.yield %scan3A_687 : i32
      }
      %scan3A_157 = arith.constant 8 : i32
      %scan3A_158 = arith.constant 0 : i32
      %scan3A_159 = arith.constant 0 : i32
      %scan3A_160 = arith.constant 8 : i32
      %scan3A_161 = arith.addi %scan3A_159, %scan3A_160 : i32
      %scan3A_162 = arith.constant 1 : i32
      %scan3A_163 = scf.for %scan3A_661 = %scan3A_159 to %scan3A_161 step %scan3A_162 iter_args(%scan3A_662 = %scan3A_158) -> (i32)  : i32 {
        %mul3A_663 = arith.constant 16 : i32
        %mul3A_664 = arith.muli %scan3A_661, %mul3A_663 : i32
        %add3A_665 = arith.constant 1024 : i32
        %add3A_666 = arith.addi %add3A_665, %mul3A_664 : i32
        %get3A = arith.index_cast %add3A_666 : i32 to index
        %get3A_667 = tpu.vector_load %arg7[%get3A] {strides = array<i32>} : memref<2048xi32, #tpu.memory_space<vmem>>, vector<16xi32>,
        %get3A_668 = arith.index_cast %add3A_666 : i32 to index
        %get3A_669 = tpu.vector_load %arg8[%get3A_668] {strides = array<i32>} : memref<2048xi32, #tpu.memory_space<vmem>>, vector<16xi32>,
        %sub3A = vector.broadcast %mul3A_0 : i32 to vector<16xi32>
        %sub3A_670 = arith.subi %get3A_669, %sub3A : vector<16xi32>
        %ge3A = arith.constant 0 : i32
        %ge3A_671 = vector.broadcast %ge3A : i32 to vector<16xi32>
        %ge3A_672 = arith.cmpi sge, %sub3A_670, %ge3A_671 : vector<16xi32>
        %lt3A = arith.constant 25000 : i32
        %lt3A_673 = vector.broadcast %lt3A : i32 to vector<16xi32>
        %lt3A_674 = arith.cmpi slt, %sub3A_670, %lt3A_673 : vector<16xi32>
        %and3A = arith.andi %ge3A_672, %lt3A_674 : vector<16xi1>
        %mul3A_675 = arith.constant 16 : i32
        %mul3A_676 = arith.muli %scan3A_661, %mul3A_675 : i32
        %swap3A = arith.constant 8 : i32
        %swap3A_677 = arith.index_cast %swap3A : i32 to index
        %swap3A_678 = arith.index_cast %mul3A_676 : i32 to index
        %swap3A_679 = tpu.vector_load %arg9[%swap3A_677, %swap3A_678] {strides = array<i32>} : memref<16x128xi32, #tpu.memory_space<vmem>>, vector<16xi32>,
        tpu.vector_store %arg9[%swap3A_677, %swap3A_678], %get3A_667 {strides = array<i32>} : memref<16x128xi32, #tpu.memory_space<vmem>>, vector<16xi32>,
        %jit3A = arith.constant 25000 : i32
        %broadcast_in_dim3A_680 = vector.broadcast %jit3A : i32 to vector<16xi32>
        %select_n3A = arith.select %and3A, %sub3A_670, %broadcast_in_dim3A_680 : vector<16xi1>, vector<16xi32>
        %mul3A_681 = arith.constant 16 : i32
        %mul3A_682 = arith.muli %scan3A_661, %mul3A_681 : i32
        %swap3A_683 = arith.constant 8 : i32
        %swap3A_684 = arith.index_cast %swap3A_683 : i32 to index
        %swap3A_685 = arith.index_cast %mul3A_682 : i32 to index
        %swap3A_686 = tpu.vector_load %arg10[%swap3A_684, %swap3A_685] {strides = array<i32>} : memref<16x128xi32, #tpu.memory_space<vmem>>, vector<16xi32>,
        tpu.vector_store %arg10[%swap3A_684, %swap3A_685], %select_n3A {strides = array<i32>} : memref<16x128xi32, #tpu.memory_space<vmem>>, vector<16xi32>,
        %scan3A_687 = arith.constant 0 : i32
        scf.yield %scan3A_687 : i32
      }
      %scan3A_164 = arith.constant 8 : i32
      %scan3A_165 = arith.constant 0 : i32
      %scan3A_166 = arith.constant 0 : i32
      %scan3A_167 = arith.constant 8 : i32
      %scan3A_168 = arith.addi %scan3A_166, %scan3A_167 : i32
      %scan3A_169 = arith.constant 1 : i32
      %scan3A_170 = scf.for %scan3A_661 = %scan3A_166 to %scan3A_168 step %scan3A_169 iter_args(%scan3A_662 = %scan3A_165) -> (i32)  : i32 {
        %mul3A_663 = arith.constant 16 : i32
        %mul3A_664 = arith.muli %scan3A_661, %mul3A_663 : i32
        %add3A_665 = arith.constant 1152 : i32
        %add3A_666 = arith.addi %add3A_665, %mul3A_664 : i32
        %get3A = arith.index_cast %add3A_666 : i32 to index
        %get3A_667 = tpu.vector_load %arg7[%get3A] {strides = array<i32>} : memref<2048xi32, #tpu.memory_space<vmem>>, vector<16xi32>,
        %get3A_668 = arith.index_cast %add3A_666 : i32 to index
        %get3A_669 = tpu.vector_load %arg8[%get3A_668] {strides = array<i32>} : memref<2048xi32, #tpu.memory_space<vmem>>, vector<16xi32>,
        %sub3A = vector.broadcast %mul3A_0 : i32 to vector<16xi32>
        %sub3A_670 = arith.subi %get3A_669, %sub3A : vector<16xi32>
        %ge3A = arith.constant 0 : i32
        %ge3A_671 = vector.broadcast %ge3A : i32 to vector<16xi32>
        %ge3A_672 = arith.cmpi sge, %sub3A_670, %ge3A_671 : vector<16xi32>
        %lt3A = arith.constant 25000 : i32
        %lt3A_673 = vector.broadcast %lt3A : i32 to vector<16xi32>
        %lt3A_674 = arith.cmpi slt, %sub3A_670, %lt3A_673 : vector<16xi32>
        %and3A = arith.andi %ge3A_672, %lt3A_674 : vector<16xi1>
        %mul3A_675 = arith.constant 16 : i32
        %mul3A_676 = arith.muli %scan3A_661, %mul3A_675 : i32
        %swap3A = arith.constant 9 : i32
        %swap3A_677 = arith.index_cast %swap3A : i32 to index
        %swap3A_678 = arith.index_cast %mul3A_676 : i32 to index
        %swap3A_679 = tpu.vector_load %arg9[%swap3A_677, %swap3A_678] {strides = array<i32>} : memref<16x128xi32, #tpu.memory_space<vmem>>, vector<16xi32>,
        tpu.vector_store %arg9[%swap3A_677, %swap3A_678], %get3A_667 {strides = array<i32>} : memref<16x128xi32, #tpu.memory_space<vmem>>, vector<16xi32>,
        %jit3A = arith.constant 25000 : i32
        %broadcast_in_dim3A_680 = vector.broadcast %jit3A : i32 to vector<16xi32>
        %select_n3A = arith.select %and3A, %sub3A_670, %broadcast_in_dim3A_680 : vector<16xi1>, vector<16xi32>
        %mul3A_681 = arith.constant 16 : i32
        %mul3A_682 = arith.muli %scan3A_661, %mul3A_681 : i32
        %swap3A_683 = arith.constant 9 : i32
        %swap3A_684 = arith.index_cast %swap3A_683 : i32 to index
        %swap3A_685 = arith.index_cast %mul3A_682 : i32 to index
        %swap3A_686 = tpu.vector_load %arg10[%swap3A_684, %swap3A_685] {strides = array<i32>} : memref<16x128xi32, #tpu.memory_space<vmem>>, vector<16xi32>,
        tpu.vector_store %arg10[%swap3A_684, %swap3A_685], %select_n3A {strides = array<i32>} : memref<16x128xi32, #tpu.memory_space<vmem>>, vector<16xi32>,
        %scan3A_687 = arith.constant 0 : i32
        scf.yield %scan3A_687 : i32
      }
      %scan3A_171 = arith.constant 8 : i32
      %scan3A_172 = arith.constant 0 : i32
      %scan3A_173 = arith.constant 0 : i32
      %scan3A_174 = arith.constant 8 : i32
      %scan3A_175 = arith.addi %scan3A_173, %scan3A_174 : i32
      %scan3A_176 = arith.constant 1 : i32
      %scan3A_177 = scf.for %scan3A_661 = %scan3A_173 to %scan3A_175 step %scan3A_176 iter_args(%scan3A_662 = %scan3A_172) -> (i32)  : i32 {
        %mul3A_663 = arith.constant 16 : i32
        %mul3A_664 = arith.muli %scan3A_661, %mul3A_663 : i32
        %add3A_665 = arith.constant 1280 : i32
        %add3A_666 = arith.addi %add3A_665, %mul3A_664 : i32
        %get3A = arith.index_cast %add3A_666 : i32 to index
        %get3A_667 = tpu.vector_load %arg7[%get3A] {strides = array<i32>} : memref<2048xi32, #tpu.memory_space<vmem>>, vector<16xi32>,
        %get3A_668 = arith.index_cast %add3A_666 : i32 to index
        %get3A_669 = tpu.vector_load %arg8[%get3A_668] {strides = array<i32>} : memref<2048xi32, #tpu.memory_space<vmem>>, vector<16xi32>,
        %sub3A = vector.broadcast %mul3A_0 : i32 to vector<16xi32>
        %sub3A_670 = arith.subi %get3A_669, %sub3A : vector<16xi32>
        %ge3A = arith.constant 0 : i32
        %ge3A_671 = vector.broadcast %ge3A : i32 to vector<16xi32>
        %ge3A_672 = arith.cmpi sge, %sub3A_670, %ge3A_671 : vector<16xi32>
        %lt3A = arith.constant 25000 : i32
        %lt3A_673 = vector.broadcast %lt3A : i32 to vector<16xi32>
        %lt3A_674 = arith.cmpi slt, %sub3A_670, %lt3A_673 : vector<16xi32>
        %and3A = arith.andi %ge3A_672, %lt3A_674 : vector<16xi1>
        %mul3A_675 = arith.constant 16 : i32
        %mul3A_676 = arith.muli %scan3A_661, %mul3A_675 : i32
        %swap3A = arith.constant 10 : i32
        %swap3A_677 = arith.index_cast %swap3A : i32 to index
        %swap3A_678 = arith.index_cast %mul3A_676 : i32 to index
        %swap3A_679 = tpu.vector_load %arg9[%swap3A_677, %swap3A_678] {strides = array<i32>} : memref<16x128xi32, #tpu.memory_space<vmem>>, vector<16xi32>,
        tpu.vector_store %arg9[%swap3A_677, %swap3A_678], %get3A_667 {strides = array<i32>} : memref<16x128xi32, #tpu.memory_space<vmem>>, vector<16xi32>,
        %jit3A = arith.constant 25000 : i32
        %broadcast_in_dim3A_680 = vector.broadcast %jit3A : i32 to vector<16xi32>
        %select_n3A = arith.select %and3A, %sub3A_670, %broadcast_in_dim3A_680 : vector<16xi1>, vector<16xi32>
        %mul3A_681 = arith.constant 16 : i32
        %mul3A_682 = arith.muli %scan3A_661, %mul3A_681 : i32
        %swap3A_683 = arith.constant 10 : i32
        %swap3A_684 = arith.index_cast %swap3A_683 : i32 to index
        %swap3A_685 = arith.index_cast %mul3A_682 : i32 to index
        %swap3A_686 = tpu.vector_load %arg10[%swap3A_684, %swap3A_685] {strides = array<i32>} : memref<16x128xi32, #tpu.memory_space<vmem>>, vector<16xi32>,
        tpu.vector_store %arg10[%swap3A_684, %swap3A_685], %select_n3A {strides = array<i32>} : memref<16x128xi32, #tpu.memory_space<vmem>>, vector<16xi32>,
        %scan3A_687 = arith.constant 0 : i32
        scf.yield %scan3A_687 : i32
      }
      %scan3A_178 = arith.constant 8 : i32
      %scan3A_179 = arith.constant 0 : i32
      %scan3A_180 = arith.constant 0 : i32
      %scan3A_181 = arith.constant 8 : i32
      %scan3A_182 = arith.addi %scan3A_180, %scan3A_181 : i32
      %scan3A_183 = arith.constant 1 : i32
      %scan3A_184 = scf.for %scan3A_661 = %scan3A_180 to %scan3A_182 step %scan3A_183 iter_args(%scan3A_662 = %scan3A_179) -> (i32)  : i32 {
        %mul3A_663 = arith.constant 16 : i32
        %mul3A_664 = arith.muli %scan3A_661, %mul3A_663 : i32
        %add3A_665 = arith.constant 1408 : i32
        %add3A_666 = arith.addi %add3A_665, %mul3A_664 : i32
        %get3A = arith.index_cast %add3A_666 : i32 to index
        %get3A_667 = tpu.vector_load %arg7[%get3A] {strides = array<i32>} : memref<2048xi32, #tpu.memory_space<vmem>>, vector<16xi32>,
        %get3A_668 = arith.index_cast %add3A_666 : i32 to index
        %get3A_669 = tpu.vector_load %arg8[%get3A_668] {strides = array<i32>} : memref<2048xi32, #tpu.memory_space<vmem>>, vector<16xi32>,
        %sub3A = vector.broadcast %mul3A_0 : i32 to vector<16xi32>
        %sub3A_670 = arith.subi %get3A_669, %sub3A : vector<16xi32>
        %ge3A = arith.constant 0 : i32
        %ge3A_671 = vector.broadcast %ge3A : i32 to vector<16xi32>
        %ge3A_672 = arith.cmpi sge, %sub3A_670, %ge3A_671 : vector<16xi32>
        %lt3A = arith.constant 25000 : i32
        %lt3A_673 = vector.broadcast %lt3A : i32 to vector<16xi32>
        %lt3A_674 = arith.cmpi slt, %sub3A_670, %lt3A_673 : vector<16xi32>
        %and3A = arith.andi %ge3A_672, %lt3A_674 : vector<16xi1>
        %mul3A_675 = arith.constant 16 : i32
        %mul3A_676 = arith.muli %scan3A_661, %mul3A_675 : i32
        %swap3A = arith.constant 11 : i32
        %swap3A_677 = arith.index_cast %swap3A : i32 to index
        %swap3A_678 = arith.index_cast %mul3A_676 : i32 to index
        %swap3A_679 = tpu.vector_load %arg9[%swap3A_677, %swap3A_678] {strides = array<i32>} : memref<16x128xi32, #tpu.memory_space<vmem>>, vector<16xi32>,
        tpu.vector_store %arg9[%swap3A_677, %swap3A_678], %get3A_667 {strides = array<i32>} : memref<16x128xi32, #tpu.memory_space<vmem>>, vector<16xi32>,
        %jit3A = arith.constant 25000 : i32
        %broadcast_in_dim3A_680 = vector.broadcast %jit3A : i32 to vector<16xi32>
        %select_n3A = arith.select %and3A, %sub3A_670, %broadcast_in_dim3A_680 : vector<16xi1>, vector<16xi32>
        %mul3A_681 = arith.constant 16 : i32
        %mul3A_682 = arith.muli %scan3A_661, %mul3A_681 : i32
        %swap3A_683 = arith.constant 11 : i32
        %swap3A_684 = arith.index_cast %swap3A_683 : i32 to index
        %swap3A_685 = arith.index_cast %mul3A_682 : i32 to index
        %swap3A_686 = tpu.vector_load %arg10[%swap3A_684, %swap3A_685] {strides = array<i32>} : memref<16x128xi32, #tpu.memory_space<vmem>>, vector<16xi32>,
        tpu.vector_store %arg10[%swap3A_684, %swap3A_685], %select_n3A {strides = array<i32>} : memref<16x128xi32, #tpu.memory_space<vmem>>, vector<16xi32>,
        %scan3A_687 = arith.constant 0 : i32
        scf.yield %scan3A_687 : i32
      }
      %scan3A_185 = arith.constant 8 : i32
      %scan3A_186 = arith.constant 0 : i32
      %scan3A_187 = arith.constant 0 : i32
      %scan3A_188 = arith.constant 8 : i32
      %scan3A_189 = arith.addi %scan3A_187, %scan3A_188 : i32
      %scan3A_190 = arith.constant 1 : i32
      %scan3A_191 = scf.for %scan3A_661 = %scan3A_187 to %scan3A_189 step %scan3A_190 iter_args(%scan3A_662 = %scan3A_186) -> (i32)  : i32 {
        %mul3A_663 = arith.constant 16 : i32
        %mul3A_664 = arith.muli %scan3A_661, %mul3A_663 : i32
        %add3A_665 = arith.constant 1536 : i32
        %add3A_666 = arith.addi %add3A_665, %mul3A_664 : i32
        %get3A = arith.index_cast %add3A_666 : i32 to index
        %get3A_667 = tpu.vector_load %arg7[%get3A] {strides = array<i32>} : memref<2048xi32, #tpu.memory_space<vmem>>, vector<16xi32>,
        %get3A_668 = arith.index_cast %add3A_666 : i32 to index
        %get3A_669 = tpu.vector_load %arg8[%get3A_668] {strides = array<i32>} : memref<2048xi32, #tpu.memory_space<vmem>>, vector<16xi32>,
        %sub3A = vector.broadcast %mul3A_0 : i32 to vector<16xi32>
        %sub3A_670 = arith.subi %get3A_669, %sub3A : vector<16xi32>
        %ge3A = arith.constant 0 : i32
        %ge3A_671 = vector.broadcast %ge3A : i32 to vector<16xi32>
        %ge3A_672 = arith.cmpi sge, %sub3A_670, %ge3A_671 : vector<16xi32>
        %lt3A = arith.constant 25000 : i32
        %lt3A_673 = vector.broadcast %lt3A : i32 to vector<16xi32>
        %lt3A_674 = arith.cmpi slt, %sub3A_670, %lt3A_673 : vector<16xi32>
        %and3A = arith.andi %ge3A_672, %lt3A_674 : vector<16xi1>
        %mul3A_675 = arith.constant 16 : i32
        %mul3A_676 = arith.muli %scan3A_661, %mul3A_675 : i32
        %swap3A = arith.constant 12 : i32
        %swap3A_677 = arith.index_cast %swap3A : i32 to index
        %swap3A_678 = arith.index_cast %mul3A_676 : i32 to index
        %swap3A_679 = tpu.vector_load %arg9[%swap3A_677, %swap3A_678] {strides = array<i32>} : memref<16x128xi32, #tpu.memory_space<vmem>>, vector<16xi32>,
        tpu.vector_store %arg9[%swap3A_677, %swap3A_678], %get3A_667 {strides = array<i32>} : memref<16x128xi32, #tpu.memory_space<vmem>>, vector<16xi32>,
        %jit3A = arith.constant 25000 : i32
        %broadcast_in_dim3A_680 = vector.broadcast %jit3A : i32 to vector<16xi32>
        %select_n3A = arith.select %and3A, %sub3A_670, %broadcast_in_dim3A_680 : vector<16xi1>, vector<16xi32>
        %mul3A_681 = arith.constant 16 : i32
        %mul3A_682 = arith.muli %scan3A_661, %mul3A_681 : i32
        %swap3A_683 = arith.constant 12 : i32
        %swap3A_684 = arith.index_cast %swap3A_683 : i32 to index
        %swap3A_685 = arith.index_cast %mul3A_682 : i32 to index
        %swap3A_686 = tpu.vector_load %arg10[%swap3A_684, %swap3A_685] {strides = array<i32>} : memref<16x128xi32, #tpu.memory_space<vmem>>, vector<16xi32>,
        tpu.vector_store %arg10[%swap3A_684, %swap3A_685], %select_n3A {strides = array<i32>} : memref<16x128xi32, #tpu.memory_space<vmem>>, vector<16xi32>,
        %scan3A_687 = arith.constant 0 : i32
        scf.yield %scan3A_687 : i32
      }
      %scan3A_192 = arith.constant 8 : i32
      %scan3A_193 = arith.constant 0 : i32
      %scan3A_194 = arith.constant 0 : i32
      %scan3A_195 = arith.constant 8 : i32
      %scan3A_196 = arith.addi %scan3A_194, %scan3A_195 : i32
      %scan3A_197 = arith.constant 1 : i32
      %scan3A_198 = scf.for %scan3A_661 = %scan3A_194 to %scan3A_196 step %scan3A_197 iter_args(%scan3A_662 = %scan3A_193) -> (i32)  : i32 {
        %mul3A_663 = arith.constant 16 : i32
        %mul3A_664 = arith.muli %scan3A_661, %mul3A_663 : i32
        %add3A_665 = arith.constant 1664 : i32
        %add3A_666 = arith.addi %add3A_665, %mul3A_664 : i32
        %get3A = arith.index_cast %add3A_666 : i32 to index
        %get3A_667 = tpu.vector_load %arg7[%get3A] {strides = array<i32>} : memref<2048xi32, #tpu.memory_space<vmem>>, vector<16xi32>,
        %get3A_668 = arith.index_cast %add3A_666 : i32 to index
        %get3A_669 = tpu.vector_load %arg8[%get3A_668] {strides = array<i32>} : memref<2048xi32, #tpu.memory_space<vmem>>, vector<16xi32>,
        %sub3A = vector.broadcast %mul3A_0 : i32 to vector<16xi32>
        %sub3A_670 = arith.subi %get3A_669, %sub3A : vector<16xi32>
        %ge3A = arith.constant 0 : i32
        %ge3A_671 = vector.broadcast %ge3A : i32 to vector<16xi32>
        %ge3A_672 = arith.cmpi sge, %sub3A_670, %ge3A_671 : vector<16xi32>
        %lt3A = arith.constant 25000 : i32
        %lt3A_673 = vector.broadcast %lt3A : i32 to vector<16xi32>
        %lt3A_674 = arith.cmpi slt, %sub3A_670, %lt3A_673 : vector<16xi32>
        %and3A = arith.andi %ge3A_672, %lt3A_674 : vector<16xi1>
        %mul3A_675 = arith.constant 16 : i32
        %mul3A_676 = arith.muli %scan3A_661, %mul3A_675 : i32
        %swap3A = arith.constant 13 : i32
        %swap3A_677 = arith.index_cast %swap3A : i32 to index
        %swap3A_678 = arith.index_cast %mul3A_676 : i32 to index
        %swap3A_679 = tpu.vector_load %arg9[%swap3A_677, %swap3A_678] {strides = array<i32>} : memref<16x128xi32, #tpu.memory_space<vmem>>, vector<16xi32>,
        tpu.vector_store %arg9[%swap3A_677, %swap3A_678], %get3A_667 {strides = array<i32>} : memref<16x128xi32, #tpu.memory_space<vmem>>, vector<16xi32>,
        %jit3A = arith.constant 25000 : i32
        %broadcast_in_dim3A_680 = vector.broadcast %jit3A : i32 to vector<16xi32>
        %select_n3A = arith.select %and3A, %sub3A_670, %broadcast_in_dim3A_680 : vector<16xi1>, vector<16xi32>
        %mul3A_681 = arith.constant 16 : i32
        %mul3A_682 = arith.muli %scan3A_661, %mul3A_681 : i32
        %swap3A_683 = arith.constant 13 : i32
        %swap3A_684 = arith.index_cast %swap3A_683 : i32 to index
        %swap3A_685 = arith.index_cast %mul3A_682 : i32 to index
        %swap3A_686 = tpu.vector_load %arg10[%swap3A_684, %swap3A_685] {strides = array<i32>} : memref<16x128xi32, #tpu.memory_space<vmem>>, vector<16xi32>,
        tpu.vector_store %arg10[%swap3A_684, %swap3A_685], %select_n3A {strides = array<i32>} : memref<16x128xi32, #tpu.memory_space<vmem>>, vector<16xi32>,
        %scan3A_687 = arith.constant 0 : i32
        scf.yield %scan3A_687 : i32
      }
      %scan3A_199 = arith.constant 8 : i32
      %scan3A_200 = arith.constant 0 : i32
      %scan3A_201 = arith.constant 0 : i32
      %scan3A_202 = arith.constant 8 : i32
      %scan3A_203 = arith.addi %scan3A_201, %scan3A_202 : i32
      %scan3A_204 = arith.constant 1 : i32
      %scan3A_205 = scf.for %scan3A_661 = %scan3A_201 to %scan3A_203 step %scan3A_204 iter_args(%scan3A_662 = %scan3A_200) -> (i32)  : i32 {
        %mul3A_663 = arith.constant 16 : i32
        %mul3A_664 = arith.muli %scan3A_661, %mul3A_663 : i32
        %add3A_665 = arith.constant 1792 : i32
        %add3A_666 = arith.addi %add3A_665, %mul3A_664 : i32
        %get3A = arith.index_cast %add3A_666 : i32 to index
        %get3A_667 = tpu.vector_load %arg7[%get3A] {strides = array<i32>} : memref<2048xi32, #tpu.memory_space<vmem>>, vector<16xi32>,
        %get3A_668 = arith.index_cast %add3A_666 : i32 to index
        %get3A_669 = tpu.vector_load %arg8[%get3A_668] {strides = array<i32>} : memref<2048xi32, #tpu.memory_space<vmem>>, vector<16xi32>,
        %sub3A = vector.broadcast %mul3A_0 : i32 to vector<16xi32>
        %sub3A_670 = arith.subi %get3A_669, %sub3A : vector<16xi32>
        %ge3A = arith.constant 0 : i32
        %ge3A_671 = vector.broadcast %ge3A : i32 to vector<16xi32>
        %ge3A_672 = arith.cmpi sge, %sub3A_670, %ge3A_671 : vector<16xi32>
        %lt3A = arith.constant 25000 : i32
        %lt3A_673 = vector.broadcast %lt3A : i32 to vector<16xi32>
        %lt3A_674 = arith.cmpi slt, %sub3A_670, %lt3A_673 : vector<16xi32>
        %and3A = arith.andi %ge3A_672, %lt3A_674 : vector<16xi1>
        %mul3A_675 = arith.constant 16 : i32
        %mul3A_676 = arith.muli %scan3A_661, %mul3A_675 : i32
        %swap3A = arith.constant 14 : i32
        %swap3A_677 = arith.index_cast %swap3A : i32 to index
        %swap3A_678 = arith.index_cast %mul3A_676 : i32 to index
        %swap3A_679 = tpu.vector_load %arg9[%swap3A_677, %swap3A_678] {strides = array<i32>} : memref<16x128xi32, #tpu.memory_space<vmem>>, vector<16xi32>,
        tpu.vector_store %arg9[%swap3A_677, %swap3A_678], %get3A_667 {strides = array<i32>} : memref<16x128xi32, #tpu.memory_space<vmem>>, vector<16xi32>,
        %jit3A = arith.constant 25000 : i32
        %broadcast_in_dim3A_680 = vector.broadcast %jit3A : i32 to vector<16xi32>
        %select_n3A = arith.select %and3A, %sub3A_670, %broadcast_in_dim3A_680 : vector<16xi1>, vector<16xi32>
        %mul3A_681 = arith.constant 16 : i32
        %mul3A_682 = arith.muli %scan3A_661, %mul3A_681 : i32
        %swap3A_683 = arith.constant 14 : i32
        %swap3A_684 = arith.index_cast %swap3A_683 : i32 to index
        %swap3A_685 = arith.index_cast %mul3A_682 : i32 to index
        %swap3A_686 = tpu.vector_load %arg10[%swap3A_684, %swap3A_685] {strides = array<i32>} : memref<16x128xi32, #tpu.memory_space<vmem>>, vector<16xi32>,
        tpu.vector_store %arg10[%swap3A_684, %swap3A_685], %select_n3A {strides = array<i32>} : memref<16x128xi32, #tpu.memory_space<vmem>>, vector<16xi32>,
        %scan3A_687 = arith.constant 0 : i32
        scf.yield %scan3A_687 : i32
      }
      %scan3A_206 = arith.constant 8 : i32
      %scan3A_207 = arith.constant 0 : i32
      %scan3A_208 = arith.constant 0 : i32
      %scan3A_209 = arith.constant 8 : i32
      %scan3A_210 = arith.addi %scan3A_208, %scan3A_209 : i32
      %scan3A_211 = arith.constant 1 : i32
      %scan3A_212 = scf.for %scan3A_661 = %scan3A_208 to %scan3A_210 step %scan3A_211 iter_args(%scan3A_662 = %scan3A_207) -> (i32)  : i32 {
        %mul3A_663 = arith.constant 16 : i32
        %mul3A_664 = arith.muli %scan3A_661, %mul3A_663 : i32
        %add3A_665 = arith.constant 1920 : i32
        %add3A_666 = arith.addi %add3A_665, %mul3A_664 : i32
        %get3A = arith.index_cast %add3A_666 : i32 to index
        %get3A_667 = tpu.vector_load %arg7[%get3A] {strides = array<i32>} : memref<2048xi32, #tpu.memory_space<vmem>>, vector<16xi32>,
        %get3A_668 = arith.index_cast %add3A_666 : i32 to index
        %get3A_669 = tpu.vector_load %arg8[%get3A_668] {strides = array<i32>} : memref<2048xi32, #tpu.memory_space<vmem>>, vector<16xi32>,
        %sub3A = vector.broadcast %mul3A_0 : i32 to vector<16xi32>
        %sub3A_670 = arith.subi %get3A_669, %sub3A : vector<16xi32>
        %ge3A = arith.constant 0 : i32
        %ge3A_671 = vector.broadcast %ge3A : i32 to vector<16xi32>
        %ge3A_672 = arith.cmpi sge, %sub3A_670, %ge3A_671 : vector<16xi32>
        %lt3A = arith.constant 25000 : i32
        %lt3A_673 = vector.broadcast %lt3A : i32 to vector<16xi32>
        %lt3A_674 = arith.cmpi slt, %sub3A_670, %lt3A_673 : vector<16xi32>
        %and3A = arith.andi %ge3A_672, %lt3A_674 : vector<16xi1>
        %mul3A_675 = arith.constant 16 : i32
        %mul3A_676 = arith.muli %scan3A_661, %mul3A_675 : i32
        %swap3A = arith.constant 15 : i32
        %swap3A_677 = arith.index_cast %swap3A : i32 to index
        %swap3A_678 = arith.index_cast %mul3A_676 : i32 to index
        %swap3A_679 = tpu.vector_load %arg9[%swap3A_677, %swap3A_678] {strides = array<i32>} : memref<16x128xi32, #tpu.memory_space<vmem>>, vector<16xi32>,
        tpu.vector_store %arg9[%swap3A_677, %swap3A_678], %get3A_667 {strides = array<i32>} : memref<16x128xi32, #tpu.memory_space<vmem>>, vector<16xi32>,
        %jit3A = arith.constant 25000 : i32
        %broadcast_in_dim3A_680 = vector.broadcast %jit3A : i32 to vector<16xi32>
        %select_n3A = arith.select %and3A, %sub3A_670, %broadcast_in_dim3A_680 : vector<16xi1>, vector<16xi32>
        %mul3A_681 = arith.constant 16 : i32
        %mul3A_682 = arith.muli %scan3A_661, %mul3A_681 : i32
        %swap3A_683 = arith.constant 15 : i32
        %swap3A_684 = arith.index_cast %swap3A_683 : i32 to index
        %swap3A_685 = arith.index_cast %mul3A_682 : i32 to index
        %swap3A_686 = tpu.vector_load %arg10[%swap3A_684, %swap3A_685] {strides = array<i32>} : memref<16x128xi32, #tpu.memory_space<vmem>>, vector<16xi32>,
        tpu.vector_store %arg10[%swap3A_684, %swap3A_685], %select_n3A {strides = array<i32>} : memref<16x128xi32, #tpu.memory_space<vmem>>, vector<16xi32>,
        %scan3A_687 = arith.constant 0 : i32
        scf.yield %scan3A_687 : i32
      }
      %scan3A_213 = arith.constant 8 : i32
      %dma_start3A = arith.constant 0 : i32
      %dma_start3A_214 = arith.constant 0 : i32
      %dma_start3A_215 = tpu.memref_slice %arg9[%dma_start3A, %dma_start3A_214] : memref<16x128xi32, #tpu.memory_space<vmem>> -> memref<1x128xi32, #tpu.memory_space<vmem>>
      %dma_start3A_216 = tpu.memref_squeeze %dma_start3A_215 : memref<1x128xi32, #tpu.memory_space<vmem>> -> memref<128xi32, #tpu.memory_space<vmem>>
      %dma_start3A_217 = arith.constant 0 : i32
      %dma_start3A_218 = arith.constant 0 : i32
      %dma_start3A_219 = tpu.memref_slice %arg4[%dma_start3A_217, %dma_start3A_218] : memref<50000x32xf32, #tpu.memory_space<hbm>> -> memref<50000x32xf32, #tpu.memory_space<hbm>>
      tpu.enqueue_indirect_dma source(%dma_start3A_219 : memref<50000x32xf32, #tpu.memory_space<hbm>>) target(%arg11 : memref<128x32xf32, #tpu.memory_space<vmem>>) offsets(%dma_start3A_216 : memref<128xi32, #tpu.memory_space<vmem>>) semaphore(%arg14 : memref<!tpu.dma_semaphore, #tpu.memory_space<semaphore_mem>>)
      %dma_start3A_220 = arith.constant 1 : i32
      %dma_start3A_221 = arith.constant 0 : i32
      %dma_start3A_222 = tpu.memref_slice %arg9[%dma_start3A_220, %dma_start3A_221] : memref<16x128xi32, #tpu.memory_space<vmem>> -> memref<1x128xi32, #tpu.memory_space<vmem>>
      %dma_start3A_223 = tpu.memref_squeeze %dma_start3A_222 : memref<1x128xi32, #tpu.memory_space<vmem>> -> memref<128xi32, #tpu.memory_space<vmem>>
      %dma_start3A_224 = arith.constant 0 : i32
      %dma_start3A_225 = arith.constant 0 : i32
      %dma_start3A_226 = tpu.memref_slice %arg4[%dma_start3A_224, %dma_start3A_225] : memref<50000x32xf32, #tpu.memory_space<hbm>> -> memref<50000x32xf32, #tpu.memory_space<hbm>>
      tpu.enqueue_indirect_dma source(%dma_start3A_226 : memref<50000x32xf32, #tpu.memory_space<hbm>>) target(%arg12 : memref<128x32xf32, #tpu.memory_space<vmem>>) offsets(%dma_start3A_223 : memref<128xi32, #tpu.memory_space<vmem>>) semaphore(%arg15 : memref<!tpu.dma_semaphore, #tpu.memory_space<semaphore_mem>>)
      %dma_wait3A = arith.constant 0 : i32
      %dma_wait3A_227 = arith.constant 0 : i32
      %dma_wait3A_228 = tpu.memref_slice %arg9[%dma_wait3A, %dma_wait3A_227] : memref<16x128xi32, #tpu.memory_space<vmem>> -> memref<1x128xi32, #tpu.memory_space<vmem>>
      %dma_wait3A_229 = tpu.memref_squeeze %dma_wait3A_228 : memref<1x128xi32, #tpu.memory_space<vmem>> -> memref<128xi32, #tpu.memory_space<vmem>>
      %dma_wait3A_230 = arith.constant 0 : i32
      %dma_wait3A_231 = arith.constant 0 : i32
      %dma_wait3A_232 = tpu.memref_slice %arg4[%dma_wait3A_230, %dma_wait3A_231] : memref<50000x32xf32, #tpu.memory_space<hbm>> -> memref<50000x32xf32, #tpu.memory_space<hbm>>
      tpu.wait_indirect_dma semaphore(%arg14 : memref<!tpu.dma_semaphore, #tpu.memory_space<semaphore_mem>>) src(%dma_wait3A_232 : memref<50000x32xf32, #tpu.memory_space<hbm>>) dst(%arg11 : memref<128x32xf32, #tpu.memory_space<vmem>>)
      %dma_start3A_233 = arith.constant 0 : i32
      %dma_start3A_234 = arith.constant 0 : i32
      %dma_start3A_235 = tpu.memref_slice %arg10[%dma_start3A_233, %dma_start3A_234] : memref<16x128xi32, #tpu.memory_space<vmem>> -> memref<1x128xi32, #tpu.memory_space<vmem>>
      %dma_start3A_236 = tpu.memref_squeeze %dma_start3A_235 : memref<1x128xi32, #tpu.memory_space<vmem>> -> memref<128xi32, #tpu.memory_space<vmem>>
      %dma_start3A_237 = arith.constant 0 : i32
      %dma_start3A_238 = arith.constant 0 : i32
      %dma_start3A_239 = tpu.memref_slice %arg18[%dma_start3A_237, %dma_start3A_238] : memref<25600x32xf32, #tpu.memory_space<vmem_shared>> -> memref<25600x32xf32, #tpu.memory_space<vmem_shared>>
      tpu.enqueue_indirect_dma source(%arg11 : memref<128x32xf32, #tpu.memory_space<vmem>>) target(%dma_start3A_239 : memref<25600x32xf32, #tpu.memory_space<vmem_shared>>) offsets(%dma_start3A_236 : memref<128xi32, #tpu.memory_space<vmem>>) semaphore(%arg16 : memref<!tpu.dma_semaphore, #tpu.memory_space<semaphore_mem>>) {add = true}
      %dma_wait3A_240 = arith.constant 0 : i32
      %dma_wait3A_241 = arith.constant 0 : i32
      %dma_wait3A_242 = tpu.memref_slice %arg10[%dma_wait3A_240, %dma_wait3A_241] : memref<16x128xi32, #tpu.memory_space<vmem>> -> memref<1x128xi32, #tpu.memory_space<vmem>>
      %dma_wait3A_243 = tpu.memref_squeeze %dma_wait3A_242 : memref<1x128xi32, #tpu.memory_space<vmem>> -> memref<128xi32, #tpu.memory_space<vmem>>
      %dma_wait3A_244 = arith.constant 0 : i32
      %dma_wait3A_245 = arith.constant 0 : i32
      %dma_wait3A_246 = tpu.memref_slice %arg18[%dma_wait3A_244, %dma_wait3A_245] : memref<25600x32xf32, #tpu.memory_space<vmem_shared>> -> memref<25600x32xf32, #tpu.memory_space<vmem_shared>>
      tpu.wait_indirect_dma semaphore(%arg16 : memref<!tpu.dma_semaphore, #tpu.memory_space<semaphore_mem>>) src(%arg11 : memref<128x32xf32, #tpu.memory_space<vmem>>) dst(%dma_wait3A_246 : memref<25600x32xf32, #tpu.memory_space<vmem_shared>>)
      %dma_start3A_247 = arith.constant 2 : i32
      %dma_start3A_248 = arith.constant 0 : i32
      %dma_start3A_249 = tpu.memref_slice %arg9[%dma_start3A_247, %dma_start3A_248] : memref<16x128xi32, #tpu.memory_space<vmem>> -> memref<1x128xi32, #tpu.memory_space<vmem>>
      %dma_start3A_250 = tpu.memref_squeeze %dma_start3A_249 : memref<1x128xi32, #tpu.memory_space<vmem>> -> memref<128xi32, #tpu.memory_space<vmem>>
      %dma_start3A_251 = arith.constant 0 : i32
      %dma_start3A_252 = arith.constant 0 : i32
      %dma_start3A_253 = tpu.memref_slice %arg4[%dma_start3A_251, %dma_start3A_252] : memref<50000x32xf32, #tpu.memory_space<hbm>> -> memref<50000x32xf32, #tpu.memory_space<hbm>>
      tpu.enqueue_indirect_dma source(%dma_start3A_253 : memref<50000x32xf32, #tpu.memory_space<hbm>>) target(%arg11 : memref<128x32xf32, #tpu.memory_space<vmem>>) offsets(%dma_start3A_250 : memref<128xi32, #tpu.memory_space<vmem>>) semaphore(%arg14 : memref<!tpu.dma_semaphore, #tpu.memory_space<semaphore_mem>>)
      %dma_wait3A_254 = arith.constant 1 : i32
      %dma_wait3A_255 = arith.constant 0 : i32
      %dma_wait3A_256 = tpu.memref_slice %arg9[%dma_wait3A_254, %dma_wait3A_255] : memref<16x128xi32, #tpu.memory_space<vmem>> -> memref<1x128xi32, #tpu.memory_space<vmem>>
      %dma_wait3A_257 = tpu.memref_squeeze %dma_wait3A_256 : memref<1x128xi32, #tpu.memory_space<vmem>> -> memref<128xi32, #tpu.memory_space<vmem>>
      %dma_wait3A_258 = arith.constant 0 : i32
      %dma_wait3A_259 = arith.constant 0 : i32
      %dma_wait3A_260 = tpu.memref_slice %arg4[%dma_wait3A_258, %dma_wait3A_259] : memref<50000x32xf32, #tpu.memory_space<hbm>> -> memref<50000x32xf32, #tpu.memory_space<hbm>>
      tpu.wait_indirect_dma semaphore(%arg15 : memref<!tpu.dma_semaphore, #tpu.memory_space<semaphore_mem>>) src(%dma_wait3A_260 : memref<50000x32xf32, #tpu.memory_space<hbm>>) dst(%arg12 : memref<128x32xf32, #tpu.memory_space<vmem>>)
      %dma_start3A_261 = arith.constant 1 : i32
      %dma_start3A_262 = arith.constant 0 : i32
      %dma_start3A_263 = tpu.memref_slice %arg10[%dma_start3A_261, %dma_start3A_262] : memref<16x128xi32, #tpu.memory_space<vmem>> -> memref<1x128xi32, #tpu.memory_space<vmem>>
      %dma_start3A_264 = tpu.memref_squeeze %dma_start3A_263 : memref<1x128xi32, #tpu.memory_space<vmem>> -> memref<128xi32, #tpu.memory_space<vmem>>
      %dma_start3A_265 = arith.constant 0 : i32
      %dma_start3A_266 = arith.constant 0 : i32
      %dma_start3A_267 = tpu.memref_slice %arg18[%dma_start3A_265, %dma_start3A_266] : memref<25600x32xf32, #tpu.memory_space<vmem_shared>> -> memref<25600x32xf32, #tpu.memory_space<vmem_shared>>
      tpu.enqueue_indirect_dma source(%arg12 : memref<128x32xf32, #tpu.memory_space<vmem>>) target(%dma_start3A_267 : memref<25600x32xf32, #tpu.memory_space<vmem_shared>>) offsets(%dma_start3A_264 : memref<128xi32, #tpu.memory_space<vmem>>) semaphore(%arg17 : memref<!tpu.dma_semaphore, #tpu.memory_space<semaphore_mem>>) {add = true}
      %dma_wait3A_268 = arith.constant 1 : i32
      %dma_wait3A_269 = arith.constant 0 : i32
      %dma_wait3A_270 = tpu.memref_slice %arg10[%dma_wait3A_268, %dma_wait3A_269] : memref<16x128xi32, #tpu.memory_space<vmem>> -> memref<1x128xi32, #tpu.memory_space<vmem>>
      %dma_wait3A_271 = tpu.memref_squeeze %dma_wait3A_270 : memref<1x128xi32, #tpu.memory_space<vmem>> -> memref<128xi32, #tpu.memory_space<vmem>>
      %dma_wait3A_272 = arith.constant 0 : i32
      %dma_wait3A_273 = arith.constant 0 : i32
      %dma_wait3A_274 = tpu.memref_slice %arg18[%dma_wait3A_272, %dma_wait3A_273] : memref<25600x32xf32, #tpu.memory_space<vmem_shared>> -> memref<25600x32xf32, #tpu.memory_space<vmem_shared>>
      tpu.wait_indirect_dma semaphore(%arg17 : memref<!tpu.dma_semaphore, #tpu.memory_space<semaphore_mem>>) src(%arg12 : memref<128x32xf32, #tpu.memory_space<vmem>>) dst(%dma_wait3A_274 : memref<25600x32xf32, #tpu.memory_space<vmem_shared>>)
      %dma_start3A_275 = arith.constant 3 : i32
      %dma_start3A_276 = arith.constant 0 : i32
      %dma_start3A_277 = tpu.memref_slice %arg9[%dma_start3A_275, %dma_start3A_276] : memref<16x128xi32, #tpu.memory_space<vmem>> -> memref<1x128xi32, #tpu.memory_space<vmem>>
      %dma_start3A_278 = tpu.memref_squeeze %dma_start3A_277 : memref<1x128xi32, #tpu.memory_space<vmem>> -> memref<128xi32, #tpu.memory_space<vmem>>
      %dma_start3A_279 = arith.constant 0 : i32
      %dma_start3A_280 = arith.constant 0 : i32
      %dma_start3A_281 = tpu.memref_slice %arg4[%dma_start3A_279, %dma_start3A_280] : memref<50000x32xf32, #tpu.memory_space<hbm>> -> memref<50000x32xf32, #tpu.memory_space<hbm>>
      tpu.enqueue_indirect_dma source(%dma_start3A_281 : memref<50000x32xf32, #tpu.memory_space<hbm>>) target(%arg12 : memref<128x32xf32, #tpu.memory_space<vmem>>) offsets(%dma_start3A_278 : memref<128xi32, #tpu.memory_space<vmem>>) semaphore(%arg15 : memref<!tpu.dma_semaphore, #tpu.memory_space<semaphore_mem>>)
      %dma_wait3A_282 = arith.constant 2 : i32
      %dma_wait3A_283 = arith.constant 0 : i32
      %dma_wait3A_284 = tpu.memref_slice %arg9[%dma_wait3A_282, %dma_wait3A_283] : memref<16x128xi32, #tpu.memory_space<vmem>> -> memref<1x128xi32, #tpu.memory_space<vmem>>
      %dma_wait3A_285 = tpu.memref_squeeze %dma_wait3A_284 : memref<1x128xi32, #tpu.memory_space<vmem>> -> memref<128xi32, #tpu.memory_space<vmem>>
      %dma_wait3A_286 = arith.constant 0 : i32
      %dma_wait3A_287 = arith.constant 0 : i32
      %dma_wait3A_288 = tpu.memref_slice %arg4[%dma_wait3A_286, %dma_wait3A_287] : memref<50000x32xf32, #tpu.memory_space<hbm>> -> memref<50000x32xf32, #tpu.memory_space<hbm>>
      tpu.wait_indirect_dma semaphore(%arg14 : memref<!tpu.dma_semaphore, #tpu.memory_space<semaphore_mem>>) src(%dma_wait3A_288 : memref<50000x32xf32, #tpu.memory_space<hbm>>) dst(%arg11 : memref<128x32xf32, #tpu.memory_space<vmem>>)
      %dma_start3A_289 = arith.constant 2 : i32
      %dma_start3A_290 = arith.constant 0 : i32
      %dma_start3A_291 = tpu.memref_slice %arg10[%dma_start3A_289, %dma_start3A_290] : memref<16x128xi32, #tpu.memory_space<vmem>> -> memref<1x128xi32, #tpu.memory_space<vmem>>
      %dma_start3A_292 = tpu.memref_squeeze %dma_start3A_291 : memref<1x128xi32, #tpu.memory_space<vmem>> -> memref<128xi32, #tpu.memory_space<vmem>>
      %dma_start3A_293 = arith.constant 0 : i32
      %dma_start3A_294 = arith.constant 0 : i32
      %dma_start3A_295 = tpu.memref_slice %arg18[%dma_start3A_293, %dma_start3A_294] : memref<25600x32xf32, #tpu.memory_space<vmem_shared>> -> memref<25600x32xf32, #tpu.memory_space<vmem_shared>>
      tpu.enqueue_indirect_dma source(%arg11 : memref<128x32xf32, #tpu.memory_space<vmem>>) target(%dma_start3A_295 : memref<25600x32xf32, #tpu.memory_space<vmem_shared>>) offsets(%dma_start3A_292 : memref<128xi32, #tpu.memory_space<vmem>>) semaphore(%arg16 : memref<!tpu.dma_semaphore, #tpu.memory_space<semaphore_mem>>) {add = true}
      %dma_wait3A_296 = arith.constant 2 : i32
      %dma_wait3A_297 = arith.constant 0 : i32
      %dma_wait3A_298 = tpu.memref_slice %arg10[%dma_wait3A_296, %dma_wait3A_297] : memref<16x128xi32, #tpu.memory_space<vmem>> -> memref<1x128xi32, #tpu.memory_space<vmem>>
      %dma_wait3A_299 = tpu.memref_squeeze %dma_wait3A_298 : memref<1x128xi32, #tpu.memory_space<vmem>> -> memref<128xi32, #tpu.memory_space<vmem>>
      %dma_wait3A_300 = arith.constant 0 : i32
      %dma_wait3A_301 = arith.constant 0 : i32
      %dma_wait3A_302 = tpu.memref_slice %arg18[%dma_wait3A_300, %dma_wait3A_301] : memref<25600x32xf32, #tpu.memory_space<vmem_shared>> -> memref<25600x32xf32, #tpu.memory_space<vmem_shared>>
      tpu.wait_indirect_dma semaphore(%arg16 : memref<!tpu.dma_semaphore, #tpu.memory_space<semaphore_mem>>) src(%arg11 : memref<128x32xf32, #tpu.memory_space<vmem>>) dst(%dma_wait3A_302 : memref<25600x32xf32, #tpu.memory_space<vmem_shared>>)
      %dma_start3A_303 = arith.constant 4 : i32
      %dma_start3A_304 = arith.constant 0 : i32
      %dma_start3A_305 = tpu.memref_slice %arg9[%dma_start3A_303, %dma_start3A_304] : memref<16x128xi32, #tpu.memory_space<vmem>> -> memref<1x128xi32, #tpu.memory_space<vmem>>
      %dma_start3A_306 = tpu.memref_squeeze %dma_start3A_305 : memref<1x128xi32, #tpu.memory_space<vmem>> -> memref<128xi32, #tpu.memory_space<vmem>>
      %dma_start3A_307 = arith.constant 0 : i32
      %dma_start3A_308 = arith.constant 0 : i32
      %dma_start3A_309 = tpu.memref_slice %arg4[%dma_start3A_307, %dma_start3A_308] : memref<50000x32xf32, #tpu.memory_space<hbm>> -> memref<50000x32xf32, #tpu.memory_space<hbm>>
      tpu.enqueue_indirect_dma source(%dma_start3A_309 : memref<50000x32xf32, #tpu.memory_space<hbm>>) target(%arg11 : memref<128x32xf32, #tpu.memory_space<vmem>>) offsets(%dma_start3A_306 : memref<128xi32, #tpu.memory_space<vmem>>) semaphore(%arg14 : memref<!tpu.dma_semaphore, #tpu.memory_space<semaphore_mem>>)
      %dma_wait3A_310 = arith.constant 3 : i32
      %dma_wait3A_311 = arith.constant 0 : i32
      %dma_wait3A_312 = tpu.memref_slice %arg9[%dma_wait3A_310, %dma_wait3A_311] : memref<16x128xi32, #tpu.memory_space<vmem>> -> memref<1x128xi32, #tpu.memory_space<vmem>>
      %dma_wait3A_313 = tpu.memref_squeeze %dma_wait3A_312 : memref<1x128xi32, #tpu.memory_space<vmem>> -> memref<128xi32, #tpu.memory_space<vmem>>
      %dma_wait3A_314 = arith.constant 0 : i32
      %dma_wait3A_315 = arith.constant 0 : i32
      %dma_wait3A_316 = tpu.memref_slice %arg4[%dma_wait3A_314, %dma_wait3A_315] : memref<50000x32xf32, #tpu.memory_space<hbm>> -> memref<50000x32xf32, #tpu.memory_space<hbm>>
      tpu.wait_indirect_dma semaphore(%arg15 : memref<!tpu.dma_semaphore, #tpu.memory_space<semaphore_mem>>) src(%dma_wait3A_316 : memref<50000x32xf32, #tpu.memory_space<hbm>>) dst(%arg12 : memref<128x32xf32, #tpu.memory_space<vmem>>)
      %dma_start3A_317 = arith.constant 3 : i32
      %dma_start3A_318 = arith.constant 0 : i32
      %dma_start3A_319 = tpu.memref_slice %arg10[%dma_start3A_317, %dma_start3A_318] : memref<16x128xi32, #tpu.memory_space<vmem>> -> memref<1x128xi32, #tpu.memory_space<vmem>>
      %dma_start3A_320 = tpu.memref_squeeze %dma_start3A_319 : memref<1x128xi32, #tpu.memory_space<vmem>> -> memref<128xi32, #tpu.memory_space<vmem>>
      %dma_start3A_321 = arith.constant 0 : i32
      %dma_start3A_322 = arith.constant 0 : i32
      %dma_start3A_323 = tpu.memref_slice %arg18[%dma_start3A_321, %dma_start3A_322] : memref<25600x32xf32, #tpu.memory_space<vmem_shared>> -> memref<25600x32xf32, #tpu.memory_space<vmem_shared>>
      tpu.enqueue_indirect_dma source(%arg12 : memref<128x32xf32, #tpu.memory_space<vmem>>) target(%dma_start3A_323 : memref<25600x32xf32, #tpu.memory_space<vmem_shared>>) offsets(%dma_start3A_320 : memref<128xi32, #tpu.memory_space<vmem>>) semaphore(%arg17 : memref<!tpu.dma_semaphore, #tpu.memory_space<semaphore_mem>>) {add = true}
      %dma_wait3A_324 = arith.constant 3 : i32
      %dma_wait3A_325 = arith.constant 0 : i32
      %dma_wait3A_326 = tpu.memref_slice %arg10[%dma_wait3A_324, %dma_wait3A_325] : memref<16x128xi32, #tpu.memory_space<vmem>> -> memref<1x128xi32, #tpu.memory_space<vmem>>
      %dma_wait3A_327 = tpu.memref_squeeze %dma_wait3A_326 : memref<1x128xi32, #tpu.memory_space<vmem>> -> memref<128xi32, #tpu.memory_space<vmem>>
      %dma_wait3A_328 = arith.constant 0 : i32
      %dma_wait3A_329 = arith.constant 0 : i32
      %dma_wait3A_330 = tpu.memref_slice %arg18[%dma_wait3A_328, %dma_wait3A_329] : memref<25600x32xf32, #tpu.memory_space<vmem_shared>> -> memref<25600x32xf32, #tpu.memory_space<vmem_shared>>
      tpu.wait_indirect_dma semaphore(%arg17 : memref<!tpu.dma_semaphore, #tpu.memory_space<semaphore_mem>>) src(%arg12 : memref<128x32xf32, #tpu.memory_space<vmem>>) dst(%dma_wait3A_330 : memref<25600x32xf32, #tpu.memory_space<vmem_shared>>)
      %dma_start3A_331 = arith.constant 5 : i32
      %dma_start3A_332 = arith.constant 0 : i32
      %dma_start3A_333 = tpu.memref_slice %arg9[%dma_start3A_331, %dma_start3A_332] : memref<16x128xi32, #tpu.memory_space<vmem>> -> memref<1x128xi32, #tpu.memory_space<vmem>>
      %dma_start3A_334 = tpu.memref_squeeze %dma_start3A_333 : memref<1x128xi32, #tpu.memory_space<vmem>> -> memref<128xi32, #tpu.memory_space<vmem>>
      %dma_start3A_335 = arith.constant 0 : i32
      %dma_start3A_336 = arith.constant 0 : i32
      %dma_start3A_337 = tpu.memref_slice %arg4[%dma_start3A_335, %dma_start3A_336] : memref<50000x32xf32, #tpu.memory_space<hbm>> -> memref<50000x32xf32, #tpu.memory_space<hbm>>
      tpu.enqueue_indirect_dma source(%dma_start3A_337 : memref<50000x32xf32, #tpu.memory_space<hbm>>) target(%arg12 : memref<128x32xf32, #tpu.memory_space<vmem>>) offsets(%dma_start3A_334 : memref<128xi32, #tpu.memory_space<vmem>>) semaphore(%arg15 : memref<!tpu.dma_semaphore, #tpu.memory_space<semaphore_mem>>)
      %dma_wait3A_338 = arith.constant 4 : i32
      %dma_wait3A_339 = arith.constant 0 : i32
      %dma_wait3A_340 = tpu.memref_slice %arg9[%dma_wait3A_338, %dma_wait3A_339] : memref<16x128xi32, #tpu.memory_space<vmem>> -> memref<1x128xi32, #tpu.memory_space<vmem>>
      %dma_wait3A_341 = tpu.memref_squeeze %dma_wait3A_340 : memref<1x128xi32, #tpu.memory_space<vmem>> -> memref<128xi32, #tpu.memory_space<vmem>>
      %dma_wait3A_342 = arith.constant 0 : i32
      %dma_wait3A_343 = arith.constant 0 : i32
      %dma_wait3A_344 = tpu.memref_slice %arg4[%dma_wait3A_342, %dma_wait3A_343] : memref<50000x32xf32, #tpu.memory_space<hbm>> -> memref<50000x32xf32, #tpu.memory_space<hbm>>
      tpu.wait_indirect_dma semaphore(%arg14 : memref<!tpu.dma_semaphore, #tpu.memory_space<semaphore_mem>>) src(%dma_wait3A_344 : memref<50000x32xf32, #tpu.memory_space<hbm>>) dst(%arg11 : memref<128x32xf32, #tpu.memory_space<vmem>>)
      %dma_start3A_345 = arith.constant 4 : i32
      %dma_start3A_346 = arith.constant 0 : i32
      %dma_start3A_347 = tpu.memref_slice %arg10[%dma_start3A_345, %dma_start3A_346] : memref<16x128xi32, #tpu.memory_space<vmem>> -> memref<1x128xi32, #tpu.memory_space<vmem>>
      %dma_start3A_348 = tpu.memref_squeeze %dma_start3A_347 : memref<1x128xi32, #tpu.memory_space<vmem>> -> memref<128xi32, #tpu.memory_space<vmem>>
      %dma_start3A_349 = arith.constant 0 : i32
      %dma_start3A_350 = arith.constant 0 : i32
      %dma_start3A_351 = tpu.memref_slice %arg18[%dma_start3A_349, %dma_start3A_350] : memref<25600x32xf32, #tpu.memory_space<vmem_shared>> -> memref<25600x32xf32, #tpu.memory_space<vmem_shared>>
      tpu.enqueue_indirect_dma source(%arg11 : memref<128x32xf32, #tpu.memory_space<vmem>>) target(%dma_start3A_351 : memref<25600x32xf32, #tpu.memory_space<vmem_shared>>) offsets(%dma_start3A_348 : memref<128xi32, #tpu.memory_space<vmem>>) semaphore(%arg16 : memref<!tpu.dma_semaphore, #tpu.memory_space<semaphore_mem>>) {add = true}
      %dma_wait3A_352 = arith.constant 4 : i32
      %dma_wait3A_353 = arith.constant 0 : i32
      %dma_wait3A_354 = tpu.memref_slice %arg10[%dma_wait3A_352, %dma_wait3A_353] : memref<16x128xi32, #tpu.memory_space<vmem>> -> memref<1x128xi32, #tpu.memory_space<vmem>>
      %dma_wait3A_355 = tpu.memref_squeeze %dma_wait3A_354 : memref<1x128xi32, #tpu.memory_space<vmem>> -> memref<128xi32, #tpu.memory_space<vmem>>
      %dma_wait3A_356 = arith.constant 0 : i32
      %dma_wait3A_357 = arith.constant 0 : i32
      %dma_wait3A_358 = tpu.memref_slice %arg18[%dma_wait3A_356, %dma_wait3A_357] : memref<25600x32xf32, #tpu.memory_space<vmem_shared>> -> memref<25600x32xf32, #tpu.memory_space<vmem_shared>>
      tpu.wait_indirect_dma semaphore(%arg16 : memref<!tpu.dma_semaphore, #tpu.memory_space<semaphore_mem>>) src(%arg11 : memref<128x32xf32, #tpu.memory_space<vmem>>) dst(%dma_wait3A_358 : memref<25600x32xf32, #tpu.memory_space<vmem_shared>>)
      %dma_start3A_359 = arith.constant 6 : i32
      %dma_start3A_360 = arith.constant 0 : i32
      %dma_start3A_361 = tpu.memref_slice %arg9[%dma_start3A_359, %dma_start3A_360] : memref<16x128xi32, #tpu.memory_space<vmem>> -> memref<1x128xi32, #tpu.memory_space<vmem>>
      %dma_start3A_362 = tpu.memref_squeeze %dma_start3A_361 : memref<1x128xi32, #tpu.memory_space<vmem>> -> memref<128xi32, #tpu.memory_space<vmem>>
      %dma_start3A_363 = arith.constant 0 : i32
      %dma_start3A_364 = arith.constant 0 : i32
      %dma_start3A_365 = tpu.memref_slice %arg4[%dma_start3A_363, %dma_start3A_364] : memref<50000x32xf32, #tpu.memory_space<hbm>> -> memref<50000x32xf32, #tpu.memory_space<hbm>>
      tpu.enqueue_indirect_dma source(%dma_start3A_365 : memref<50000x32xf32, #tpu.memory_space<hbm>>) target(%arg11 : memref<128x32xf32, #tpu.memory_space<vmem>>) offsets(%dma_start3A_362 : memref<128xi32, #tpu.memory_space<vmem>>) semaphore(%arg14 : memref<!tpu.dma_semaphore, #tpu.memory_space<semaphore_mem>>)
      %dma_wait3A_366 = arith.constant 5 : i32
      %dma_wait3A_367 = arith.constant 0 : i32
      %dma_wait3A_368 = tpu.memref_slice %arg9[%dma_wait3A_366, %dma_wait3A_367] : memref<16x128xi32, #tpu.memory_space<vmem>> -> memref<1x128xi32, #tpu.memory_space<vmem>>
      %dma_wait3A_369 = tpu.memref_squeeze %dma_wait3A_368 : memref<1x128xi32, #tpu.memory_space<vmem>> -> memref<128xi32, #tpu.memory_space<vmem>>
      %dma_wait3A_370 = arith.constant 0 : i32
      %dma_wait3A_371 = arith.constant 0 : i32
      %dma_wait3A_372 = tpu.memref_slice %arg4[%dma_wait3A_370, %dma_wait3A_371] : memref<50000x32xf32, #tpu.memory_space<hbm>> -> memref<50000x32xf32, #tpu.memory_space<hbm>>
      tpu.wait_indirect_dma semaphore(%arg15 : memref<!tpu.dma_semaphore, #tpu.memory_space<semaphore_mem>>) src(%dma_wait3A_372 : memref<50000x32xf32, #tpu.memory_space<hbm>>) dst(%arg12 : memref<128x32xf32, #tpu.memory_space<vmem>>)
      %dma_start3A_373 = arith.constant 5 : i32
      %dma_start3A_374 = arith.constant 0 : i32
      %dma_start3A_375 = tpu.memref_slice %arg10[%dma_start3A_373, %dma_start3A_374] : memref<16x128xi32, #tpu.memory_space<vmem>> -> memref<1x128xi32, #tpu.memory_space<vmem>>
      %dma_start3A_376 = tpu.memref_squeeze %dma_start3A_375 : memref<1x128xi32, #tpu.memory_space<vmem>> -> memref<128xi32, #tpu.memory_space<vmem>>
      %dma_start3A_377 = arith.constant 0 : i32
      %dma_start3A_378 = arith.constant 0 : i32
      %dma_start3A_379 = tpu.memref_slice %arg18[%dma_start3A_377, %dma_start3A_378] : memref<25600x32xf32, #tpu.memory_space<vmem_shared>> -> memref<25600x32xf32, #tpu.memory_space<vmem_shared>>
      tpu.enqueue_indirect_dma source(%arg12 : memref<128x32xf32, #tpu.memory_space<vmem>>) target(%dma_start3A_379 : memref<25600x32xf32, #tpu.memory_space<vmem_shared>>) offsets(%dma_start3A_376 : memref<128xi32, #tpu.memory_space<vmem>>) semaphore(%arg17 : memref<!tpu.dma_semaphore, #tpu.memory_space<semaphore_mem>>) {add = true}
      %dma_wait3A_380 = arith.constant 5 : i32
      %dma_wait3A_381 = arith.constant 0 : i32
      %dma_wait3A_382 = tpu.memref_slice %arg10[%dma_wait3A_380, %dma_wait3A_381] : memref<16x128xi32, #tpu.memory_space<vmem>> -> memref<1x128xi32, #tpu.memory_space<vmem>>
      %dma_wait3A_383 = tpu.memref_squeeze %dma_wait3A_382 : memref<1x128xi32, #tpu.memory_space<vmem>> -> memref<128xi32, #tpu.memory_space<vmem>>
      %dma_wait3A_384 = arith.constant 0 : i32
      %dma_wait3A_385 = arith.constant 0 : i32
      %dma_wait3A_386 = tpu.memref_slice %arg18[%dma_wait3A_384, %dma_wait3A_385] : memref<25600x32xf32, #tpu.memory_space<vmem_shared>> -> memref<25600x32xf32, #tpu.memory_space<vmem_shared>>
      tpu.wait_indirect_dma semaphore(%arg17 : memref<!tpu.dma_semaphore, #tpu.memory_space<semaphore_mem>>) src(%arg12 : memref<128x32xf32, #tpu.memory_space<vmem>>) dst(%dma_wait3A_386 : memref<25600x32xf32, #tpu.memory_space<vmem_shared>>)
      %dma_start3A_387 = arith.constant 7 : i32
      %dma_start3A_388 = arith.constant 0 : i32
      %dma_start3A_389 = tpu.memref_slice %arg9[%dma_start3A_387, %dma_start3A_388] : memref<16x128xi32, #tpu.memory_space<vmem>> -> memref<1x128xi32, #tpu.memory_space<vmem>>
      %dma_start3A_390 = tpu.memref_squeeze %dma_start3A_389 : memref<1x128xi32, #tpu.memory_space<vmem>> -> memref<128xi32, #tpu.memory_space<vmem>>
      %dma_start3A_391 = arith.constant 0 : i32
      %dma_start3A_392 = arith.constant 0 : i32
      %dma_start3A_393 = tpu.memref_slice %arg4[%dma_start3A_391, %dma_start3A_392] : memref<50000x32xf32, #tpu.memory_space<hbm>> -> memref<50000x32xf32, #tpu.memory_space<hbm>>
      tpu.enqueue_indirect_dma source(%dma_start3A_393 : memref<50000x32xf32, #tpu.memory_space<hbm>>) target(%arg12 : memref<128x32xf32, #tpu.memory_space<vmem>>) offsets(%dma_start3A_390 : memref<128xi32, #tpu.memory_space<vmem>>) semaphore(%arg15 : memref<!tpu.dma_semaphore, #tpu.memory_space<semaphore_mem>>)
      %dma_wait3A_394 = arith.constant 6 : i32
      %dma_wait3A_395 = arith.constant 0 : i32
      %dma_wait3A_396 = tpu.memref_slice %arg9[%dma_wait3A_394, %dma_wait3A_395] : memref<16x128xi32, #tpu.memory_space<vmem>> -> memref<1x128xi32, #tpu.memory_space<vmem>>
      %dma_wait3A_397 = tpu.memref_squeeze %dma_wait3A_396 : memref<1x128xi32, #tpu.memory_space<vmem>> -> memref<128xi32, #tpu.memory_space<vmem>>
      %dma_wait3A_398 = arith.constant 0 : i32
      %dma_wait3A_399 = arith.constant 0 : i32
      %dma_wait3A_400 = tpu.memref_slice %arg4[%dma_wait3A_398, %dma_wait3A_399] : memref<50000x32xf32, #tpu.memory_space<hbm>> -> memref<50000x32xf32, #tpu.memory_space<hbm>>
      tpu.wait_indirect_dma semaphore(%arg14 : memref<!tpu.dma_semaphore, #tpu.memory_space<semaphore_mem>>) src(%dma_wait3A_400 : memref<50000x32xf32, #tpu.memory_space<hbm>>) dst(%arg11 : memref<128x32xf32, #tpu.memory_space<vmem>>)
      %dma_start3A_401 = arith.constant 6 : i32
      %dma_start3A_402 = arith.constant 0 : i32
      %dma_start3A_403 = tpu.memref_slice %arg10[%dma_start3A_401, %dma_start3A_402] : memref<16x128xi32, #tpu.memory_space<vmem>> -> memref<1x128xi32, #tpu.memory_space<vmem>>
      %dma_start3A_404 = tpu.memref_squeeze %dma_start3A_403 : memref<1x128xi32, #tpu.memory_space<vmem>> -> memref<128xi32, #tpu.memory_space<vmem>>
      %dma_start3A_405 = arith.constant 0 : i32
      %dma_start3A_406 = arith.constant 0 : i32
      %dma_start3A_407 = tpu.memref_slice %arg18[%dma_start3A_405, %dma_start3A_406] : memref<25600x32xf32, #tpu.memory_space<vmem_shared>> -> memref<25600x32xf32, #tpu.memory_space<vmem_shared>>
      tpu.enqueue_indirect_dma source(%arg11 : memref<128x32xf32, #tpu.memory_space<vmem>>) target(%dma_start3A_407 : memref<25600x32xf32, #tpu.memory_space<vmem_shared>>) offsets(%dma_start3A_404 : memref<128xi32, #tpu.memory_space<vmem>>) semaphore(%arg16 : memref<!tpu.dma_semaphore, #tpu.memory_space<semaphore_mem>>) {add = true}
      %dma_wait3A_408 = arith.constant 6 : i32
      %dma_wait3A_409 = arith.constant 0 : i32
      %dma_wait3A_410 = tpu.memref_slice %arg10[%dma_wait3A_408, %dma_wait3A_409] : memref<16x128xi32, #tpu.memory_space<vmem>> -> memref<1x128xi32, #tpu.memory_space<vmem>>
      %dma_wait3A_411 = tpu.memref_squeeze %dma_wait3A_410 : memref<1x128xi32, #tpu.memory_space<vmem>> -> memref<128xi32, #tpu.memory_space<vmem>>
      %dma_wait3A_412 = arith.constant 0 : i32
      %dma_wait3A_413 = arith.constant 0 : i32
      %dma_wait3A_414 = tpu.memref_slice %arg18[%dma_wait3A_412, %dma_wait3A_413] : memref<25600x32xf32, #tpu.memory_space<vmem_shared>> -> memref<25600x32xf32, #tpu.memory_space<vmem_shared>>
      tpu.wait_indirect_dma semaphore(%arg16 : memref<!tpu.dma_semaphore, #tpu.memory_space<semaphore_mem>>) src(%arg11 : memref<128x32xf32, #tpu.memory_space<vmem>>) dst(%dma_wait3A_414 : memref<25600x32xf32, #tpu.memory_space<vmem_shared>>)
      %dma_start3A_415 = arith.constant 8 : i32
      %dma_start3A_416 = arith.constant 0 : i32
      %dma_start3A_417 = tpu.memref_slice %arg9[%dma_start3A_415, %dma_start3A_416] : memref<16x128xi32, #tpu.memory_space<vmem>> -> memref<1x128xi32, #tpu.memory_space<vmem>>
      %dma_start3A_418 = tpu.memref_squeeze %dma_start3A_417 : memref<1x128xi32, #tpu.memory_space<vmem>> -> memref<128xi32, #tpu.memory_space<vmem>>
      %dma_start3A_419 = arith.constant 0 : i32
      %dma_start3A_420 = arith.constant 0 : i32
      %dma_start3A_421 = tpu.memref_slice %arg4[%dma_start3A_419, %dma_start3A_420] : memref<50000x32xf32, #tpu.memory_space<hbm>> -> memref<50000x32xf32, #tpu.memory_space<hbm>>
      tpu.enqueue_indirect_dma source(%dma_start3A_421 : memref<50000x32xf32, #tpu.memory_space<hbm>>) target(%arg11 : memref<128x32xf32, #tpu.memory_space<vmem>>) offsets(%dma_start3A_418 : memref<128xi32, #tpu.memory_space<vmem>>) semaphore(%arg14 : memref<!tpu.dma_semaphore, #tpu.memory_space<semaphore_mem>>)
      %dma_wait3A_422 = arith.constant 7 : i32
      %dma_wait3A_423 = arith.constant 0 : i32
      %dma_wait3A_424 = tpu.memref_slice %arg9[%dma_wait3A_422, %dma_wait3A_423] : memref<16x128xi32, #tpu.memory_space<vmem>> -> memref<1x128xi32, #tpu.memory_space<vmem>>
      %dma_wait3A_425 = tpu.memref_squeeze %dma_wait3A_424 : memref<1x128xi32, #tpu.memory_space<vmem>> -> memref<128xi32, #tpu.memory_space<vmem>>
      %dma_wait3A_426 = arith.constant 0 : i32
      %dma_wait3A_427 = arith.constant 0 : i32
      %dma_wait3A_428 = tpu.memref_slice %arg4[%dma_wait3A_426, %dma_wait3A_427] : memref<50000x32xf32, #tpu.memory_space<hbm>> -> memref<50000x32xf32, #tpu.memory_space<hbm>>
      tpu.wait_indirect_dma semaphore(%arg15 : memref<!tpu.dma_semaphore, #tpu.memory_space<semaphore_mem>>) src(%dma_wait3A_428 : memref<50000x32xf32, #tpu.memory_space<hbm>>) dst(%arg12 : memref<128x32xf32, #tpu.memory_space<vmem>>)
      %dma_start3A_429 = arith.constant 7 : i32
      %dma_start3A_430 = arith.constant 0 : i32
      %dma_start3A_431 = tpu.memref_slice %arg10[%dma_start3A_429, %dma_start3A_430] : memref<16x128xi32, #tpu.memory_space<vmem>> -> memref<1x128xi32, #tpu.memory_space<vmem>>
      %dma_start3A_432 = tpu.memref_squeeze %dma_start3A_431 : memref<1x128xi32, #tpu.memory_space<vmem>> -> memref<128xi32, #tpu.memory_space<vmem>>
      %dma_start3A_433 = arith.constant 0 : i32
      %dma_start3A_434 = arith.constant 0 : i32
      %dma_start3A_435 = tpu.memref_slice %arg18[%dma_start3A_433, %dma_start3A_434] : memref<25600x32xf32, #tpu.memory_space<vmem_shared>> -> memref<25600x32xf32, #tpu.memory_space<vmem_shared>>
      tpu.enqueue_indirect_dma source(%arg12 : memref<128x32xf32, #tpu.memory_space<vmem>>) target(%dma_start3A_435 : memref<25600x32xf32, #tpu.memory_space<vmem_shared>>) offsets(%dma_start3A_432 : memref<128xi32, #tpu.memory_space<vmem>>) semaphore(%arg17 : memref<!tpu.dma_semaphore, #tpu.memory_space<semaphore_mem>>) {add = true}
      %dma_wait3A_436 = arith.constant 7 : i32
      %dma_wait3A_437 = arith.constant 0 : i32
      %dma_wait3A_438 = tpu.memref_slice %arg10[%dma_wait3A_436, %dma_wait3A_437] : memref<16x128xi32, #tpu.memory_space<vmem>> -> memref<1x128xi32, #tpu.memory_space<vmem>>
      %dma_wait3A_439 = tpu.memref_squeeze %dma_wait3A_438 : memref<1x128xi32, #tpu.memory_space<vmem>> -> memref<128xi32, #tpu.memory_space<vmem>>
      %dma_wait3A_440 = arith.constant 0 : i32
      %dma_wait3A_441 = arith.constant 0 : i32
      %dma_wait3A_442 = tpu.memref_slice %arg18[%dma_wait3A_440, %dma_wait3A_441] : memref<25600x32xf32, #tpu.memory_space<vmem_shared>> -> memref<25600x32xf32, #tpu.memory_space<vmem_shared>>
      tpu.wait_indirect_dma semaphore(%arg17 : memref<!tpu.dma_semaphore, #tpu.memory_space<semaphore_mem>>) src(%arg12 : memref<128x32xf32, #tpu.memory_space<vmem>>) dst(%dma_wait3A_442 : memref<25600x32xf32, #tpu.memory_space<vmem_shared>>)
      %dma_start3A_443 = arith.constant 9 : i32
      %dma_start3A_444 = arith.constant 0 : i32
      %dma_start3A_445 = tpu.memref_slice %arg9[%dma_start3A_443, %dma_start3A_444] : memref<16x128xi32, #tpu.memory_space<vmem>> -> memref<1x128xi32, #tpu.memory_space<vmem>>
      %dma_start3A_446 = tpu.memref_squeeze %dma_start3A_445 : memref<1x128xi32, #tpu.memory_space<vmem>> -> memref<128xi32, #tpu.memory_space<vmem>>
      %dma_start3A_447 = arith.constant 0 : i32
      %dma_start3A_448 = arith.constant 0 : i32
      %dma_start3A_449 = tpu.memref_slice %arg4[%dma_start3A_447, %dma_start3A_448] : memref<50000x32xf32, #tpu.memory_space<hbm>> -> memref<50000x32xf32, #tpu.memory_space<hbm>>
      tpu.enqueue_indirect_dma source(%dma_start3A_449 : memref<50000x32xf32, #tpu.memory_space<hbm>>) target(%arg12 : memref<128x32xf32, #tpu.memory_space<vmem>>) offsets(%dma_start3A_446 : memref<128xi32, #tpu.memory_space<vmem>>) semaphore(%arg15 : memref<!tpu.dma_semaphore, #tpu.memory_space<semaphore_mem>>)
      %dma_wait3A_450 = arith.constant 8 : i32
      %dma_wait3A_451 = arith.constant 0 : i32
      %dma_wait3A_452 = tpu.memref_slice %arg9[%dma_wait3A_450, %dma_wait3A_451] : memref<16x128xi32, #tpu.memory_space<vmem>> -> memref<1x128xi32, #tpu.memory_space<vmem>>
      %dma_wait3A_453 = tpu.memref_squeeze %dma_wait3A_452 : memref<1x128xi32, #tpu.memory_space<vmem>> -> memref<128xi32, #tpu.memory_space<vmem>>
      %dma_wait3A_454 = arith.constant 0 : i32
      %dma_wait3A_455 = arith.constant 0 : i32
      %dma_wait3A_456 = tpu.memref_slice %arg4[%dma_wait3A_454, %dma_wait3A_455] : memref<50000x32xf32, #tpu.memory_space<hbm>> -> memref<50000x32xf32, #tpu.memory_space<hbm>>
      tpu.wait_indirect_dma semaphore(%arg14 : memref<!tpu.dma_semaphore, #tpu.memory_space<semaphore_mem>>) src(%dma_wait3A_456 : memref<50000x32xf32, #tpu.memory_space<hbm>>) dst(%arg11 : memref<128x32xf32, #tpu.memory_space<vmem>>)
      %dma_start3A_457 = arith.constant 8 : i32
      %dma_start3A_458 = arith.constant 0 : i32
      %dma_start3A_459 = tpu.memref_slice %arg10[%dma_start3A_457, %dma_start3A_458] : memref<16x128xi32, #tpu.memory_space<vmem>> -> memref<1x128xi32, #tpu.memory_space<vmem>>
      %dma_start3A_460 = tpu.memref_squeeze %dma_start3A_459 : memref<1x128xi32, #tpu.memory_space<vmem>> -> memref<128xi32, #tpu.memory_space<vmem>>
      %dma_start3A_461 = arith.constant 0 : i32
      %dma_start3A_462 = arith.constant 0 : i32
      %dma_start3A_463 = tpu.memref_slice %arg18[%dma_start3A_461, %dma_start3A_462] : memref<25600x32xf32, #tpu.memory_space<vmem_shared>> -> memref<25600x32xf32, #tpu.memory_space<vmem_shared>>
      tpu.enqueue_indirect_dma source(%arg11 : memref<128x32xf32, #tpu.memory_space<vmem>>) target(%dma_start3A_463 : memref<25600x32xf32, #tpu.memory_space<vmem_shared>>) offsets(%dma_start3A_460 : memref<128xi32, #tpu.memory_space<vmem>>) semaphore(%arg16 : memref<!tpu.dma_semaphore, #tpu.memory_space<semaphore_mem>>) {add = true}
      %dma_wait3A_464 = arith.constant 8 : i32
      %dma_wait3A_465 = arith.constant 0 : i32
      %dma_wait3A_466 = tpu.memref_slice %arg10[%dma_wait3A_464, %dma_wait3A_465] : memref<16x128xi32, #tpu.memory_space<vmem>> -> memref<1x128xi32, #tpu.memory_space<vmem>>
      %dma_wait3A_467 = tpu.memref_squeeze %dma_wait3A_466 : memref<1x128xi32, #tpu.memory_space<vmem>> -> memref<128xi32, #tpu.memory_space<vmem>>
      %dma_wait3A_468 = arith.constant 0 : i32
      %dma_wait3A_469 = arith.constant 0 : i32
      %dma_wait3A_470 = tpu.memref_slice %arg18[%dma_wait3A_468, %dma_wait3A_469] : memref<25600x32xf32, #tpu.memory_space<vmem_shared>> -> memref<25600x32xf32, #tpu.memory_space<vmem_shared>>
      tpu.wait_indirect_dma semaphore(%arg16 : memref<!tpu.dma_semaphore, #tpu.memory_space<semaphore_mem>>) src(%arg11 : memref<128x32xf32, #tpu.memory_space<vmem>>) dst(%dma_wait3A_470 : memref<25600x32xf32, #tpu.memory_space<vmem_shared>>)
      %dma_start3A_471 = arith.constant 10 : i32
      %dma_start3A_472 = arith.constant 0 : i32
      %dma_start3A_473 = tpu.memref_slice %arg9[%dma_start3A_471, %dma_start3A_472] : memref<16x128xi32, #tpu.memory_space<vmem>> -> memref<1x128xi32, #tpu.memory_space<vmem>>
      %dma_start3A_474 = tpu.memref_squeeze %dma_start3A_473 : memref<1x128xi32, #tpu.memory_space<vmem>> -> memref<128xi32, #tpu.memory_space<vmem>>
      %dma_start3A_475 = arith.constant 0 : i32
      %dma_start3A_476 = arith.constant 0 : i32
      %dma_start3A_477 = tpu.memref_slice %arg4[%dma_start3A_475, %dma_start3A_476] : memref<50000x32xf32, #tpu.memory_space<hbm>> -> memref<50000x32xf32, #tpu.memory_space<hbm>>
      tpu.enqueue_indirect_dma source(%dma_start3A_477 : memref<50000x32xf32, #tpu.memory_space<hbm>>) target(%arg11 : memref<128x32xf32, #tpu.memory_space<vmem>>) offsets(%dma_start3A_474 : memref<128xi32, #tpu.memory_space<vmem>>) semaphore(%arg14 : memref<!tpu.dma_semaphore, #tpu.memory_space<semaphore_mem>>)
      %dma_wait3A_478 = arith.constant 9 : i32
      %dma_wait3A_479 = arith.constant 0 : i32
      %dma_wait3A_480 = tpu.memref_slice %arg9[%dma_wait3A_478, %dma_wait3A_479] : memref<16x128xi32, #tpu.memory_space<vmem>> -> memref<1x128xi32, #tpu.memory_space<vmem>>
      %dma_wait3A_481 = tpu.memref_squeeze %dma_wait3A_480 : memref<1x128xi32, #tpu.memory_space<vmem>> -> memref<128xi32, #tpu.memory_space<vmem>>
      %dma_wait3A_482 = arith.constant 0 : i32
      %dma_wait3A_483 = arith.constant 0 : i32
      %dma_wait3A_484 = tpu.memref_slice %arg4[%dma_wait3A_482, %dma_wait3A_483] : memref<50000x32xf32, #tpu.memory_space<hbm>> -> memref<50000x32xf32, #tpu.memory_space<hbm>>
      tpu.wait_indirect_dma semaphore(%arg15 : memref<!tpu.dma_semaphore, #tpu.memory_space<semaphore_mem>>) src(%dma_wait3A_484 : memref<50000x32xf32, #tpu.memory_space<hbm>>) dst(%arg12 : memref<128x32xf32, #tpu.memory_space<vmem>>)
      %dma_start3A_485 = arith.constant 9 : i32
      %dma_start3A_486 = arith.constant 0 : i32
      %dma_start3A_487 = tpu.memref_slice %arg10[%dma_start3A_485, %dma_start3A_486] : memref<16x128xi32, #tpu.memory_space<vmem>> -> memref<1x128xi32, #tpu.memory_space<vmem>>
      %dma_start3A_488 = tpu.memref_squeeze %dma_start3A_487 : memref<1x128xi32, #tpu.memory_space<vmem>> -> memref<128xi32, #tpu.memory_space<vmem>>
      %dma_start3A_489 = arith.constant 0 : i32
      %dma_start3A_490 = arith.constant 0 : i32
      %dma_start3A_491 = tpu.memref_slice %arg18[%dma_start3A_489, %dma_start3A_490] : memref<25600x32xf32, #tpu.memory_space<vmem_shared>> -> memref<25600x32xf32, #tpu.memory_space<vmem_shared>>
      tpu.enqueue_indirect_dma source(%arg12 : memref<128x32xf32, #tpu.memory_space<vmem>>) target(%dma_start3A_491 : memref<25600x32xf32, #tpu.memory_space<vmem_shared>>) offsets(%dma_start3A_488 : memref<128xi32, #tpu.memory_space<vmem>>) semaphore(%arg17 : memref<!tpu.dma_semaphore, #tpu.memory_space<semaphore_mem>>) {add = true}
      %dma_wait3A_492 = arith.constant 9 : i32
      %dma_wait3A_493 = arith.constant 0 : i32
      %dma_wait3A_494 = tpu.memref_slice %arg10[%dma_wait3A_492, %dma_wait3A_493] : memref<16x128xi32, #tpu.memory_space<vmem>> -> memref<1x128xi32, #tpu.memory_space<vmem>>
      %dma_wait3A_495 = tpu.memref_squeeze %dma_wait3A_494 : memref<1x128xi32, #tpu.memory_space<vmem>> -> memref<128xi32, #tpu.memory_space<vmem>>
      %dma_wait3A_496 = arith.constant 0 : i32
      %dma_wait3A_497 = arith.constant 0 : i32
      %dma_wait3A_498 = tpu.memref_slice %arg18[%dma_wait3A_496, %dma_wait3A_497] : memref<25600x32xf32, #tpu.memory_space<vmem_shared>> -> memref<25600x32xf32, #tpu.memory_space<vmem_shared>>
      tpu.wait_indirect_dma semaphore(%arg17 : memref<!tpu.dma_semaphore, #tpu.memory_space<semaphore_mem>>) src(%arg12 : memref<128x32xf32, #tpu.memory_space<vmem>>) dst(%dma_wait3A_498 : memref<25600x32xf32, #tpu.memory_space<vmem_shared>>)
      %dma_start3A_499 = arith.constant 11 : i32
      %dma_start3A_500 = arith.constant 0 : i32
      %dma_start3A_501 = tpu.memref_slice %arg9[%dma_start3A_499, %dma_start3A_500] : memref<16x128xi32, #tpu.memory_space<vmem>> -> memref<1x128xi32, #tpu.memory_space<vmem>>
      %dma_start3A_502 = tpu.memref_squeeze %dma_start3A_501 : memref<1x128xi32, #tpu.memory_space<vmem>> -> memref<128xi32, #tpu.memory_space<vmem>>
      %dma_start3A_503 = arith.constant 0 : i32
      %dma_start3A_504 = arith.constant 0 : i32
      %dma_start3A_505 = tpu.memref_slice %arg4[%dma_start3A_503, %dma_start3A_504] : memref<50000x32xf32, #tpu.memory_space<hbm>> -> memref<50000x32xf32, #tpu.memory_space<hbm>>
      tpu.enqueue_indirect_dma source(%dma_start3A_505 : memref<50000x32xf32, #tpu.memory_space<hbm>>) target(%arg12 : memref<128x32xf32, #tpu.memory_space<vmem>>) offsets(%dma_start3A_502 : memref<128xi32, #tpu.memory_space<vmem>>) semaphore(%arg15 : memref<!tpu.dma_semaphore, #tpu.memory_space<semaphore_mem>>)
      %dma_wait3A_506 = arith.constant 10 : i32
      %dma_wait3A_507 = arith.constant 0 : i32
      %dma_wait3A_508 = tpu.memref_slice %arg9[%dma_wait3A_506, %dma_wait3A_507] : memref<16x128xi32, #tpu.memory_space<vmem>> -> memref<1x128xi32, #tpu.memory_space<vmem>>
      %dma_wait3A_509 = tpu.memref_squeeze %dma_wait3A_508 : memref<1x128xi32, #tpu.memory_space<vmem>> -> memref<128xi32, #tpu.memory_space<vmem>>
      %dma_wait3A_510 = arith.constant 0 : i32
      %dma_wait3A_511 = arith.constant 0 : i32
      %dma_wait3A_512 = tpu.memref_slice %arg4[%dma_wait3A_510, %dma_wait3A_511] : memref<50000x32xf32, #tpu.memory_space<hbm>> -> memref<50000x32xf32, #tpu.memory_space<hbm>>
      tpu.wait_indirect_dma semaphore(%arg14 : memref<!tpu.dma_semaphore, #tpu.memory_space<semaphore_mem>>) src(%dma_wait3A_512 : memref<50000x32xf32, #tpu.memory_space<hbm>>) dst(%arg11 : memref<128x32xf32, #tpu.memory_space<vmem>>)
      %dma_start3A_513 = arith.constant 10 : i32
      %dma_start3A_514 = arith.constant 0 : i32
      %dma_start3A_515 = tpu.memref_slice %arg10[%dma_start3A_513, %dma_start3A_514] : memref<16x128xi32, #tpu.memory_space<vmem>> -> memref<1x128xi32, #tpu.memory_space<vmem>>
      %dma_start3A_516 = tpu.memref_squeeze %dma_start3A_515 : memref<1x128xi32, #tpu.memory_space<vmem>> -> memref<128xi32, #tpu.memory_space<vmem>>
      %dma_start3A_517 = arith.constant 0 : i32
      %dma_start3A_518 = arith.constant 0 : i32
      %dma_start3A_519 = tpu.memref_slice %arg18[%dma_start3A_517, %dma_start3A_518] : memref<25600x32xf32, #tpu.memory_space<vmem_shared>> -> memref<25600x32xf32, #tpu.memory_space<vmem_shared>>
      tpu.enqueue_indirect_dma source(%arg11 : memref<128x32xf32, #tpu.memory_space<vmem>>) target(%dma_start3A_519 : memref<25600x32xf32, #tpu.memory_space<vmem_shared>>) offsets(%dma_start3A_516 : memref<128xi32, #tpu.memory_space<vmem>>) semaphore(%arg16 : memref<!tpu.dma_semaphore, #tpu.memory_space<semaphore_mem>>) {add = true}
      %dma_wait3A_520 = arith.constant 10 : i32
      %dma_wait3A_521 = arith.constant 0 : i32
      %dma_wait3A_522 = tpu.memref_slice %arg10[%dma_wait3A_520, %dma_wait3A_521] : memref<16x128xi32, #tpu.memory_space<vmem>> -> memref<1x128xi32, #tpu.memory_space<vmem>>
      %dma_wait3A_523 = tpu.memref_squeeze %dma_wait3A_522 : memref<1x128xi32, #tpu.memory_space<vmem>> -> memref<128xi32, #tpu.memory_space<vmem>>
      %dma_wait3A_524 = arith.constant 0 : i32
      %dma_wait3A_525 = arith.constant 0 : i32
      %dma_wait3A_526 = tpu.memref_slice %arg18[%dma_wait3A_524, %dma_wait3A_525] : memref<25600x32xf32, #tpu.memory_space<vmem_shared>> -> memref<25600x32xf32, #tpu.memory_space<vmem_shared>>
      tpu.wait_indirect_dma semaphore(%arg16 : memref<!tpu.dma_semaphore, #tpu.memory_space<semaphore_mem>>) src(%arg11 : memref<128x32xf32, #tpu.memory_space<vmem>>) dst(%dma_wait3A_526 : memref<25600x32xf32, #tpu.memory_space<vmem_shared>>)
      %dma_start3A_527 = arith.constant 12 : i32
      %dma_start3A_528 = arith.constant 0 : i32
      %dma_start3A_529 = tpu.memref_slice %arg9[%dma_start3A_527, %dma_start3A_528] : memref<16x128xi32, #tpu.memory_space<vmem>> -> memref<1x128xi32, #tpu.memory_space<vmem>>
      %dma_start3A_530 = tpu.memref_squeeze %dma_start3A_529 : memref<1x128xi32, #tpu.memory_space<vmem>> -> memref<128xi32, #tpu.memory_space<vmem>>
      %dma_start3A_531 = arith.constant 0 : i32
      %dma_start3A_532 = arith.constant 0 : i32
      %dma_start3A_533 = tpu.memref_slice %arg4[%dma_start3A_531, %dma_start3A_532] : memref<50000x32xf32, #tpu.memory_space<hbm>> -> memref<50000x32xf32, #tpu.memory_space<hbm>>
      tpu.enqueue_indirect_dma source(%dma_start3A_533 : memref<50000x32xf32, #tpu.memory_space<hbm>>) target(%arg11 : memref<128x32xf32, #tpu.memory_space<vmem>>) offsets(%dma_start3A_530 : memref<128xi32, #tpu.memory_space<vmem>>) semaphore(%arg14 : memref<!tpu.dma_semaphore, #tpu.memory_space<semaphore_mem>>)
      %dma_wait3A_534 = arith.constant 11 : i32
      %dma_wait3A_535 = arith.constant 0 : i32
      %dma_wait3A_536 = tpu.memref_slice %arg9[%dma_wait3A_534, %dma_wait3A_535] : memref<16x128xi32, #tpu.memory_space<vmem>> -> memref<1x128xi32, #tpu.memory_space<vmem>>
      %dma_wait3A_537 = tpu.memref_squeeze %dma_wait3A_536 : memref<1x128xi32, #tpu.memory_space<vmem>> -> memref<128xi32, #tpu.memory_space<vmem>>
      %dma_wait3A_538 = arith.constant 0 : i32
      %dma_wait3A_539 = arith.constant 0 : i32
      %dma_wait3A_540 = tpu.memref_slice %arg4[%dma_wait3A_538, %dma_wait3A_539] : memref<50000x32xf32, #tpu.memory_space<hbm>> -> memref<50000x32xf32, #tpu.memory_space<hbm>>
      tpu.wait_indirect_dma semaphore(%arg15 : memref<!tpu.dma_semaphore, #tpu.memory_space<semaphore_mem>>) src(%dma_wait3A_540 : memref<50000x32xf32, #tpu.memory_space<hbm>>) dst(%arg12 : memref<128x32xf32, #tpu.memory_space<vmem>>)
      %dma_start3A_541 = arith.constant 11 : i32
      %dma_start3A_542 = arith.constant 0 : i32
      %dma_start3A_543 = tpu.memref_slice %arg10[%dma_start3A_541, %dma_start3A_542] : memref<16x128xi32, #tpu.memory_space<vmem>> -> memref<1x128xi32, #tpu.memory_space<vmem>>
      %dma_start3A_544 = tpu.memref_squeeze %dma_start3A_543 : memref<1x128xi32, #tpu.memory_space<vmem>> -> memref<128xi32, #tpu.memory_space<vmem>>
      %dma_start3A_545 = arith.constant 0 : i32
      %dma_start3A_546 = arith.constant 0 : i32
      %dma_start3A_547 = tpu.memref_slice %arg18[%dma_start3A_545, %dma_start3A_546] : memref<25600x32xf32, #tpu.memory_space<vmem_shared>> -> memref<25600x32xf32, #tpu.memory_space<vmem_shared>>
      tpu.enqueue_indirect_dma source(%arg12 : memref<128x32xf32, #tpu.memory_space<vmem>>) target(%dma_start3A_547 : memref<25600x32xf32, #tpu.memory_space<vmem_shared>>) offsets(%dma_start3A_544 : memref<128xi32, #tpu.memory_space<vmem>>) semaphore(%arg17 : memref<!tpu.dma_semaphore, #tpu.memory_space<semaphore_mem>>) {add = true}
      %dma_wait3A_548 = arith.constant 11 : i32
      %dma_wait3A_549 = arith.constant 0 : i32
      %dma_wait3A_550 = tpu.memref_slice %arg10[%dma_wait3A_548, %dma_wait3A_549] : memref<16x128xi32, #tpu.memory_space<vmem>> -> memref<1x128xi32, #tpu.memory_space<vmem>>
      %dma_wait3A_551 = tpu.memref_squeeze %dma_wait3A_550 : memref<1x128xi32, #tpu.memory_space<vmem>> -> memref<128xi32, #tpu.memory_space<vmem>>
      %dma_wait3A_552 = arith.constant 0 : i32
      %dma_wait3A_553 = arith.constant 0 : i32
      %dma_wait3A_554 = tpu.memref_slice %arg18[%dma_wait3A_552, %dma_wait3A_553] : memref<25600x32xf32, #tpu.memory_space<vmem_shared>> -> memref<25600x32xf32, #tpu.memory_space<vmem_shared>>
      tpu.wait_indirect_dma semaphore(%arg17 : memref<!tpu.dma_semaphore, #tpu.memory_space<semaphore_mem>>) src(%arg12 : memref<128x32xf32, #tpu.memory_space<vmem>>) dst(%dma_wait3A_554 : memref<25600x32xf32, #tpu.memory_space<vmem_shared>>)
      %dma_start3A_555 = arith.constant 13 : i32
      %dma_start3A_556 = arith.constant 0 : i32
      %dma_start3A_557 = tpu.memref_slice %arg9[%dma_start3A_555, %dma_start3A_556] : memref<16x128xi32, #tpu.memory_space<vmem>> -> memref<1x128xi32, #tpu.memory_space<vmem>>
      %dma_start3A_558 = tpu.memref_squeeze %dma_start3A_557 : memref<1x128xi32, #tpu.memory_space<vmem>> -> memref<128xi32, #tpu.memory_space<vmem>>
      %dma_start3A_559 = arith.constant 0 : i32
      %dma_start3A_560 = arith.constant 0 : i32
      %dma_start3A_561 = tpu.memref_slice %arg4[%dma_start3A_559, %dma_start3A_560] : memref<50000x32xf32, #tpu.memory_space<hbm>> -> memref<50000x32xf32, #tpu.memory_space<hbm>>
      tpu.enqueue_indirect_dma source(%dma_start3A_561 : memref<50000x32xf32, #tpu.memory_space<hbm>>) target(%arg12 : memref<128x32xf32, #tpu.memory_space<vmem>>) offsets(%dma_start3A_558 : memref<128xi32, #tpu.memory_space<vmem>>) semaphore(%arg15 : memref<!tpu.dma_semaphore, #tpu.memory_space<semaphore_mem>>)
      %dma_wait3A_562 = arith.constant 12 : i32
      %dma_wait3A_563 = arith.constant 0 : i32
      %dma_wait3A_564 = tpu.memref_slice %arg9[%dma_wait3A_562, %dma_wait3A_563] : memref<16x128xi32, #tpu.memory_space<vmem>> -> memref<1x128xi32, #tpu.memory_space<vmem>>
      %dma_wait3A_565 = tpu.memref_squeeze %dma_wait3A_564 : memref<1x128xi32, #tpu.memory_space<vmem>> -> memref<128xi32, #tpu.memory_space<vmem>>
      %dma_wait3A_566 = arith.constant 0 : i32
      %dma_wait3A_567 = arith.constant 0 : i32
      %dma_wait3A_568 = tpu.memref_slice %arg4[%dma_wait3A_566, %dma_wait3A_567] : memref<50000x32xf32, #tpu.memory_space<hbm>> -> memref<50000x32xf32, #tpu.memory_space<hbm>>
      tpu.wait_indirect_dma semaphore(%arg14 : memref<!tpu.dma_semaphore, #tpu.memory_space<semaphore_mem>>) src(%dma_wait3A_568 : memref<50000x32xf32, #tpu.memory_space<hbm>>) dst(%arg11 : memref<128x32xf32, #tpu.memory_space<vmem>>)
      %dma_start3A_569 = arith.constant 12 : i32
      %dma_start3A_570 = arith.constant 0 : i32
      %dma_start3A_571 = tpu.memref_slice %arg10[%dma_start3A_569, %dma_start3A_570] : memref<16x128xi32, #tpu.memory_space<vmem>> -> memref<1x128xi32, #tpu.memory_space<vmem>>
      %dma_start3A_572 = tpu.memref_squeeze %dma_start3A_571 : memref<1x128xi32, #tpu.memory_space<vmem>> -> memref<128xi32, #tpu.memory_space<vmem>>
      %dma_start3A_573 = arith.constant 0 : i32
      %dma_start3A_574 = arith.constant 0 : i32
      %dma_start3A_575 = tpu.memref_slice %arg18[%dma_start3A_573, %dma_start3A_574] : memref<25600x32xf32, #tpu.memory_space<vmem_shared>> -> memref<25600x32xf32, #tpu.memory_space<vmem_shared>>
      tpu.enqueue_indirect_dma source(%arg11 : memref<128x32xf32, #tpu.memory_space<vmem>>) target(%dma_start3A_575 : memref<25600x32xf32, #tpu.memory_space<vmem_shared>>) offsets(%dma_start3A_572 : memref<128xi32, #tpu.memory_space<vmem>>) semaphore(%arg16 : memref<!tpu.dma_semaphore, #tpu.memory_space<semaphore_mem>>) {add = true}
      %dma_wait3A_576 = arith.constant 12 : i32
      %dma_wait3A_577 = arith.constant 0 : i32
      %dma_wait3A_578 = tpu.memref_slice %arg10[%dma_wait3A_576, %dma_wait3A_577] : memref<16x128xi32, #tpu.memory_space<vmem>> -> memref<1x128xi32, #tpu.memory_space<vmem>>
      %dma_wait3A_579 = tpu.memref_squeeze %dma_wait3A_578 : memref<1x128xi32, #tpu.memory_space<vmem>> -> memref<128xi32, #tpu.memory_space<vmem>>
      %dma_wait3A_580 = arith.constant 0 : i32
      %dma_wait3A_581 = arith.constant 0 : i32
      %dma_wait3A_582 = tpu.memref_slice %arg18[%dma_wait3A_580, %dma_wait3A_581] : memref<25600x32xf32, #tpu.memory_space<vmem_shared>> -> memref<25600x32xf32, #tpu.memory_space<vmem_shared>>
      tpu.wait_indirect_dma semaphore(%arg16 : memref<!tpu.dma_semaphore, #tpu.memory_space<semaphore_mem>>) src(%arg11 : memref<128x32xf32, #tpu.memory_space<vmem>>) dst(%dma_wait3A_582 : memref<25600x32xf32, #tpu.memory_space<vmem_shared>>)
      %dma_start3A_583 = arith.constant 14 : i32
      %dma_start3A_584 = arith.constant 0 : i32
      %dma_start3A_585 = tpu.memref_slice %arg9[%dma_start3A_583, %dma_start3A_584] : memref<16x128xi32, #tpu.memory_space<vmem>> -> memref<1x128xi32, #tpu.memory_space<vmem>>
      %dma_start3A_586 = tpu.memref_squeeze %dma_start3A_585 : memref<1x128xi32, #tpu.memory_space<vmem>> -> memref<128xi32, #tpu.memory_space<vmem>>
      %dma_start3A_587 = arith.constant 0 : i32
      %dma_start3A_588 = arith.constant 0 : i32
      %dma_start3A_589 = tpu.memref_slice %arg4[%dma_start3A_587, %dma_start3A_588] : memref<50000x32xf32, #tpu.memory_space<hbm>> -> memref<50000x32xf32, #tpu.memory_space<hbm>>
      tpu.enqueue_indirect_dma source(%dma_start3A_589 : memref<50000x32xf32, #tpu.memory_space<hbm>>) target(%arg11 : memref<128x32xf32, #tpu.memory_space<vmem>>) offsets(%dma_start3A_586 : memref<128xi32, #tpu.memory_space<vmem>>) semaphore(%arg14 : memref<!tpu.dma_semaphore, #tpu.memory_space<semaphore_mem>>)
      %dma_wait3A_590 = arith.constant 13 : i32
      %dma_wait3A_591 = arith.constant 0 : i32
      %dma_wait3A_592 = tpu.memref_slice %arg9[%dma_wait3A_590, %dma_wait3A_591] : memref<16x128xi32, #tpu.memory_space<vmem>> -> memref<1x128xi32, #tpu.memory_space<vmem>>
      %dma_wait3A_593 = tpu.memref_squeeze %dma_wait3A_592 : memref<1x128xi32, #tpu.memory_space<vmem>> -> memref<128xi32, #tpu.memory_space<vmem>>
      %dma_wait3A_594 = arith.constant 0 : i32
      %dma_wait3A_595 = arith.constant 0 : i32
      %dma_wait3A_596 = tpu.memref_slice %arg4[%dma_wait3A_594, %dma_wait3A_595] : memref<50000x32xf32, #tpu.memory_space<hbm>> -> memref<50000x32xf32, #tpu.memory_space<hbm>>
      tpu.wait_indirect_dma semaphore(%arg15 : memref<!tpu.dma_semaphore, #tpu.memory_space<semaphore_mem>>) src(%dma_wait3A_596 : memref<50000x32xf32, #tpu.memory_space<hbm>>) dst(%arg12 : memref<128x32xf32, #tpu.memory_space<vmem>>)
      %dma_start3A_597 = arith.constant 13 : i32
      %dma_start3A_598 = arith.constant 0 : i32
      %dma_start3A_599 = tpu.memref_slice %arg10[%dma_start3A_597, %dma_start3A_598] : memref<16x128xi32, #tpu.memory_space<vmem>> -> memref<1x128xi32, #tpu.memory_space<vmem>>
      %dma_start3A_600 = tpu.memref_squeeze %dma_start3A_599 : memref<1x128xi32, #tpu.memory_space<vmem>> -> memref<128xi32, #tpu.memory_space<vmem>>
      %dma_start3A_601 = arith.constant 0 : i32
      %dma_start3A_602 = arith.constant 0 : i32
      %dma_start3A_603 = tpu.memref_slice %arg18[%dma_start3A_601, %dma_start3A_602] : memref<25600x32xf32, #tpu.memory_space<vmem_shared>> -> memref<25600x32xf32, #tpu.memory_space<vmem_shared>>
      tpu.enqueue_indirect_dma source(%arg12 : memref<128x32xf32, #tpu.memory_space<vmem>>) target(%dma_start3A_603 : memref<25600x32xf32, #tpu.memory_space<vmem_shared>>) offsets(%dma_start3A_600 : memref<128xi32, #tpu.memory_space<vmem>>) semaphore(%arg17 : memref<!tpu.dma_semaphore, #tpu.memory_space<semaphore_mem>>) {add = true}
      %dma_wait3A_604 = arith.constant 13 : i32
      %dma_wait3A_605 = arith.constant 0 : i32
      %dma_wait3A_606 = tpu.memref_slice %arg10[%dma_wait3A_604, %dma_wait3A_605] : memref<16x128xi32, #tpu.memory_space<vmem>> -> memref<1x128xi32, #tpu.memory_space<vmem>>
      %dma_wait3A_607 = tpu.memref_squeeze %dma_wait3A_606 : memref<1x128xi32, #tpu.memory_space<vmem>> -> memref<128xi32, #tpu.memory_space<vmem>>
      %dma_wait3A_608 = arith.constant 0 : i32
      %dma_wait3A_609 = arith.constant 0 : i32
      %dma_wait3A_610 = tpu.memref_slice %arg18[%dma_wait3A_608, %dma_wait3A_609] : memref<25600x32xf32, #tpu.memory_space<vmem_shared>> -> memref<25600x32xf32, #tpu.memory_space<vmem_shared>>
      tpu.wait_indirect_dma semaphore(%arg17 : memref<!tpu.dma_semaphore, #tpu.memory_space<semaphore_mem>>) src(%arg12 : memref<128x32xf32, #tpu.memory_space<vmem>>) dst(%dma_wait3A_610 : memref<25600x32xf32, #tpu.memory_space<vmem_shared>>)
      %dma_start3A_611 = arith.constant 15 : i32
      %dma_start3A_612 = arith.constant 0 : i32
      %dma_start3A_613 = tpu.memref_slice %arg9[%dma_start3A_611, %dma_start3A_612] : memref<16x128xi32, #tpu.memory_space<vmem>> -> memref<1x128xi32, #tpu.memory_space<vmem>>
      %dma_start3A_614 = tpu.memref_squeeze %dma_start3A_613 : memref<1x128xi32, #tpu.memory_space<vmem>> -> memref<128xi32, #tpu.memory_space<vmem>>
      %dma_start3A_615 = arith.constant 0 : i32
      %dma_start3A_616 = arith.constant 0 : i32
      %dma_start3A_617 = tpu.memref_slice %arg4[%dma_start3A_615, %dma_start3A_616] : memref<50000x32xf32, #tpu.memory_space<hbm>> -> memref<50000x32xf32, #tpu.memory_space<hbm>>
      tpu.enqueue_indirect_dma source(%dma_start3A_617 : memref<50000x32xf32, #tpu.memory_space<hbm>>) target(%arg12 : memref<128x32xf32, #tpu.memory_space<vmem>>) offsets(%dma_start3A_614 : memref<128xi32, #tpu.memory_space<vmem>>) semaphore(%arg15 : memref<!tpu.dma_semaphore, #tpu.memory_space<semaphore_mem>>)
      %dma_wait3A_618 = arith.constant 14 : i32
      %dma_wait3A_619 = arith.constant 0 : i32
      %dma_wait3A_620 = tpu.memref_slice %arg9[%dma_wait3A_618, %dma_wait3A_619] : memref<16x128xi32, #tpu.memory_space<vmem>> -> memref<1x128xi32, #tpu.memory_space<vmem>>
      %dma_wait3A_621 = tpu.memref_squeeze %dma_wait3A_620 : memref<1x128xi32, #tpu.memory_space<vmem>> -> memref<128xi32, #tpu.memory_space<vmem>>
      %dma_wait3A_622 = arith.constant 0 : i32
      %dma_wait3A_623 = arith.constant 0 : i32
      %dma_wait3A_624 = tpu.memref_slice %arg4[%dma_wait3A_622, %dma_wait3A_623] : memref<50000x32xf32, #tpu.memory_space<hbm>> -> memref<50000x32xf32, #tpu.memory_space<hbm>>
      tpu.wait_indirect_dma semaphore(%arg14 : memref<!tpu.dma_semaphore, #tpu.memory_space<semaphore_mem>>) src(%dma_wait3A_624 : memref<50000x32xf32, #tpu.memory_space<hbm>>) dst(%arg11 : memref<128x32xf32, #tpu.memory_space<vmem>>)
      %dma_start3A_625 = arith.constant 14 : i32
      %dma_start3A_626 = arith.constant 0 : i32
      %dma_start3A_627 = tpu.memref_slice %arg10[%dma_start3A_625, %dma_start3A_626] : memref<16x128xi32, #tpu.memory_space<vmem>> -> memref<1x128xi32, #tpu.memory_space<vmem>>
      %dma_start3A_628 = tpu.memref_squeeze %dma_start3A_627 : memref<1x128xi32, #tpu.memory_space<vmem>> -> memref<128xi32, #tpu.memory_space<vmem>>
      %dma_start3A_629 = arith.constant 0 : i32
      %dma_start3A_630 = arith.constant 0 : i32
      %dma_start3A_631 = tpu.memref_slice %arg18[%dma_start3A_629, %dma_start3A_630] : memref<25600x32xf32, #tpu.memory_space<vmem_shared>> -> memref<25600x32xf32, #tpu.memory_space<vmem_shared>>
      tpu.enqueue_indirect_dma source(%arg11 : memref<128x32xf32, #tpu.memory_space<vmem>>) target(%dma_start3A_631 : memref<25600x32xf32, #tpu.memory_space<vmem_shared>>) offsets(%dma_start3A_628 : memref<128xi32, #tpu.memory_space<vmem>>) semaphore(%arg16 : memref<!tpu.dma_semaphore, #tpu.memory_space<semaphore_mem>>) {add = true}
      %dma_wait3A_632 = arith.constant 15 : i32
      %dma_wait3A_633 = arith.constant 0 : i32
      %dma_wait3A_634 = tpu.memref_slice %arg9[%dma_wait3A_632, %dma_wait3A_633] : memref<16x128xi32, #tpu.memory_space<vmem>> -> memref<1x128xi32, #tpu.memory_space<vmem>>
      %dma_wait3A_635 = tpu.memref_squeeze %dma_wait3A_634 : memref<1x128xi32, #tpu.memory_space<vmem>> -> memref<128xi32, #tpu.memory_space<vmem>>
      %dma_wait3A_636 = arith.constant 0 : i32
      %dma_wait3A_637 = arith.constant 0 : i32
      %dma_wait3A_638 = tpu.memref_slice %arg4[%dma_wait3A_636, %dma_wait3A_637] : memref<50000x32xf32, #tpu.memory_space<hbm>> -> memref<50000x32xf32, #tpu.memory_space<hbm>>
      tpu.wait_indirect_dma semaphore(%arg15 : memref<!tpu.dma_semaphore, #tpu.memory_space<semaphore_mem>>) src(%dma_wait3A_638 : memref<50000x32xf32, #tpu.memory_space<hbm>>) dst(%arg12 : memref<128x32xf32, #tpu.memory_space<vmem>>)
      %dma_start3A_639 = arith.constant 15 : i32
      %dma_start3A_640 = arith.constant 0 : i32
      %dma_start3A_641 = tpu.memref_slice %arg10[%dma_start3A_639, %dma_start3A_640] : memref<16x128xi32, #tpu.memory_space<vmem>> -> memref<1x128xi32, #tpu.memory_space<vmem>>
      %dma_start3A_642 = tpu.memref_squeeze %dma_start3A_641 : memref<1x128xi32, #tpu.memory_space<vmem>> -> memref<128xi32, #tpu.memory_space<vmem>>
      %dma_start3A_643 = arith.constant 0 : i32
      %dma_start3A_644 = arith.constant 0 : i32
      %dma_start3A_645 = tpu.memref_slice %arg18[%dma_start3A_643, %dma_start3A_644] : memref<25600x32xf32, #tpu.memory_space<vmem_shared>> -> memref<25600x32xf32, #tpu.memory_space<vmem_shared>>
      tpu.enqueue_indirect_dma source(%arg12 : memref<128x32xf32, #tpu.memory_space<vmem>>) target(%dma_start3A_645 : memref<25600x32xf32, #tpu.memory_space<vmem_shared>>) offsets(%dma_start3A_642 : memref<128xi32, #tpu.memory_space<vmem>>) semaphore(%arg17 : memref<!tpu.dma_semaphore, #tpu.memory_space<semaphore_mem>>) {add = true}
      %dma_wait3A_646 = arith.constant 14 : i32
      %dma_wait3A_647 = arith.constant 0 : i32
      %dma_wait3A_648 = tpu.memref_slice %arg10[%dma_wait3A_646, %dma_wait3A_647] : memref<16x128xi32, #tpu.memory_space<vmem>> -> memref<1x128xi32, #tpu.memory_space<vmem>>
      %dma_wait3A_649 = tpu.memref_squeeze %dma_wait3A_648 : memref<1x128xi32, #tpu.memory_space<vmem>> -> memref<128xi32, #tpu.memory_space<vmem>>
      %dma_wait3A_650 = arith.constant 0 : i32
      %dma_wait3A_651 = arith.constant 0 : i32
      %dma_wait3A_652 = tpu.memref_slice %arg18[%dma_wait3A_650, %dma_wait3A_651] : memref<25600x32xf32, #tpu.memory_space<vmem_shared>> -> memref<25600x32xf32, #tpu.memory_space<vmem_shared>>
      tpu.wait_indirect_dma semaphore(%arg16 : memref<!tpu.dma_semaphore, #tpu.memory_space<semaphore_mem>>) src(%arg11 : memref<128x32xf32, #tpu.memory_space<vmem>>) dst(%dma_wait3A_652 : memref<25600x32xf32, #tpu.memory_space<vmem_shared>>)
      %dma_wait3A_653 = arith.constant 15 : i32
      %dma_wait3A_654 = arith.constant 0 : i32
      %dma_wait3A_655 = tpu.memref_slice %arg10[%dma_wait3A_653, %dma_wait3A_654] : memref<16x128xi32, #tpu.memory_space<vmem>> -> memref<1x128xi32, #tpu.memory_space<vmem>>
      %dma_wait3A_656 = tpu.memref_squeeze %dma_wait3A_655 : memref<1x128xi32, #tpu.memory_space<vmem>> -> memref<128xi32, #tpu.memory_space<vmem>>
      %dma_wait3A_657 = arith.constant 0 : i32
      %dma_wait3A_658 = arith.constant 0 : i32
      %dma_wait3A_659 = tpu.memref_slice %arg18[%dma_wait3A_657, %dma_wait3A_658] : memref<25600x32xf32, #tpu.memory_space<vmem_shared>> -> memref<25600x32xf32, #tpu.memory_space<vmem_shared>>
      tpu.wait_indirect_dma semaphore(%arg17 : memref<!tpu.dma_semaphore, #tpu.memory_space<semaphore_mem>>) src(%arg12 : memref<128x32xf32, #tpu.memory_space<vmem>>) dst(%dma_wait3A_659 : memref<25600x32xf32, #tpu.memory_space<vmem_shared>>)
      %scan3A_660 = arith.constant 0 : i32
      scf.yield %scan3A_660 : i32
    }
    %scan3A_25 = arith.constant 26 : i32
    %barrier3A_26 = arith.constant 0 : index
    tpu.barrier barrier_id(%barrier3A_26)
    %mul3A_27 = arith.constant 2 : i32
    %mul3A_28 = arith.muli %arg0, %mul3A_27 : i32
    %add3A_29 = arith.constant 0 : i32
    %add3A_30 = arith.addi %mul3A_28, %add3A_29 : i32
    %mul3A_31 = arith.constant 25600 : i32
    %mul3A_32 = arith.muli %add3A_30, %mul3A_31 : i32
    %add3A_33 = arith.addi %mul3A_32, %mul3A_5 : i32
    %add3A_34 = arith.constant 0 : i32
    %add3A_35 = arith.addi %mul3A_5, %add3A_34 : i32
    "tpu.region"() ({
      %run_scoped3A = tpu.sem_alloc : memref<!tpu.dma_semaphore, #tpu.memory_space<semaphore_mem>>
      %dma_start3A = arith.constant 0 : i32
      %dma_start3A_97 = tpu.memref_slice %arg18[%add3A_35, %dma_start3A] : memref<25600x32xf32, #tpu.memory_space<vmem_shared>> -> memref<400x32xf32, #tpu.memory_space<vmem_shared>>
      %dma_start3A_98 = arith.constant 0 : i32
      %dma_start3A_99 = tpu.memref_slice %arg18[%add3A_35, %dma_start3A_98] : memref<25600x32xf32, #tpu.memory_space<vmem_shared>> -> memref<400x32xf32, #tpu.memory_space<vmem_shared>>
      tpu.enqueue_dma source(%dma_start3A_99 : memref<400x32xf32, #tpu.memory_space<vmem_shared>>) target(%arg13 : memref<400x32xf32, #tpu.memory_space<vmem>>) target_semaphore(%run_scoped3A : memref<!tpu.dma_semaphore, #tpu.memory_space<semaphore_mem>>)
      %dma_wait3A = arith.constant 0 : i32
      %dma_wait3A_100 = tpu.memref_slice %arg18[%add3A_35, %dma_wait3A] : memref<25600x32xf32, #tpu.memory_space<vmem_shared>> -> memref<400x32xf32, #tpu.memory_space<vmem_shared>>
      %dma_wait3A_101 = arith.constant 0 : i32
      %dma_wait3A_102 = tpu.memref_slice %arg18[%add3A_35, %dma_wait3A_101] : memref<25600x32xf32, #tpu.memory_space<vmem_shared>> -> memref<400x32xf32, #tpu.memory_space<vmem_shared>>
      tpu.wait_dma2 semaphore(%run_scoped3A : memref<!tpu.dma_semaphore, #tpu.memory_space<semaphore_mem>>) src(%dma_wait3A_102 : memref<400x32xf32, #tpu.memory_space<vmem_shared>>) dst(%arg13 : memref<400x32xf32, #tpu.memory_space<vmem>>)
      tpu.yield
    }) : () -> ()
    %add3A_36 = arith.constant 0 : i32
    %add3A_37 = arith.addi %add3A_33, %add3A_36 : i32
    "tpu.region"() ({
      %run_scoped3A = tpu.sem_alloc : memref<!tpu.dma_semaphore, #tpu.memory_space<semaphore_mem>>
      %dma_start3A = arith.constant 0 : i32
      %dma_start3A_97 = tpu.memref_slice %arg6[%add3A_37, %dma_start3A] : memref<102400x32xf32, #tpu.memory_space<hbm>> -> memref<400x32xf32, #tpu.memory_space<hbm>>
      %dma_start3A_98 = arith.constant 0 : i32
      %dma_start3A_99 = tpu.memref_slice %arg6[%add3A_37, %dma_start3A_98] : memref<102400x32xf32, #tpu.memory_space<hbm>> -> memref<400x32xf32, #tpu.memory_space<hbm>>
      tpu.enqueue_dma source(%arg13 : memref<400x32xf32, #tpu.memory_space<vmem>>) target(%dma_start3A_99 : memref<400x32xf32, #tpu.memory_space<hbm>>) target_semaphore(%run_scoped3A : memref<!tpu.dma_semaphore, #tpu.memory_space<semaphore_mem>>)
      %dma_wait3A = arith.constant 0 : i32
      %dma_wait3A_100 = tpu.memref_slice %arg6[%add3A_37, %dma_wait3A] : memref<102400x32xf32, #tpu.memory_space<hbm>> -> memref<400x32xf32, #tpu.memory_space<hbm>>
      %dma_wait3A_101 = arith.constant 0 : i32
      %dma_wait3A_102 = tpu.memref_slice %arg6[%add3A_37, %dma_wait3A_101] : memref<102400x32xf32, #tpu.memory_space<hbm>> -> memref<400x32xf32, #tpu.memory_space<hbm>>
      tpu.wait_dma2 semaphore(%run_scoped3A : memref<!tpu.dma_semaphore, #tpu.memory_space<semaphore_mem>>) src(%arg13 : memref<400x32xf32, #tpu.memory_space<vmem>>) dst(%dma_wait3A_102 : memref<400x32xf32, #tpu.memory_space<hbm>>)
      tpu.yield
    }) : () -> ()
    %add3A_38 = arith.constant 400 : i32
    %add3A_39 = arith.addi %mul3A_5, %add3A_38 : i32
    "tpu.region"() ({
      %run_scoped3A = tpu.sem_alloc : memref<!tpu.dma_semaphore, #tpu.memory_space<semaphore_mem>>
      %dma_start3A = arith.constant 0 : i32
      %dma_start3A_97 = tpu.memref_slice %arg18[%add3A_39, %dma_start3A] : memref<25600x32xf32, #tpu.memory_space<vmem_shared>> -> memref<400x32xf32, #tpu.memory_space<vmem_shared>>
      %dma_start3A_98 = arith.constant 0 : i32
      %dma_start3A_99 = tpu.memref_slice %arg18[%add3A_39, %dma_start3A_98] : memref<25600x32xf32, #tpu.memory_space<vmem_shared>> -> memref<400x32xf32, #tpu.memory_space<vmem_shared>>
      tpu.enqueue_dma source(%dma_start3A_99 : memref<400x32xf32, #tpu.memory_space<vmem_shared>>) target(%arg13 : memref<400x32xf32, #tpu.memory_space<vmem>>) target_semaphore(%run_scoped3A : memref<!tpu.dma_semaphore, #tpu.memory_space<semaphore_mem>>)
      %dma_wait3A = arith.constant 0 : i32
      %dma_wait3A_100 = tpu.memref_slice %arg18[%add3A_39, %dma_wait3A] : memref<25600x32xf32, #tpu.memory_space<vmem_shared>> -> memref<400x32xf32, #tpu.memory_space<vmem_shared>>
      %dma_wait3A_101 = arith.constant 0 : i32
      %dma_wait3A_102 = tpu.memref_slice %arg18[%add3A_39, %dma_wait3A_101] : memref<25600x32xf32, #tpu.memory_space<vmem_shared>> -> memref<400x32xf32, #tpu.memory_space<vmem_shared>>
      tpu.wait_dma2 semaphore(%run_scoped3A : memref<!tpu.dma_semaphore, #tpu.memory_space<semaphore_mem>>) src(%dma_wait3A_102 : memref<400x32xf32, #tpu.memory_space<vmem_shared>>) dst(%arg13 : memref<400x32xf32, #tpu.memory_space<vmem>>)
      tpu.yield
    }) : () -> ()
    %add3A_40 = arith.constant 400 : i32
    %add3A_41 = arith.addi %add3A_33, %add3A_40 : i32
    "tpu.region"() ({
      %run_scoped3A = tpu.sem_alloc : memref<!tpu.dma_semaphore, #tpu.memory_space<semaphore_mem>>
      %dma_start3A = arith.constant 0 : i32
      %dma_start3A_97 = tpu.memref_slice %arg6[%add3A_41, %dma_start3A] : memref<102400x32xf32, #tpu.memory_space<hbm>> -> memref<400x32xf32, #tpu.memory_space<hbm>>
      %dma_start3A_98 = arith.constant 0 : i32
      %dma_start3A_99 = tpu.memref_slice %arg6[%add3A_41, %dma_start3A_98] : memref<102400x32xf32, #tpu.memory_space<hbm>> -> memref<400x32xf32, #tpu.memory_space<hbm>>
      tpu.enqueue_dma source(%arg13 : memref<400x32xf32, #tpu.memory_space<vmem>>) target(%dma_start3A_99 : memref<400x32xf32, #tpu.memory_space<hbm>>) target_semaphore(%run_scoped3A : memref<!tpu.dma_semaphore, #tpu.memory_space<semaphore_mem>>)
      %dma_wait3A = arith.constant 0 : i32
      %dma_wait3A_100 = tpu.memref_slice %arg6[%add3A_41, %dma_wait3A] : memref<102400x32xf32, #tpu.memory_space<hbm>> -> memref<400x32xf32, #tpu.memory_space<hbm>>
      %dma_wait3A_101 = arith.constant 0 : i32
      %dma_wait3A_102 = tpu.memref_slice %arg6[%add3A_41, %dma_wait3A_101] : memref<102400x32xf32, #tpu.memory_space<hbm>> -> memref<400x32xf32, #tpu.memory_space<hbm>>
      tpu.wait_dma2 semaphore(%run_scoped3A : memref<!tpu.dma_semaphore, #tpu.memory_space<semaphore_mem>>) src(%arg13 : memref<400x32xf32, #tpu.memory_space<vmem>>) dst(%dma_wait3A_102 : memref<400x32xf32, #tpu.memory_space<hbm>>)
      tpu.yield
    }) : () -> ()
    %add3A_42 = arith.constant 800 : i32
    %add3A_43 = arith.addi %mul3A_5, %add3A_42 : i32
    "tpu.region"() ({
      %run_scoped3A = tpu.sem_alloc : memref<!tpu.dma_semaphore, #tpu.memory_space<semaphore_mem>>
      %dma_start3A = arith.constant 0 : i32
      %dma_start3A_97 = tpu.memref_slice %arg18[%add3A_43, %dma_start3A] : memref<25600x32xf32, #tpu.memory_space<vmem_shared>> -> memref<400x32xf32, #tpu.memory_space<vmem_shared>>
      %dma_start3A_98 = arith.constant 0 : i32
      %dma_start3A_99 = tpu.memref_slice %arg18[%add3A_43, %dma_start3A_98] : memref<25600x32xf32, #tpu.memory_space<vmem_shared>> -> memref<400x32xf32, #tpu.memory_space<vmem_shared>>
      tpu.enqueue_dma source(%dma_start3A_99 : memref<400x32xf32, #tpu.memory_space<vmem_shared>>) target(%arg13 : memref<400x32xf32, #tpu.memory_space<vmem>>) target_semaphore(%run_scoped3A : memref<!tpu.dma_semaphore, #tpu.memory_space<semaphore_mem>>)
      %dma_wait3A = arith.constant 0 : i32
      %dma_wait3A_100 = tpu.memref_slice %arg18[%add3A_43, %dma_wait3A] : memref<25600x32xf32, #tpu.memory_space<vmem_shared>> -> memref<400x32xf32, #tpu.memory_space<vmem_shared>>
      %dma_wait3A_101 = arith.constant 0 : i32
      %dma_wait3A_102 = tpu.memref_slice %arg18[%add3A_43, %dma_wait3A_101] : memref<25600x32xf32, #tpu.memory_space<vmem_shared>> -> memref<400x32xf32, #tpu.memory_space<vmem_shared>>
      tpu.wait_dma2 semaphore(%run_scoped3A : memref<!tpu.dma_semaphore, #tpu.memory_space<semaphore_mem>>) src(%dma_wait3A_102 : memref<400x32xf32, #tpu.memory_space<vmem_shared>>) dst(%arg13 : memref<400x32xf32, #tpu.memory_space<vmem>>)
      tpu.yield
    }) : () -> ()
    %add3A_44 = arith.constant 800 : i32
    %add3A_45 = arith.addi %add3A_33, %add3A_44 : i32
    "tpu.region"() ({
      %run_scoped3A = tpu.sem_alloc : memref<!tpu.dma_semaphore, #tpu.memory_space<semaphore_mem>>
      %dma_start3A = arith.constant 0 : i32
      %dma_start3A_97 = tpu.memref_slice %arg6[%add3A_45, %dma_start3A] : memref<102400x32xf32, #tpu.memory_space<hbm>> -> memref<400x32xf32, #tpu.memory_space<hbm>>
      %dma_start3A_98 = arith.constant 0 : i32
      %dma_start3A_99 = tpu.memref_slice %arg6[%add3A_45, %dma_start3A_98] : memref<102400x32xf32, #tpu.memory_space<hbm>> -> memref<400x32xf32, #tpu.memory_space<hbm>>
      tpu.enqueue_dma source(%arg13 : memref<400x32xf32, #tpu.memory_space<vmem>>) target(%dma_start3A_99 : memref<400x32xf32, #tpu.memory_space<hbm>>) target_semaphore(%run_scoped3A : memref<!tpu.dma_semaphore, #tpu.memory_space<semaphore_mem>>)
      %dma_wait3A = arith.constant 0 : i32
      %dma_wait3A_100 = tpu.memref_slice %arg6[%add3A_45, %dma_wait3A] : memref<102400x32xf32, #tpu.memory_space<hbm>> -> memref<400x32xf32, #tpu.memory_space<hbm>>
      %dma_wait3A_101 = arith.constant 0 : i32
      %dma_wait3A_102 = tpu.memref_slice %arg6[%add3A_45, %dma_wait3A_101] : memref<102400x32xf32, #tpu.memory_space<hbm>> -> memref<400x32xf32, #tpu.memory_space<hbm>>
      tpu.wait_dma2 semaphore(%run_scoped3A : memref<!tpu.dma_semaphore, #tpu.memory_space<semaphore_mem>>) src(%arg13 : memref<400x32xf32, #tpu.memory_space<vmem>>) dst(%dma_wait3A_102 : memref<400x32xf32, #tpu.memory_space<hbm>>)
      tpu.yield
    }) : () -> ()
    %add3A_46 = arith.constant 1200 : i32
    %add3A_47 = arith.addi %mul3A_5, %add3A_46 : i32
    "tpu.region"() ({
      %run_scoped3A = tpu.sem_alloc : memref<!tpu.dma_semaphore, #tpu.memory_space<semaphore_mem>>
      %dma_start3A = arith.constant 0 : i32
      %dma_start3A_97 = tpu.memref_slice %arg18[%add3A_47, %dma_start3A] : memref<25600x32xf32, #tpu.memory_space<vmem_shared>> -> memref<400x32xf32, #tpu.memory_space<vmem_shared>>
      %dma_start3A_98 = arith.constant 0 : i32
      %dma_start3A_99 = tpu.memref_slice %arg18[%add3A_47, %dma_start3A_98] : memref<25600x32xf32, #tpu.memory_space<vmem_shared>> -> memref<400x32xf32, #tpu.memory_space<vmem_shared>>
      tpu.enqueue_dma source(%dma_start3A_99 : memref<400x32xf32, #tpu.memory_space<vmem_shared>>) target(%arg13 : memref<400x32xf32, #tpu.memory_space<vmem>>) target_semaphore(%run_scoped3A : memref<!tpu.dma_semaphore, #tpu.memory_space<semaphore_mem>>)
      %dma_wait3A = arith.constant 0 : i32
      %dma_wait3A_100 = tpu.memref_slice %arg18[%add3A_47, %dma_wait3A] : memref<25600x32xf32, #tpu.memory_space<vmem_shared>> -> memref<400x32xf32, #tpu.memory_space<vmem_shared>>
      %dma_wait3A_101 = arith.constant 0 : i32
      %dma_wait3A_102 = tpu.memref_slice %arg18[%add3A_47, %dma_wait3A_101] : memref<25600x32xf32, #tpu.memory_space<vmem_shared>> -> memref<400x32xf32, #tpu.memory_space<vmem_shared>>
      tpu.wait_dma2 semaphore(%run_scoped3A : memref<!tpu.dma_semaphore, #tpu.memory_space<semaphore_mem>>) src(%dma_wait3A_102 : memref<400x32xf32, #tpu.memory_space<vmem_shared>>) dst(%arg13 : memref<400x32xf32, #tpu.memory_space<vmem>>)
      tpu.yield
    }) : () -> ()
    %add3A_48 = arith.constant 1200 : i32
    %add3A_49 = arith.addi %add3A_33, %add3A_48 : i32
    "tpu.region"() ({
      %run_scoped3A = tpu.sem_alloc : memref<!tpu.dma_semaphore, #tpu.memory_space<semaphore_mem>>
      %dma_start3A = arith.constant 0 : i32
      %dma_start3A_97 = tpu.memref_slice %arg6[%add3A_49, %dma_start3A] : memref<102400x32xf32, #tpu.memory_space<hbm>> -> memref<400x32xf32, #tpu.memory_space<hbm>>
      %dma_start3A_98 = arith.constant 0 : i32
      %dma_start3A_99 = tpu.memref_slice %arg6[%add3A_49, %dma_start3A_98] : memref<102400x32xf32, #tpu.memory_space<hbm>> -> memref<400x32xf32, #tpu.memory_space<hbm>>
      tpu.enqueue_dma source(%arg13 : memref<400x32xf32, #tpu.memory_space<vmem>>) target(%dma_start3A_99 : memref<400x32xf32, #tpu.memory_space<hbm>>) target_semaphore(%run_scoped3A : memref<!tpu.dma_semaphore, #tpu.memory_space<semaphore_mem>>)
      %dma_wait3A = arith.constant 0 : i32
      %dma_wait3A_100 = tpu.memref_slice %arg6[%add3A_49, %dma_wait3A] : memref<102400x32xf32, #tpu.memory_space<hbm>> -> memref<400x32xf32, #tpu.memory_space<hbm>>
      %dma_wait3A_101 = arith.constant 0 : i32
      %dma_wait3A_102 = tpu.memref_slice %arg6[%add3A_49, %dma_wait3A_101] : memref<102400x32xf32, #tpu.memory_space<hbm>> -> memref<400x32xf32, #tpu.memory_space<hbm>>
      tpu.wait_dma2 semaphore(%run_scoped3A : memref<!tpu.dma_semaphore, #tpu.memory_space<semaphore_mem>>) src(%arg13 : memref<400x32xf32, #tpu.memory_space<vmem>>) dst(%dma_wait3A_102 : memref<400x32xf32, #tpu.memory_space<hbm>>)
      tpu.yield
    }) : () -> ()
    %scan3A_50 = arith.constant 0 : i32
    %scan3A_51 = arith.constant 0 : i32
    %scan3A_52 = arith.constant 800 : i32
    %scan3A_53 = arith.addi %scan3A_51, %scan3A_52 : i32
    %scan3A_54 = arith.constant 1 : i32
    %scan3A_55 = scf.for %scan3A_97 = %scan3A_51 to %scan3A_53 step %scan3A_54 iter_args(%scan3A_98 = %scan3A_50) -> (i32)  : i32 {
      %jit3A = arith.constant 2 : i32
      %div3A = arith.divsi %scan3A_97, %jit3A : i32
      %sign3A = arith.constant 0 : i32
      %sign3A_99 = arith.cmpi sgt, %scan3A_97, %sign3A : i32
      %sign3A_100 = arith.extui %sign3A_99 : i1 to i32
      %sign3A_101 = arith.constant 0 : i32
      %sign3A_102 = arith.cmpi slt, %scan3A_97, %sign3A_101 : i32
      %sign3A_103 = arith.extui %sign3A_102 : i1 to i32
      %sign3A_104 = arith.subi %sign3A_100, %sign3A_103 : i32
      %sign3A_105 = arith.constant 0 : i32
      %sign3A_106 = arith.cmpi sgt, %jit3A, %sign3A_105 : i32
      %sign3A_107 = arith.extui %sign3A_106 : i1 to i32
      %sign3A_108 = arith.constant 0 : i32
      %sign3A_109 = arith.cmpi slt, %jit3A, %sign3A_108 : i32
      %sign3A_110 = arith.extui %sign3A_109 : i1 to i32
      %sign3A_111 = arith.subi %sign3A_107, %sign3A_110 : i32
      %ne3A = arith.cmpi ne, %sign3A_104, %sign3A_111 : i32
      %rem3A = arith.remsi %scan3A_97, %jit3A : i32
      %ne3A_112 = arith.constant 0 : i32
      %ne3A_113 = arith.cmpi ne, %rem3A, %ne3A_112 : i32
      %and3A = arith.andi %ne3A, %ne3A_113 : i1
      %sub3A = arith.constant 1 : i32
      %sub3A_114 = arith.subi %div3A, %sub3A : i32
      %select_n3A = arith.select %and3A, %sub3A_114, %div3A : i32
      %jit3A_115 = arith.constant 2 : i32
      %eq3A = arith.constant 0 : i32
      %eq3A_116 = arith.cmpi eq, %jit3A_115, %eq3A : i32
      %jit3A_117 = arith.constant 1 : i32
      %select_n3A_118 = arith.select %eq3A_116, %jit3A_117, %jit3A_115 : i32
      %rem3A_119 = arith.remsi %scan3A_97, %select_n3A_118 : i32
      %ne3A_120 = arith.constant 0 : i32
      %ne3A_121 = arith.cmpi ne, %rem3A_119, %ne3A_120 : i32
      %lt3A = arith.constant 0 : i32
      %lt3A_122 = arith.cmpi slt, %rem3A_119, %lt3A : i32
      %lt3A_123 = arith.constant 0 : i32
      %lt3A_124 = arith.cmpi slt, %select_n3A_118, %lt3A_123 : i32
      %ne3A_125 = arith.xori %lt3A_122, %lt3A_124 : i1
      %and3A_126 = arith.andi %ne3A_125, %ne3A_121 : i1
      %add3A_127 = arith.addi %rem3A_119, %select_n3A_118 : i32
      %select_n3A_128 = arith.select %and3A_126, %add3A_127, %rem3A_119 : i32
      %mul3A_129 = arith.constant 16 : i32
      %mul3A_130 = arith.muli %select_n3A_128, %mul3A_129 : i32
      %swap3A = arith.index_cast %select_n3A : i32 to index
      %swap3A_131 = arith.index_cast %mul3A_130 : i32 to index
      %swap3A_132 = tpu.vector_load %arg13[%swap3A, %swap3A_131] {strides = array<i32>} : memref<400x32xf32, #tpu.memory_space<vmem>>, vector<16xf32>,
      tpu.vector_store %arg13[%swap3A, %swap3A_131], %broadcast_in_dim3A_1 {strides = array<i32>} : memref<400x32xf32, #tpu.memory_space<vmem>>, vector<16xf32>,
      %scan3A_133 = arith.constant 0 : i32
      scf.yield %scan3A_133 : i32
    }
    %scan3A_56 = arith.constant 800 : i32
    %add3A_57 = arith.constant 0 : i32
    %add3A_58 = arith.addi %mul3A_5, %add3A_57 : i32
    "tpu.region"() ({
      %run_scoped3A = tpu.sem_alloc : memref<!tpu.dma_semaphore, #tpu.memory_space<semaphore_mem>>
      %dma_start3A = arith.constant 0 : i32
      %dma_start3A_97 = tpu.memref_slice %arg18[%add3A_58, %dma_start3A] : memref<25600x32xf32, #tpu.memory_space<vmem_shared>> -> memref<400x32xf32, #tpu.memory_space<vmem_shared>>
      %dma_start3A_98 = arith.constant 0 : i32
      %dma_start3A_99 = tpu.memref_slice %arg18[%add3A_58, %dma_start3A_98] : memref<25600x32xf32, #tpu.memory_space<vmem_shared>> -> memref<400x32xf32, #tpu.memory_space<vmem_shared>>
      tpu.enqueue_dma source(%arg13 : memref<400x32xf32, #tpu.memory_space<vmem>>) target(%dma_start3A_99 : memref<400x32xf32, #tpu.memory_space<vmem_shared>>) target_semaphore(%run_scoped3A : memref<!tpu.dma_semaphore, #tpu.memory_space<semaphore_mem>>)
      %dma_wait3A = arith.constant 0 : i32
      %dma_wait3A_100 = tpu.memref_slice %arg18[%add3A_58, %dma_wait3A] : memref<25600x32xf32, #tpu.memory_space<vmem_shared>> -> memref<400x32xf32, #tpu.memory_space<vmem_shared>>
      %dma_wait3A_101 = arith.constant 0 : i32
      %dma_wait3A_102 = tpu.memref_slice %arg18[%add3A_58, %dma_wait3A_101] : memref<25600x32xf32, #tpu.memory_space<vmem_shared>> -> memref<400x32xf32, #tpu.memory_space<vmem_shared>>
      tpu.wait_dma2 semaphore(%run_scoped3A : memref<!tpu.dma_semaphore, #tpu.memory_space<semaphore_mem>>) src(%arg13 : memref<400x32xf32, #tpu.memory_space<vmem>>) dst(%dma_wait3A_102 : memref<400x32xf32, #tpu.memory_space<vmem_shared>>)
      tpu.yield
    }) : () -> ()
    %add3A_59 = arith.constant 400 : i32
    %add3A_60 = arith.addi %mul3A_5, %add3A_59 : i32
    "tpu.region"() ({
      %run_scoped3A = tpu.sem_alloc : memref<!tpu.dma_semaphore, #tpu.memory_space<semaphore_mem>>
      %dma_start3A = arith.constant 0 : i32
      %dma_start3A_97 = tpu.memref_slice %arg18[%add3A_60, %dma_start3A] : memref<25600x32xf32, #tpu.memory_space<vmem_shared>> -> memref<400x32xf32, #tpu.memory_space<vmem_shared>>
      %dma_start3A_98 = arith.constant 0 : i32
      %dma_start3A_99 = tpu.memref_slice %arg18[%add3A_60, %dma_start3A_98] : memref<25600x32xf32, #tpu.memory_space<vmem_shared>> -> memref<400x32xf32, #tpu.memory_space<vmem_shared>>
      tpu.enqueue_dma source(%arg13 : memref<400x32xf32, #tpu.memory_space<vmem>>) target(%dma_start3A_99 : memref<400x32xf32, #tpu.memory_space<vmem_shared>>) target_semaphore(%run_scoped3A : memref<!tpu.dma_semaphore, #tpu.memory_space<semaphore_mem>>)
      %dma_wait3A = arith.constant 0 : i32
      %dma_wait3A_100 = tpu.memref_slice %arg18[%add3A_60, %dma_wait3A] : memref<25600x32xf32, #tpu.memory_space<vmem_shared>> -> memref<400x32xf32, #tpu.memory_space<vmem_shared>>
      %dma_wait3A_101 = arith.constant 0 : i32
      %dma_wait3A_102 = tpu.memref_slice %arg18[%add3A_60, %dma_wait3A_101] : memref<25600x32xf32, #tpu.memory_space<vmem_shared>> -> memref<400x32xf32, #tpu.memory_space<vmem_shared>>
      tpu.wait_dma2 semaphore(%run_scoped3A : memref<!tpu.dma_semaphore, #tpu.memory_space<semaphore_mem>>) src(%arg13 : memref<400x32xf32, #tpu.memory_space<vmem>>) dst(%dma_wait3A_102 : memref<400x32xf32, #tpu.memory_space<vmem_shared>>)
      tpu.yield
    }) : () -> ()
    %add3A_61 = arith.constant 800 : i32
    %add3A_62 = arith.addi %mul3A_5, %add3A_61 : i32
    "tpu.region"() ({
      %run_scoped3A = tpu.sem_alloc : memref<!tpu.dma_semaphore, #tpu.memory_space<semaphore_mem>>
      %dma_start3A = arith.constant 0 : i32
      %dma_start3A_97 = tpu.memref_slice %arg18[%add3A_62, %dma_start3A] : memref<25600x32xf32, #tpu.memory_space<vmem_shared>> -> memref<400x32xf32, #tpu.memory_space<vmem_shared>>
      %dma_start3A_98 = arith.constant 0 : i32
      %dma_start3A_99 = tpu.memref_slice %arg18[%add3A_62, %dma_start3A_98] : memref<25600x32xf32, #tpu.memory_space<vmem_shared>> -> memref<400x32xf32, #tpu.memory_space<vmem_shared>>
      tpu.enqueue_dma source(%arg13 : memref<400x32xf32, #tpu.memory_space<vmem>>) target(%dma_start3A_99 : memref<400x32xf32, #tpu.memory_space<vmem_shared>>) target_semaphore(%run_scoped3A : memref<!tpu.dma_semaphore, #tpu.memory_space<semaphore_mem>>)
      %dma_wait3A = arith.constant 0 : i32
      %dma_wait3A_100 = tpu.memref_slice %arg18[%add3A_62, %dma_wait3A] : memref<25600x32xf32, #tpu.memory_space<vmem_shared>> -> memref<400x32xf32, #tpu.memory_space<vmem_shared>>
      %dma_wait3A_101 = arith.constant 0 : i32
      %dma_wait3A_102 = tpu.memref_slice %arg18[%add3A_62, %dma_wait3A_101] : memref<25600x32xf32, #tpu.memory_space<vmem_shared>> -> memref<400x32xf32, #tpu.memory_space<vmem_shared>>
      tpu.wait_dma2 semaphore(%run_scoped3A : memref<!tpu.dma_semaphore, #tpu.memory_space<semaphore_mem>>) src(%arg13 : memref<400x32xf32, #tpu.memory_space<vmem>>) dst(%dma_wait3A_102 : memref<400x32xf32, #tpu.memory_space<vmem_shared>>)
      tpu.yield
    }) : () -> ()
    %add3A_63 = arith.constant 1200 : i32
    %add3A_64 = arith.addi %mul3A_5, %add3A_63 : i32
    "tpu.region"() ({
      %run_scoped3A = tpu.sem_alloc : memref<!tpu.dma_semaphore, #tpu.memory_space<semaphore_mem>>
      %dma_start3A = arith.constant 0 : i32
      %dma_start3A_97 = tpu.memref_slice %arg18[%add3A_64, %dma_start3A] : memref<25600x32xf32, #tpu.memory_space<vmem_shared>> -> memref<400x32xf32, #tpu.memory_space<vmem_shared>>
      %dma_start3A_98 = arith.constant 0 : i32
      %dma_start3A_99 = tpu.memref_slice %arg18[%add3A_64, %dma_start3A_98] : memref<25600x32xf32, #tpu.memory_space<vmem_shared>> -> memref<400x32xf32, #tpu.memory_space<vmem_shared>>
      tpu.enqueue_dma source(%arg13 : memref<400x32xf32, #tpu.memory_space<vmem>>) target(%dma_start3A_99 : memref<400x32xf32, #tpu.memory_space<vmem_shared>>) target_semaphore(%run_scoped3A : memref<!tpu.dma_semaphore, #tpu.memory_space<semaphore_mem>>)
      %dma_wait3A = arith.constant 0 : i32
      %dma_wait3A_100 = tpu.memref_slice %arg18[%add3A_64, %dma_wait3A] : memref<25600x32xf32, #tpu.memory_space<vmem_shared>> -> memref<400x32xf32, #tpu.memory_space<vmem_shared>>
      %dma_wait3A_101 = arith.constant 0 : i32
      %dma_wait3A_102 = tpu.memref_slice %arg18[%add3A_64, %dma_wait3A_101] : memref<25600x32xf32, #tpu.memory_space<vmem_shared>> -> memref<400x32xf32, #tpu.memory_space<vmem_shared>>
      tpu.wait_dma2 semaphore(%run_scoped3A : memref<!tpu.dma_semaphore, #tpu.memory_space<semaphore_mem>>) src(%arg13 : memref<400x32xf32, #tpu.memory_space<vmem>>) dst(%dma_wait3A_102 : memref<400x32xf32, #tpu.memory_space<vmem_shared>>)
      tpu.yield
    }) : () -> ()
    %barrier3A_65 = arith.constant 0 : index
    tpu.barrier barrier_id(%barrier3A_65)
    %scan3A_66 = arith.constant 0 : i32
    %scan3A_67 = arith.constant 0 : i32
    %scan3A_68 = arith.constant 26 : i32
    %scan3A_69 = arith.addi %scan3A_67, %scan3A_68 : i32
    %scan3A_70 = arith.constant 1 : i32
    %scan3A_71 = scf.for %scan3A_97 = %scan3A_67 to %scan3A_69 step %scan3A_70 iter_args(%scan3A_98 = %scan3A_66) -> (i32)  : i32 {
      %mul3A_99 = arith.constant 2048 : i32
      %mul3A_100 = arith.muli %scan3A_97, %mul3A_99 : i32
      %add3A_101 = arith.addi %mul3A_3, %mul3A_100 : i32
      "tpu.region"() ({
        %run_scoped3A = tpu.sem_alloc : memref<!tpu.dma_semaphore, #tpu.memory_space<semaphore_mem>>
        %dma_start3A_661 = tpu.memref_slice %arg2[%add3A_101] : memref<851968xi32, #tpu.memory_space<hbm>> -> memref<2048xi32, #tpu.memory_space<hbm>>
        %dma_start3A_662 = tpu.memref_slice %arg2[%add3A_101] : memref<851968xi32, #tpu.memory_space<hbm>> -> memref<2048xi32, #tpu.memory_space<hbm>>
        tpu.enqueue_dma source(%dma_start3A_662 : memref<2048xi32, #tpu.memory_space<hbm>>) target(%arg7 : memref<2048xi32, #tpu.memory_space<vmem>>) target_semaphore(%run_scoped3A : memref<!tpu.dma_semaphore, #tpu.memory_space<semaphore_mem>>)
        %dma_wait3A_663 = tpu.memref_slice %arg2[%add3A_101] : memref<851968xi32, #tpu.memory_space<hbm>> -> memref<2048xi32, #tpu.memory_space<hbm>>
        %dma_wait3A_664 = tpu.memref_slice %arg2[%add3A_101] : memref<851968xi32, #tpu.memory_space<hbm>> -> memref<2048xi32, #tpu.memory_space<hbm>>
        tpu.wait_dma2 semaphore(%run_scoped3A : memref<!tpu.dma_semaphore, #tpu.memory_space<semaphore_mem>>) src(%dma_wait3A_664 : memref<2048xi32, #tpu.memory_space<hbm>>) dst(%arg7 : memref<2048xi32, #tpu.memory_space<vmem>>)
        tpu.yield
      }) : () -> ()
      "tpu.region"() ({
        %run_scoped3A = tpu.sem_alloc : memref<!tpu.dma_semaphore, #tpu.memory_space<semaphore_mem>>
        %dma_start3A_661 = tpu.memref_slice %arg3[%add3A_101] : memref<851968xi32, #tpu.memory_space<hbm>> -> memref<2048xi32, #tpu.memory_space<hbm>>
        %dma_start3A_662 = tpu.memref_slice %arg3[%add3A_101] : memref<851968xi32, #tpu.memory_space<hbm>> -> memref<2048xi32, #tpu.memory_space<hbm>>
        tpu.enqueue_dma source(%dma_start3A_662 : memref<2048xi32, #tpu.memory_space<hbm>>) target(%arg8 : memref<2048xi32, #tpu.memory_space<vmem>>) target_semaphore(%run_scoped3A : memref<!tpu.dma_semaphore, #tpu.memory_space<semaphore_mem>>)
        %dma_wait3A_663 = tpu.memref_slice %arg3[%add3A_101] : memref<851968xi32, #tpu.memory_space<hbm>> -> memref<2048xi32, #tpu.memory_space<hbm>>
        %dma_wait3A_664 = tpu.memref_slice %arg3[%add3A_101] : memref<851968xi32, #tpu.memory_space<hbm>> -> memref<2048xi32, #tpu.memory_space<hbm>>
        tpu.wait_dma2 semaphore(%run_scoped3A : memref<!tpu.dma_semaphore, #tpu.memory_space<semaphore_mem>>) src(%dma_wait3A_664 : memref<2048xi32, #tpu.memory_space<hbm>>) dst(%arg8 : memref<2048xi32, #tpu.memory_space<vmem>>)
        tpu.yield
      }) : () -> ()
      %scan3A_102 = arith.constant 0 : i32
      %scan3A_103 = arith.constant 0 : i32
      %scan3A_104 = arith.constant 8 : i32
      %scan3A_105 = arith.addi %scan3A_103, %scan3A_104 : i32
      %scan3A_106 = arith.constant 1 : i32
      %scan3A_107 = scf.for %scan3A_661 = %scan3A_103 to %scan3A_105 step %scan3A_106 iter_args(%scan3A_662 = %scan3A_102) -> (i32)  : i32 {
        %mul3A_663 = arith.constant 16 : i32
        %mul3A_664 = arith.muli %scan3A_661, %mul3A_663 : i32
        %add3A_665 = arith.constant 0 : i32
        %add3A_666 = arith.addi %add3A_665, %mul3A_664 : i32
        %get3A = arith.index_cast %add3A_666 : i32 to index
        %get3A_667 = tpu.vector_load %arg7[%get3A] {strides = array<i32>} : memref<2048xi32, #tpu.memory_space<vmem>>, vector<16xi32>,
        %get3A_668 = arith.index_cast %add3A_666 : i32 to index
        %get3A_669 = tpu.vector_load %arg8[%get3A_668] {strides = array<i32>} : memref<2048xi32, #tpu.memory_space<vmem>>, vector<16xi32>,
        %sub3A = vector.broadcast %mul3A_0 : i32 to vector<16xi32>
        %sub3A_670 = arith.subi %get3A_669, %sub3A : vector<16xi32>
        %ge3A = arith.constant 0 : i32
        %ge3A_671 = vector.broadcast %ge3A : i32 to vector<16xi32>
        %ge3A_672 = arith.cmpi sge, %sub3A_670, %ge3A_671 : vector<16xi32>
        %lt3A = arith.constant 25000 : i32
        %lt3A_673 = vector.broadcast %lt3A : i32 to vector<16xi32>
        %lt3A_674 = arith.cmpi slt, %sub3A_670, %lt3A_673 : vector<16xi32>
        %and3A = arith.andi %ge3A_672, %lt3A_674 : vector<16xi1>
        %mul3A_675 = arith.constant 16 : i32
        %mul3A_676 = arith.muli %scan3A_661, %mul3A_675 : i32
        %swap3A = arith.constant 0 : i32
        %swap3A_677 = arith.index_cast %swap3A : i32 to index
        %swap3A_678 = arith.index_cast %mul3A_676 : i32 to index
        %swap3A_679 = tpu.vector_load %arg9[%swap3A_677, %swap3A_678] {strides = array<i32>} : memref<16x128xi32, #tpu.memory_space<vmem>>, vector<16xi32>,
        tpu.vector_store %arg9[%swap3A_677, %swap3A_678], %get3A_667 {strides = array<i32>} : memref<16x128xi32, #tpu.memory_space<vmem>>, vector<16xi32>,
        %jit3A = arith.constant 25000 : i32
        %broadcast_in_dim3A_680 = vector.broadcast %jit3A : i32 to vector<16xi32>
        %select_n3A = arith.select %and3A, %sub3A_670, %broadcast_in_dim3A_680 : vector<16xi1>, vector<16xi32>
        %mul3A_681 = arith.constant 16 : i32
        %mul3A_682 = arith.muli %scan3A_661, %mul3A_681 : i32
        %swap3A_683 = arith.constant 0 : i32
        %swap3A_684 = arith.index_cast %swap3A_683 : i32 to index
        %swap3A_685 = arith.index_cast %mul3A_682 : i32 to index
        %swap3A_686 = tpu.vector_load %arg10[%swap3A_684, %swap3A_685] {strides = array<i32>} : memref<16x128xi32, #tpu.memory_space<vmem>>, vector<16xi32>,
        tpu.vector_store %arg10[%swap3A_684, %swap3A_685], %select_n3A {strides = array<i32>} : memref<16x128xi32, #tpu.memory_space<vmem>>, vector<16xi32>,
        %scan3A_687 = arith.constant 0 : i32
        scf.yield %scan3A_687 : i32
      }
      %scan3A_108 = arith.constant 8 : i32
      %scan3A_109 = arith.constant 0 : i32
      %scan3A_110 = arith.constant 0 : i32
      %scan3A_111 = arith.constant 8 : i32
      %scan3A_112 = arith.addi %scan3A_110, %scan3A_111 : i32
      %scan3A_113 = arith.constant 1 : i32
      %scan3A_114 = scf.for %scan3A_661 = %scan3A_110 to %scan3A_112 step %scan3A_113 iter_args(%scan3A_662 = %scan3A_109) -> (i32)  : i32 {
        %mul3A_663 = arith.constant 16 : i32
        %mul3A_664 = arith.muli %scan3A_661, %mul3A_663 : i32
        %add3A_665 = arith.constant 128 : i32
        %add3A_666 = arith.addi %add3A_665, %mul3A_664 : i32
        %get3A = arith.index_cast %add3A_666 : i32 to index
        %get3A_667 = tpu.vector_load %arg7[%get3A] {strides = array<i32>} : memref<2048xi32, #tpu.memory_space<vmem>>, vector<16xi32>,
        %get3A_668 = arith.index_cast %add3A_666 : i32 to index
        %get3A_669 = tpu.vector_load %arg8[%get3A_668] {strides = array<i32>} : memref<2048xi32, #tpu.memory_space<vmem>>, vector<16xi32>,
        %sub3A = vector.broadcast %mul3A_0 : i32 to vector<16xi32>
        %sub3A_670 = arith.subi %get3A_669, %sub3A : vector<16xi32>
        %ge3A = arith.constant 0 : i32
        %ge3A_671 = vector.broadcast %ge3A : i32 to vector<16xi32>
        %ge3A_672 = arith.cmpi sge, %sub3A_670, %ge3A_671 : vector<16xi32>
        %lt3A = arith.constant 25000 : i32
        %lt3A_673 = vector.broadcast %lt3A : i32 to vector<16xi32>
        %lt3A_674 = arith.cmpi slt, %sub3A_670, %lt3A_673 : vector<16xi32>
        %and3A = arith.andi %ge3A_672, %lt3A_674 : vector<16xi1>
        %mul3A_675 = arith.constant 16 : i32
        %mul3A_676 = arith.muli %scan3A_661, %mul3A_675 : i32
        %swap3A = arith.constant 1 : i32
        %swap3A_677 = arith.index_cast %swap3A : i32 to index
        %swap3A_678 = arith.index_cast %mul3A_676 : i32 to index
        %swap3A_679 = tpu.vector_load %arg9[%swap3A_677, %swap3A_678] {strides = array<i32>} : memref<16x128xi32, #tpu.memory_space<vmem>>, vector<16xi32>,
        tpu.vector_store %arg9[%swap3A_677, %swap3A_678], %get3A_667 {strides = array<i32>} : memref<16x128xi32, #tpu.memory_space<vmem>>, vector<16xi32>,
        %jit3A = arith.constant 25000 : i32
        %broadcast_in_dim3A_680 = vector.broadcast %jit3A : i32 to vector<16xi32>
        %select_n3A = arith.select %and3A, %sub3A_670, %broadcast_in_dim3A_680 : vector<16xi1>, vector<16xi32>
        %mul3A_681 = arith.constant 16 : i32
        %mul3A_682 = arith.muli %scan3A_661, %mul3A_681 : i32
        %swap3A_683 = arith.constant 1 : i32
        %swap3A_684 = arith.index_cast %swap3A_683 : i32 to index
        %swap3A_685 = arith.index_cast %mul3A_682 : i32 to index
        %swap3A_686 = tpu.vector_load %arg10[%swap3A_684, %swap3A_685] {strides = array<i32>} : memref<16x128xi32, #tpu.memory_space<vmem>>, vector<16xi32>,
        tpu.vector_store %arg10[%swap3A_684, %swap3A_685], %select_n3A {strides = array<i32>} : memref<16x128xi32, #tpu.memory_space<vmem>>, vector<16xi32>,
        %scan3A_687 = arith.constant 0 : i32
        scf.yield %scan3A_687 : i32
      }
      %scan3A_115 = arith.constant 8 : i32
      %scan3A_116 = arith.constant 0 : i32
      %scan3A_117 = arith.constant 0 : i32
      %scan3A_118 = arith.constant 8 : i32
      %scan3A_119 = arith.addi %scan3A_117, %scan3A_118 : i32
      %scan3A_120 = arith.constant 1 : i32
      %scan3A_121 = scf.for %scan3A_661 = %scan3A_117 to %scan3A_119 step %scan3A_120 iter_args(%scan3A_662 = %scan3A_116) -> (i32)  : i32 {
        %mul3A_663 = arith.constant 16 : i32
        %mul3A_664 = arith.muli %scan3A_661, %mul3A_663 : i32
        %add3A_665 = arith.constant 256 : i32
        %add3A_666 = arith.addi %add3A_665, %mul3A_664 : i32
        %get3A = arith.index_cast %add3A_666 : i32 to index
        %get3A_667 = tpu.vector_load %arg7[%get3A] {strides = array<i32>} : memref<2048xi32, #tpu.memory_space<vmem>>, vector<16xi32>,
        %get3A_668 = arith.index_cast %add3A_666 : i32 to index
        %get3A_669 = tpu.vector_load %arg8[%get3A_668] {strides = array<i32>} : memref<2048xi32, #tpu.memory_space<vmem>>, vector<16xi32>,
        %sub3A = vector.broadcast %mul3A_0 : i32 to vector<16xi32>
        %sub3A_670 = arith.subi %get3A_669, %sub3A : vector<16xi32>
        %ge3A = arith.constant 0 : i32
        %ge3A_671 = vector.broadcast %ge3A : i32 to vector<16xi32>
        %ge3A_672 = arith.cmpi sge, %sub3A_670, %ge3A_671 : vector<16xi32>
        %lt3A = arith.constant 25000 : i32
        %lt3A_673 = vector.broadcast %lt3A : i32 to vector<16xi32>
        %lt3A_674 = arith.cmpi slt, %sub3A_670, %lt3A_673 : vector<16xi32>
        %and3A = arith.andi %ge3A_672, %lt3A_674 : vector<16xi1>
        %mul3A_675 = arith.constant 16 : i32
        %mul3A_676 = arith.muli %scan3A_661, %mul3A_675 : i32
        %swap3A = arith.constant 2 : i32
        %swap3A_677 = arith.index_cast %swap3A : i32 to index
        %swap3A_678 = arith.index_cast %mul3A_676 : i32 to index
        %swap3A_679 = tpu.vector_load %arg9[%swap3A_677, %swap3A_678] {strides = array<i32>} : memref<16x128xi32, #tpu.memory_space<vmem>>, vector<16xi32>,
        tpu.vector_store %arg9[%swap3A_677, %swap3A_678], %get3A_667 {strides = array<i32>} : memref<16x128xi32, #tpu.memory_space<vmem>>, vector<16xi32>,
        %jit3A = arith.constant 25000 : i32
        %broadcast_in_dim3A_680 = vector.broadcast %jit3A : i32 to vector<16xi32>
        %select_n3A = arith.select %and3A, %sub3A_670, %broadcast_in_dim3A_680 : vector<16xi1>, vector<16xi32>
        %mul3A_681 = arith.constant 16 : i32
        %mul3A_682 = arith.muli %scan3A_661, %mul3A_681 : i32
        %swap3A_683 = arith.constant 2 : i32
        %swap3A_684 = arith.index_cast %swap3A_683 : i32 to index
        %swap3A_685 = arith.index_cast %mul3A_682 : i32 to index
        %swap3A_686 = tpu.vector_load %arg10[%swap3A_684, %swap3A_685] {strides = array<i32>} : memref<16x128xi32, #tpu.memory_space<vmem>>, vector<16xi32>,
        tpu.vector_store %arg10[%swap3A_684, %swap3A_685], %select_n3A {strides = array<i32>} : memref<16x128xi32, #tpu.memory_space<vmem>>, vector<16xi32>,
        %scan3A_687 = arith.constant 0 : i32
        scf.yield %scan3A_687 : i32
      }
      %scan3A_122 = arith.constant 8 : i32
      %scan3A_123 = arith.constant 0 : i32
      %scan3A_124 = arith.constant 0 : i32
      %scan3A_125 = arith.constant 8 : i32
      %scan3A_126 = arith.addi %scan3A_124, %scan3A_125 : i32
      %scan3A_127 = arith.constant 1 : i32
      %scan3A_128 = scf.for %scan3A_661 = %scan3A_124 to %scan3A_126 step %scan3A_127 iter_args(%scan3A_662 = %scan3A_123) -> (i32)  : i32 {
        %mul3A_663 = arith.constant 16 : i32
        %mul3A_664 = arith.muli %scan3A_661, %mul3A_663 : i32
        %add3A_665 = arith.constant 384 : i32
        %add3A_666 = arith.addi %add3A_665, %mul3A_664 : i32
        %get3A = arith.index_cast %add3A_666 : i32 to index
        %get3A_667 = tpu.vector_load %arg7[%get3A] {strides = array<i32>} : memref<2048xi32, #tpu.memory_space<vmem>>, vector<16xi32>,
        %get3A_668 = arith.index_cast %add3A_666 : i32 to index
        %get3A_669 = tpu.vector_load %arg8[%get3A_668] {strides = array<i32>} : memref<2048xi32, #tpu.memory_space<vmem>>, vector<16xi32>,
        %sub3A = vector.broadcast %mul3A_0 : i32 to vector<16xi32>
        %sub3A_670 = arith.subi %get3A_669, %sub3A : vector<16xi32>
        %ge3A = arith.constant 0 : i32
        %ge3A_671 = vector.broadcast %ge3A : i32 to vector<16xi32>
        %ge3A_672 = arith.cmpi sge, %sub3A_670, %ge3A_671 : vector<16xi32>
        %lt3A = arith.constant 25000 : i32
        %lt3A_673 = vector.broadcast %lt3A : i32 to vector<16xi32>
        %lt3A_674 = arith.cmpi slt, %sub3A_670, %lt3A_673 : vector<16xi32>
        %and3A = arith.andi %ge3A_672, %lt3A_674 : vector<16xi1>
        %mul3A_675 = arith.constant 16 : i32
        %mul3A_676 = arith.muli %scan3A_661, %mul3A_675 : i32
        %swap3A = arith.constant 3 : i32
        %swap3A_677 = arith.index_cast %swap3A : i32 to index
        %swap3A_678 = arith.index_cast %mul3A_676 : i32 to index
        %swap3A_679 = tpu.vector_load %arg9[%swap3A_677, %swap3A_678] {strides = array<i32>} : memref<16x128xi32, #tpu.memory_space<vmem>>, vector<16xi32>,
        tpu.vector_store %arg9[%swap3A_677, %swap3A_678], %get3A_667 {strides = array<i32>} : memref<16x128xi32, #tpu.memory_space<vmem>>, vector<16xi32>,
        %jit3A = arith.constant 25000 : i32
        %broadcast_in_dim3A_680 = vector.broadcast %jit3A : i32 to vector<16xi32>
        %select_n3A = arith.select %and3A, %sub3A_670, %broadcast_in_dim3A_680 : vector<16xi1>, vector<16xi32>
        %mul3A_681 = arith.constant 16 : i32
        %mul3A_682 = arith.muli %scan3A_661, %mul3A_681 : i32
        %swap3A_683 = arith.constant 3 : i32
        %swap3A_684 = arith.index_cast %swap3A_683 : i32 to index
        %swap3A_685 = arith.index_cast %mul3A_682 : i32 to index
        %swap3A_686 = tpu.vector_load %arg10[%swap3A_684, %swap3A_685] {strides = array<i32>} : memref<16x128xi32, #tpu.memory_space<vmem>>, vector<16xi32>,
        tpu.vector_store %arg10[%swap3A_684, %swap3A_685], %select_n3A {strides = array<i32>} : memref<16x128xi32, #tpu.memory_space<vmem>>, vector<16xi32>,
        %scan3A_687 = arith.constant 0 : i32
        scf.yield %scan3A_687 : i32
      }
      %scan3A_129 = arith.constant 8 : i32
      %scan3A_130 = arith.constant 0 : i32
      %scan3A_131 = arith.constant 0 : i32
      %scan3A_132 = arith.constant 8 : i32
      %scan3A_133 = arith.addi %scan3A_131, %scan3A_132 : i32
      %scan3A_134 = arith.constant 1 : i32
      %scan3A_135 = scf.for %scan3A_661 = %scan3A_131 to %scan3A_133 step %scan3A_134 iter_args(%scan3A_662 = %scan3A_130) -> (i32)  : i32 {
        %mul3A_663 = arith.constant 16 : i32
        %mul3A_664 = arith.muli %scan3A_661, %mul3A_663 : i32
        %add3A_665 = arith.constant 512 : i32
        %add3A_666 = arith.addi %add3A_665, %mul3A_664 : i32
        %get3A = arith.index_cast %add3A_666 : i32 to index
        %get3A_667 = tpu.vector_load %arg7[%get3A] {strides = array<i32>} : memref<2048xi32, #tpu.memory_space<vmem>>, vector<16xi32>,
        %get3A_668 = arith.index_cast %add3A_666 : i32 to index
        %get3A_669 = tpu.vector_load %arg8[%get3A_668] {strides = array<i32>} : memref<2048xi32, #tpu.memory_space<vmem>>, vector<16xi32>,
        %sub3A = vector.broadcast %mul3A_0 : i32 to vector<16xi32>
        %sub3A_670 = arith.subi %get3A_669, %sub3A : vector<16xi32>
        %ge3A = arith.constant 0 : i32
        %ge3A_671 = vector.broadcast %ge3A : i32 to vector<16xi32>
        %ge3A_672 = arith.cmpi sge, %sub3A_670, %ge3A_671 : vector<16xi32>
        %lt3A = arith.constant 25000 : i32
        %lt3A_673 = vector.broadcast %lt3A : i32 to vector<16xi32>
        %lt3A_674 = arith.cmpi slt, %sub3A_670, %lt3A_673 : vector<16xi32>
        %and3A = arith.andi %ge3A_672, %lt3A_674 : vector<16xi1>
        %mul3A_675 = arith.constant 16 : i32
        %mul3A_676 = arith.muli %scan3A_661, %mul3A_675 : i32
        %swap3A = arith.constant 4 : i32
        %swap3A_677 = arith.index_cast %swap3A : i32 to index
        %swap3A_678 = arith.index_cast %mul3A_676 : i32 to index
        %swap3A_679 = tpu.vector_load %arg9[%swap3A_677, %swap3A_678] {strides = array<i32>} : memref<16x128xi32, #tpu.memory_space<vmem>>, vector<16xi32>,
        tpu.vector_store %arg9[%swap3A_677, %swap3A_678], %get3A_667 {strides = array<i32>} : memref<16x128xi32, #tpu.memory_space<vmem>>, vector<16xi32>,
        %jit3A = arith.constant 25000 : i32
        %broadcast_in_dim3A_680 = vector.broadcast %jit3A : i32 to vector<16xi32>
        %select_n3A = arith.select %and3A, %sub3A_670, %broadcast_in_dim3A_680 : vector<16xi1>, vector<16xi32>
        %mul3A_681 = arith.constant 16 : i32
        %mul3A_682 = arith.muli %scan3A_661, %mul3A_681 : i32
        %swap3A_683 = arith.constant 4 : i32
        %swap3A_684 = arith.index_cast %swap3A_683 : i32 to index
        %swap3A_685 = arith.index_cast %mul3A_682 : i32 to index
        %swap3A_686 = tpu.vector_load %arg10[%swap3A_684, %swap3A_685] {strides = array<i32>} : memref<16x128xi32, #tpu.memory_space<vmem>>, vector<16xi32>,
        tpu.vector_store %arg10[%swap3A_684, %swap3A_685], %select_n3A {strides = array<i32>} : memref<16x128xi32, #tpu.memory_space<vmem>>, vector<16xi32>,
        %scan3A_687 = arith.constant 0 : i32
        scf.yield %scan3A_687 : i32
      }
      %scan3A_136 = arith.constant 8 : i32
      %scan3A_137 = arith.constant 0 : i32
      %scan3A_138 = arith.constant 0 : i32
      %scan3A_139 = arith.constant 8 : i32
      %scan3A_140 = arith.addi %scan3A_138, %scan3A_139 : i32
      %scan3A_141 = arith.constant 1 : i32
      %scan3A_142 = scf.for %scan3A_661 = %scan3A_138 to %scan3A_140 step %scan3A_141 iter_args(%scan3A_662 = %scan3A_137) -> (i32)  : i32 {
        %mul3A_663 = arith.constant 16 : i32
        %mul3A_664 = arith.muli %scan3A_661, %mul3A_663 : i32
        %add3A_665 = arith.constant 640 : i32
        %add3A_666 = arith.addi %add3A_665, %mul3A_664 : i32
        %get3A = arith.index_cast %add3A_666 : i32 to index
        %get3A_667 = tpu.vector_load %arg7[%get3A] {strides = array<i32>} : memref<2048xi32, #tpu.memory_space<vmem>>, vector<16xi32>,
        %get3A_668 = arith.index_cast %add3A_666 : i32 to index
        %get3A_669 = tpu.vector_load %arg8[%get3A_668] {strides = array<i32>} : memref<2048xi32, #tpu.memory_space<vmem>>, vector<16xi32>,
        %sub3A = vector.broadcast %mul3A_0 : i32 to vector<16xi32>
        %sub3A_670 = arith.subi %get3A_669, %sub3A : vector<16xi32>
        %ge3A = arith.constant 0 : i32
        %ge3A_671 = vector.broadcast %ge3A : i32 to vector<16xi32>
        %ge3A_672 = arith.cmpi sge, %sub3A_670, %ge3A_671 : vector<16xi32>
        %lt3A = arith.constant 25000 : i32
        %lt3A_673 = vector.broadcast %lt3A : i32 to vector<16xi32>
        %lt3A_674 = arith.cmpi slt, %sub3A_670, %lt3A_673 : vector<16xi32>
        %and3A = arith.andi %ge3A_672, %lt3A_674 : vector<16xi1>
        %mul3A_675 = arith.constant 16 : i32
        %mul3A_676 = arith.muli %scan3A_661, %mul3A_675 : i32
        %swap3A = arith.constant 5 : i32
        %swap3A_677 = arith.index_cast %swap3A : i32 to index
        %swap3A_678 = arith.index_cast %mul3A_676 : i32 to index
        %swap3A_679 = tpu.vector_load %arg9[%swap3A_677, %swap3A_678] {strides = array<i32>} : memref<16x128xi32, #tpu.memory_space<vmem>>, vector<16xi32>,
        tpu.vector_store %arg9[%swap3A_677, %swap3A_678], %get3A_667 {strides = array<i32>} : memref<16x128xi32, #tpu.memory_space<vmem>>, vector<16xi32>,
        %jit3A = arith.constant 25000 : i32
        %broadcast_in_dim3A_680 = vector.broadcast %jit3A : i32 to vector<16xi32>
        %select_n3A = arith.select %and3A, %sub3A_670, %broadcast_in_dim3A_680 : vector<16xi1>, vector<16xi32>
        %mul3A_681 = arith.constant 16 : i32
        %mul3A_682 = arith.muli %scan3A_661, %mul3A_681 : i32
        %swap3A_683 = arith.constant 5 : i32
        %swap3A_684 = arith.index_cast %swap3A_683 : i32 to index
        %swap3A_685 = arith.index_cast %mul3A_682 : i32 to index
        %swap3A_686 = tpu.vector_load %arg10[%swap3A_684, %swap3A_685] {strides = array<i32>} : memref<16x128xi32, #tpu.memory_space<vmem>>, vector<16xi32>,
        tpu.vector_store %arg10[%swap3A_684, %swap3A_685], %select_n3A {strides = array<i32>} : memref<16x128xi32, #tpu.memory_space<vmem>>, vector<16xi32>,
        %scan3A_687 = arith.constant 0 : i32
        scf.yield %scan3A_687 : i32
      }
      %scan3A_143 = arith.constant 8 : i32
      %scan3A_144 = arith.constant 0 : i32
      %scan3A_145 = arith.constant 0 : i32
      %scan3A_146 = arith.constant 8 : i32
      %scan3A_147 = arith.addi %scan3A_145, %scan3A_146 : i32
      %scan3A_148 = arith.constant 1 : i32
      %scan3A_149 = scf.for %scan3A_661 = %scan3A_145 to %scan3A_147 step %scan3A_148 iter_args(%scan3A_662 = %scan3A_144) -> (i32)  : i32 {
        %mul3A_663 = arith.constant 16 : i32
        %mul3A_664 = arith.muli %scan3A_661, %mul3A_663 : i32
        %add3A_665 = arith.constant 768 : i32
        %add3A_666 = arith.addi %add3A_665, %mul3A_664 : i32
        %get3A = arith.index_cast %add3A_666 : i32 to index
        %get3A_667 = tpu.vector_load %arg7[%get3A] {strides = array<i32>} : memref<2048xi32, #tpu.memory_space<vmem>>, vector<16xi32>,
        %get3A_668 = arith.index_cast %add3A_666 : i32 to index
        %get3A_669 = tpu.vector_load %arg8[%get3A_668] {strides = array<i32>} : memref<2048xi32, #tpu.memory_space<vmem>>, vector<16xi32>,
        %sub3A = vector.broadcast %mul3A_0 : i32 to vector<16xi32>
        %sub3A_670 = arith.subi %get3A_669, %sub3A : vector<16xi32>
        %ge3A = arith.constant 0 : i32
        %ge3A_671 = vector.broadcast %ge3A : i32 to vector<16xi32>
        %ge3A_672 = arith.cmpi sge, %sub3A_670, %ge3A_671 : vector<16xi32>
        %lt3A = arith.constant 25000 : i32
        %lt3A_673 = vector.broadcast %lt3A : i32 to vector<16xi32>
        %lt3A_674 = arith.cmpi slt, %sub3A_670, %lt3A_673 : vector<16xi32>
        %and3A = arith.andi %ge3A_672, %lt3A_674 : vector<16xi1>
        %mul3A_675 = arith.constant 16 : i32
        %mul3A_676 = arith.muli %scan3A_661, %mul3A_675 : i32
        %swap3A = arith.constant 6 : i32
        %swap3A_677 = arith.index_cast %swap3A : i32 to index
        %swap3A_678 = arith.index_cast %mul3A_676 : i32 to index
        %swap3A_679 = tpu.vector_load %arg9[%swap3A_677, %swap3A_678] {strides = array<i32>} : memref<16x128xi32, #tpu.memory_space<vmem>>, vector<16xi32>,
        tpu.vector_store %arg9[%swap3A_677, %swap3A_678], %get3A_667 {strides = array<i32>} : memref<16x128xi32, #tpu.memory_space<vmem>>, vector<16xi32>,
        %jit3A = arith.constant 25000 : i32
        %broadcast_in_dim3A_680 = vector.broadcast %jit3A : i32 to vector<16xi32>
        %select_n3A = arith.select %and3A, %sub3A_670, %broadcast_in_dim3A_680 : vector<16xi1>, vector<16xi32>
        %mul3A_681 = arith.constant 16 : i32
        %mul3A_682 = arith.muli %scan3A_661, %mul3A_681 : i32
        %swap3A_683 = arith.constant 6 : i32
        %swap3A_684 = arith.index_cast %swap3A_683 : i32 to index
        %swap3A_685 = arith.index_cast %mul3A_682 : i32 to index
        %swap3A_686 = tpu.vector_load %arg10[%swap3A_684, %swap3A_685] {strides = array<i32>} : memref<16x128xi32, #tpu.memory_space<vmem>>, vector<16xi32>,
        tpu.vector_store %arg10[%swap3A_684, %swap3A_685], %select_n3A {strides = array<i32>} : memref<16x128xi32, #tpu.memory_space<vmem>>, vector<16xi32>,
        %scan3A_687 = arith.constant 0 : i32
        scf.yield %scan3A_687 : i32
      }
      %scan3A_150 = arith.constant 8 : i32
      %scan3A_151 = arith.constant 0 : i32
      %scan3A_152 = arith.constant 0 : i32
      %scan3A_153 = arith.constant 8 : i32
      %scan3A_154 = arith.addi %scan3A_152, %scan3A_153 : i32
      %scan3A_155 = arith.constant 1 : i32
      %scan3A_156 = scf.for %scan3A_661 = %scan3A_152 to %scan3A_154 step %scan3A_155 iter_args(%scan3A_662 = %scan3A_151) -> (i32)  : i32 {
        %mul3A_663 = arith.constant 16 : i32
        %mul3A_664 = arith.muli %scan3A_661, %mul3A_663 : i32
        %add3A_665 = arith.constant 896 : i32
        %add3A_666 = arith.addi %add3A_665, %mul3A_664 : i32
        %get3A = arith.index_cast %add3A_666 : i32 to index
        %get3A_667 = tpu.vector_load %arg7[%get3A] {strides = array<i32>} : memref<2048xi32, #tpu.memory_space<vmem>>, vector<16xi32>,
        %get3A_668 = arith.index_cast %add3A_666 : i32 to index
        %get3A_669 = tpu.vector_load %arg8[%get3A_668] {strides = array<i32>} : memref<2048xi32, #tpu.memory_space<vmem>>, vector<16xi32>,
        %sub3A = vector.broadcast %mul3A_0 : i32 to vector<16xi32>
        %sub3A_670 = arith.subi %get3A_669, %sub3A : vector<16xi32>
        %ge3A = arith.constant 0 : i32
        %ge3A_671 = vector.broadcast %ge3A : i32 to vector<16xi32>
        %ge3A_672 = arith.cmpi sge, %sub3A_670, %ge3A_671 : vector<16xi32>
        %lt3A = arith.constant 25000 : i32
        %lt3A_673 = vector.broadcast %lt3A : i32 to vector<16xi32>
        %lt3A_674 = arith.cmpi slt, %sub3A_670, %lt3A_673 : vector<16xi32>
        %and3A = arith.andi %ge3A_672, %lt3A_674 : vector<16xi1>
        %mul3A_675 = arith.constant 16 : i32
        %mul3A_676 = arith.muli %scan3A_661, %mul3A_675 : i32
        %swap3A = arith.constant 7 : i32
        %swap3A_677 = arith.index_cast %swap3A : i32 to index
        %swap3A_678 = arith.index_cast %mul3A_676 : i32 to index
        %swap3A_679 = tpu.vector_load %arg9[%swap3A_677, %swap3A_678] {strides = array<i32>} : memref<16x128xi32, #tpu.memory_space<vmem>>, vector<16xi32>,
        tpu.vector_store %arg9[%swap3A_677, %swap3A_678], %get3A_667 {strides = array<i32>} : memref<16x128xi32, #tpu.memory_space<vmem>>, vector<16xi32>,
        %jit3A = arith.constant 25000 : i32
        %broadcast_in_dim3A_680 = vector.broadcast %jit3A : i32 to vector<16xi32>
        %select_n3A = arith.select %and3A, %sub3A_670, %broadcast_in_dim3A_680 : vector<16xi1>, vector<16xi32>
        %mul3A_681 = arith.constant 16 : i32
        %mul3A_682 = arith.muli %scan3A_661, %mul3A_681 : i32
        %swap3A_683 = arith.constant 7 : i32
        %swap3A_684 = arith.index_cast %swap3A_683 : i32 to index
        %swap3A_685 = arith.index_cast %mul3A_682 : i32 to index
        %swap3A_686 = tpu.vector_load %arg10[%swap3A_684, %swap3A_685] {strides = array<i32>} : memref<16x128xi32, #tpu.memory_space<vmem>>, vector<16xi32>,
        tpu.vector_store %arg10[%swap3A_684, %swap3A_685], %select_n3A {strides = array<i32>} : memref<16x128xi32, #tpu.memory_space<vmem>>, vector<16xi32>,
        %scan3A_687 = arith.constant 0 : i32
        scf.yield %scan3A_687 : i32
      }
      %scan3A_157 = arith.constant 8 : i32
      %scan3A_158 = arith.constant 0 : i32
      %scan3A_159 = arith.constant 0 : i32
      %scan3A_160 = arith.constant 8 : i32
      %scan3A_161 = arith.addi %scan3A_159, %scan3A_160 : i32
      %scan3A_162 = arith.constant 1 : i32
      %scan3A_163 = scf.for %scan3A_661 = %scan3A_159 to %scan3A_161 step %scan3A_162 iter_args(%scan3A_662 = %scan3A_158) -> (i32)  : i32 {
        %mul3A_663 = arith.constant 16 : i32
        %mul3A_664 = arith.muli %scan3A_661, %mul3A_663 : i32
        %add3A_665 = arith.constant 1024 : i32
        %add3A_666 = arith.addi %add3A_665, %mul3A_664 : i32
        %get3A = arith.index_cast %add3A_666 : i32 to index
        %get3A_667 = tpu.vector_load %arg7[%get3A] {strides = array<i32>} : memref<2048xi32, #tpu.memory_space<vmem>>, vector<16xi32>,
        %get3A_668 = arith.index_cast %add3A_666 : i32 to index
        %get3A_669 = tpu.vector_load %arg8[%get3A_668] {strides = array<i32>} : memref<2048xi32, #tpu.memory_space<vmem>>, vector<16xi32>,
        %sub3A = vector.broadcast %mul3A_0 : i32 to vector<16xi32>
        %sub3A_670 = arith.subi %get3A_669, %sub3A : vector<16xi32>
        %ge3A = arith.constant 0 : i32
        %ge3A_671 = vector.broadcast %ge3A : i32 to vector<16xi32>
        %ge3A_672 = arith.cmpi sge, %sub3A_670, %ge3A_671 : vector<16xi32>
        %lt3A = arith.constant 25000 : i32
        %lt3A_673 = vector.broadcast %lt3A : i32 to vector<16xi32>
        %lt3A_674 = arith.cmpi slt, %sub3A_670, %lt3A_673 : vector<16xi32>
        %and3A = arith.andi %ge3A_672, %lt3A_674 : vector<16xi1>
        %mul3A_675 = arith.constant 16 : i32
        %mul3A_676 = arith.muli %scan3A_661, %mul3A_675 : i32
        %swap3A = arith.constant 8 : i32
        %swap3A_677 = arith.index_cast %swap3A : i32 to index
        %swap3A_678 = arith.index_cast %mul3A_676 : i32 to index
        %swap3A_679 = tpu.vector_load %arg9[%swap3A_677, %swap3A_678] {strides = array<i32>} : memref<16x128xi32, #tpu.memory_space<vmem>>, vector<16xi32>,
        tpu.vector_store %arg9[%swap3A_677, %swap3A_678], %get3A_667 {strides = array<i32>} : memref<16x128xi32, #tpu.memory_space<vmem>>, vector<16xi32>,
        %jit3A = arith.constant 25000 : i32
        %broadcast_in_dim3A_680 = vector.broadcast %jit3A : i32 to vector<16xi32>
        %select_n3A = arith.select %and3A, %sub3A_670, %broadcast_in_dim3A_680 : vector<16xi1>, vector<16xi32>
        %mul3A_681 = arith.constant 16 : i32
        %mul3A_682 = arith.muli %scan3A_661, %mul3A_681 : i32
        %swap3A_683 = arith.constant 8 : i32
        %swap3A_684 = arith.index_cast %swap3A_683 : i32 to index
        %swap3A_685 = arith.index_cast %mul3A_682 : i32 to index
        %swap3A_686 = tpu.vector_load %arg10[%swap3A_684, %swap3A_685] {strides = array<i32>} : memref<16x128xi32, #tpu.memory_space<vmem>>, vector<16xi32>,
        tpu.vector_store %arg10[%swap3A_684, %swap3A_685], %select_n3A {strides = array<i32>} : memref<16x128xi32, #tpu.memory_space<vmem>>, vector<16xi32>,
        %scan3A_687 = arith.constant 0 : i32
        scf.yield %scan3A_687 : i32
      }
      %scan3A_164 = arith.constant 8 : i32
      %scan3A_165 = arith.constant 0 : i32
      %scan3A_166 = arith.constant 0 : i32
      %scan3A_167 = arith.constant 8 : i32
      %scan3A_168 = arith.addi %scan3A_166, %scan3A_167 : i32
      %scan3A_169 = arith.constant 1 : i32
      %scan3A_170 = scf.for %scan3A_661 = %scan3A_166 to %scan3A_168 step %scan3A_169 iter_args(%scan3A_662 = %scan3A_165) -> (i32)  : i32 {
        %mul3A_663 = arith.constant 16 : i32
        %mul3A_664 = arith.muli %scan3A_661, %mul3A_663 : i32
        %add3A_665 = arith.constant 1152 : i32
        %add3A_666 = arith.addi %add3A_665, %mul3A_664 : i32
        %get3A = arith.index_cast %add3A_666 : i32 to index
        %get3A_667 = tpu.vector_load %arg7[%get3A] {strides = array<i32>} : memref<2048xi32, #tpu.memory_space<vmem>>, vector<16xi32>,
        %get3A_668 = arith.index_cast %add3A_666 : i32 to index
        %get3A_669 = tpu.vector_load %arg8[%get3A_668] {strides = array<i32>} : memref<2048xi32, #tpu.memory_space<vmem>>, vector<16xi32>,
        %sub3A = vector.broadcast %mul3A_0 : i32 to vector<16xi32>
        %sub3A_670 = arith.subi %get3A_669, %sub3A : vector<16xi32>
        %ge3A = arith.constant 0 : i32
        %ge3A_671 = vector.broadcast %ge3A : i32 to vector<16xi32>
        %ge3A_672 = arith.cmpi sge, %sub3A_670, %ge3A_671 : vector<16xi32>
        %lt3A = arith.constant 25000 : i32
        %lt3A_673 = vector.broadcast %lt3A : i32 to vector<16xi32>
        %lt3A_674 = arith.cmpi slt, %sub3A_670, %lt3A_673 : vector<16xi32>
        %and3A = arith.andi %ge3A_672, %lt3A_674 : vector<16xi1>
        %mul3A_675 = arith.constant 16 : i32
        %mul3A_676 = arith.muli %scan3A_661, %mul3A_675 : i32
        %swap3A = arith.constant 9 : i32
        %swap3A_677 = arith.index_cast %swap3A : i32 to index
        %swap3A_678 = arith.index_cast %mul3A_676 : i32 to index
        %swap3A_679 = tpu.vector_load %arg9[%swap3A_677, %swap3A_678] {strides = array<i32>} : memref<16x128xi32, #tpu.memory_space<vmem>>, vector<16xi32>,
        tpu.vector_store %arg9[%swap3A_677, %swap3A_678], %get3A_667 {strides = array<i32>} : memref<16x128xi32, #tpu.memory_space<vmem>>, vector<16xi32>,
        %jit3A = arith.constant 25000 : i32
        %broadcast_in_dim3A_680 = vector.broadcast %jit3A : i32 to vector<16xi32>
        %select_n3A = arith.select %and3A, %sub3A_670, %broadcast_in_dim3A_680 : vector<16xi1>, vector<16xi32>
        %mul3A_681 = arith.constant 16 : i32
        %mul3A_682 = arith.muli %scan3A_661, %mul3A_681 : i32
        %swap3A_683 = arith.constant 9 : i32
        %swap3A_684 = arith.index_cast %swap3A_683 : i32 to index
        %swap3A_685 = arith.index_cast %mul3A_682 : i32 to index
        %swap3A_686 = tpu.vector_load %arg10[%swap3A_684, %swap3A_685] {strides = array<i32>} : memref<16x128xi32, #tpu.memory_space<vmem>>, vector<16xi32>,
        tpu.vector_store %arg10[%swap3A_684, %swap3A_685], %select_n3A {strides = array<i32>} : memref<16x128xi32, #tpu.memory_space<vmem>>, vector<16xi32>,
        %scan3A_687 = arith.constant 0 : i32
        scf.yield %scan3A_687 : i32
      }
      %scan3A_171 = arith.constant 8 : i32
      %scan3A_172 = arith.constant 0 : i32
      %scan3A_173 = arith.constant 0 : i32
      %scan3A_174 = arith.constant 8 : i32
      %scan3A_175 = arith.addi %scan3A_173, %scan3A_174 : i32
      %scan3A_176 = arith.constant 1 : i32
      %scan3A_177 = scf.for %scan3A_661 = %scan3A_173 to %scan3A_175 step %scan3A_176 iter_args(%scan3A_662 = %scan3A_172) -> (i32)  : i32 {
        %mul3A_663 = arith.constant 16 : i32
        %mul3A_664 = arith.muli %scan3A_661, %mul3A_663 : i32
        %add3A_665 = arith.constant 1280 : i32
        %add3A_666 = arith.addi %add3A_665, %mul3A_664 : i32
        %get3A = arith.index_cast %add3A_666 : i32 to index
        %get3A_667 = tpu.vector_load %arg7[%get3A] {strides = array<i32>} : memref<2048xi32, #tpu.memory_space<vmem>>, vector<16xi32>,
        %get3A_668 = arith.index_cast %add3A_666 : i32 to index
        %get3A_669 = tpu.vector_load %arg8[%get3A_668] {strides = array<i32>} : memref<2048xi32, #tpu.memory_space<vmem>>, vector<16xi32>,
        %sub3A = vector.broadcast %mul3A_0 : i32 to vector<16xi32>
        %sub3A_670 = arith.subi %get3A_669, %sub3A : vector<16xi32>
        %ge3A = arith.constant 0 : i32
        %ge3A_671 = vector.broadcast %ge3A : i32 to vector<16xi32>
        %ge3A_672 = arith.cmpi sge, %sub3A_670, %ge3A_671 : vector<16xi32>
        %lt3A = arith.constant 25000 : i32
        %lt3A_673 = vector.broadcast %lt3A : i32 to vector<16xi32>
        %lt3A_674 = arith.cmpi slt, %sub3A_670, %lt3A_673 : vector<16xi32>
        %and3A = arith.andi %ge3A_672, %lt3A_674 : vector<16xi1>
        %mul3A_675 = arith.constant 16 : i32
        %mul3A_676 = arith.muli %scan3A_661, %mul3A_675 : i32
        %swap3A = arith.constant 10 : i32
        %swap3A_677 = arith.index_cast %swap3A : i32 to index
        %swap3A_678 = arith.index_cast %mul3A_676 : i32 to index
        %swap3A_679 = tpu.vector_load %arg9[%swap3A_677, %swap3A_678] {strides = array<i32>} : memref<16x128xi32, #tpu.memory_space<vmem>>, vector<16xi32>,
        tpu.vector_store %arg9[%swap3A_677, %swap3A_678], %get3A_667 {strides = array<i32>} : memref<16x128xi32, #tpu.memory_space<vmem>>, vector<16xi32>,
        %jit3A = arith.constant 25000 : i32
        %broadcast_in_dim3A_680 = vector.broadcast %jit3A : i32 to vector<16xi32>
        %select_n3A = arith.select %and3A, %sub3A_670, %broadcast_in_dim3A_680 : vector<16xi1>, vector<16xi32>
        %mul3A_681 = arith.constant 16 : i32
        %mul3A_682 = arith.muli %scan3A_661, %mul3A_681 : i32
        %swap3A_683 = arith.constant 10 : i32
        %swap3A_684 = arith.index_cast %swap3A_683 : i32 to index
        %swap3A_685 = arith.index_cast %mul3A_682 : i32 to index
        %swap3A_686 = tpu.vector_load %arg10[%swap3A_684, %swap3A_685] {strides = array<i32>} : memref<16x128xi32, #tpu.memory_space<vmem>>, vector<16xi32>,
        tpu.vector_store %arg10[%swap3A_684, %swap3A_685], %select_n3A {strides = array<i32>} : memref<16x128xi32, #tpu.memory_space<vmem>>, vector<16xi32>,
        %scan3A_687 = arith.constant 0 : i32
        scf.yield %scan3A_687 : i32
      }
      %scan3A_178 = arith.constant 8 : i32
      %scan3A_179 = arith.constant 0 : i32
      %scan3A_180 = arith.constant 0 : i32
      %scan3A_181 = arith.constant 8 : i32
      %scan3A_182 = arith.addi %scan3A_180, %scan3A_181 : i32
      %scan3A_183 = arith.constant 1 : i32
      %scan3A_184 = scf.for %scan3A_661 = %scan3A_180 to %scan3A_182 step %scan3A_183 iter_args(%scan3A_662 = %scan3A_179) -> (i32)  : i32 {
        %mul3A_663 = arith.constant 16 : i32
        %mul3A_664 = arith.muli %scan3A_661, %mul3A_663 : i32
        %add3A_665 = arith.constant 1408 : i32
        %add3A_666 = arith.addi %add3A_665, %mul3A_664 : i32
        %get3A = arith.index_cast %add3A_666 : i32 to index
        %get3A_667 = tpu.vector_load %arg7[%get3A] {strides = array<i32>} : memref<2048xi32, #tpu.memory_space<vmem>>, vector<16xi32>,
        %get3A_668 = arith.index_cast %add3A_666 : i32 to index
        %get3A_669 = tpu.vector_load %arg8[%get3A_668] {strides = array<i32>} : memref<2048xi32, #tpu.memory_space<vmem>>, vector<16xi32>,
        %sub3A = vector.broadcast %mul3A_0 : i32 to vector<16xi32>
        %sub3A_670 = arith.subi %get3A_669, %sub3A : vector<16xi32>
        %ge3A = arith.constant 0 : i32
        %ge3A_671 = vector.broadcast %ge3A : i32 to vector<16xi32>
        %ge3A_672 = arith.cmpi sge, %sub3A_670, %ge3A_671 : vector<16xi32>
        %lt3A = arith.constant 25000 : i32
        %lt3A_673 = vector.broadcast %lt3A : i32 to vector<16xi32>
        %lt3A_674 = arith.cmpi slt, %sub3A_670, %lt3A_673 : vector<16xi32>
        %and3A = arith.andi %ge3A_672, %lt3A_674 : vector<16xi1>
        %mul3A_675 = arith.constant 16 : i32
        %mul3A_676 = arith.muli %scan3A_661, %mul3A_675 : i32
        %swap3A = arith.constant 11 : i32
        %swap3A_677 = arith.index_cast %swap3A : i32 to index
        %swap3A_678 = arith.index_cast %mul3A_676 : i32 to index
        %swap3A_679 = tpu.vector_load %arg9[%swap3A_677, %swap3A_678] {strides = array<i32>} : memref<16x128xi32, #tpu.memory_space<vmem>>, vector<16xi32>,
        tpu.vector_store %arg9[%swap3A_677, %swap3A_678], %get3A_667 {strides = array<i32>} : memref<16x128xi32, #tpu.memory_space<vmem>>, vector<16xi32>,
        %jit3A = arith.constant 25000 : i32
        %broadcast_in_dim3A_680 = vector.broadcast %jit3A : i32 to vector<16xi32>
        %select_n3A = arith.select %and3A, %sub3A_670, %broadcast_in_dim3A_680 : vector<16xi1>, vector<16xi32>
        %mul3A_681 = arith.constant 16 : i32
        %mul3A_682 = arith.muli %scan3A_661, %mul3A_681 : i32
        %swap3A_683 = arith.constant 11 : i32
        %swap3A_684 = arith.index_cast %swap3A_683 : i32 to index
        %swap3A_685 = arith.index_cast %mul3A_682 : i32 to index
        %swap3A_686 = tpu.vector_load %arg10[%swap3A_684, %swap3A_685] {strides = array<i32>} : memref<16x128xi32, #tpu.memory_space<vmem>>, vector<16xi32>,
        tpu.vector_store %arg10[%swap3A_684, %swap3A_685], %select_n3A {strides = array<i32>} : memref<16x128xi32, #tpu.memory_space<vmem>>, vector<16xi32>,
        %scan3A_687 = arith.constant 0 : i32
        scf.yield %scan3A_687 : i32
      }
      %scan3A_185 = arith.constant 8 : i32
      %scan3A_186 = arith.constant 0 : i32
      %scan3A_187 = arith.constant 0 : i32
      %scan3A_188 = arith.constant 8 : i32
      %scan3A_189 = arith.addi %scan3A_187, %scan3A_188 : i32
      %scan3A_190 = arith.constant 1 : i32
      %scan3A_191 = scf.for %scan3A_661 = %scan3A_187 to %scan3A_189 step %scan3A_190 iter_args(%scan3A_662 = %scan3A_186) -> (i32)  : i32 {
        %mul3A_663 = arith.constant 16 : i32
        %mul3A_664 = arith.muli %scan3A_661, %mul3A_663 : i32
        %add3A_665 = arith.constant 1536 : i32
        %add3A_666 = arith.addi %add3A_665, %mul3A_664 : i32
        %get3A = arith.index_cast %add3A_666 : i32 to index
        %get3A_667 = tpu.vector_load %arg7[%get3A] {strides = array<i32>} : memref<2048xi32, #tpu.memory_space<vmem>>, vector<16xi32>,
        %get3A_668 = arith.index_cast %add3A_666 : i32 to index
        %get3A_669 = tpu.vector_load %arg8[%get3A_668] {strides = array<i32>} : memref<2048xi32, #tpu.memory_space<vmem>>, vector<16xi32>,
        %sub3A = vector.broadcast %mul3A_0 : i32 to vector<16xi32>
        %sub3A_670 = arith.subi %get3A_669, %sub3A : vector<16xi32>
        %ge3A = arith.constant 0 : i32
        %ge3A_671 = vector.broadcast %ge3A : i32 to vector<16xi32>
        %ge3A_672 = arith.cmpi sge, %sub3A_670, %ge3A_671 : vector<16xi32>
        %lt3A = arith.constant 25000 : i32
        %lt3A_673 = vector.broadcast %lt3A : i32 to vector<16xi32>
        %lt3A_674 = arith.cmpi slt, %sub3A_670, %lt3A_673 : vector<16xi32>
        %and3A = arith.andi %ge3A_672, %lt3A_674 : vector<16xi1>
        %mul3A_675 = arith.constant 16 : i32
        %mul3A_676 = arith.muli %scan3A_661, %mul3A_675 : i32
        %swap3A = arith.constant 12 : i32
        %swap3A_677 = arith.index_cast %swap3A : i32 to index
        %swap3A_678 = arith.index_cast %mul3A_676 : i32 to index
        %swap3A_679 = tpu.vector_load %arg9[%swap3A_677, %swap3A_678] {strides = array<i32>} : memref<16x128xi32, #tpu.memory_space<vmem>>, vector<16xi32>,
        tpu.vector_store %arg9[%swap3A_677, %swap3A_678], %get3A_667 {strides = array<i32>} : memref<16x128xi32, #tpu.memory_space<vmem>>, vector<16xi32>,
        %jit3A = arith.constant 25000 : i32
        %broadcast_in_dim3A_680 = vector.broadcast %jit3A : i32 to vector<16xi32>
        %select_n3A = arith.select %and3A, %sub3A_670, %broadcast_in_dim3A_680 : vector<16xi1>, vector<16xi32>
        %mul3A_681 = arith.constant 16 : i32
        %mul3A_682 = arith.muli %scan3A_661, %mul3A_681 : i32
        %swap3A_683 = arith.constant 12 : i32
        %swap3A_684 = arith.index_cast %swap3A_683 : i32 to index
        %swap3A_685 = arith.index_cast %mul3A_682 : i32 to index
        %swap3A_686 = tpu.vector_load %arg10[%swap3A_684, %swap3A_685] {strides = array<i32>} : memref<16x128xi32, #tpu.memory_space<vmem>>, vector<16xi32>,
        tpu.vector_store %arg10[%swap3A_684, %swap3A_685], %select_n3A {strides = array<i32>} : memref<16x128xi32, #tpu.memory_space<vmem>>, vector<16xi32>,
        %scan3A_687 = arith.constant 0 : i32
        scf.yield %scan3A_687 : i32
      }
      %scan3A_192 = arith.constant 8 : i32
      %scan3A_193 = arith.constant 0 : i32
      %scan3A_194 = arith.constant 0 : i32
      %scan3A_195 = arith.constant 8 : i32
      %scan3A_196 = arith.addi %scan3A_194, %scan3A_195 : i32
      %scan3A_197 = arith.constant 1 : i32
      %scan3A_198 = scf.for %scan3A_661 = %scan3A_194 to %scan3A_196 step %scan3A_197 iter_args(%scan3A_662 = %scan3A_193) -> (i32)  : i32 {
        %mul3A_663 = arith.constant 16 : i32
        %mul3A_664 = arith.muli %scan3A_661, %mul3A_663 : i32
        %add3A_665 = arith.constant 1664 : i32
        %add3A_666 = arith.addi %add3A_665, %mul3A_664 : i32
        %get3A = arith.index_cast %add3A_666 : i32 to index
        %get3A_667 = tpu.vector_load %arg7[%get3A] {strides = array<i32>} : memref<2048xi32, #tpu.memory_space<vmem>>, vector<16xi32>,
        %get3A_668 = arith.index_cast %add3A_666 : i32 to index
        %get3A_669 = tpu.vector_load %arg8[%get3A_668] {strides = array<i32>} : memref<2048xi32, #tpu.memory_space<vmem>>, vector<16xi32>,
        %sub3A = vector.broadcast %mul3A_0 : i32 to vector<16xi32>
        %sub3A_670 = arith.subi %get3A_669, %sub3A : vector<16xi32>
        %ge3A = arith.constant 0 : i32
        %ge3A_671 = vector.broadcast %ge3A : i32 to vector<16xi32>
        %ge3A_672 = arith.cmpi sge, %sub3A_670, %ge3A_671 : vector<16xi32>
        %lt3A = arith.constant 25000 : i32
        %lt3A_673 = vector.broadcast %lt3A : i32 to vector<16xi32>
        %lt3A_674 = arith.cmpi slt, %sub3A_670, %lt3A_673 : vector<16xi32>
        %and3A = arith.andi %ge3A_672, %lt3A_674 : vector<16xi1>
        %mul3A_675 = arith.constant 16 : i32
        %mul3A_676 = arith.muli %scan3A_661, %mul3A_675 : i32
        %swap3A = arith.constant 13 : i32
        %swap3A_677 = arith.index_cast %swap3A : i32 to index
        %swap3A_678 = arith.index_cast %mul3A_676 : i32 to index
        %swap3A_679 = tpu.vector_load %arg9[%swap3A_677, %swap3A_678] {strides = array<i32>} : memref<16x128xi32, #tpu.memory_space<vmem>>, vector<16xi32>,
        tpu.vector_store %arg9[%swap3A_677, %swap3A_678], %get3A_667 {strides = array<i32>} : memref<16x128xi32, #tpu.memory_space<vmem>>, vector<16xi32>,
        %jit3A = arith.constant 25000 : i32
        %broadcast_in_dim3A_680 = vector.broadcast %jit3A : i32 to vector<16xi32>
        %select_n3A = arith.select %and3A, %sub3A_670, %broadcast_in_dim3A_680 : vector<16xi1>, vector<16xi32>
        %mul3A_681 = arith.constant 16 : i32
        %mul3A_682 = arith.muli %scan3A_661, %mul3A_681 : i32
        %swap3A_683 = arith.constant 13 : i32
        %swap3A_684 = arith.index_cast %swap3A_683 : i32 to index
        %swap3A_685 = arith.index_cast %mul3A_682 : i32 to index
        %swap3A_686 = tpu.vector_load %arg10[%swap3A_684, %swap3A_685] {strides = array<i32>} : memref<16x128xi32, #tpu.memory_space<vmem>>, vector<16xi32>,
        tpu.vector_store %arg10[%swap3A_684, %swap3A_685], %select_n3A {strides = array<i32>} : memref<16x128xi32, #tpu.memory_space<vmem>>, vector<16xi32>,
        %scan3A_687 = arith.constant 0 : i32
        scf.yield %scan3A_687 : i32
      }
      %scan3A_199 = arith.constant 8 : i32
      %scan3A_200 = arith.constant 0 : i32
      %scan3A_201 = arith.constant 0 : i32
      %scan3A_202 = arith.constant 8 : i32
      %scan3A_203 = arith.addi %scan3A_201, %scan3A_202 : i32
      %scan3A_204 = arith.constant 1 : i32
      %scan3A_205 = scf.for %scan3A_661 = %scan3A_201 to %scan3A_203 step %scan3A_204 iter_args(%scan3A_662 = %scan3A_200) -> (i32)  : i32 {
        %mul3A_663 = arith.constant 16 : i32
        %mul3A_664 = arith.muli %scan3A_661, %mul3A_663 : i32
        %add3A_665 = arith.constant 1792 : i32
        %add3A_666 = arith.addi %add3A_665, %mul3A_664 : i32
        %get3A = arith.index_cast %add3A_666 : i32 to index
        %get3A_667 = tpu.vector_load %arg7[%get3A] {strides = array<i32>} : memref<2048xi32, #tpu.memory_space<vmem>>, vector<16xi32>,
        %get3A_668 = arith.index_cast %add3A_666 : i32 to index
        %get3A_669 = tpu.vector_load %arg8[%get3A_668] {strides = array<i32>} : memref<2048xi32, #tpu.memory_space<vmem>>, vector<16xi32>,
        %sub3A = vector.broadcast %mul3A_0 : i32 to vector<16xi32>
        %sub3A_670 = arith.subi %get3A_669, %sub3A : vector<16xi32>
        %ge3A = arith.constant 0 : i32
        %ge3A_671 = vector.broadcast %ge3A : i32 to vector<16xi32>
        %ge3A_672 = arith.cmpi sge, %sub3A_670, %ge3A_671 : vector<16xi32>
        %lt3A = arith.constant 25000 : i32
        %lt3A_673 = vector.broadcast %lt3A : i32 to vector<16xi32>
        %lt3A_674 = arith.cmpi slt, %sub3A_670, %lt3A_673 : vector<16xi32>
        %and3A = arith.andi %ge3A_672, %lt3A_674 : vector<16xi1>
        %mul3A_675 = arith.constant 16 : i32
        %mul3A_676 = arith.muli %scan3A_661, %mul3A_675 : i32
        %swap3A = arith.constant 14 : i32
        %swap3A_677 = arith.index_cast %swap3A : i32 to index
        %swap3A_678 = arith.index_cast %mul3A_676 : i32 to index
        %swap3A_679 = tpu.vector_load %arg9[%swap3A_677, %swap3A_678] {strides = array<i32>} : memref<16x128xi32, #tpu.memory_space<vmem>>, vector<16xi32>,
        tpu.vector_store %arg9[%swap3A_677, %swap3A_678], %get3A_667 {strides = array<i32>} : memref<16x128xi32, #tpu.memory_space<vmem>>, vector<16xi32>,
        %jit3A = arith.constant 25000 : i32
        %broadcast_in_dim3A_680 = vector.broadcast %jit3A : i32 to vector<16xi32>
        %select_n3A = arith.select %and3A, %sub3A_670, %broadcast_in_dim3A_680 : vector<16xi1>, vector<16xi32>
        %mul3A_681 = arith.constant 16 : i32
        %mul3A_682 = arith.muli %scan3A_661, %mul3A_681 : i32
        %swap3A_683 = arith.constant 14 : i32
        %swap3A_684 = arith.index_cast %swap3A_683 : i32 to index
        %swap3A_685 = arith.index_cast %mul3A_682 : i32 to index
        %swap3A_686 = tpu.vector_load %arg10[%swap3A_684, %swap3A_685] {strides = array<i32>} : memref<16x128xi32, #tpu.memory_space<vmem>>, vector<16xi32>,
        tpu.vector_store %arg10[%swap3A_684, %swap3A_685], %select_n3A {strides = array<i32>} : memref<16x128xi32, #tpu.memory_space<vmem>>, vector<16xi32>,
        %scan3A_687 = arith.constant 0 : i32
        scf.yield %scan3A_687 : i32
      }
      %scan3A_206 = arith.constant 8 : i32
      %scan3A_207 = arith.constant 0 : i32
      %scan3A_208 = arith.constant 0 : i32
      %scan3A_209 = arith.constant 8 : i32
      %scan3A_210 = arith.addi %scan3A_208, %scan3A_209 : i32
      %scan3A_211 = arith.constant 1 : i32
      %scan3A_212 = scf.for %scan3A_661 = %scan3A_208 to %scan3A_210 step %scan3A_211 iter_args(%scan3A_662 = %scan3A_207) -> (i32)  : i32 {
        %mul3A_663 = arith.constant 16 : i32
        %mul3A_664 = arith.muli %scan3A_661, %mul3A_663 : i32
        %add3A_665 = arith.constant 1920 : i32
        %add3A_666 = arith.addi %add3A_665, %mul3A_664 : i32
        %get3A = arith.index_cast %add3A_666 : i32 to index
        %get3A_667 = tpu.vector_load %arg7[%get3A] {strides = array<i32>} : memref<2048xi32, #tpu.memory_space<vmem>>, vector<16xi32>,
        %get3A_668 = arith.index_cast %add3A_666 : i32 to index
        %get3A_669 = tpu.vector_load %arg8[%get3A_668] {strides = array<i32>} : memref<2048xi32, #tpu.memory_space<vmem>>, vector<16xi32>,
        %sub3A = vector.broadcast %mul3A_0 : i32 to vector<16xi32>
        %sub3A_670 = arith.subi %get3A_669, %sub3A : vector<16xi32>
        %ge3A = arith.constant 0 : i32
        %ge3A_671 = vector.broadcast %ge3A : i32 to vector<16xi32>
        %ge3A_672 = arith.cmpi sge, %sub3A_670, %ge3A_671 : vector<16xi32>
        %lt3A = arith.constant 25000 : i32
        %lt3A_673 = vector.broadcast %lt3A : i32 to vector<16xi32>
        %lt3A_674 = arith.cmpi slt, %sub3A_670, %lt3A_673 : vector<16xi32>
        %and3A = arith.andi %ge3A_672, %lt3A_674 : vector<16xi1>
        %mul3A_675 = arith.constant 16 : i32
        %mul3A_676 = arith.muli %scan3A_661, %mul3A_675 : i32
        %swap3A = arith.constant 15 : i32
        %swap3A_677 = arith.index_cast %swap3A : i32 to index
        %swap3A_678 = arith.index_cast %mul3A_676 : i32 to index
        %swap3A_679 = tpu.vector_load %arg9[%swap3A_677, %swap3A_678] {strides = array<i32>} : memref<16x128xi32, #tpu.memory_space<vmem>>, vector<16xi32>,
        tpu.vector_store %arg9[%swap3A_677, %swap3A_678], %get3A_667 {strides = array<i32>} : memref<16x128xi32, #tpu.memory_space<vmem>>, vector<16xi32>,
        %jit3A = arith.constant 25000 : i32
        %broadcast_in_dim3A_680 = vector.broadcast %jit3A : i32 to vector<16xi32>
        %select_n3A = arith.select %and3A, %sub3A_670, %broadcast_in_dim3A_680 : vector<16xi1>, vector<16xi32>
        %mul3A_681 = arith.constant 16 : i32
        %mul3A_682 = arith.muli %scan3A_661, %mul3A_681 : i32
        %swap3A_683 = arith.constant 15 : i32
        %swap3A_684 = arith.index_cast %swap3A_683 : i32 to index
        %swap3A_685 = arith.index_cast %mul3A_682 : i32 to index
        %swap3A_686 = tpu.vector_load %arg10[%swap3A_684, %swap3A_685] {strides = array<i32>} : memref<16x128xi32, #tpu.memory_space<vmem>>, vector<16xi32>,
        tpu.vector_store %arg10[%swap3A_684, %swap3A_685], %select_n3A {strides = array<i32>} : memref<16x128xi32, #tpu.memory_space<vmem>>, vector<16xi32>,
        %scan3A_687 = arith.constant 0 : i32
        scf.yield %scan3A_687 : i32
      }
      %scan3A_213 = arith.constant 8 : i32
      %dma_start3A = arith.constant 0 : i32
      %dma_start3A_214 = arith.constant 0 : i32
      %dma_start3A_215 = tpu.memref_slice %arg9[%dma_start3A, %dma_start3A_214] : memref<16x128xi32, #tpu.memory_space<vmem>> -> memref<1x128xi32, #tpu.memory_space<vmem>>
      %dma_start3A_216 = tpu.memref_squeeze %dma_start3A_215 : memref<1x128xi32, #tpu.memory_space<vmem>> -> memref<128xi32, #tpu.memory_space<vmem>>
      %dma_start3A_217 = arith.constant 0 : i32
      %dma_start3A_218 = arith.constant 0 : i32
      %dma_start3A_219 = tpu.memref_slice %arg5[%dma_start3A_217, %dma_start3A_218] : memref<50000x32xf32, #tpu.memory_space<hbm>> -> memref<50000x32xf32, #tpu.memory_space<hbm>>
      tpu.enqueue_indirect_dma source(%dma_start3A_219 : memref<50000x32xf32, #tpu.memory_space<hbm>>) target(%arg11 : memref<128x32xf32, #tpu.memory_space<vmem>>) offsets(%dma_start3A_216 : memref<128xi32, #tpu.memory_space<vmem>>) semaphore(%arg14 : memref<!tpu.dma_semaphore, #tpu.memory_space<semaphore_mem>>)
      %dma_start3A_220 = arith.constant 1 : i32
      %dma_start3A_221 = arith.constant 0 : i32
      %dma_start3A_222 = tpu.memref_slice %arg9[%dma_start3A_220, %dma_start3A_221] : memref<16x128xi32, #tpu.memory_space<vmem>> -> memref<1x128xi32, #tpu.memory_space<vmem>>
      %dma_start3A_223 = tpu.memref_squeeze %dma_start3A_222 : memref<1x128xi32, #tpu.memory_space<vmem>> -> memref<128xi32, #tpu.memory_space<vmem>>
      %dma_start3A_224 = arith.constant 0 : i32
      %dma_start3A_225 = arith.constant 0 : i32
      %dma_start3A_226 = tpu.memref_slice %arg5[%dma_start3A_224, %dma_start3A_225] : memref<50000x32xf32, #tpu.memory_space<hbm>> -> memref<50000x32xf32, #tpu.memory_space<hbm>>
      tpu.enqueue_indirect_dma source(%dma_start3A_226 : memref<50000x32xf32, #tpu.memory_space<hbm>>) target(%arg12 : memref<128x32xf32, #tpu.memory_space<vmem>>) offsets(%dma_start3A_223 : memref<128xi32, #tpu.memory_space<vmem>>) semaphore(%arg15 : memref<!tpu.dma_semaphore, #tpu.memory_space<semaphore_mem>>)
      %dma_wait3A = arith.constant 0 : i32
      %dma_wait3A_227 = arith.constant 0 : i32
      %dma_wait3A_228 = tpu.memref_slice %arg9[%dma_wait3A, %dma_wait3A_227] : memref<16x128xi32, #tpu.memory_space<vmem>> -> memref<1x128xi32, #tpu.memory_space<vmem>>
      %dma_wait3A_229 = tpu.memref_squeeze %dma_wait3A_228 : memref<1x128xi32, #tpu.memory_space<vmem>> -> memref<128xi32, #tpu.memory_space<vmem>>
      %dma_wait3A_230 = arith.constant 0 : i32
      %dma_wait3A_231 = arith.constant 0 : i32
      %dma_wait3A_232 = tpu.memref_slice %arg5[%dma_wait3A_230, %dma_wait3A_231] : memref<50000x32xf32, #tpu.memory_space<hbm>> -> memref<50000x32xf32, #tpu.memory_space<hbm>>
      tpu.wait_indirect_dma semaphore(%arg14 : memref<!tpu.dma_semaphore, #tpu.memory_space<semaphore_mem>>) src(%dma_wait3A_232 : memref<50000x32xf32, #tpu.memory_space<hbm>>) dst(%arg11 : memref<128x32xf32, #tpu.memory_space<vmem>>)
      %dma_start3A_233 = arith.constant 0 : i32
      %dma_start3A_234 = arith.constant 0 : i32
      %dma_start3A_235 = tpu.memref_slice %arg10[%dma_start3A_233, %dma_start3A_234] : memref<16x128xi32, #tpu.memory_space<vmem>> -> memref<1x128xi32, #tpu.memory_space<vmem>>
      %dma_start3A_236 = tpu.memref_squeeze %dma_start3A_235 : memref<1x128xi32, #tpu.memory_space<vmem>> -> memref<128xi32, #tpu.memory_space<vmem>>
      %dma_start3A_237 = arith.constant 0 : i32
      %dma_start3A_238 = arith.constant 0 : i32
      %dma_start3A_239 = tpu.memref_slice %arg18[%dma_start3A_237, %dma_start3A_238] : memref<25600x32xf32, #tpu.memory_space<vmem_shared>> -> memref<25600x32xf32, #tpu.memory_space<vmem_shared>>
      tpu.enqueue_indirect_dma source(%arg11 : memref<128x32xf32, #tpu.memory_space<vmem>>) target(%dma_start3A_239 : memref<25600x32xf32, #tpu.memory_space<vmem_shared>>) offsets(%dma_start3A_236 : memref<128xi32, #tpu.memory_space<vmem>>) semaphore(%arg16 : memref<!tpu.dma_semaphore, #tpu.memory_space<semaphore_mem>>) {add = true}
      %dma_wait3A_240 = arith.constant 0 : i32
      %dma_wait3A_241 = arith.constant 0 : i32
      %dma_wait3A_242 = tpu.memref_slice %arg10[%dma_wait3A_240, %dma_wait3A_241] : memref<16x128xi32, #tpu.memory_space<vmem>> -> memref<1x128xi32, #tpu.memory_space<vmem>>
      %dma_wait3A_243 = tpu.memref_squeeze %dma_wait3A_242 : memref<1x128xi32, #tpu.memory_space<vmem>> -> memref<128xi32, #tpu.memory_space<vmem>>
      %dma_wait3A_244 = arith.constant 0 : i32
      %dma_wait3A_245 = arith.constant 0 : i32
      %dma_wait3A_246 = tpu.memref_slice %arg18[%dma_wait3A_244, %dma_wait3A_245] : memref<25600x32xf32, #tpu.memory_space<vmem_shared>> -> memref<25600x32xf32, #tpu.memory_space<vmem_shared>>
      tpu.wait_indirect_dma semaphore(%arg16 : memref<!tpu.dma_semaphore, #tpu.memory_space<semaphore_mem>>) src(%arg11 : memref<128x32xf32, #tpu.memory_space<vmem>>) dst(%dma_wait3A_246 : memref<25600x32xf32, #tpu.memory_space<vmem_shared>>)
      %dma_start3A_247 = arith.constant 2 : i32
      %dma_start3A_248 = arith.constant 0 : i32
      %dma_start3A_249 = tpu.memref_slice %arg9[%dma_start3A_247, %dma_start3A_248] : memref<16x128xi32, #tpu.memory_space<vmem>> -> memref<1x128xi32, #tpu.memory_space<vmem>>
      %dma_start3A_250 = tpu.memref_squeeze %dma_start3A_249 : memref<1x128xi32, #tpu.memory_space<vmem>> -> memref<128xi32, #tpu.memory_space<vmem>>
      %dma_start3A_251 = arith.constant 0 : i32
      %dma_start3A_252 = arith.constant 0 : i32
      %dma_start3A_253 = tpu.memref_slice %arg5[%dma_start3A_251, %dma_start3A_252] : memref<50000x32xf32, #tpu.memory_space<hbm>> -> memref<50000x32xf32, #tpu.memory_space<hbm>>
      tpu.enqueue_indirect_dma source(%dma_start3A_253 : memref<50000x32xf32, #tpu.memory_space<hbm>>) target(%arg11 : memref<128x32xf32, #tpu.memory_space<vmem>>) offsets(%dma_start3A_250 : memref<128xi32, #tpu.memory_space<vmem>>) semaphore(%arg14 : memref<!tpu.dma_semaphore, #tpu.memory_space<semaphore_mem>>)
      %dma_wait3A_254 = arith.constant 1 : i32
      %dma_wait3A_255 = arith.constant 0 : i32
      %dma_wait3A_256 = tpu.memref_slice %arg9[%dma_wait3A_254, %dma_wait3A_255] : memref<16x128xi32, #tpu.memory_space<vmem>> -> memref<1x128xi32, #tpu.memory_space<vmem>>
      %dma_wait3A_257 = tpu.memref_squeeze %dma_wait3A_256 : memref<1x128xi32, #tpu.memory_space<vmem>> -> memref<128xi32, #tpu.memory_space<vmem>>
      %dma_wait3A_258 = arith.constant 0 : i32
      %dma_wait3A_259 = arith.constant 0 : i32
      %dma_wait3A_260 = tpu.memref_slice %arg5[%dma_wait3A_258, %dma_wait3A_259] : memref<50000x32xf32, #tpu.memory_space<hbm>> -> memref<50000x32xf32, #tpu.memory_space<hbm>>
      tpu.wait_indirect_dma semaphore(%arg15 : memref<!tpu.dma_semaphore, #tpu.memory_space<semaphore_mem>>) src(%dma_wait3A_260 : memref<50000x32xf32, #tpu.memory_space<hbm>>) dst(%arg12 : memref<128x32xf32, #tpu.memory_space<vmem>>)
      %dma_start3A_261 = arith.constant 1 : i32
      %dma_start3A_262 = arith.constant 0 : i32
      %dma_start3A_263 = tpu.memref_slice %arg10[%dma_start3A_261, %dma_start3A_262] : memref<16x128xi32, #tpu.memory_space<vmem>> -> memref<1x128xi32, #tpu.memory_space<vmem>>
      %dma_start3A_264 = tpu.memref_squeeze %dma_start3A_263 : memref<1x128xi32, #tpu.memory_space<vmem>> -> memref<128xi32, #tpu.memory_space<vmem>>
      %dma_start3A_265 = arith.constant 0 : i32
      %dma_start3A_266 = arith.constant 0 : i32
      %dma_start3A_267 = tpu.memref_slice %arg18[%dma_start3A_265, %dma_start3A_266] : memref<25600x32xf32, #tpu.memory_space<vmem_shared>> -> memref<25600x32xf32, #tpu.memory_space<vmem_shared>>
      tpu.enqueue_indirect_dma source(%arg12 : memref<128x32xf32, #tpu.memory_space<vmem>>) target(%dma_start3A_267 : memref<25600x32xf32, #tpu.memory_space<vmem_shared>>) offsets(%dma_start3A_264 : memref<128xi32, #tpu.memory_space<vmem>>) semaphore(%arg17 : memref<!tpu.dma_semaphore, #tpu.memory_space<semaphore_mem>>) {add = true}
      %dma_wait3A_268 = arith.constant 1 : i32
      %dma_wait3A_269 = arith.constant 0 : i32
      %dma_wait3A_270 = tpu.memref_slice %arg10[%dma_wait3A_268, %dma_wait3A_269] : memref<16x128xi32, #tpu.memory_space<vmem>> -> memref<1x128xi32, #tpu.memory_space<vmem>>
      %dma_wait3A_271 = tpu.memref_squeeze %dma_wait3A_270 : memref<1x128xi32, #tpu.memory_space<vmem>> -> memref<128xi32, #tpu.memory_space<vmem>>
      %dma_wait3A_272 = arith.constant 0 : i32
      %dma_wait3A_273 = arith.constant 0 : i32
      %dma_wait3A_274 = tpu.memref_slice %arg18[%dma_wait3A_272, %dma_wait3A_273] : memref<25600x32xf32, #tpu.memory_space<vmem_shared>> -> memref<25600x32xf32, #tpu.memory_space<vmem_shared>>
      tpu.wait_indirect_dma semaphore(%arg17 : memref<!tpu.dma_semaphore, #tpu.memory_space<semaphore_mem>>) src(%arg12 : memref<128x32xf32, #tpu.memory_space<vmem>>) dst(%dma_wait3A_274 : memref<25600x32xf32, #tpu.memory_space<vmem_shared>>)
      %dma_start3A_275 = arith.constant 3 : i32
      %dma_start3A_276 = arith.constant 0 : i32
      %dma_start3A_277 = tpu.memref_slice %arg9[%dma_start3A_275, %dma_start3A_276] : memref<16x128xi32, #tpu.memory_space<vmem>> -> memref<1x128xi32, #tpu.memory_space<vmem>>
      %dma_start3A_278 = tpu.memref_squeeze %dma_start3A_277 : memref<1x128xi32, #tpu.memory_space<vmem>> -> memref<128xi32, #tpu.memory_space<vmem>>
      %dma_start3A_279 = arith.constant 0 : i32
      %dma_start3A_280 = arith.constant 0 : i32
      %dma_start3A_281 = tpu.memref_slice %arg5[%dma_start3A_279, %dma_start3A_280] : memref<50000x32xf32, #tpu.memory_space<hbm>> -> memref<50000x32xf32, #tpu.memory_space<hbm>>
      tpu.enqueue_indirect_dma source(%dma_start3A_281 : memref<50000x32xf32, #tpu.memory_space<hbm>>) target(%arg12 : memref<128x32xf32, #tpu.memory_space<vmem>>) offsets(%dma_start3A_278 : memref<128xi32, #tpu.memory_space<vmem>>) semaphore(%arg15 : memref<!tpu.dma_semaphore, #tpu.memory_space<semaphore_mem>>)
      %dma_wait3A_282 = arith.constant 2 : i32
      %dma_wait3A_283 = arith.constant 0 : i32
      %dma_wait3A_284 = tpu.memref_slice %arg9[%dma_wait3A_282, %dma_wait3A_283] : memref<16x128xi32, #tpu.memory_space<vmem>> -> memref<1x128xi32, #tpu.memory_space<vmem>>
      %dma_wait3A_285 = tpu.memref_squeeze %dma_wait3A_284 : memref<1x128xi32, #tpu.memory_space<vmem>> -> memref<128xi32, #tpu.memory_space<vmem>>
      %dma_wait3A_286 = arith.constant 0 : i32
      %dma_wait3A_287 = arith.constant 0 : i32
      %dma_wait3A_288 = tpu.memref_slice %arg5[%dma_wait3A_286, %dma_wait3A_287] : memref<50000x32xf32, #tpu.memory_space<hbm>> -> memref<50000x32xf32, #tpu.memory_space<hbm>>
      tpu.wait_indirect_dma semaphore(%arg14 : memref<!tpu.dma_semaphore, #tpu.memory_space<semaphore_mem>>) src(%dma_wait3A_288 : memref<50000x32xf32, #tpu.memory_space<hbm>>) dst(%arg11 : memref<128x32xf32, #tpu.memory_space<vmem>>)
      %dma_start3A_289 = arith.constant 2 : i32
      %dma_start3A_290 = arith.constant 0 : i32
      %dma_start3A_291 = tpu.memref_slice %arg10[%dma_start3A_289, %dma_start3A_290] : memref<16x128xi32, #tpu.memory_space<vmem>> -> memref<1x128xi32, #tpu.memory_space<vmem>>
      %dma_start3A_292 = tpu.memref_squeeze %dma_start3A_291 : memref<1x128xi32, #tpu.memory_space<vmem>> -> memref<128xi32, #tpu.memory_space<vmem>>
      %dma_start3A_293 = arith.constant 0 : i32
      %dma_start3A_294 = arith.constant 0 : i32
      %dma_start3A_295 = tpu.memref_slice %arg18[%dma_start3A_293, %dma_start3A_294] : memref<25600x32xf32, #tpu.memory_space<vmem_shared>> -> memref<25600x32xf32, #tpu.memory_space<vmem_shared>>
      tpu.enqueue_indirect_dma source(%arg11 : memref<128x32xf32, #tpu.memory_space<vmem>>) target(%dma_start3A_295 : memref<25600x32xf32, #tpu.memory_space<vmem_shared>>) offsets(%dma_start3A_292 : memref<128xi32, #tpu.memory_space<vmem>>) semaphore(%arg16 : memref<!tpu.dma_semaphore, #tpu.memory_space<semaphore_mem>>) {add = true}
      %dma_wait3A_296 = arith.constant 2 : i32
      %dma_wait3A_297 = arith.constant 0 : i32
      %dma_wait3A_298 = tpu.memref_slice %arg10[%dma_wait3A_296, %dma_wait3A_297] : memref<16x128xi32, #tpu.memory_space<vmem>> -> memref<1x128xi32, #tpu.memory_space<vmem>>
      %dma_wait3A_299 = tpu.memref_squeeze %dma_wait3A_298 : memref<1x128xi32, #tpu.memory_space<vmem>> -> memref<128xi32, #tpu.memory_space<vmem>>
      %dma_wait3A_300 = arith.constant 0 : i32
      %dma_wait3A_301 = arith.constant 0 : i32
      %dma_wait3A_302 = tpu.memref_slice %arg18[%dma_wait3A_300, %dma_wait3A_301] : memref<25600x32xf32, #tpu.memory_space<vmem_shared>> -> memref<25600x32xf32, #tpu.memory_space<vmem_shared>>
      tpu.wait_indirect_dma semaphore(%arg16 : memref<!tpu.dma_semaphore, #tpu.memory_space<semaphore_mem>>) src(%arg11 : memref<128x32xf32, #tpu.memory_space<vmem>>) dst(%dma_wait3A_302 : memref<25600x32xf32, #tpu.memory_space<vmem_shared>>)
      %dma_start3A_303 = arith.constant 4 : i32
      %dma_start3A_304 = arith.constant 0 : i32
      %dma_start3A_305 = tpu.memref_slice %arg9[%dma_start3A_303, %dma_start3A_304] : memref<16x128xi32, #tpu.memory_space<vmem>> -> memref<1x128xi32, #tpu.memory_space<vmem>>
      %dma_start3A_306 = tpu.memref_squeeze %dma_start3A_305 : memref<1x128xi32, #tpu.memory_space<vmem>> -> memref<128xi32, #tpu.memory_space<vmem>>
      %dma_start3A_307 = arith.constant 0 : i32
      %dma_start3A_308 = arith.constant 0 : i32
      %dma_start3A_309 = tpu.memref_slice %arg5[%dma_start3A_307, %dma_start3A_308] : memref<50000x32xf32, #tpu.memory_space<hbm>> -> memref<50000x32xf32, #tpu.memory_space<hbm>>
      tpu.enqueue_indirect_dma source(%dma_start3A_309 : memref<50000x32xf32, #tpu.memory_space<hbm>>) target(%arg11 : memref<128x32xf32, #tpu.memory_space<vmem>>) offsets(%dma_start3A_306 : memref<128xi32, #tpu.memory_space<vmem>>) semaphore(%arg14 : memref<!tpu.dma_semaphore, #tpu.memory_space<semaphore_mem>>)
      %dma_wait3A_310 = arith.constant 3 : i32
      %dma_wait3A_311 = arith.constant 0 : i32
      %dma_wait3A_312 = tpu.memref_slice %arg9[%dma_wait3A_310, %dma_wait3A_311] : memref<16x128xi32, #tpu.memory_space<vmem>> -> memref<1x128xi32, #tpu.memory_space<vmem>>
      %dma_wait3A_313 = tpu.memref_squeeze %dma_wait3A_312 : memref<1x128xi32, #tpu.memory_space<vmem>> -> memref<128xi32, #tpu.memory_space<vmem>>
      %dma_wait3A_314 = arith.constant 0 : i32
      %dma_wait3A_315 = arith.constant 0 : i32
      %dma_wait3A_316 = tpu.memref_slice %arg5[%dma_wait3A_314, %dma_wait3A_315] : memref<50000x32xf32, #tpu.memory_space<hbm>> -> memref<50000x32xf32, #tpu.memory_space<hbm>>
      tpu.wait_indirect_dma semaphore(%arg15 : memref<!tpu.dma_semaphore, #tpu.memory_space<semaphore_mem>>) src(%dma_wait3A_316 : memref<50000x32xf32, #tpu.memory_space<hbm>>) dst(%arg12 : memref<128x32xf32, #tpu.memory_space<vmem>>)
      %dma_start3A_317 = arith.constant 3 : i32
      %dma_start3A_318 = arith.constant 0 : i32
      %dma_start3A_319 = tpu.memref_slice %arg10[%dma_start3A_317, %dma_start3A_318] : memref<16x128xi32, #tpu.memory_space<vmem>> -> memref<1x128xi32, #tpu.memory_space<vmem>>
      %dma_start3A_320 = tpu.memref_squeeze %dma_start3A_319 : memref<1x128xi32, #tpu.memory_space<vmem>> -> memref<128xi32, #tpu.memory_space<vmem>>
      %dma_start3A_321 = arith.constant 0 : i32
      %dma_start3A_322 = arith.constant 0 : i32
      %dma_start3A_323 = tpu.memref_slice %arg18[%dma_start3A_321, %dma_start3A_322] : memref<25600x32xf32, #tpu.memory_space<vmem_shared>> -> memref<25600x32xf32, #tpu.memory_space<vmem_shared>>
      tpu.enqueue_indirect_dma source(%arg12 : memref<128x32xf32, #tpu.memory_space<vmem>>) target(%dma_start3A_323 : memref<25600x32xf32, #tpu.memory_space<vmem_shared>>) offsets(%dma_start3A_320 : memref<128xi32, #tpu.memory_space<vmem>>) semaphore(%arg17 : memref<!tpu.dma_semaphore, #tpu.memory_space<semaphore_mem>>) {add = true}
      %dma_wait3A_324 = arith.constant 3 : i32
      %dma_wait3A_325 = arith.constant 0 : i32
      %dma_wait3A_326 = tpu.memref_slice %arg10[%dma_wait3A_324, %dma_wait3A_325] : memref<16x128xi32, #tpu.memory_space<vmem>> -> memref<1x128xi32, #tpu.memory_space<vmem>>
      %dma_wait3A_327 = tpu.memref_squeeze %dma_wait3A_326 : memref<1x128xi32, #tpu.memory_space<vmem>> -> memref<128xi32, #tpu.memory_space<vmem>>
      %dma_wait3A_328 = arith.constant 0 : i32
      %dma_wait3A_329 = arith.constant 0 : i32
      %dma_wait3A_330 = tpu.memref_slice %arg18[%dma_wait3A_328, %dma_wait3A_329] : memref<25600x32xf32, #tpu.memory_space<vmem_shared>> -> memref<25600x32xf32, #tpu.memory_space<vmem_shared>>
      tpu.wait_indirect_dma semaphore(%arg17 : memref<!tpu.dma_semaphore, #tpu.memory_space<semaphore_mem>>) src(%arg12 : memref<128x32xf32, #tpu.memory_space<vmem>>) dst(%dma_wait3A_330 : memref<25600x32xf32, #tpu.memory_space<vmem_shared>>)
      %dma_start3A_331 = arith.constant 5 : i32
      %dma_start3A_332 = arith.constant 0 : i32
      %dma_start3A_333 = tpu.memref_slice %arg9[%dma_start3A_331, %dma_start3A_332] : memref<16x128xi32, #tpu.memory_space<vmem>> -> memref<1x128xi32, #tpu.memory_space<vmem>>
      %dma_start3A_334 = tpu.memref_squeeze %dma_start3A_333 : memref<1x128xi32, #tpu.memory_space<vmem>> -> memref<128xi32, #tpu.memory_space<vmem>>
      %dma_start3A_335 = arith.constant 0 : i32
      %dma_start3A_336 = arith.constant 0 : i32
      %dma_start3A_337 = tpu.memref_slice %arg5[%dma_start3A_335, %dma_start3A_336] : memref<50000x32xf32, #tpu.memory_space<hbm>> -> memref<50000x32xf32, #tpu.memory_space<hbm>>
      tpu.enqueue_indirect_dma source(%dma_start3A_337 : memref<50000x32xf32, #tpu.memory_space<hbm>>) target(%arg12 : memref<128x32xf32, #tpu.memory_space<vmem>>) offsets(%dma_start3A_334 : memref<128xi32, #tpu.memory_space<vmem>>) semaphore(%arg15 : memref<!tpu.dma_semaphore, #tpu.memory_space<semaphore_mem>>)
      %dma_wait3A_338 = arith.constant 4 : i32
      %dma_wait3A_339 = arith.constant 0 : i32
      %dma_wait3A_340 = tpu.memref_slice %arg9[%dma_wait3A_338, %dma_wait3A_339] : memref<16x128xi32, #tpu.memory_space<vmem>> -> memref<1x128xi32, #tpu.memory_space<vmem>>
      %dma_wait3A_341 = tpu.memref_squeeze %dma_wait3A_340 : memref<1x128xi32, #tpu.memory_space<vmem>> -> memref<128xi32, #tpu.memory_space<vmem>>
      %dma_wait3A_342 = arith.constant 0 : i32
      %dma_wait3A_343 = arith.constant 0 : i32
      %dma_wait3A_344 = tpu.memref_slice %arg5[%dma_wait3A_342, %dma_wait3A_343] : memref<50000x32xf32, #tpu.memory_space<hbm>> -> memref<50000x32xf32, #tpu.memory_space<hbm>>
      tpu.wait_indirect_dma semaphore(%arg14 : memref<!tpu.dma_semaphore, #tpu.memory_space<semaphore_mem>>) src(%dma_wait3A_344 : memref<50000x32xf32, #tpu.memory_space<hbm>>) dst(%arg11 : memref<128x32xf32, #tpu.memory_space<vmem>>)
      %dma_start3A_345 = arith.constant 4 : i32
      %dma_start3A_346 = arith.constant 0 : i32
      %dma_start3A_347 = tpu.memref_slice %arg10[%dma_start3A_345, %dma_start3A_346] : memref<16x128xi32, #tpu.memory_space<vmem>> -> memref<1x128xi32, #tpu.memory_space<vmem>>
      %dma_start3A_348 = tpu.memref_squeeze %dma_start3A_347 : memref<1x128xi32, #tpu.memory_space<vmem>> -> memref<128xi32, #tpu.memory_space<vmem>>
      %dma_start3A_349 = arith.constant 0 : i32
      %dma_start3A_350 = arith.constant 0 : i32
      %dma_start3A_351 = tpu.memref_slice %arg18[%dma_start3A_349, %dma_start3A_350] : memref<25600x32xf32, #tpu.memory_space<vmem_shared>> -> memref<25600x32xf32, #tpu.memory_space<vmem_shared>>
      tpu.enqueue_indirect_dma source(%arg11 : memref<128x32xf32, #tpu.memory_space<vmem>>) target(%dma_start3A_351 : memref<25600x32xf32, #tpu.memory_space<vmem_shared>>) offsets(%dma_start3A_348 : memref<128xi32, #tpu.memory_space<vmem>>) semaphore(%arg16 : memref<!tpu.dma_semaphore, #tpu.memory_space<semaphore_mem>>) {add = true}
      %dma_wait3A_352 = arith.constant 4 : i32
      %dma_wait3A_353 = arith.constant 0 : i32
      %dma_wait3A_354 = tpu.memref_slice %arg10[%dma_wait3A_352, %dma_wait3A_353] : memref<16x128xi32, #tpu.memory_space<vmem>> -> memref<1x128xi32, #tpu.memory_space<vmem>>
      %dma_wait3A_355 = tpu.memref_squeeze %dma_wait3A_354 : memref<1x128xi32, #tpu.memory_space<vmem>> -> memref<128xi32, #tpu.memory_space<vmem>>
      %dma_wait3A_356 = arith.constant 0 : i32
      %dma_wait3A_357 = arith.constant 0 : i32
      %dma_wait3A_358 = tpu.memref_slice %arg18[%dma_wait3A_356, %dma_wait3A_357] : memref<25600x32xf32, #tpu.memory_space<vmem_shared>> -> memref<25600x32xf32, #tpu.memory_space<vmem_shared>>
      tpu.wait_indirect_dma semaphore(%arg16 : memref<!tpu.dma_semaphore, #tpu.memory_space<semaphore_mem>>) src(%arg11 : memref<128x32xf32, #tpu.memory_space<vmem>>) dst(%dma_wait3A_358 : memref<25600x32xf32, #tpu.memory_space<vmem_shared>>)
      %dma_start3A_359 = arith.constant 6 : i32
      %dma_start3A_360 = arith.constant 0 : i32
      %dma_start3A_361 = tpu.memref_slice %arg9[%dma_start3A_359, %dma_start3A_360] : memref<16x128xi32, #tpu.memory_space<vmem>> -> memref<1x128xi32, #tpu.memory_space<vmem>>
      %dma_start3A_362 = tpu.memref_squeeze %dma_start3A_361 : memref<1x128xi32, #tpu.memory_space<vmem>> -> memref<128xi32, #tpu.memory_space<vmem>>
      %dma_start3A_363 = arith.constant 0 : i32
      %dma_start3A_364 = arith.constant 0 : i32
      %dma_start3A_365 = tpu.memref_slice %arg5[%dma_start3A_363, %dma_start3A_364] : memref<50000x32xf32, #tpu.memory_space<hbm>> -> memref<50000x32xf32, #tpu.memory_space<hbm>>
      tpu.enqueue_indirect_dma source(%dma_start3A_365 : memref<50000x32xf32, #tpu.memory_space<hbm>>) target(%arg11 : memref<128x32xf32, #tpu.memory_space<vmem>>) offsets(%dma_start3A_362 : memref<128xi32, #tpu.memory_space<vmem>>) semaphore(%arg14 : memref<!tpu.dma_semaphore, #tpu.memory_space<semaphore_mem>>)
      %dma_wait3A_366 = arith.constant 5 : i32
      %dma_wait3A_367 = arith.constant 0 : i32
      %dma_wait3A_368 = tpu.memref_slice %arg9[%dma_wait3A_366, %dma_wait3A_367] : memref<16x128xi32, #tpu.memory_space<vmem>> -> memref<1x128xi32, #tpu.memory_space<vmem>>
      %dma_wait3A_369 = tpu.memref_squeeze %dma_wait3A_368 : memref<1x128xi32, #tpu.memory_space<vmem>> -> memref<128xi32, #tpu.memory_space<vmem>>
      %dma_wait3A_370 = arith.constant 0 : i32
      %dma_wait3A_371 = arith.constant 0 : i32
      %dma_wait3A_372 = tpu.memref_slice %arg5[%dma_wait3A_370, %dma_wait3A_371] : memref<50000x32xf32, #tpu.memory_space<hbm>> -> memref<50000x32xf32, #tpu.memory_space<hbm>>
      tpu.wait_indirect_dma semaphore(%arg15 : memref<!tpu.dma_semaphore, #tpu.memory_space<semaphore_mem>>) src(%dma_wait3A_372 : memref<50000x32xf32, #tpu.memory_space<hbm>>) dst(%arg12 : memref<128x32xf32, #tpu.memory_space<vmem>>)
      %dma_start3A_373 = arith.constant 5 : i32
      %dma_start3A_374 = arith.constant 0 : i32
      %dma_start3A_375 = tpu.memref_slice %arg10[%dma_start3A_373, %dma_start3A_374] : memref<16x128xi32, #tpu.memory_space<vmem>> -> memref<1x128xi32, #tpu.memory_space<vmem>>
      %dma_start3A_376 = tpu.memref_squeeze %dma_start3A_375 : memref<1x128xi32, #tpu.memory_space<vmem>> -> memref<128xi32, #tpu.memory_space<vmem>>
      %dma_start3A_377 = arith.constant 0 : i32
      %dma_start3A_378 = arith.constant 0 : i32
      %dma_start3A_379 = tpu.memref_slice %arg18[%dma_start3A_377, %dma_start3A_378] : memref<25600x32xf32, #tpu.memory_space<vmem_shared>> -> memref<25600x32xf32, #tpu.memory_space<vmem_shared>>
      tpu.enqueue_indirect_dma source(%arg12 : memref<128x32xf32, #tpu.memory_space<vmem>>) target(%dma_start3A_379 : memref<25600x32xf32, #tpu.memory_space<vmem_shared>>) offsets(%dma_start3A_376 : memref<128xi32, #tpu.memory_space<vmem>>) semaphore(%arg17 : memref<!tpu.dma_semaphore, #tpu.memory_space<semaphore_mem>>) {add = true}
      %dma_wait3A_380 = arith.constant 5 : i32
      %dma_wait3A_381 = arith.constant 0 : i32
      %dma_wait3A_382 = tpu.memref_slice %arg10[%dma_wait3A_380, %dma_wait3A_381] : memref<16x128xi32, #tpu.memory_space<vmem>> -> memref<1x128xi32, #tpu.memory_space<vmem>>
      %dma_wait3A_383 = tpu.memref_squeeze %dma_wait3A_382 : memref<1x128xi32, #tpu.memory_space<vmem>> -> memref<128xi32, #tpu.memory_space<vmem>>
      %dma_wait3A_384 = arith.constant 0 : i32
      %dma_wait3A_385 = arith.constant 0 : i32
      %dma_wait3A_386 = tpu.memref_slice %arg18[%dma_wait3A_384, %dma_wait3A_385] : memref<25600x32xf32, #tpu.memory_space<vmem_shared>> -> memref<25600x32xf32, #tpu.memory_space<vmem_shared>>
      tpu.wait_indirect_dma semaphore(%arg17 : memref<!tpu.dma_semaphore, #tpu.memory_space<semaphore_mem>>) src(%arg12 : memref<128x32xf32, #tpu.memory_space<vmem>>) dst(%dma_wait3A_386 : memref<25600x32xf32, #tpu.memory_space<vmem_shared>>)
      %dma_start3A_387 = arith.constant 7 : i32
      %dma_start3A_388 = arith.constant 0 : i32
      %dma_start3A_389 = tpu.memref_slice %arg9[%dma_start3A_387, %dma_start3A_388] : memref<16x128xi32, #tpu.memory_space<vmem>> -> memref<1x128xi32, #tpu.memory_space<vmem>>
      %dma_start3A_390 = tpu.memref_squeeze %dma_start3A_389 : memref<1x128xi32, #tpu.memory_space<vmem>> -> memref<128xi32, #tpu.memory_space<vmem>>
      %dma_start3A_391 = arith.constant 0 : i32
      %dma_start3A_392 = arith.constant 0 : i32
      %dma_start3A_393 = tpu.memref_slice %arg5[%dma_start3A_391, %dma_start3A_392] : memref<50000x32xf32, #tpu.memory_space<hbm>> -> memref<50000x32xf32, #tpu.memory_space<hbm>>
      tpu.enqueue_indirect_dma source(%dma_start3A_393 : memref<50000x32xf32, #tpu.memory_space<hbm>>) target(%arg12 : memref<128x32xf32, #tpu.memory_space<vmem>>) offsets(%dma_start3A_390 : memref<128xi32, #tpu.memory_space<vmem>>) semaphore(%arg15 : memref<!tpu.dma_semaphore, #tpu.memory_space<semaphore_mem>>)
      %dma_wait3A_394 = arith.constant 6 : i32
      %dma_wait3A_395 = arith.constant 0 : i32
      %dma_wait3A_396 = tpu.memref_slice %arg9[%dma_wait3A_394, %dma_wait3A_395] : memref<16x128xi32, #tpu.memory_space<vmem>> -> memref<1x128xi32, #tpu.memory_space<vmem>>
      %dma_wait3A_397 = tpu.memref_squeeze %dma_wait3A_396 : memref<1x128xi32, #tpu.memory_space<vmem>> -> memref<128xi32, #tpu.memory_space<vmem>>
      %dma_wait3A_398 = arith.constant 0 : i32
      %dma_wait3A_399 = arith.constant 0 : i32
      %dma_wait3A_400 = tpu.memref_slice %arg5[%dma_wait3A_398, %dma_wait3A_399] : memref<50000x32xf32, #tpu.memory_space<hbm>> -> memref<50000x32xf32, #tpu.memory_space<hbm>>
      tpu.wait_indirect_dma semaphore(%arg14 : memref<!tpu.dma_semaphore, #tpu.memory_space<semaphore_mem>>) src(%dma_wait3A_400 : memref<50000x32xf32, #tpu.memory_space<hbm>>) dst(%arg11 : memref<128x32xf32, #tpu.memory_space<vmem>>)
      %dma_start3A_401 = arith.constant 6 : i32
      %dma_start3A_402 = arith.constant 0 : i32
      %dma_start3A_403 = tpu.memref_slice %arg10[%dma_start3A_401, %dma_start3A_402] : memref<16x128xi32, #tpu.memory_space<vmem>> -> memref<1x128xi32, #tpu.memory_space<vmem>>
      %dma_start3A_404 = tpu.memref_squeeze %dma_start3A_403 : memref<1x128xi32, #tpu.memory_space<vmem>> -> memref<128xi32, #tpu.memory_space<vmem>>
      %dma_start3A_405 = arith.constant 0 : i32
      %dma_start3A_406 = arith.constant 0 : i32
      %dma_start3A_407 = tpu.memref_slice %arg18[%dma_start3A_405, %dma_start3A_406] : memref<25600x32xf32, #tpu.memory_space<vmem_shared>> -> memref<25600x32xf32, #tpu.memory_space<vmem_shared>>
      tpu.enqueue_indirect_dma source(%arg11 : memref<128x32xf32, #tpu.memory_space<vmem>>) target(%dma_start3A_407 : memref<25600x32xf32, #tpu.memory_space<vmem_shared>>) offsets(%dma_start3A_404 : memref<128xi32, #tpu.memory_space<vmem>>) semaphore(%arg16 : memref<!tpu.dma_semaphore, #tpu.memory_space<semaphore_mem>>) {add = true}
      %dma_wait3A_408 = arith.constant 6 : i32
      %dma_wait3A_409 = arith.constant 0 : i32
      %dma_wait3A_410 = tpu.memref_slice %arg10[%dma_wait3A_408, %dma_wait3A_409] : memref<16x128xi32, #tpu.memory_space<vmem>> -> memref<1x128xi32, #tpu.memory_space<vmem>>
      %dma_wait3A_411 = tpu.memref_squeeze %dma_wait3A_410 : memref<1x128xi32, #tpu.memory_space<vmem>> -> memref<128xi32, #tpu.memory_space<vmem>>
      %dma_wait3A_412 = arith.constant 0 : i32
      %dma_wait3A_413 = arith.constant 0 : i32
      %dma_wait3A_414 = tpu.memref_slice %arg18[%dma_wait3A_412, %dma_wait3A_413] : memref<25600x32xf32, #tpu.memory_space<vmem_shared>> -> memref<25600x32xf32, #tpu.memory_space<vmem_shared>>
      tpu.wait_indirect_dma semaphore(%arg16 : memref<!tpu.dma_semaphore, #tpu.memory_space<semaphore_mem>>) src(%arg11 : memref<128x32xf32, #tpu.memory_space<vmem>>) dst(%dma_wait3A_414 : memref<25600x32xf32, #tpu.memory_space<vmem_shared>>)
      %dma_start3A_415 = arith.constant 8 : i32
      %dma_start3A_416 = arith.constant 0 : i32
      %dma_start3A_417 = tpu.memref_slice %arg9[%dma_start3A_415, %dma_start3A_416] : memref<16x128xi32, #tpu.memory_space<vmem>> -> memref<1x128xi32, #tpu.memory_space<vmem>>
      %dma_start3A_418 = tpu.memref_squeeze %dma_start3A_417 : memref<1x128xi32, #tpu.memory_space<vmem>> -> memref<128xi32, #tpu.memory_space<vmem>>
      %dma_start3A_419 = arith.constant 0 : i32
      %dma_start3A_420 = arith.constant 0 : i32
      %dma_start3A_421 = tpu.memref_slice %arg5[%dma_start3A_419, %dma_start3A_420] : memref<50000x32xf32, #tpu.memory_space<hbm>> -> memref<50000x32xf32, #tpu.memory_space<hbm>>
      tpu.enqueue_indirect_dma source(%dma_start3A_421 : memref<50000x32xf32, #tpu.memory_space<hbm>>) target(%arg11 : memref<128x32xf32, #tpu.memory_space<vmem>>) offsets(%dma_start3A_418 : memref<128xi32, #tpu.memory_space<vmem>>) semaphore(%arg14 : memref<!tpu.dma_semaphore, #tpu.memory_space<semaphore_mem>>)
      %dma_wait3A_422 = arith.constant 7 : i32
      %dma_wait3A_423 = arith.constant 0 : i32
      %dma_wait3A_424 = tpu.memref_slice %arg9[%dma_wait3A_422, %dma_wait3A_423] : memref<16x128xi32, #tpu.memory_space<vmem>> -> memref<1x128xi32, #tpu.memory_space<vmem>>
      %dma_wait3A_425 = tpu.memref_squeeze %dma_wait3A_424 : memref<1x128xi32, #tpu.memory_space<vmem>> -> memref<128xi32, #tpu.memory_space<vmem>>
      %dma_wait3A_426 = arith.constant 0 : i32
      %dma_wait3A_427 = arith.constant 0 : i32
      %dma_wait3A_428 = tpu.memref_slice %arg5[%dma_wait3A_426, %dma_wait3A_427] : memref<50000x32xf32, #tpu.memory_space<hbm>> -> memref<50000x32xf32, #tpu.memory_space<hbm>>
      tpu.wait_indirect_dma semaphore(%arg15 : memref<!tpu.dma_semaphore, #tpu.memory_space<semaphore_mem>>) src(%dma_wait3A_428 : memref<50000x32xf32, #tpu.memory_space<hbm>>) dst(%arg12 : memref<128x32xf32, #tpu.memory_space<vmem>>)
      %dma_start3A_429 = arith.constant 7 : i32
      %dma_start3A_430 = arith.constant 0 : i32
      %dma_start3A_431 = tpu.memref_slice %arg10[%dma_start3A_429, %dma_start3A_430] : memref<16x128xi32, #tpu.memory_space<vmem>> -> memref<1x128xi32, #tpu.memory_space<vmem>>
      %dma_start3A_432 = tpu.memref_squeeze %dma_start3A_431 : memref<1x128xi32, #tpu.memory_space<vmem>> -> memref<128xi32, #tpu.memory_space<vmem>>
      %dma_start3A_433 = arith.constant 0 : i32
      %dma_start3A_434 = arith.constant 0 : i32
      %dma_start3A_435 = tpu.memref_slice %arg18[%dma_start3A_433, %dma_start3A_434] : memref<25600x32xf32, #tpu.memory_space<vmem_shared>> -> memref<25600x32xf32, #tpu.memory_space<vmem_shared>>
      tpu.enqueue_indirect_dma source(%arg12 : memref<128x32xf32, #tpu.memory_space<vmem>>) target(%dma_start3A_435 : memref<25600x32xf32, #tpu.memory_space<vmem_shared>>) offsets(%dma_start3A_432 : memref<128xi32, #tpu.memory_space<vmem>>) semaphore(%arg17 : memref<!tpu.dma_semaphore, #tpu.memory_space<semaphore_mem>>) {add = true}
      %dma_wait3A_436 = arith.constant 7 : i32
      %dma_wait3A_437 = arith.constant 0 : i32
      %dma_wait3A_438 = tpu.memref_slice %arg10[%dma_wait3A_436, %dma_wait3A_437] : memref<16x128xi32, #tpu.memory_space<vmem>> -> memref<1x128xi32, #tpu.memory_space<vmem>>
      %dma_wait3A_439 = tpu.memref_squeeze %dma_wait3A_438 : memref<1x128xi32, #tpu.memory_space<vmem>> -> memref<128xi32, #tpu.memory_space<vmem>>
      %dma_wait3A_440 = arith.constant 0 : i32
      %dma_wait3A_441 = arith.constant 0 : i32
      %dma_wait3A_442 = tpu.memref_slice %arg18[%dma_wait3A_440, %dma_wait3A_441] : memref<25600x32xf32, #tpu.memory_space<vmem_shared>> -> memref<25600x32xf32, #tpu.memory_space<vmem_shared>>
      tpu.wait_indirect_dma semaphore(%arg17 : memref<!tpu.dma_semaphore, #tpu.memory_space<semaphore_mem>>) src(%arg12 : memref<128x32xf32, #tpu.memory_space<vmem>>) dst(%dma_wait3A_442 : memref<25600x32xf32, #tpu.memory_space<vmem_shared>>)
      %dma_start3A_443 = arith.constant 9 : i32
      %dma_start3A_444 = arith.constant 0 : i32
      %dma_start3A_445 = tpu.memref_slice %arg9[%dma_start3A_443, %dma_start3A_444] : memref<16x128xi32, #tpu.memory_space<vmem>> -> memref<1x128xi32, #tpu.memory_space<vmem>>
      %dma_start3A_446 = tpu.memref_squeeze %dma_start3A_445 : memref<1x128xi32, #tpu.memory_space<vmem>> -> memref<128xi32, #tpu.memory_space<vmem>>
      %dma_start3A_447 = arith.constant 0 : i32
      %dma_start3A_448 = arith.constant 0 : i32
      %dma_start3A_449 = tpu.memref_slice %arg5[%dma_start3A_447, %dma_start3A_448] : memref<50000x32xf32, #tpu.memory_space<hbm>> -> memref<50000x32xf32, #tpu.memory_space<hbm>>
      tpu.enqueue_indirect_dma source(%dma_start3A_449 : memref<50000x32xf32, #tpu.memory_space<hbm>>) target(%arg12 : memref<128x32xf32, #tpu.memory_space<vmem>>) offsets(%dma_start3A_446 : memref<128xi32, #tpu.memory_space<vmem>>) semaphore(%arg15 : memref<!tpu.dma_semaphore, #tpu.memory_space<semaphore_mem>>)
      %dma_wait3A_450 = arith.constant 8 : i32
      %dma_wait3A_451 = arith.constant 0 : i32
      %dma_wait3A_452 = tpu.memref_slice %arg9[%dma_wait3A_450, %dma_wait3A_451] : memref<16x128xi32, #tpu.memory_space<vmem>> -> memref<1x128xi32, #tpu.memory_space<vmem>>
      %dma_wait3A_453 = tpu.memref_squeeze %dma_wait3A_452 : memref<1x128xi32, #tpu.memory_space<vmem>> -> memref<128xi32, #tpu.memory_space<vmem>>
      %dma_wait3A_454 = arith.constant 0 : i32
      %dma_wait3A_455 = arith.constant 0 : i32
      %dma_wait3A_456 = tpu.memref_slice %arg5[%dma_wait3A_454, %dma_wait3A_455] : memref<50000x32xf32, #tpu.memory_space<hbm>> -> memref<50000x32xf32, #tpu.memory_space<hbm>>
      tpu.wait_indirect_dma semaphore(%arg14 : memref<!tpu.dma_semaphore, #tpu.memory_space<semaphore_mem>>) src(%dma_wait3A_456 : memref<50000x32xf32, #tpu.memory_space<hbm>>) dst(%arg11 : memref<128x32xf32, #tpu.memory_space<vmem>>)
      %dma_start3A_457 = arith.constant 8 : i32
      %dma_start3A_458 = arith.constant 0 : i32
      %dma_start3A_459 = tpu.memref_slice %arg10[%dma_start3A_457, %dma_start3A_458] : memref<16x128xi32, #tpu.memory_space<vmem>> -> memref<1x128xi32, #tpu.memory_space<vmem>>
      %dma_start3A_460 = tpu.memref_squeeze %dma_start3A_459 : memref<1x128xi32, #tpu.memory_space<vmem>> -> memref<128xi32, #tpu.memory_space<vmem>>
      %dma_start3A_461 = arith.constant 0 : i32
      %dma_start3A_462 = arith.constant 0 : i32
      %dma_start3A_463 = tpu.memref_slice %arg18[%dma_start3A_461, %dma_start3A_462] : memref<25600x32xf32, #tpu.memory_space<vmem_shared>> -> memref<25600x32xf32, #tpu.memory_space<vmem_shared>>
      tpu.enqueue_indirect_dma source(%arg11 : memref<128x32xf32, #tpu.memory_space<vmem>>) target(%dma_start3A_463 : memref<25600x32xf32, #tpu.memory_space<vmem_shared>>) offsets(%dma_start3A_460 : memref<128xi32, #tpu.memory_space<vmem>>) semaphore(%arg16 : memref<!tpu.dma_semaphore, #tpu.memory_space<semaphore_mem>>) {add = true}
      %dma_wait3A_464 = arith.constant 8 : i32
      %dma_wait3A_465 = arith.constant 0 : i32
      %dma_wait3A_466 = tpu.memref_slice %arg10[%dma_wait3A_464, %dma_wait3A_465] : memref<16x128xi32, #tpu.memory_space<vmem>> -> memref<1x128xi32, #tpu.memory_space<vmem>>
      %dma_wait3A_467 = tpu.memref_squeeze %dma_wait3A_466 : memref<1x128xi32, #tpu.memory_space<vmem>> -> memref<128xi32, #tpu.memory_space<vmem>>
      %dma_wait3A_468 = arith.constant 0 : i32
      %dma_wait3A_469 = arith.constant 0 : i32
      %dma_wait3A_470 = tpu.memref_slice %arg18[%dma_wait3A_468, %dma_wait3A_469] : memref<25600x32xf32, #tpu.memory_space<vmem_shared>> -> memref<25600x32xf32, #tpu.memory_space<vmem_shared>>
      tpu.wait_indirect_dma semaphore(%arg16 : memref<!tpu.dma_semaphore, #tpu.memory_space<semaphore_mem>>) src(%arg11 : memref<128x32xf32, #tpu.memory_space<vmem>>) dst(%dma_wait3A_470 : memref<25600x32xf32, #tpu.memory_space<vmem_shared>>)
      %dma_start3A_471 = arith.constant 10 : i32
      %dma_start3A_472 = arith.constant 0 : i32
      %dma_start3A_473 = tpu.memref_slice %arg9[%dma_start3A_471, %dma_start3A_472] : memref<16x128xi32, #tpu.memory_space<vmem>> -> memref<1x128xi32, #tpu.memory_space<vmem>>
      %dma_start3A_474 = tpu.memref_squeeze %dma_start3A_473 : memref<1x128xi32, #tpu.memory_space<vmem>> -> memref<128xi32, #tpu.memory_space<vmem>>
      %dma_start3A_475 = arith.constant 0 : i32
      %dma_start3A_476 = arith.constant 0 : i32
      %dma_start3A_477 = tpu.memref_slice %arg5[%dma_start3A_475, %dma_start3A_476] : memref<50000x32xf32, #tpu.memory_space<hbm>> -> memref<50000x32xf32, #tpu.memory_space<hbm>>
      tpu.enqueue_indirect_dma source(%dma_start3A_477 : memref<50000x32xf32, #tpu.memory_space<hbm>>) target(%arg11 : memref<128x32xf32, #tpu.memory_space<vmem>>) offsets(%dma_start3A_474 : memref<128xi32, #tpu.memory_space<vmem>>) semaphore(%arg14 : memref<!tpu.dma_semaphore, #tpu.memory_space<semaphore_mem>>)
      %dma_wait3A_478 = arith.constant 9 : i32
      %dma_wait3A_479 = arith.constant 0 : i32
      %dma_wait3A_480 = tpu.memref_slice %arg9[%dma_wait3A_478, %dma_wait3A_479] : memref<16x128xi32, #tpu.memory_space<vmem>> -> memref<1x128xi32, #tpu.memory_space<vmem>>
      %dma_wait3A_481 = tpu.memref_squeeze %dma_wait3A_480 : memref<1x128xi32, #tpu.memory_space<vmem>> -> memref<128xi32, #tpu.memory_space<vmem>>
      %dma_wait3A_482 = arith.constant 0 : i32
      %dma_wait3A_483 = arith.constant 0 : i32
      %dma_wait3A_484 = tpu.memref_slice %arg5[%dma_wait3A_482, %dma_wait3A_483] : memref<50000x32xf32, #tpu.memory_space<hbm>> -> memref<50000x32xf32, #tpu.memory_space<hbm>>
      tpu.wait_indirect_dma semaphore(%arg15 : memref<!tpu.dma_semaphore, #tpu.memory_space<semaphore_mem>>) src(%dma_wait3A_484 : memref<50000x32xf32, #tpu.memory_space<hbm>>) dst(%arg12 : memref<128x32xf32, #tpu.memory_space<vmem>>)
      %dma_start3A_485 = arith.constant 9 : i32
      %dma_start3A_486 = arith.constant 0 : i32
      %dma_start3A_487 = tpu.memref_slice %arg10[%dma_start3A_485, %dma_start3A_486] : memref<16x128xi32, #tpu.memory_space<vmem>> -> memref<1x128xi32, #tpu.memory_space<vmem>>
      %dma_start3A_488 = tpu.memref_squeeze %dma_start3A_487 : memref<1x128xi32, #tpu.memory_space<vmem>> -> memref<128xi32, #tpu.memory_space<vmem>>
      %dma_start3A_489 = arith.constant 0 : i32
      %dma_start3A_490 = arith.constant 0 : i32
      %dma_start3A_491 = tpu.memref_slice %arg18[%dma_start3A_489, %dma_start3A_490] : memref<25600x32xf32, #tpu.memory_space<vmem_shared>> -> memref<25600x32xf32, #tpu.memory_space<vmem_shared>>
      tpu.enqueue_indirect_dma source(%arg12 : memref<128x32xf32, #tpu.memory_space<vmem>>) target(%dma_start3A_491 : memref<25600x32xf32, #tpu.memory_space<vmem_shared>>) offsets(%dma_start3A_488 : memref<128xi32, #tpu.memory_space<vmem>>) semaphore(%arg17 : memref<!tpu.dma_semaphore, #tpu.memory_space<semaphore_mem>>) {add = true}
      %dma_wait3A_492 = arith.constant 9 : i32
      %dma_wait3A_493 = arith.constant 0 : i32
      %dma_wait3A_494 = tpu.memref_slice %arg10[%dma_wait3A_492, %dma_wait3A_493] : memref<16x128xi32, #tpu.memory_space<vmem>> -> memref<1x128xi32, #tpu.memory_space<vmem>>
      %dma_wait3A_495 = tpu.memref_squeeze %dma_wait3A_494 : memref<1x128xi32, #tpu.memory_space<vmem>> -> memref<128xi32, #tpu.memory_space<vmem>>
      %dma_wait3A_496 = arith.constant 0 : i32
      %dma_wait3A_497 = arith.constant 0 : i32
      %dma_wait3A_498 = tpu.memref_slice %arg18[%dma_wait3A_496, %dma_wait3A_497] : memref<25600x32xf32, #tpu.memory_space<vmem_shared>> -> memref<25600x32xf32, #tpu.memory_space<vmem_shared>>
      tpu.wait_indirect_dma semaphore(%arg17 : memref<!tpu.dma_semaphore, #tpu.memory_space<semaphore_mem>>) src(%arg12 : memref<128x32xf32, #tpu.memory_space<vmem>>) dst(%dma_wait3A_498 : memref<25600x32xf32, #tpu.memory_space<vmem_shared>>)
      %dma_start3A_499 = arith.constant 11 : i32
      %dma_start3A_500 = arith.constant 0 : i32
      %dma_start3A_501 = tpu.memref_slice %arg9[%dma_start3A_499, %dma_start3A_500] : memref<16x128xi32, #tpu.memory_space<vmem>> -> memref<1x128xi32, #tpu.memory_space<vmem>>
      %dma_start3A_502 = tpu.memref_squeeze %dma_start3A_501 : memref<1x128xi32, #tpu.memory_space<vmem>> -> memref<128xi32, #tpu.memory_space<vmem>>
      %dma_start3A_503 = arith.constant 0 : i32
      %dma_start3A_504 = arith.constant 0 : i32
      %dma_start3A_505 = tpu.memref_slice %arg5[%dma_start3A_503, %dma_start3A_504] : memref<50000x32xf32, #tpu.memory_space<hbm>> -> memref<50000x32xf32, #tpu.memory_space<hbm>>
      tpu.enqueue_indirect_dma source(%dma_start3A_505 : memref<50000x32xf32, #tpu.memory_space<hbm>>) target(%arg12 : memref<128x32xf32, #tpu.memory_space<vmem>>) offsets(%dma_start3A_502 : memref<128xi32, #tpu.memory_space<vmem>>) semaphore(%arg15 : memref<!tpu.dma_semaphore, #tpu.memory_space<semaphore_mem>>)
      %dma_wait3A_506 = arith.constant 10 : i32
      %dma_wait3A_507 = arith.constant 0 : i32
      %dma_wait3A_508 = tpu.memref_slice %arg9[%dma_wait3A_506, %dma_wait3A_507] : memref<16x128xi32, #tpu.memory_space<vmem>> -> memref<1x128xi32, #tpu.memory_space<vmem>>
      %dma_wait3A_509 = tpu.memref_squeeze %dma_wait3A_508 : memref<1x128xi32, #tpu.memory_space<vmem>> -> memref<128xi32, #tpu.memory_space<vmem>>
      %dma_wait3A_510 = arith.constant 0 : i32
      %dma_wait3A_511 = arith.constant 0 : i32
      %dma_wait3A_512 = tpu.memref_slice %arg5[%dma_wait3A_510, %dma_wait3A_511] : memref<50000x32xf32, #tpu.memory_space<hbm>> -> memref<50000x32xf32, #tpu.memory_space<hbm>>
      tpu.wait_indirect_dma semaphore(%arg14 : memref<!tpu.dma_semaphore, #tpu.memory_space<semaphore_mem>>) src(%dma_wait3A_512 : memref<50000x32xf32, #tpu.memory_space<hbm>>) dst(%arg11 : memref<128x32xf32, #tpu.memory_space<vmem>>)
      %dma_start3A_513 = arith.constant 10 : i32
      %dma_start3A_514 = arith.constant 0 : i32
      %dma_start3A_515 = tpu.memref_slice %arg10[%dma_start3A_513, %dma_start3A_514] : memref<16x128xi32, #tpu.memory_space<vmem>> -> memref<1x128xi32, #tpu.memory_space<vmem>>
      %dma_start3A_516 = tpu.memref_squeeze %dma_start3A_515 : memref<1x128xi32, #tpu.memory_space<vmem>> -> memref<128xi32, #tpu.memory_space<vmem>>
      %dma_start3A_517 = arith.constant 0 : i32
      %dma_start3A_518 = arith.constant 0 : i32
      %dma_start3A_519 = tpu.memref_slice %arg18[%dma_start3A_517, %dma_start3A_518] : memref<25600x32xf32, #tpu.memory_space<vmem_shared>> -> memref<25600x32xf32, #tpu.memory_space<vmem_shared>>
      tpu.enqueue_indirect_dma source(%arg11 : memref<128x32xf32, #tpu.memory_space<vmem>>) target(%dma_start3A_519 : memref<25600x32xf32, #tpu.memory_space<vmem_shared>>) offsets(%dma_start3A_516 : memref<128xi32, #tpu.memory_space<vmem>>) semaphore(%arg16 : memref<!tpu.dma_semaphore, #tpu.memory_space<semaphore_mem>>) {add = true}
      %dma_wait3A_520 = arith.constant 10 : i32
      %dma_wait3A_521 = arith.constant 0 : i32
      %dma_wait3A_522 = tpu.memref_slice %arg10[%dma_wait3A_520, %dma_wait3A_521] : memref<16x128xi32, #tpu.memory_space<vmem>> -> memref<1x128xi32, #tpu.memory_space<vmem>>
      %dma_wait3A_523 = tpu.memref_squeeze %dma_wait3A_522 : memref<1x128xi32, #tpu.memory_space<vmem>> -> memref<128xi32, #tpu.memory_space<vmem>>
      %dma_wait3A_524 = arith.constant 0 : i32
      %dma_wait3A_525 = arith.constant 0 : i32
      %dma_wait3A_526 = tpu.memref_slice %arg18[%dma_wait3A_524, %dma_wait3A_525] : memref<25600x32xf32, #tpu.memory_space<vmem_shared>> -> memref<25600x32xf32, #tpu.memory_space<vmem_shared>>
      tpu.wait_indirect_dma semaphore(%arg16 : memref<!tpu.dma_semaphore, #tpu.memory_space<semaphore_mem>>) src(%arg11 : memref<128x32xf32, #tpu.memory_space<vmem>>) dst(%dma_wait3A_526 : memref<25600x32xf32, #tpu.memory_space<vmem_shared>>)
      %dma_start3A_527 = arith.constant 12 : i32
      %dma_start3A_528 = arith.constant 0 : i32
      %dma_start3A_529 = tpu.memref_slice %arg9[%dma_start3A_527, %dma_start3A_528] : memref<16x128xi32, #tpu.memory_space<vmem>> -> memref<1x128xi32, #tpu.memory_space<vmem>>
      %dma_start3A_530 = tpu.memref_squeeze %dma_start3A_529 : memref<1x128xi32, #tpu.memory_space<vmem>> -> memref<128xi32, #tpu.memory_space<vmem>>
      %dma_start3A_531 = arith.constant 0 : i32
      %dma_start3A_532 = arith.constant 0 : i32
      %dma_start3A_533 = tpu.memref_slice %arg5[%dma_start3A_531, %dma_start3A_532] : memref<50000x32xf32, #tpu.memory_space<hbm>> -> memref<50000x32xf32, #tpu.memory_space<hbm>>
      tpu.enqueue_indirect_dma source(%dma_start3A_533 : memref<50000x32xf32, #tpu.memory_space<hbm>>) target(%arg11 : memref<128x32xf32, #tpu.memory_space<vmem>>) offsets(%dma_start3A_530 : memref<128xi32, #tpu.memory_space<vmem>>) semaphore(%arg14 : memref<!tpu.dma_semaphore, #tpu.memory_space<semaphore_mem>>)
      %dma_wait3A_534 = arith.constant 11 : i32
      %dma_wait3A_535 = arith.constant 0 : i32
      %dma_wait3A_536 = tpu.memref_slice %arg9[%dma_wait3A_534, %dma_wait3A_535] : memref<16x128xi32, #tpu.memory_space<vmem>> -> memref<1x128xi32, #tpu.memory_space<vmem>>
      %dma_wait3A_537 = tpu.memref_squeeze %dma_wait3A_536 : memref<1x128xi32, #tpu.memory_space<vmem>> -> memref<128xi32, #tpu.memory_space<vmem>>
      %dma_wait3A_538 = arith.constant 0 : i32
      %dma_wait3A_539 = arith.constant 0 : i32
      %dma_wait3A_540 = tpu.memref_slice %arg5[%dma_wait3A_538, %dma_wait3A_539] : memref<50000x32xf32, #tpu.memory_space<hbm>> -> memref<50000x32xf32, #tpu.memory_space<hbm>>
      tpu.wait_indirect_dma semaphore(%arg15 : memref<!tpu.dma_semaphore, #tpu.memory_space<semaphore_mem>>) src(%dma_wait3A_540 : memref<50000x32xf32, #tpu.memory_space<hbm>>) dst(%arg12 : memref<128x32xf32, #tpu.memory_space<vmem>>)
      %dma_start3A_541 = arith.constant 11 : i32
      %dma_start3A_542 = arith.constant 0 : i32
      %dma_start3A_543 = tpu.memref_slice %arg10[%dma_start3A_541, %dma_start3A_542] : memref<16x128xi32, #tpu.memory_space<vmem>> -> memref<1x128xi32, #tpu.memory_space<vmem>>
      %dma_start3A_544 = tpu.memref_squeeze %dma_start3A_543 : memref<1x128xi32, #tpu.memory_space<vmem>> -> memref<128xi32, #tpu.memory_space<vmem>>
      %dma_start3A_545 = arith.constant 0 : i32
      %dma_start3A_546 = arith.constant 0 : i32
      %dma_start3A_547 = tpu.memref_slice %arg18[%dma_start3A_545, %dma_start3A_546] : memref<25600x32xf32, #tpu.memory_space<vmem_shared>> -> memref<25600x32xf32, #tpu.memory_space<vmem_shared>>
      tpu.enqueue_indirect_dma source(%arg12 : memref<128x32xf32, #tpu.memory_space<vmem>>) target(%dma_start3A_547 : memref<25600x32xf32, #tpu.memory_space<vmem_shared>>) offsets(%dma_start3A_544 : memref<128xi32, #tpu.memory_space<vmem>>) semaphore(%arg17 : memref<!tpu.dma_semaphore, #tpu.memory_space<semaphore_mem>>) {add = true}
      %dma_wait3A_548 = arith.constant 11 : i32
      %dma_wait3A_549 = arith.constant 0 : i32
      %dma_wait3A_550 = tpu.memref_slice %arg10[%dma_wait3A_548, %dma_wait3A_549] : memref<16x128xi32, #tpu.memory_space<vmem>> -> memref<1x128xi32, #tpu.memory_space<vmem>>
      %dma_wait3A_551 = tpu.memref_squeeze %dma_wait3A_550 : memref<1x128xi32, #tpu.memory_space<vmem>> -> memref<128xi32, #tpu.memory_space<vmem>>
      %dma_wait3A_552 = arith.constant 0 : i32
      %dma_wait3A_553 = arith.constant 0 : i32
      %dma_wait3A_554 = tpu.memref_slice %arg18[%dma_wait3A_552, %dma_wait3A_553] : memref<25600x32xf32, #tpu.memory_space<vmem_shared>> -> memref<25600x32xf32, #tpu.memory_space<vmem_shared>>
      tpu.wait_indirect_dma semaphore(%arg17 : memref<!tpu.dma_semaphore, #tpu.memory_space<semaphore_mem>>) src(%arg12 : memref<128x32xf32, #tpu.memory_space<vmem>>) dst(%dma_wait3A_554 : memref<25600x32xf32, #tpu.memory_space<vmem_shared>>)
      %dma_start3A_555 = arith.constant 13 : i32
      %dma_start3A_556 = arith.constant 0 : i32
      %dma_start3A_557 = tpu.memref_slice %arg9[%dma_start3A_555, %dma_start3A_556] : memref<16x128xi32, #tpu.memory_space<vmem>> -> memref<1x128xi32, #tpu.memory_space<vmem>>
      %dma_start3A_558 = tpu.memref_squeeze %dma_start3A_557 : memref<1x128xi32, #tpu.memory_space<vmem>> -> memref<128xi32, #tpu.memory_space<vmem>>
      %dma_start3A_559 = arith.constant 0 : i32
      %dma_start3A_560 = arith.constant 0 : i32
      %dma_start3A_561 = tpu.memref_slice %arg5[%dma_start3A_559, %dma_start3A_560] : memref<50000x32xf32, #tpu.memory_space<hbm>> -> memref<50000x32xf32, #tpu.memory_space<hbm>>
      tpu.enqueue_indirect_dma source(%dma_start3A_561 : memref<50000x32xf32, #tpu.memory_space<hbm>>) target(%arg12 : memref<128x32xf32, #tpu.memory_space<vmem>>) offsets(%dma_start3A_558 : memref<128xi32, #tpu.memory_space<vmem>>) semaphore(%arg15 : memref<!tpu.dma_semaphore, #tpu.memory_space<semaphore_mem>>)
      %dma_wait3A_562 = arith.constant 12 : i32
      %dma_wait3A_563 = arith.constant 0 : i32
      %dma_wait3A_564 = tpu.memref_slice %arg9[%dma_wait3A_562, %dma_wait3A_563] : memref<16x128xi32, #tpu.memory_space<vmem>> -> memref<1x128xi32, #tpu.memory_space<vmem>>
      %dma_wait3A_565 = tpu.memref_squeeze %dma_wait3A_564 : memref<1x128xi32, #tpu.memory_space<vmem>> -> memref<128xi32, #tpu.memory_space<vmem>>
      %dma_wait3A_566 = arith.constant 0 : i32
      %dma_wait3A_567 = arith.constant 0 : i32
      %dma_wait3A_568 = tpu.memref_slice %arg5[%dma_wait3A_566, %dma_wait3A_567] : memref<50000x32xf32, #tpu.memory_space<hbm>> -> memref<50000x32xf32, #tpu.memory_space<hbm>>
      tpu.wait_indirect_dma semaphore(%arg14 : memref<!tpu.dma_semaphore, #tpu.memory_space<semaphore_mem>>) src(%dma_wait3A_568 : memref<50000x32xf32, #tpu.memory_space<hbm>>) dst(%arg11 : memref<128x32xf32, #tpu.memory_space<vmem>>)
      %dma_start3A_569 = arith.constant 12 : i32
      %dma_start3A_570 = arith.constant 0 : i32
      %dma_start3A_571 = tpu.memref_slice %arg10[%dma_start3A_569, %dma_start3A_570] : memref<16x128xi32, #tpu.memory_space<vmem>> -> memref<1x128xi32, #tpu.memory_space<vmem>>
      %dma_start3A_572 = tpu.memref_squeeze %dma_start3A_571 : memref<1x128xi32, #tpu.memory_space<vmem>> -> memref<128xi32, #tpu.memory_space<vmem>>
      %dma_start3A_573 = arith.constant 0 : i32
      %dma_start3A_574 = arith.constant 0 : i32
      %dma_start3A_575 = tpu.memref_slice %arg18[%dma_start3A_573, %dma_start3A_574] : memref<25600x32xf32, #tpu.memory_space<vmem_shared>> -> memref<25600x32xf32, #tpu.memory_space<vmem_shared>>
      tpu.enqueue_indirect_dma source(%arg11 : memref<128x32xf32, #tpu.memory_space<vmem>>) target(%dma_start3A_575 : memref<25600x32xf32, #tpu.memory_space<vmem_shared>>) offsets(%dma_start3A_572 : memref<128xi32, #tpu.memory_space<vmem>>) semaphore(%arg16 : memref<!tpu.dma_semaphore, #tpu.memory_space<semaphore_mem>>) {add = true}
      %dma_wait3A_576 = arith.constant 12 : i32
      %dma_wait3A_577 = arith.constant 0 : i32
      %dma_wait3A_578 = tpu.memref_slice %arg10[%dma_wait3A_576, %dma_wait3A_577] : memref<16x128xi32, #tpu.memory_space<vmem>> -> memref<1x128xi32, #tpu.memory_space<vmem>>
      %dma_wait3A_579 = tpu.memref_squeeze %dma_wait3A_578 : memref<1x128xi32, #tpu.memory_space<vmem>> -> memref<128xi32, #tpu.memory_space<vmem>>
      %dma_wait3A_580 = arith.constant 0 : i32
      %dma_wait3A_581 = arith.constant 0 : i32
      %dma_wait3A_582 = tpu.memref_slice %arg18[%dma_wait3A_580, %dma_wait3A_581] : memref<25600x32xf32, #tpu.memory_space<vmem_shared>> -> memref<25600x32xf32, #tpu.memory_space<vmem_shared>>
      tpu.wait_indirect_dma semaphore(%arg16 : memref<!tpu.dma_semaphore, #tpu.memory_space<semaphore_mem>>) src(%arg11 : memref<128x32xf32, #tpu.memory_space<vmem>>) dst(%dma_wait3A_582 : memref<25600x32xf32, #tpu.memory_space<vmem_shared>>)
      %dma_start3A_583 = arith.constant 14 : i32
      %dma_start3A_584 = arith.constant 0 : i32
      %dma_start3A_585 = tpu.memref_slice %arg9[%dma_start3A_583, %dma_start3A_584] : memref<16x128xi32, #tpu.memory_space<vmem>> -> memref<1x128xi32, #tpu.memory_space<vmem>>
      %dma_start3A_586 = tpu.memref_squeeze %dma_start3A_585 : memref<1x128xi32, #tpu.memory_space<vmem>> -> memref<128xi32, #tpu.memory_space<vmem>>
      %dma_start3A_587 = arith.constant 0 : i32
      %dma_start3A_588 = arith.constant 0 : i32
      %dma_start3A_589 = tpu.memref_slice %arg5[%dma_start3A_587, %dma_start3A_588] : memref<50000x32xf32, #tpu.memory_space<hbm>> -> memref<50000x32xf32, #tpu.memory_space<hbm>>
      tpu.enqueue_indirect_dma source(%dma_start3A_589 : memref<50000x32xf32, #tpu.memory_space<hbm>>) target(%arg11 : memref<128x32xf32, #tpu.memory_space<vmem>>) offsets(%dma_start3A_586 : memref<128xi32, #tpu.memory_space<vmem>>) semaphore(%arg14 : memref<!tpu.dma_semaphore, #tpu.memory_space<semaphore_mem>>)
      %dma_wait3A_590 = arith.constant 13 : i32
      %dma_wait3A_591 = arith.constant 0 : i32
      %dma_wait3A_592 = tpu.memref_slice %arg9[%dma_wait3A_590, %dma_wait3A_591] : memref<16x128xi32, #tpu.memory_space<vmem>> -> memref<1x128xi32, #tpu.memory_space<vmem>>
      %dma_wait3A_593 = tpu.memref_squeeze %dma_wait3A_592 : memref<1x128xi32, #tpu.memory_space<vmem>> -> memref<128xi32, #tpu.memory_space<vmem>>
      %dma_wait3A_594 = arith.constant 0 : i32
      %dma_wait3A_595 = arith.constant 0 : i32
      %dma_wait3A_596 = tpu.memref_slice %arg5[%dma_wait3A_594, %dma_wait3A_595] : memref<50000x32xf32, #tpu.memory_space<hbm>> -> memref<50000x32xf32, #tpu.memory_space<hbm>>
      tpu.wait_indirect_dma semaphore(%arg15 : memref<!tpu.dma_semaphore, #tpu.memory_space<semaphore_mem>>) src(%dma_wait3A_596 : memref<50000x32xf32, #tpu.memory_space<hbm>>) dst(%arg12 : memref<128x32xf32, #tpu.memory_space<vmem>>)
      %dma_start3A_597 = arith.constant 13 : i32
      %dma_start3A_598 = arith.constant 0 : i32
      %dma_start3A_599 = tpu.memref_slice %arg10[%dma_start3A_597, %dma_start3A_598] : memref<16x128xi32, #tpu.memory_space<vmem>> -> memref<1x128xi32, #tpu.memory_space<vmem>>
      %dma_start3A_600 = tpu.memref_squeeze %dma_start3A_599 : memref<1x128xi32, #tpu.memory_space<vmem>> -> memref<128xi32, #tpu.memory_space<vmem>>
      %dma_start3A_601 = arith.constant 0 : i32
      %dma_start3A_602 = arith.constant 0 : i32
      %dma_start3A_603 = tpu.memref_slice %arg18[%dma_start3A_601, %dma_start3A_602] : memref<25600x32xf32, #tpu.memory_space<vmem_shared>> -> memref<25600x32xf32, #tpu.memory_space<vmem_shared>>
      tpu.enqueue_indirect_dma source(%arg12 : memref<128x32xf32, #tpu.memory_space<vmem>>) target(%dma_start3A_603 : memref<25600x32xf32, #tpu.memory_space<vmem_shared>>) offsets(%dma_start3A_600 : memref<128xi32, #tpu.memory_space<vmem>>) semaphore(%arg17 : memref<!tpu.dma_semaphore, #tpu.memory_space<semaphore_mem>>) {add = true}
      %dma_wait3A_604 = arith.constant 13 : i32
      %dma_wait3A_605 = arith.constant 0 : i32
      %dma_wait3A_606 = tpu.memref_slice %arg10[%dma_wait3A_604, %dma_wait3A_605] : memref<16x128xi32, #tpu.memory_space<vmem>> -> memref<1x128xi32, #tpu.memory_space<vmem>>
      %dma_wait3A_607 = tpu.memref_squeeze %dma_wait3A_606 : memref<1x128xi32, #tpu.memory_space<vmem>> -> memref<128xi32, #tpu.memory_space<vmem>>
      %dma_wait3A_608 = arith.constant 0 : i32
      %dma_wait3A_609 = arith.constant 0 : i32
      %dma_wait3A_610 = tpu.memref_slice %arg18[%dma_wait3A_608, %dma_wait3A_609] : memref<25600x32xf32, #tpu.memory_space<vmem_shared>> -> memref<25600x32xf32, #tpu.memory_space<vmem_shared>>
      tpu.wait_indirect_dma semaphore(%arg17 : memref<!tpu.dma_semaphore, #tpu.memory_space<semaphore_mem>>) src(%arg12 : memref<128x32xf32, #tpu.memory_space<vmem>>) dst(%dma_wait3A_610 : memref<25600x32xf32, #tpu.memory_space<vmem_shared>>)
      %dma_start3A_611 = arith.constant 15 : i32
      %dma_start3A_612 = arith.constant 0 : i32
      %dma_start3A_613 = tpu.memref_slice %arg9[%dma_start3A_611, %dma_start3A_612] : memref<16x128xi32, #tpu.memory_space<vmem>> -> memref<1x128xi32, #tpu.memory_space<vmem>>
      %dma_start3A_614 = tpu.memref_squeeze %dma_start3A_613 : memref<1x128xi32, #tpu.memory_space<vmem>> -> memref<128xi32, #tpu.memory_space<vmem>>
      %dma_start3A_615 = arith.constant 0 : i32
      %dma_start3A_616 = arith.constant 0 : i32
      %dma_start3A_617 = tpu.memref_slice %arg5[%dma_start3A_615, %dma_start3A_616] : memref<50000x32xf32, #tpu.memory_space<hbm>> -> memref<50000x32xf32, #tpu.memory_space<hbm>>
      tpu.enqueue_indirect_dma source(%dma_start3A_617 : memref<50000x32xf32, #tpu.memory_space<hbm>>) target(%arg12 : memref<128x32xf32, #tpu.memory_space<vmem>>) offsets(%dma_start3A_614 : memref<128xi32, #tpu.memory_space<vmem>>) semaphore(%arg15 : memref<!tpu.dma_semaphore, #tpu.memory_space<semaphore_mem>>)
      %dma_wait3A_618 = arith.constant 14 : i32
      %dma_wait3A_619 = arith.constant 0 : i32
      %dma_wait3A_620 = tpu.memref_slice %arg9[%dma_wait3A_618, %dma_wait3A_619] : memref<16x128xi32, #tpu.memory_space<vmem>> -> memref<1x128xi32, #tpu.memory_space<vmem>>
      %dma_wait3A_621 = tpu.memref_squeeze %dma_wait3A_620 : memref<1x128xi32, #tpu.memory_space<vmem>> -> memref<128xi32, #tpu.memory_space<vmem>>
      %dma_wait3A_622 = arith.constant 0 : i32
      %dma_wait3A_623 = arith.constant 0 : i32
      %dma_wait3A_624 = tpu.memref_slice %arg5[%dma_wait3A_622, %dma_wait3A_623] : memref<50000x32xf32, #tpu.memory_space<hbm>> -> memref<50000x32xf32, #tpu.memory_space<hbm>>
      tpu.wait_indirect_dma semaphore(%arg14 : memref<!tpu.dma_semaphore, #tpu.memory_space<semaphore_mem>>) src(%dma_wait3A_624 : memref<50000x32xf32, #tpu.memory_space<hbm>>) dst(%arg11 : memref<128x32xf32, #tpu.memory_space<vmem>>)
      %dma_start3A_625 = arith.constant 14 : i32
      %dma_start3A_626 = arith.constant 0 : i32
      %dma_start3A_627 = tpu.memref_slice %arg10[%dma_start3A_625, %dma_start3A_626] : memref<16x128xi32, #tpu.memory_space<vmem>> -> memref<1x128xi32, #tpu.memory_space<vmem>>
      %dma_start3A_628 = tpu.memref_squeeze %dma_start3A_627 : memref<1x128xi32, #tpu.memory_space<vmem>> -> memref<128xi32, #tpu.memory_space<vmem>>
      %dma_start3A_629 = arith.constant 0 : i32
      %dma_start3A_630 = arith.constant 0 : i32
      %dma_start3A_631 = tpu.memref_slice %arg18[%dma_start3A_629, %dma_start3A_630] : memref<25600x32xf32, #tpu.memory_space<vmem_shared>> -> memref<25600x32xf32, #tpu.memory_space<vmem_shared>>
      tpu.enqueue_indirect_dma source(%arg11 : memref<128x32xf32, #tpu.memory_space<vmem>>) target(%dma_start3A_631 : memref<25600x32xf32, #tpu.memory_space<vmem_shared>>) offsets(%dma_start3A_628 : memref<128xi32, #tpu.memory_space<vmem>>) semaphore(%arg16 : memref<!tpu.dma_semaphore, #tpu.memory_space<semaphore_mem>>) {add = true}
      %dma_wait3A_632 = arith.constant 15 : i32
      %dma_wait3A_633 = arith.constant 0 : i32
      %dma_wait3A_634 = tpu.memref_slice %arg9[%dma_wait3A_632, %dma_wait3A_633] : memref<16x128xi32, #tpu.memory_space<vmem>> -> memref<1x128xi32, #tpu.memory_space<vmem>>
      %dma_wait3A_635 = tpu.memref_squeeze %dma_wait3A_634 : memref<1x128xi32, #tpu.memory_space<vmem>> -> memref<128xi32, #tpu.memory_space<vmem>>
      %dma_wait3A_636 = arith.constant 0 : i32
      %dma_wait3A_637 = arith.constant 0 : i32
      %dma_wait3A_638 = tpu.memref_slice %arg5[%dma_wait3A_636, %dma_wait3A_637] : memref<50000x32xf32, #tpu.memory_space<hbm>> -> memref<50000x32xf32, #tpu.memory_space<hbm>>
      tpu.wait_indirect_dma semaphore(%arg15 : memref<!tpu.dma_semaphore, #tpu.memory_space<semaphore_mem>>) src(%dma_wait3A_638 : memref<50000x32xf32, #tpu.memory_space<hbm>>) dst(%arg12 : memref<128x32xf32, #tpu.memory_space<vmem>>)
      %dma_start3A_639 = arith.constant 15 : i32
      %dma_start3A_640 = arith.constant 0 : i32
      %dma_start3A_641 = tpu.memref_slice %arg10[%dma_start3A_639, %dma_start3A_640] : memref<16x128xi32, #tpu.memory_space<vmem>> -> memref<1x128xi32, #tpu.memory_space<vmem>>
      %dma_start3A_642 = tpu.memref_squeeze %dma_start3A_641 : memref<1x128xi32, #tpu.memory_space<vmem>> -> memref<128xi32, #tpu.memory_space<vmem>>
      %dma_start3A_643 = arith.constant 0 : i32
      %dma_start3A_644 = arith.constant 0 : i32
      %dma_start3A_645 = tpu.memref_slice %arg18[%dma_start3A_643, %dma_start3A_644] : memref<25600x32xf32, #tpu.memory_space<vmem_shared>> -> memref<25600x32xf32, #tpu.memory_space<vmem_shared>>
      tpu.enqueue_indirect_dma source(%arg12 : memref<128x32xf32, #tpu.memory_space<vmem>>) target(%dma_start3A_645 : memref<25600x32xf32, #tpu.memory_space<vmem_shared>>) offsets(%dma_start3A_642 : memref<128xi32, #tpu.memory_space<vmem>>) semaphore(%arg17 : memref<!tpu.dma_semaphore, #tpu.memory_space<semaphore_mem>>) {add = true}
      %dma_wait3A_646 = arith.constant 14 : i32
      %dma_wait3A_647 = arith.constant 0 : i32
      %dma_wait3A_648 = tpu.memref_slice %arg10[%dma_wait3A_646, %dma_wait3A_647] : memref<16x128xi32, #tpu.memory_space<vmem>> -> memref<1x128xi32, #tpu.memory_space<vmem>>
      %dma_wait3A_649 = tpu.memref_squeeze %dma_wait3A_648 : memref<1x128xi32, #tpu.memory_space<vmem>> -> memref<128xi32, #tpu.memory_space<vmem>>
      %dma_wait3A_650 = arith.constant 0 : i32
      %dma_wait3A_651 = arith.constant 0 : i32
      %dma_wait3A_652 = tpu.memref_slice %arg18[%dma_wait3A_650, %dma_wait3A_651] : memref<25600x32xf32, #tpu.memory_space<vmem_shared>> -> memref<25600x32xf32, #tpu.memory_space<vmem_shared>>
      tpu.wait_indirect_dma semaphore(%arg16 : memref<!tpu.dma_semaphore, #tpu.memory_space<semaphore_mem>>) src(%arg11 : memref<128x32xf32, #tpu.memory_space<vmem>>) dst(%dma_wait3A_652 : memref<25600x32xf32, #tpu.memory_space<vmem_shared>>)
      %dma_wait3A_653 = arith.constant 15 : i32
      %dma_wait3A_654 = arith.constant 0 : i32
      %dma_wait3A_655 = tpu.memref_slice %arg10[%dma_wait3A_653, %dma_wait3A_654] : memref<16x128xi32, #tpu.memory_space<vmem>> -> memref<1x128xi32, #tpu.memory_space<vmem>>
      %dma_wait3A_656 = tpu.memref_squeeze %dma_wait3A_655 : memref<1x128xi32, #tpu.memory_space<vmem>> -> memref<128xi32, #tpu.memory_space<vmem>>
      %dma_wait3A_657 = arith.constant 0 : i32
      %dma_wait3A_658 = arith.constant 0 : i32
      %dma_wait3A_659 = tpu.memref_slice %arg18[%dma_wait3A_657, %dma_wait3A_658] : memref<25600x32xf32, #tpu.memory_space<vmem_shared>> -> memref<25600x32xf32, #tpu.memory_space<vmem_shared>>
      tpu.wait_indirect_dma semaphore(%arg17 : memref<!tpu.dma_semaphore, #tpu.memory_space<semaphore_mem>>) src(%arg12 : memref<128x32xf32, #tpu.memory_space<vmem>>) dst(%dma_wait3A_659 : memref<25600x32xf32, #tpu.memory_space<vmem_shared>>)
      %scan3A_660 = arith.constant 0 : i32
      scf.yield %scan3A_660 : i32
    }
    %scan3A_72 = arith.constant 26 : i32
    %barrier3A_73 = arith.constant 0 : index
    tpu.barrier barrier_id(%barrier3A_73)
    %mul3A_74 = arith.constant 2 : i32
    %mul3A_75 = arith.muli %arg0, %mul3A_74 : i32
    %add3A_76 = arith.constant 1 : i32
    %add3A_77 = arith.addi %mul3A_75, %add3A_76 : i32
    %mul3A_78 = arith.constant 25600 : i32
    %mul3A_79 = arith.muli %add3A_77, %mul3A_78 : i32
    %add3A_80 = arith.addi %mul3A_79, %mul3A_5 : i32
    %add3A_81 = arith.constant 0 : i32
    %add3A_82 = arith.addi %mul3A_5, %add3A_81 : i32
    "tpu.region"() ({
      %run_scoped3A = tpu.sem_alloc : memref<!tpu.dma_semaphore, #tpu.memory_space<semaphore_mem>>
      %dma_start3A = arith.constant 0 : i32
      %dma_start3A_97 = tpu.memref_slice %arg18[%add3A_82, %dma_start3A] : memref<25600x32xf32, #tpu.memory_space<vmem_shared>> -> memref<400x32xf32, #tpu.memory_space<vmem_shared>>
      %dma_start3A_98 = arith.constant 0 : i32
      %dma_start3A_99 = tpu.memref_slice %arg18[%add3A_82, %dma_start3A_98] : memref<25600x32xf32, #tpu.memory_space<vmem_shared>> -> memref<400x32xf32, #tpu.memory_space<vmem_shared>>
      tpu.enqueue_dma source(%dma_start3A_99 : memref<400x32xf32, #tpu.memory_space<vmem_shared>>) target(%arg13 : memref<400x32xf32, #tpu.memory_space<vmem>>) target_semaphore(%run_scoped3A : memref<!tpu.dma_semaphore, #tpu.memory_space<semaphore_mem>>)
      %dma_wait3A = arith.constant 0 : i32
      %dma_wait3A_100 = tpu.memref_slice %arg18[%add3A_82, %dma_wait3A] : memref<25600x32xf32, #tpu.memory_space<vmem_shared>> -> memref<400x32xf32, #tpu.memory_space<vmem_shared>>
      %dma_wait3A_101 = arith.constant 0 : i32
      %dma_wait3A_102 = tpu.memref_slice %arg18[%add3A_82, %dma_wait3A_101] : memref<25600x32xf32, #tpu.memory_space<vmem_shared>> -> memref<400x32xf32, #tpu.memory_space<vmem_shared>>
      tpu.wait_dma2 semaphore(%run_scoped3A : memref<!tpu.dma_semaphore, #tpu.memory_space<semaphore_mem>>) src(%dma_wait3A_102 : memref<400x32xf32, #tpu.memory_space<vmem_shared>>) dst(%arg13 : memref<400x32xf32, #tpu.memory_space<vmem>>)
      tpu.yield
    }) : () -> ()
    %add3A_83 = arith.constant 0 : i32
    %add3A_84 = arith.addi %add3A_80, %add3A_83 : i32
    "tpu.region"() ({
      %run_scoped3A = tpu.sem_alloc : memref<!tpu.dma_semaphore, #tpu.memory_space<semaphore_mem>>
      %dma_start3A = arith.constant 0 : i32
      %dma_start3A_97 = tpu.memref_slice %arg6[%add3A_84, %dma_start3A] : memref<102400x32xf32, #tpu.memory_space<hbm>> -> memref<400x32xf32, #tpu.memory_space<hbm>>
      %dma_start3A_98 = arith.constant 0 : i32
      %dma_start3A_99 = tpu.memref_slice %arg6[%add3A_84, %dma_start3A_98] : memref<102400x32xf32, #tpu.memory_space<hbm>> -> memref<400x32xf32, #tpu.memory_space<hbm>>
      tpu.enqueue_dma source(%arg13 : memref<400x32xf32, #tpu.memory_space<vmem>>) target(%dma_start3A_99 : memref<400x32xf32, #tpu.memory_space<hbm>>) target_semaphore(%run_scoped3A : memref<!tpu.dma_semaphore, #tpu.memory_space<semaphore_mem>>)
      %dma_wait3A = arith.constant 0 : i32
      %dma_wait3A_100 = tpu.memref_slice %arg6[%add3A_84, %dma_wait3A] : memref<102400x32xf32, #tpu.memory_space<hbm>> -> memref<400x32xf32, #tpu.memory_space<hbm>>
      %dma_wait3A_101 = arith.constant 0 : i32
      %dma_wait3A_102 = tpu.memref_slice %arg6[%add3A_84, %dma_wait3A_101] : memref<102400x32xf32, #tpu.memory_space<hbm>> -> memref<400x32xf32, #tpu.memory_space<hbm>>
      tpu.wait_dma2 semaphore(%run_scoped3A : memref<!tpu.dma_semaphore, #tpu.memory_space<semaphore_mem>>) src(%arg13 : memref<400x32xf32, #tpu.memory_space<vmem>>) dst(%dma_wait3A_102 : memref<400x32xf32, #tpu.memory_space<hbm>>)
      tpu.yield
    }) : () -> ()
    %add3A_85 = arith.constant 400 : i32
    %add3A_86 = arith.addi %mul3A_5, %add3A_85 : i32
    "tpu.region"() ({
      %run_scoped3A = tpu.sem_alloc : memref<!tpu.dma_semaphore, #tpu.memory_space<semaphore_mem>>
      %dma_start3A = arith.constant 0 : i32
      %dma_start3A_97 = tpu.memref_slice %arg18[%add3A_86, %dma_start3A] : memref<25600x32xf32, #tpu.memory_space<vmem_shared>> -> memref<400x32xf32, #tpu.memory_space<vmem_shared>>
      %dma_start3A_98 = arith.constant 0 : i32
      %dma_start3A_99 = tpu.memref_slice %arg18[%add3A_86, %dma_start3A_98] : memref<25600x32xf32, #tpu.memory_space<vmem_shared>> -> memref<400x32xf32, #tpu.memory_space<vmem_shared>>
      tpu.enqueue_dma source(%dma_start3A_99 : memref<400x32xf32, #tpu.memory_space<vmem_shared>>) target(%arg13 : memref<400x32xf32, #tpu.memory_space<vmem>>) target_semaphore(%run_scoped3A : memref<!tpu.dma_semaphore, #tpu.memory_space<semaphore_mem>>)
      %dma_wait3A = arith.constant 0 : i32
      %dma_wait3A_100 = tpu.memref_slice %arg18[%add3A_86, %dma_wait3A] : memref<25600x32xf32, #tpu.memory_space<vmem_shared>> -> memref<400x32xf32, #tpu.memory_space<vmem_shared>>
      %dma_wait3A_101 = arith.constant 0 : i32
      %dma_wait3A_102 = tpu.memref_slice %arg18[%add3A_86, %dma_wait3A_101] : memref<25600x32xf32, #tpu.memory_space<vmem_shared>> -> memref<400x32xf32, #tpu.memory_space<vmem_shared>>
      tpu.wait_dma2 semaphore(%run_scoped3A : memref<!tpu.dma_semaphore, #tpu.memory_space<semaphore_mem>>) src(%dma_wait3A_102 : memref<400x32xf32, #tpu.memory_space<vmem_shared>>) dst(%arg13 : memref<400x32xf32, #tpu.memory_space<vmem>>)
      tpu.yield
    }) : () -> ()
    %add3A_87 = arith.constant 400 : i32
    %add3A_88 = arith.addi %add3A_80, %add3A_87 : i32
    "tpu.region"() ({
      %run_scoped3A = tpu.sem_alloc : memref<!tpu.dma_semaphore, #tpu.memory_space<semaphore_mem>>
      %dma_start3A = arith.constant 0 : i32
      %dma_start3A_97 = tpu.memref_slice %arg6[%add3A_88, %dma_start3A] : memref<102400x32xf32, #tpu.memory_space<hbm>> -> memref<400x32xf32, #tpu.memory_space<hbm>>
      %dma_start3A_98 = arith.constant 0 : i32
      %dma_start3A_99 = tpu.memref_slice %arg6[%add3A_88, %dma_start3A_98] : memref<102400x32xf32, #tpu.memory_space<hbm>> -> memref<400x32xf32, #tpu.memory_space<hbm>>
      tpu.enqueue_dma source(%arg13 : memref<400x32xf32, #tpu.memory_space<vmem>>) target(%dma_start3A_99 : memref<400x32xf32, #tpu.memory_space<hbm>>) target_semaphore(%run_scoped3A : memref<!tpu.dma_semaphore, #tpu.memory_space<semaphore_mem>>)
      %dma_wait3A = arith.constant 0 : i32
      %dma_wait3A_100 = tpu.memref_slice %arg6[%add3A_88, %dma_wait3A] : memref<102400x32xf32, #tpu.memory_space<hbm>> -> memref<400x32xf32, #tpu.memory_space<hbm>>
      %dma_wait3A_101 = arith.constant 0 : i32
      %dma_wait3A_102 = tpu.memref_slice %arg6[%add3A_88, %dma_wait3A_101] : memref<102400x32xf32, #tpu.memory_space<hbm>> -> memref<400x32xf32, #tpu.memory_space<hbm>>
      tpu.wait_dma2 semaphore(%run_scoped3A : memref<!tpu.dma_semaphore, #tpu.memory_space<semaphore_mem>>) src(%arg13 : memref<400x32xf32, #tpu.memory_space<vmem>>) dst(%dma_wait3A_102 : memref<400x32xf32, #tpu.memory_space<hbm>>)
      tpu.yield
    }) : () -> ()
    %add3A_89 = arith.constant 800 : i32
    %add3A_90 = arith.addi %mul3A_5, %add3A_89 : i32
    "tpu.region"() ({
      %run_scoped3A = tpu.sem_alloc : memref<!tpu.dma_semaphore, #tpu.memory_space<semaphore_mem>>
      %dma_start3A = arith.constant 0 : i32
      %dma_start3A_97 = tpu.memref_slice %arg18[%add3A_90, %dma_start3A] : memref<25600x32xf32, #tpu.memory_space<vmem_shared>> -> memref<400x32xf32, #tpu.memory_space<vmem_shared>>
      %dma_start3A_98 = arith.constant 0 : i32
      %dma_start3A_99 = tpu.memref_slice %arg18[%add3A_90, %dma_start3A_98] : memref<25600x32xf32, #tpu.memory_space<vmem_shared>> -> memref<400x32xf32, #tpu.memory_space<vmem_shared>>
      tpu.enqueue_dma source(%dma_start3A_99 : memref<400x32xf32, #tpu.memory_space<vmem_shared>>) target(%arg13 : memref<400x32xf32, #tpu.memory_space<vmem>>) target_semaphore(%run_scoped3A : memref<!tpu.dma_semaphore, #tpu.memory_space<semaphore_mem>>)
      %dma_wait3A = arith.constant 0 : i32
      %dma_wait3A_100 = tpu.memref_slice %arg18[%add3A_90, %dma_wait3A] : memref<25600x32xf32, #tpu.memory_space<vmem_shared>> -> memref<400x32xf32, #tpu.memory_space<vmem_shared>>
      %dma_wait3A_101 = arith.constant 0 : i32
      %dma_wait3A_102 = tpu.memref_slice %arg18[%add3A_90, %dma_wait3A_101] : memref<25600x32xf32, #tpu.memory_space<vmem_shared>> -> memref<400x32xf32, #tpu.memory_space<vmem_shared>>
      tpu.wait_dma2 semaphore(%run_scoped3A : memref<!tpu.dma_semaphore, #tpu.memory_space<semaphore_mem>>) src(%dma_wait3A_102 : memref<400x32xf32, #tpu.memory_space<vmem_shared>>) dst(%arg13 : memref<400x32xf32, #tpu.memory_space<vmem>>)
      tpu.yield
    }) : () -> ()
    %add3A_91 = arith.constant 800 : i32
    %add3A_92 = arith.addi %add3A_80, %add3A_91 : i32
    "tpu.region"() ({
      %run_scoped3A = tpu.sem_alloc : memref<!tpu.dma_semaphore, #tpu.memory_space<semaphore_mem>>
      %dma_start3A = arith.constant 0 : i32
      %dma_start3A_97 = tpu.memref_slice %arg6[%add3A_92, %dma_start3A] : memref<102400x32xf32, #tpu.memory_space<hbm>> -> memref<400x32xf32, #tpu.memory_space<hbm>>
      %dma_start3A_98 = arith.constant 0 : i32
      %dma_start3A_99 = tpu.memref_slice %arg6[%add3A_92, %dma_start3A_98] : memref<102400x32xf32, #tpu.memory_space<hbm>> -> memref<400x32xf32, #tpu.memory_space<hbm>>
      tpu.enqueue_dma source(%arg13 : memref<400x32xf32, #tpu.memory_space<vmem>>) target(%dma_start3A_99 : memref<400x32xf32, #tpu.memory_space<hbm>>) target_semaphore(%run_scoped3A : memref<!tpu.dma_semaphore, #tpu.memory_space<semaphore_mem>>)
      %dma_wait3A = arith.constant 0 : i32
      %dma_wait3A_100 = tpu.memref_slice %arg6[%add3A_92, %dma_wait3A] : memref<102400x32xf32, #tpu.memory_space<hbm>> -> memref<400x32xf32, #tpu.memory_space<hbm>>
      %dma_wait3A_101 = arith.constant 0 : i32
      %dma_wait3A_102 = tpu.memref_slice %arg6[%add3A_92, %dma_wait3A_101] : memref<102400x32xf32, #tpu.memory_space<hbm>> -> memref<400x32xf32, #tpu.memory_space<hbm>>
      tpu.wait_dma2 semaphore(%run_scoped3A : memref<!tpu.dma_semaphore, #tpu.memory_space<semaphore_mem>>) src(%arg13 : memref<400x32xf32, #tpu.memory_space<vmem>>) dst(%dma_wait3A_102 : memref<400x32xf32, #tpu.memory_space<hbm>>)
      tpu.yield
    }) : () -> ()
    %add3A_93 = arith.constant 1200 : i32
    %add3A_94 = arith.addi %mul3A_5, %add3A_93 : i32
    "tpu.region"() ({
      %run_scoped3A = tpu.sem_alloc : memref<!tpu.dma_semaphore, #tpu.memory_space<semaphore_mem>>
      %dma_start3A = arith.constant 0 : i32
      %dma_start3A_97 = tpu.memref_slice %arg18[%add3A_94, %dma_start3A] : memref<25600x32xf32, #tpu.memory_space<vmem_shared>> -> memref<400x32xf32, #tpu.memory_space<vmem_shared>>
      %dma_start3A_98 = arith.constant 0 : i32
      %dma_start3A_99 = tpu.memref_slice %arg18[%add3A_94, %dma_start3A_98] : memref<25600x32xf32, #tpu.memory_space<vmem_shared>> -> memref<400x32xf32, #tpu.memory_space<vmem_shared>>
      tpu.enqueue_dma source(%dma_start3A_99 : memref<400x32xf32, #tpu.memory_space<vmem_shared>>) target(%arg13 : memref<400x32xf32, #tpu.memory_space<vmem>>) target_semaphore(%run_scoped3A : memref<!tpu.dma_semaphore, #tpu.memory_space<semaphore_mem>>)
      %dma_wait3A = arith.constant 0 : i32
      %dma_wait3A_100 = tpu.memref_slice %arg18[%add3A_94, %dma_wait3A] : memref<25600x32xf32, #tpu.memory_space<vmem_shared>> -> memref<400x32xf32, #tpu.memory_space<vmem_shared>>
      %dma_wait3A_101 = arith.constant 0 : i32
      %dma_wait3A_102 = tpu.memref_slice %arg18[%add3A_94, %dma_wait3A_101] : memref<25600x32xf32, #tpu.memory_space<vmem_shared>> -> memref<400x32xf32, #tpu.memory_space<vmem_shared>>
      tpu.wait_dma2 semaphore(%run_scoped3A : memref<!tpu.dma_semaphore, #tpu.memory_space<semaphore_mem>>) src(%dma_wait3A_102 : memref<400x32xf32, #tpu.memory_space<vmem_shared>>) dst(%arg13 : memref<400x32xf32, #tpu.memory_space<vmem>>)
      tpu.yield
    }) : () -> ()
    %add3A_95 = arith.constant 1200 : i32
    %add3A_96 = arith.addi %add3A_80, %add3A_95 : i32
    "tpu.region"() ({
      %run_scoped3A = tpu.sem_alloc : memref<!tpu.dma_semaphore, #tpu.memory_space<semaphore_mem>>
      %dma_start3A = arith.constant 0 : i32
      %dma_start3A_97 = tpu.memref_slice %arg6[%add3A_96, %dma_start3A] : memref<102400x32xf32, #tpu.memory_space<hbm>> -> memref<400x32xf32, #tpu.memory_space<hbm>>
      %dma_start3A_98 = arith.constant 0 : i32
      %dma_start3A_99 = tpu.memref_slice %arg6[%add3A_96, %dma_start3A_98] : memref<102400x32xf32, #tpu.memory_space<hbm>> -> memref<400x32xf32, #tpu.memory_space<hbm>>
      tpu.enqueue_dma source(%arg13 : memref<400x32xf32, #tpu.memory_space<vmem>>) target(%dma_start3A_99 : memref<400x32xf32, #tpu.memory_space<hbm>>) target_semaphore(%run_scoped3A : memref<!tpu.dma_semaphore, #tpu.memory_space<semaphore_mem>>)
      %dma_wait3A = arith.constant 0 : i32
      %dma_wait3A_100 = tpu.memref_slice %arg6[%add3A_96, %dma_wait3A] : memref<102400x32xf32, #tpu.memory_space<hbm>> -> memref<400x32xf32, #tpu.memory_space<hbm>>
      %dma_wait3A_101 = arith.constant 0 : i32
      %dma_wait3A_102 = tpu.memref_slice %arg6[%add3A_96, %dma_wait3A_101] : memref<102400x32xf32, #tpu.memory_space<hbm>> -> memref<400x32xf32, #tpu.memory_space<hbm>>
      tpu.wait_dma2 semaphore(%run_scoped3A : memref<!tpu.dma_semaphore, #tpu.memory_space<semaphore_mem>>) src(%arg13 : memref<400x32xf32, #tpu.memory_space<vmem>>) dst(%dma_wait3A_102 : memref<400x32xf32, #tpu.memory_space<hbm>>)
      tpu.yield
    }) : () -> ()
    return
  }
}

module attributes {stable_mosaic.version = 14 : i64} {
  func.func @body(%arg0: i32, %arg1: memref<1000x64xf32, #tpu.memory_space<vmem>>, %arg2: memref<1x1x1000xi32, #tpu.memory_space<vmem>>, %arg3: memref<64x64xf32, #tpu.memory_space<vmem>>, %arg4: memref<64x64xf32, #tpu.memory_space<vmem>>, %arg5: memref<64x64xf32, #tpu.memory_space<vmem>>, %arg6: memref<64xf32, #tpu.memory_space<vmem>>, %arg7: memref<1000x32xf32, #tpu.memory_space<vmem>>, %arg8: memref<1000x32xf32, #tpu.memory_space<vmem>>) attributes {dimension_semantics = [#tpu.dimension_semantics<arbitrary>], iteration_bounds = array<i64: 50>, scalar_prefetch = 0 : i64, scratch_operands = 0 : i64, tpu.core_type = #tpu.core_type<tc>, window_params = [{transform_indices = @transform_0, window_bounds = array<i64: 1000, 64>}, {transform_indices = @transform_1, window_bounds = array<i64: 1, 1, 1000>}, {pipeline_mode = #tpu.pipeline_mode<synchronous>, transform_indices = @transform_2, window_bounds = array<i64: 64, 64>}, {pipeline_mode = #tpu.pipeline_mode<synchronous>, transform_indices = @transform_3, window_bounds = array<i64: 64, 64>}, {pipeline_mode = #tpu.pipeline_mode<synchronous>, transform_indices = @transform_4, window_bounds = array<i64: 64, 64>}, {pipeline_mode = #tpu.pipeline_mode<synchronous>, transform_indices = @transform_5, window_bounds = array<i64: 64>}, {transform_indices = @transform_6, window_bounds = array<i64: 1000, 32>}, {transform_indices = @transform_7, window_bounds = array<i64: 1000, 32>}]} {
    %get3A = arith.constant 0 : index
    %get3A_0 = arith.constant 0 : index
    %get3A_1 = vector.load %arg1[%get3A, %get3A_0] : memref<1000x64xf32, #tpu.memory_space<vmem>>, vector<1000x64xf32>
    %reduce_sum3A = arith.constant dense<0.000000e+00> : vector<1000xf32>
    %reduce_sum3A_2 = vector.multi_reduction <add>, %get3A_1, %reduce_sum3A [1] : vector<1000x64xf32> to vector<1000xf32>
    %broadcast_in_dim3A = vector.shape_cast %reduce_sum3A_2 : vector<1000xf32> to vector<1000x1xf32>
    %max3A = arith.constant 1.000000e+00 : f32
    %max3A_3 = vector.broadcast %max3A : f32 to vector<1000x1xf32>
    %max3A_4 = arith.maximumf %broadcast_in_dim3A, %max3A_3 : vector<1000x1xf32>
    %get3A_5 = arith.constant 0 : index
    %get3A_6 = arith.constant 0 : index
    %get3A_7 = vector.load %arg3[%get3A_5, %get3A_6] : memref<64x64xf32, #tpu.memory_space<vmem>>, vector<64x64xf32>
    %get3A_8 = arith.constant 0 : index
    %get3A_9 = arith.constant 0 : index
    %get3A_10 = vector.load %arg4[%get3A_8, %get3A_9] : memref<64x64xf32, #tpu.memory_space<vmem>>, vector<64x64xf32>
    %dot_general3A = arith.constant dense<0.000000e+00> : vector<64x64xf32>
    %dot_general3A_11 = tpu.matmul %get3A_7, %get3A_10, %dot_general3A {dimension_numbers = #tpu.dot_dimension_numbers<[1], [0], [0], [1], [0, 0, 1, 1], [], []>, transpose_lhs_hint = false} : vector<64x64xf32>, vector<64x64xf32>, vector<64x64xf32> -> vector<64x64xf32>
    %get3A_12 = arith.constant 0 : index
    %get3A_13 = arith.constant 0 : index
    %get3A_14 = vector.load %arg3[%get3A_12, %get3A_13] : memref<64x64xf32, #tpu.memory_space<vmem>>, vector<64x64xf32>
    %get3A_15 = arith.constant 0 : index
    %get3A_16 = arith.constant 0 : index
    %get3A_17 = vector.load %arg5[%get3A_15, %get3A_16] : memref<64x64xf32, #tpu.memory_space<vmem>>, vector<64x64xf32>
    %dot_general3A_18 = arith.constant dense<0.000000e+00> : vector<64x64xf32>
    %dot_general3A_19 = tpu.matmul %get3A_14, %get3A_17, %dot_general3A_18 {dimension_numbers = #tpu.dot_dimension_numbers<[1], [0], [0], [1], [0, 0, 1, 1], [], []>, transpose_lhs_hint = false} : vector<64x64xf32>, vector<64x64xf32>, vector<64x64xf32> -> vector<64x64xf32>
    %get3A_20 = arith.constant 0 : index
    %get3A_21 = arith.constant 0 : index
    %get3A_22 = arith.constant 0 : index
    %get3A_23 = vector.load %arg2[%get3A_20, %get3A_21, %get3A_22] : memref<1x1x1000xi32, #tpu.memory_space<vmem>>, vector<1x1x1000xi32>
    %get3A_24 = vector.shape_cast %get3A_23 : vector<1x1x1000xi32> to vector<1000xi32>
    %broadcast_in_dim3A_25 = vector.shape_cast %get3A_24 : vector<1000xi32> to vector<1000x1xi32>
    %iota3A = tpu.iota {dimensions = array<i32: 1>} : vector<1000x64xi32>
    %eq3A = vector.broadcast %broadcast_in_dim3A_25 : vector<1000x1xi32> to vector<1000x64xi32>
    %eq3A_26 = arith.cmpi eq, %eq3A, %iota3A : vector<1000x64xi32>
    %convert_element_type3A = arith.extui %eq3A_26 : vector<1000x64xi1> to vector<1000x64xi32>
    %convert_element_type3A_27 = arith.sitofp %convert_element_type3A : vector<1000x64xi32> to vector<1000x64xf32>
    %dot_general3A_28 = arith.constant dense<0.000000e+00> : vector<1000x64xf32>
    %dot_general3A_29 = tpu.matmul %get3A_1, %dot_general3A_11, %dot_general3A_28 {dimension_numbers = #tpu.dot_dimension_numbers<[1], [0], [0], [1], [0, 0, 1, 1], [], []>, transpose_lhs_hint = false} : vector<1000x64xf32>, vector<64x64xf32>, vector<1000x64xf32> -> vector<1000x64xf32>
    %div3A = vector.broadcast %max3A_4 : vector<1000x1xf32> to vector<1000x64xf32>
    %div3A_30 = arith.divf %dot_general3A_29, %div3A : vector<1000x64xf32>
    %dot_general3A_31 = arith.constant dense<0.000000e+00> : vector<1000x64xf32>
    %dot_general3A_32 = tpu.matmul %convert_element_type3A_27, %dot_general3A_19, %dot_general3A_31 {dimension_numbers = #tpu.dot_dimension_numbers<[1], [0], [0], [1], [0, 0, 1, 1], [], []>, transpose_lhs_hint = false} : vector<1000x64xf32>, vector<64x64xf32>, vector<1000x64xf32> -> vector<1000x64xf32>
    %add3A = arith.addf %div3A_30, %dot_general3A_32 : vector<1000x64xf32>
    %get3A_33 = arith.constant 0 : index
    %get3A_34 = vector.load %arg6[%get3A_33] : memref<64xf32, #tpu.memory_space<vmem>>, vector<64xf32>
    %broadcast_in_dim3A_35 = vector.shape_cast %get3A_34 : vector<64xf32> to vector<1x64xf32>
    %add3A_36 = vector.broadcast %broadcast_in_dim3A_35 : vector<1x64xf32> to vector<1000x64xf32>
    %add3A_37 = arith.addf %add3A, %add3A_36 : vector<1000x64xf32>
    %max3A_38 = arith.constant 0.000000e+00 : f32
    %max3A_39 = vector.broadcast %max3A_38 : f32 to vector<1000x64xf32>
    %max3A_40 = arith.maximumf %add3A_37, %max3A_39 : vector<1000x64xf32>
    %slice3A = vector.extract_strided_slice %max3A_40 {offsets = [0, 0], sizes = [1000, 32], strides = [1, 1]} : vector<1000x64xf32> to vector<1000x32xf32>
    %swap3A = arith.constant 0 : index
    %swap3A_41 = arith.constant 0 : index
    %swap3A_42 = vector.load %arg7[%swap3A, %swap3A_41] : memref<1000x32xf32, #tpu.memory_space<vmem>>, vector<1000x32xf32>
    tpu.vector_store %arg7[%swap3A, %swap3A_41], %slice3A {strides = array<i32>} : memref<1000x32xf32, #tpu.memory_space<vmem>>, vector<1000x32xf32>,
    %slice3A_43 = vector.extract_strided_slice %max3A_40 {offsets = [0, 32], sizes = [1000, 32], strides = [1, 1]} : vector<1000x64xf32> to vector<1000x32xf32>
    %swap3A_44 = arith.constant 0 : index
    %swap3A_45 = arith.constant 0 : index
    %swap3A_46 = vector.load %arg8[%swap3A_44, %swap3A_45] : memref<1000x32xf32, #tpu.memory_space<vmem>>, vector<1000x32xf32>
    tpu.vector_store %arg8[%swap3A_44, %swap3A_45], %slice3A_43 {strides = array<i32>} : memref<1000x32xf32, #tpu.memory_space<vmem>>, vector<1000x32xf32>,
    return
  }
  func.func @transform_0(%arg0: i32) -> (i32, i32) {
    %c0_i32 = arith.constant 0 : i32
    %c0_i32_0 = arith.constant 0 : i32
    return %arg0, %c0_i32 : i32, i32
  }
  func.func @transform_1(%arg0: i32) -> (i32, i32, i32) {
    %c0_i32 = arith.constant 0 : i32
    %c0_i32_0 = arith.constant 0 : i32
    %c0_i32_1 = arith.constant 0 : i32
    return %arg0, %c0_i32, %c0_i32_0 : i32, i32, i32
  }
  func.func @transform_2(%arg0: i32) -> (i32, i32) {
    %c0_i32 = arith.constant 0 : i32
    %c0_i32_0 = arith.constant 0 : i32
    %c0_i32_1 = arith.constant 0 : i32
    return %c0_i32, %c0_i32_0 : i32, i32
  }
  func.func @transform_3(%arg0: i32) -> (i32, i32) {
    %c0_i32 = arith.constant 0 : i32
    %c0_i32_0 = arith.constant 0 : i32
    %c0_i32_1 = arith.constant 0 : i32
    return %c0_i32, %c0_i32_0 : i32, i32
  }
  func.func @transform_4(%arg0: i32) -> (i32, i32) {
    %c0_i32 = arith.constant 0 : i32
    %c0_i32_0 = arith.constant 0 : i32
    %c0_i32_1 = arith.constant 0 : i32
    return %c0_i32, %c0_i32_0 : i32, i32
  }
  func.func @transform_5(%arg0: i32) -> i32 {
    %c0_i32 = arith.constant 0 : i32
    %c0_i32_0 = arith.constant 0 : i32
    return %c0_i32 : i32
  }
  func.func @transform_6(%arg0: i32) -> (i32, i32) {
    %c0_i32 = arith.constant 0 : i32
    %c0_i32_0 = arith.constant 0 : i32
    return %arg0, %c0_i32 : i32, i32
  }
  func.func @transform_7(%arg0: i32) -> (i32, i32) {
    %c0_i32 = arith.constant 0 : i32
    %c0_i32_0 = arith.constant 0 : i32
    return %arg0, %c0_i32 : i32, i32
  }
}

module attributes {stable_mosaic.version = 14 : i64} {
  func.func @body(%arg0: i32, %arg1: memref<1000x32xf32, #tpu.memory_space<vmem>>, %arg2: memref<1000x32xf32, #tpu.memory_space<vmem>>, %arg3: memref<1000x32xf32, #tpu.memory_space<vmem>>, %arg4: memref<1000x32xf32, #tpu.memory_space<vmem>>, %arg5: memref<1000x64xf32, #tpu.memory_space<vmem>>, %arg6: memref<1x1x1000xi32, #tpu.memory_space<vmem>>, %arg7: memref<64x64xf32, #tpu.memory_space<vmem>>, %arg8: memref<64x64xf32, #tpu.memory_space<vmem>>, %arg9: memref<64xf32, #tpu.memory_space<vmem>>, %arg10: memref<64x128xf32, #tpu.memory_space<vmem>>, %arg11: memref<128xf32, #tpu.memory_space<vmem>>, %arg12: memref<128x128xf32, #tpu.memory_space<vmem>>, %arg13: memref<128x64xf32, #tpu.memory_space<vmem>>, %arg14: memref<128x64xf32, #tpu.memory_space<vmem>>) attributes {dimension_semantics = [#tpu.dimension_semantics<arbitrary>], iteration_bounds = array<i64: 50>, scalar_prefetch = 0 : i64, scratch_operands = 2 : i64, tpu.core_type = #tpu.core_type<tc>, window_params = [{transform_indices = @transform_0, window_bounds = array<i64: 1000, 32>}, {transform_indices = @transform_1, window_bounds = array<i64: 1000, 32>}, {transform_indices = @transform_2, window_bounds = array<i64: 1000, 32>}, {transform_indices = @transform_3, window_bounds = array<i64: 1000, 32>}, {transform_indices = @transform_4, window_bounds = array<i64: 1000, 64>}, {transform_indices = @transform_5, window_bounds = array<i64: 1, 1, 1000>}, {pipeline_mode = #tpu.pipeline_mode<synchronous>, transform_indices = @transform_6, window_bounds = array<i64: 64, 64>}, {pipeline_mode = #tpu.pipeline_mode<synchronous>, transform_indices = @transform_7, window_bounds = array<i64: 64, 64>}, {pipeline_mode = #tpu.pipeline_mode<synchronous>, transform_indices = @transform_8, window_bounds = array<i64: 64>}, {pipeline_mode = #tpu.pipeline_mode<synchronous>, transform_indices = @transform_9, window_bounds = array<i64: 64, 128>}, {pipeline_mode = #tpu.pipeline_mode<synchronous>, transform_indices = @transform_10, window_bounds = array<i64: 128>}, {pipeline_mode = #tpu.pipeline_mode<synchronous>, transform_indices = @transform_11, window_bounds = array<i64: 128, 128>}]} {
    %eq3A = arith.constant 0 : i32
    %eq3A_0 = arith.cmpi eq, %arg0, %eq3A : i32
    %convert_element_type3A = arith.extui %eq3A_0 : i1 to i32
    %cond3A = arith.constant 0 : i32
    %cond3A_1 = arith.cmpi ne, %convert_element_type3A, %cond3A : i32
    scf.if %cond3A_1 {
      %broadcast_in_dim3A_82 = arith.constant 0.000000e+00 : f32
      %broadcast_in_dim3A_83 = vector.broadcast %broadcast_in_dim3A_82 : f32 to vector<128x64xf32>
      %swap3A_84 = arith.constant 0 : index
      %swap3A_85 = arith.constant 0 : index
      %swap3A_86 = vector.load %arg13[%swap3A_84, %swap3A_85] : memref<128x64xf32, #tpu.memory_space<vmem>>, vector<128x64xf32>
      tpu.vector_store %arg13[%swap3A_84, %swap3A_85], %broadcast_in_dim3A_83 {strides = array<i32>} : memref<128x64xf32, #tpu.memory_space<vmem>>, vector<128x64xf32>,
      %broadcast_in_dim3A_87 = arith.constant 0.000000e+00 : f32
      %broadcast_in_dim3A_88 = vector.broadcast %broadcast_in_dim3A_87 : f32 to vector<128x64xf32>
      %swap3A_89 = arith.constant 0 : index
      %swap3A_90 = arith.constant 0 : index
      %swap3A_91 = vector.load %arg14[%swap3A_89, %swap3A_90] : memref<128x64xf32, #tpu.memory_space<vmem>>, vector<128x64xf32>
      tpu.vector_store %arg14[%swap3A_89, %swap3A_90], %broadcast_in_dim3A_88 {strides = array<i32>} : memref<128x64xf32, #tpu.memory_space<vmem>>, vector<128x64xf32>,
    } else {
    }
    %get3A = arith.constant 0 : index
    %get3A_2 = arith.constant 0 : index
    %get3A_3 = vector.load %arg5[%get3A, %get3A_2] : memref<1000x64xf32, #tpu.memory_space<vmem>>, vector<1000x64xf32>
    %reduce_sum3A = arith.constant dense<0.000000e+00> : vector<1000xf32>
    %reduce_sum3A_4 = vector.multi_reduction <add>, %get3A_3, %reduce_sum3A [1] : vector<1000x64xf32> to vector<1000xf32>
    %broadcast_in_dim3A = vector.shape_cast %reduce_sum3A_4 : vector<1000xf32> to vector<1000x1xf32>
    %max3A = arith.constant 1.000000e+00 : f32
    %max3A_5 = vector.broadcast %max3A : f32 to vector<1000x1xf32>
    %max3A_6 = arith.maximumf %broadcast_in_dim3A, %max3A_5 : vector<1000x1xf32>
    %get3A_7 = arith.constant 0 : index
    %get3A_8 = arith.constant 0 : index
    %get3A_9 = vector.load %arg7[%get3A_7, %get3A_8] : memref<64x64xf32, #tpu.memory_space<vmem>>, vector<64x64xf32>
    %get3A_10 = arith.constant 0 : index
    %get3A_11 = arith.constant 0 : index
    %get3A_12 = vector.load %arg8[%get3A_10, %get3A_11] : memref<64x64xf32, #tpu.memory_space<vmem>>, vector<64x64xf32>
    %get3A_13 = arith.constant 0 : index
    %get3A_14 = arith.constant 0 : index
    %get3A_15 = vector.load %arg3[%get3A_13, %get3A_14] : memref<1000x32xf32, #tpu.memory_space<vmem>>, vector<1000x32xf32>
    %div3A = vector.broadcast %max3A_6 : vector<1000x1xf32> to vector<1000x32xf32>
    %div3A_16 = arith.divf %get3A_15, %div3A : vector<1000x32xf32>
    %slice3A = vector.extract_strided_slice %get3A_9 {offsets = [0, 0], sizes = [32, 64], strides = [1, 1]} : vector<64x64xf32> to vector<32x64xf32>
    %dot_general3A = arith.constant dense<0.000000e+00> : vector<1000x64xf32>
    %dot_general3A_17 = tpu.matmul %div3A_16, %slice3A, %dot_general3A {dimension_numbers = #tpu.dot_dimension_numbers<[1], [0], [0], [1], [0, 0, 1, 1], [], []>, transpose_lhs_hint = false} : vector<1000x32xf32>, vector<32x64xf32>, vector<1000x64xf32> -> vector<1000x64xf32>
    %get3A_18 = arith.constant 0 : index
    %get3A_19 = arith.constant 0 : index
    %get3A_20 = vector.load %arg4[%get3A_18, %get3A_19] : memref<1000x32xf32, #tpu.memory_space<vmem>>, vector<1000x32xf32>
    %div3A_21 = vector.broadcast %max3A_6 : vector<1000x1xf32> to vector<1000x32xf32>
    %div3A_22 = arith.divf %get3A_20, %div3A_21 : vector<1000x32xf32>
    %slice3A_23 = vector.extract_strided_slice %get3A_9 {offsets = [32, 0], sizes = [32, 64], strides = [1, 1]} : vector<64x64xf32> to vector<32x64xf32>
    %dot_general3A_24 = arith.constant dense<0.000000e+00> : vector<1000x64xf32>
    %dot_general3A_25 = tpu.matmul %div3A_22, %slice3A_23, %dot_general3A_24 {dimension_numbers = #tpu.dot_dimension_numbers<[1], [0], [0], [1], [0, 0, 1, 1], [], []>, transpose_lhs_hint = false} : vector<1000x32xf32>, vector<32x64xf32>, vector<1000x64xf32> -> vector<1000x64xf32>
    %add3A = arith.addf %dot_general3A_17, %dot_general3A_25 : vector<1000x64xf32>
    %get3A_26 = arith.constant 0 : index
    %get3A_27 = arith.constant 0 : index
    %get3A_28 = vector.load %arg1[%get3A_26, %get3A_27] : memref<1000x32xf32, #tpu.memory_space<vmem>>, vector<1000x32xf32>
    %slice3A_29 = vector.extract_strided_slice %get3A_12 {offsets = [0, 0], sizes = [32, 64], strides = [1, 1]} : vector<64x64xf32> to vector<32x64xf32>
    %dot_general3A_30 = arith.constant dense<0.000000e+00> : vector<1000x64xf32>
    %dot_general3A_31 = tpu.matmul %get3A_28, %slice3A_29, %dot_general3A_30 {dimension_numbers = #tpu.dot_dimension_numbers<[1], [0], [0], [1], [0, 0, 1, 1], [], []>, transpose_lhs_hint = false} : vector<1000x32xf32>, vector<32x64xf32>, vector<1000x64xf32> -> vector<1000x64xf32>
    %add3A_32 = arith.addf %add3A, %dot_general3A_31 : vector<1000x64xf32>
    %get3A_33 = arith.constant 0 : index
    %get3A_34 = arith.constant 0 : index
    %get3A_35 = vector.load %arg2[%get3A_33, %get3A_34] : memref<1000x32xf32, #tpu.memory_space<vmem>>, vector<1000x32xf32>
    %slice3A_36 = vector.extract_strided_slice %get3A_12 {offsets = [32, 0], sizes = [32, 64], strides = [1, 1]} : vector<64x64xf32> to vector<32x64xf32>
    %dot_general3A_37 = arith.constant dense<0.000000e+00> : vector<1000x64xf32>
    %dot_general3A_38 = tpu.matmul %get3A_35, %slice3A_36, %dot_general3A_37 {dimension_numbers = #tpu.dot_dimension_numbers<[1], [0], [0], [1], [0, 0, 1, 1], [], []>, transpose_lhs_hint = false} : vector<1000x32xf32>, vector<32x64xf32>, vector<1000x64xf32> -> vector<1000x64xf32>
    %add3A_39 = arith.addf %add3A_32, %dot_general3A_38 : vector<1000x64xf32>
    %get3A_40 = arith.constant 0 : index
    %get3A_41 = vector.load %arg9[%get3A_40] : memref<64xf32, #tpu.memory_space<vmem>>, vector<64xf32>
    %broadcast_in_dim3A_42 = vector.shape_cast %get3A_41 : vector<64xf32> to vector<1x64xf32>
    %add3A_43 = vector.broadcast %broadcast_in_dim3A_42 : vector<1x64xf32> to vector<1000x64xf32>
    %add3A_44 = arith.addf %add3A_39, %add3A_43 : vector<1000x64xf32>
    %max3A_45 = arith.constant 0.000000e+00 : f32
    %max3A_46 = vector.broadcast %max3A_45 : f32 to vector<1000x64xf32>
    %max3A_47 = arith.maximumf %add3A_44, %max3A_46 : vector<1000x64xf32>
    %get3A_48 = arith.constant 0 : index
    %get3A_49 = arith.constant 0 : index
    %get3A_50 = arith.constant 0 : index
    %get3A_51 = vector.load %arg6[%get3A_48, %get3A_49, %get3A_50] : memref<1x1x1000xi32, #tpu.memory_space<vmem>>, vector<1x1x1000xi32>
    %get3A_52 = vector.shape_cast %get3A_51 : vector<1x1x1000xi32> to vector<1000xi32>
    %broadcast_in_dim3A_53 = vector.shape_cast %get3A_52 : vector<1000xi32> to vector<1000x1xi32>
    %iota3A = tpu.iota {dimensions = array<i32: 1>} : vector<1000x128xi32>
    %eq3A_54 = vector.broadcast %broadcast_in_dim3A_53 : vector<1000x1xi32> to vector<1000x128xi32>
    %eq3A_55 = arith.cmpi eq, %eq3A_54, %iota3A : vector<1000x128xi32>
    %convert_element_type3A_56 = arith.extui %eq3A_55 : vector<1000x128xi1> to vector<1000x128xi32>
    %convert_element_type3A_57 = arith.sitofp %convert_element_type3A_56 : vector<1000x128xi32> to vector<1000x128xf32>
    %get3A_58 = arith.constant 0 : index
    %get3A_59 = arith.constant 0 : index
    %get3A_60 = vector.load %arg13[%get3A_58, %get3A_59] : memref<128x64xf32, #tpu.memory_space<vmem>>, vector<128x64xf32>
    %dot_general3A_61 = arith.constant dense<0.000000e+00> : vector<128x64xf32>
    %dot_general3A_62 = tpu.matmul %convert_element_type3A_57, %max3A_47, %dot_general3A_61 {dimension_numbers = #tpu.dot_dimension_numbers<[0], [0], [1], [1], [0, 1, 1, 1], [], []>, transpose_lhs_hint = false} : vector<1000x128xf32>, vector<1000x64xf32>, vector<128x64xf32> -> vector<128x64xf32>
    %add3A_63 = arith.addf %get3A_60, %dot_general3A_62 : vector<128x64xf32>
    %swap3A = arith.constant 0 : index
    %swap3A_64 = arith.constant 0 : index
    %swap3A_65 = vector.load %arg13[%swap3A, %swap3A_64] : memref<128x64xf32, #tpu.memory_space<vmem>>, vector<128x64xf32>
    tpu.vector_store %arg13[%swap3A, %swap3A_64], %add3A_63 {strides = array<i32>} : memref<128x64xf32, #tpu.memory_space<vmem>>, vector<128x64xf32>,
    %get3A_66 = arith.constant 0 : index
    %get3A_67 = arith.constant 0 : index
    %get3A_68 = vector.load %arg14[%get3A_66, %get3A_67] : memref<128x64xf32, #tpu.memory_space<vmem>>, vector<128x64xf32>
    %broadcast_in_dim3A_69 = arith.constant 1.000000e+00 : f32
    %broadcast_in_dim3A_70 = vector.broadcast %broadcast_in_dim3A_69 : f32 to vector<1000x64xf32>
    %dot_general3A_71 = arith.constant dense<0.000000e+00> : vector<128x64xf32>
    %dot_general3A_72 = tpu.matmul %convert_element_type3A_57, %broadcast_in_dim3A_70, %dot_general3A_71 {dimension_numbers = #tpu.dot_dimension_numbers<[0], [0], [1], [1], [0, 1, 1, 1], [], []>, transpose_lhs_hint = false} : vector<1000x128xf32>, vector<1000x64xf32>, vector<128x64xf32> -> vector<128x64xf32>
    %add3A_73 = arith.addf %get3A_68, %dot_general3A_72 : vector<128x64xf32>
    %swap3A_74 = arith.constant 0 : index
    %swap3A_75 = arith.constant 0 : index
    %swap3A_76 = vector.load %arg14[%swap3A_74, %swap3A_75] : memref<128x64xf32, #tpu.memory_space<vmem>>, vector<128x64xf32>
    tpu.vector_store %arg14[%swap3A_74, %swap3A_75], %add3A_73 {strides = array<i32>} : memref<128x64xf32, #tpu.memory_space<vmem>>, vector<128x64xf32>,
    %eq3A_77 = arith.constant 49 : i32
    %eq3A_78 = arith.cmpi eq, %arg0, %eq3A_77 : i32
    %convert_element_type3A_79 = arith.extui %eq3A_78 : i1 to i32
    %cond3A_80 = arith.constant 0 : i32
    %cond3A_81 = arith.cmpi ne, %convert_element_type3A_79, %cond3A_80 : i32
    scf.if %cond3A_81 {
      %get3A_82 = arith.constant 0 : index
      %get3A_83 = arith.constant 0 : index
      %get3A_84 = vector.load %arg13[%get3A_82, %get3A_83] : memref<128x64xf32, #tpu.memory_space<vmem>>, vector<128x64xf32>
      %get3A_85 = arith.constant 0 : index
      %get3A_86 = arith.constant 0 : index
      %get3A_87 = vector.load %arg14[%get3A_85, %get3A_86] : memref<128x64xf32, #tpu.memory_space<vmem>>, vector<128x64xf32>
      %max3A_88 = arith.constant 1.000000e+00 : f32
      %max3A_89 = vector.broadcast %max3A_88 : f32 to vector<128x64xf32>
      %max3A_90 = arith.maximumf %get3A_87, %max3A_89 : vector<128x64xf32>
      %div3A_91 = arith.divf %get3A_84, %max3A_90 : vector<128x64xf32>
      %get3A_92 = arith.constant 0 : index
      %get3A_93 = arith.constant 0 : index
      %get3A_94 = vector.load %arg10[%get3A_92, %get3A_93] : memref<64x128xf32, #tpu.memory_space<vmem>>, vector<64x128xf32>
      %dot_general3A_95 = arith.constant dense<0.000000e+00> : vector<128x128xf32>
      %dot_general3A_96 = tpu.matmul %div3A_91, %get3A_94, %dot_general3A_95 {dimension_numbers = #tpu.dot_dimension_numbers<[1], [0], [0], [1], [0, 0, 1, 1], [], []>, transpose_lhs_hint = false} : vector<128x64xf32>, vector<64x128xf32>, vector<128x128xf32> -> vector<128x128xf32>
      %get3A_97 = arith.constant 0 : index
      %get3A_98 = vector.load %arg11[%get3A_97] : memref<128xf32, #tpu.memory_space<vmem>>, vector<128xf32>
      %broadcast_in_dim3A_99 = vector.shape_cast %get3A_98 : vector<128xf32> to vector<1x128xf32>
      %add3A_100 = vector.broadcast %broadcast_in_dim3A_99 : vector<1x128xf32> to vector<128x128xf32>
      %add3A_101 = arith.addf %dot_general3A_96, %add3A_100 : vector<128x128xf32>
      %swap3A_102 = arith.constant 0 : index
      %swap3A_103 = arith.constant 0 : index
      %swap3A_104 = vector.load %arg12[%swap3A_102, %swap3A_103] : memref<128x128xf32, #tpu.memory_space<vmem>>, vector<128x128xf32>
      tpu.vector_store %arg12[%swap3A_102, %swap3A_103], %add3A_101 {strides = array<i32>} : memref<128x128xf32, #tpu.memory_space<vmem>>, vector<128x128xf32>,
    } else {
    }
    return
  }
  func.func @transform_0(%arg0: i32) -> (i32, i32) {
    %c0_i32 = arith.constant 0 : i32
    %c0_i32_0 = arith.constant 0 : i32
    return %arg0, %c0_i32 : i32, i32
  }
  func.func @transform_1(%arg0: i32) -> (i32, i32) {
    %c0_i32 = arith.constant 0 : i32
    %c0_i32_0 = arith.constant 0 : i32
    return %arg0, %c0_i32 : i32, i32
  }
  func.func @transform_2(%arg0: i32) -> (i32, i32) {
    %c0_i32 = arith.constant 0 : i32
    %c0_i32_0 = arith.constant 0 : i32
    return %arg0, %c0_i32 : i32, i32
  }
  func.func @transform_3(%arg0: i32) -> (i32, i32) {
    %c0_i32 = arith.constant 0 : i32
    %c0_i32_0 = arith.constant 0 : i32
    return %arg0, %c0_i32 : i32, i32
  }
  func.func @transform_4(%arg0: i32) -> (i32, i32) {
    %c0_i32 = arith.constant 0 : i32
    %c0_i32_0 = arith.constant 0 : i32
    return %arg0, %c0_i32 : i32, i32
  }
  func.func @transform_5(%arg0: i32) -> (i32, i32, i32) {
    %c0_i32 = arith.constant 0 : i32
    %c0_i32_0 = arith.constant 0 : i32
    %c0_i32_1 = arith.constant 0 : i32
    return %arg0, %c0_i32, %c0_i32_0 : i32, i32, i32
  }
  func.func @transform_6(%arg0: i32) -> (i32, i32) {
    %c0_i32 = arith.constant 0 : i32
    %c0_i32_0 = arith.constant 0 : i32
    %c0_i32_1 = arith.constant 0 : i32
    return %c0_i32, %c0_i32_0 : i32, i32
  }
  func.func @transform_7(%arg0: i32) -> (i32, i32) {
    %c0_i32 = arith.constant 0 : i32
    %c0_i32_0 = arith.constant 0 : i32
    %c0_i32_1 = arith.constant 0 : i32
    return %c0_i32, %c0_i32_0 : i32, i32
  }
  func.func @transform_8(%arg0: i32) -> i32 {
    %c0_i32 = arith.constant 0 : i32
    %c0_i32_0 = arith.constant 0 : i32
    return %c0_i32 : i32
  }
  func.func @transform_9(%arg0: i32) -> (i32, i32) {
    %c0_i32 = arith.constant 0 : i32
    %c0_i32_0 = arith.constant 0 : i32
    %c0_i32_1 = arith.constant 0 : i32
    return %c0_i32, %c0_i32_0 : i32, i32
  }
  func.func @transform_10(%arg0: i32) -> i32 {
    %c0_i32 = arith.constant 0 : i32
    %c0_i32_0 = arith.constant 0 : i32
    return %c0_i32 : i32
  }
  func.func @transform_11(%arg0: i32) -> (i32, i32) {
    %c0_i32 = arith.constant 0 : i32
    %c0_i32_0 = arith.constant 0 : i32
    %c0_i32_1 = arith.constant 0 : i32
    return %c0_i32, %c0_i32_0 : i32, i32
  }
}

</mosaic_0001>

<sc_bundles>
// kernel: kernel.6.cloned.1.call-start
scs
__scs_entry_jumppad:
0x0: {  	(pc) =	sbr.rel $0x88, $3  }
0x1: {  	(tag) =	ssettag $0x0;
	lr =	simm.s32 $0x1  }
0x2: {  	[smem:$0x3F95] =	sst lr;
	_ =	strace $0xD0000000  }
0x3: {  	_ = 	snop  }
0x4: {  	_ = 	snop  }
0x5: {  	_ = 	snop  }
0x6: {  	_ = 	snop  }
0x7: {  	_ = 	snop  }
__scs_overlays_trampoline_lowered:
0x8: {  	[smem:$0x3FA4] =	sst s0  }
0x9: {  	[smem:$0x3FA5] =	sst s1  }
0xa: {  	[smem:$0x3FA6] =	sst s2  }
0xb: {  	[smem:$0x3FA7] =	sst s3  }
0xc: {  	[smem:$0x3FA8] =	sst s4  }
0xd: {  	[smem:$0x3FA9] =	sst s5  }
0xe: {  	[smem:$0x3FAA] =	sst s6  }
0xf: {  	[smem:$0x3FAB] =	sst s7  }
0x10: {  	[smem:$0x3FAC] =	sst s8  }
0x11: {  	[smem:$0x3FAD] =	sst s9;
	s0 =	simm.s32 @!p0 $0x0  }
0x12: {  	s1 =	sld [smem:$0x3F93];
	s0 =	simm.s32 @p0 $0x1  }
0x13: {  	[smem:$0x3FAE] =	sst s0;
	s0 =	simm.s32 @!p1 $0x0  }
0x14: {  	s2 =	sld [smem:$0x3F92];
	s0 =	simm.s32 @p1 $0x1  }
0x15: {  	[smem:$0x3FAF] =	sst s0;
	s0 =	simm.s32 @!p2 $0x0  }
0x16: {  	s3 =	sld [smem:$0x3FDB];
	s0 =	simm.s32 @p2 $0x1  }
0x17: {  	s4 =	simm.s32 $0x1BF5;
	[smem:$0x3FB1] =	sst s0  }
0x18: {  	s0 =	sld [smem:$0x3F94];
	_ =	swait.ge [sflag:s4], $0x0  }
0x19: {  	s7 =	sld [smem:$0x3F95]  }
0x1a: {  	s8 =	sadd.s32 $0xFFFFE003, lr  }
0x1b: {  	s9 =	sadd.s32 $0xFFFFFEF7, lr;
	s5 =	simm.s32 $0xFFFFFFFF;
	p2 =	slt.u32 s8, $0xFFFFF086  }
0x1c: {  	p1 =	slt.u32 s9, $0xF7A;
	s5 =	simm.s32 @!p2 $0x0  }
0x1d: {  	s5 =	simm.s32 @p1 $0x1;
	p0 =	seq.s32 s7, s2  }
0x1e: {  	s7 =	smul.u32 @!p0 $0xF7A, s2;
	p2 =	seq.s32 @!p0 s5, $0x0  }
0x1f: {  	s9 =	smul.u32 $0xF7A, s1;
	s8 =	simm.s32 @!p0 $0x1BF5;
	p2 =	por !p2, p0  }
0x20: {  	[sflag:s8] =	ssyncset.s32 @!p0 $0xFFFFF086;
	s6 =	sadd.s32 @!p0 s3, s7;
	s7 =	simm.s32 @!p0 $0x108  }
0x21: {  	s3 =	sadd.s32 s3, s9;
	s6 =	sadd.s32 @!p0 $0x88, s6;
	s7 =	simm.s32 @p2 $0x1082  }
0x22: {  	[simem:s7], [sflag:s8] =	dma.local @!p0 [hbm:s6], $0xF7A  }
0x23: {  	s9 =	sor.u32 $0xD0000000, s2;
	s6 =	simm.s32 $0x108;
	_ =	swait.ge @!p0 [sflag:s8], $0x0  }
0x24: {  	s3 =	sadd.s32 $0x88, s3;
	s6 =	simm.s32 @!p1 $0x1082;
	[sflag:s4] =	ssyncset.s32 $0xFFFFF086  }
0x25: {  	[simem:s6], [sflag:s4] =	dma.local [hbm:s3], $0xF7A  }
0x26: {  	[smem:$0x3F95] =	sst s1;
	(tag) =	ssettag s2;
	_ =	strace s9  }
0x27: {  	s1 =	sld [smem:$0x3FA5]  }
0x28: {  	s2 =	sld [smem:$0x3FA6]  }
0x29: {  	s4 =	sld [smem:$0x3FA8]  }
0x2a: {  	p0 =	seq.s32 s5, $0x0;
	s5 =	sld [smem:$0x3FA9]  }
0x2b: {  	s6 =	sld [smem:$0x3FAA]  }
0x2c: {  	s7 =	sld [smem:$0x3FAB]  }
0x2d: {  	s3 =	simm.s32 $0x108;
	s8 =	sld [smem:$0x3FAC]  }
0x2e: {  	s3 =	simm.s32 @!p0 $0x1082;
	s9 =	sld [smem:$0x3FAD]  }
0x2f: {  	lr =	sadd.s32 s0, s3;
	s0 =	sld [smem:$0x3FA4]  }
0x30: {  	s3 =	sld [smem:$0x3FA7]  }
0x31: {  	[smem:$0x3FB0] =	sst s10  }
0x32: {  	s10 =	sld [smem:$0x3FAE];
	_ =	sdelay $0x3  }
0x33: {  	p0 =	seq.s32 s10, $0x1;
	s10 =	sld [smem:$0x3FB0];
	_ =	sdelay $0x3  }
0x34: {  	[smem:$0x3FB0] =	sst s10  }
0x35: {  	s10 =	sld [smem:$0x3FAF];
	_ =	sdelay $0x3  }
0x36: {  	p1 =	seq.s32 s10, $0x1;
	s10 =	sld [smem:$0x3FB0];
	_ =	sdelay $0x3  }
0x37: {  	[smem:$0x3FB0] =	sst s10  }
0x38: {  	s10 =	sld [smem:$0x3FB1]  }
0x39: {  	_ = 	snop;
	(pc) =	sbr.ind lr, $3  }
0x3a: {  	_ = 	snop  }
0x3b: {  	_ = 	snop  }
0x3c: {  	p2 =	seq.s32 s10, $0x1;
	s10 =	sld [smem:$0x3FB0]  }
0x3d: {  	_ =	shalt  }
0x3e: {  	_ =	shalt  }
0x3f: {  	_ =	shalt  }
0x40: {  	_ =	shalt  }
0x41: {  	_ =	shalt  }
0x42: {  	_ =	shalt  }
0x43: {  	_ =	shalt  }
0x44: {  	_ =	shalt  }
0x45: {  	_ =	shalt  }
0x46: {  	_ =	shalt  }
0x47: {  	_ =	shalt  }
0x48: {  	_ =	shalt  }
0x49: {  	_ =	shalt  }
0x4a: {  	_ =	shalt  }
0x4b: {  	_ =	shalt  }
0x4c: {  	_ =	shalt  }
0x4d: {  	_ =	shalt  }
0x4e: {  	_ =	shalt  }
0x4f: {  	_ =	shalt  }
0x50: {  	_ =	shalt  }
0x51: {  	_ =	shalt  }
0x52: {  	_ =	shalt  }
0x53: {  	_ =	shalt  }
0x54: {  	_ =	shalt  }
0x55: {  	_ =	shalt  }
0x56: {  	_ =	shalt  }
0x57: {  	_ =	shalt  }
0x58: {  	_ =	shalt  }
0x59: {  	_ =	shalt  }
0x5a: {  	_ =	shalt  }
0x5b: {  	_ =	shalt  }
0x5c: {  	_ =	shalt  }
0x5d: {  	_ =	shalt  }
0x5e: {  	_ =	shalt  }
0x5f: {  	_ =	shalt  }
0x60: {  	_ =	shalt  }
0x61: {  	_ =	shalt  }
0x62: {  	_ =	shalt  }
0x63: {  	_ =	shalt  }
0x64: {  	_ =	shalt  }
0x65: {  	_ =	shalt  }
0x66: {  	_ =	shalt  }
0x67: {  	_ =	shalt  }
0x68: {  	_ =	shalt  }
0x69: {  	_ =	shalt  }
0x6a: {  	_ =	shalt  }
0x6b: {  	_ =	shalt  }
0x6c: {  	_ =	shalt  }
0x6d: {  	_ =	shalt  }
0x6e: {  	_ =	shalt  }
0x6f: {  	_ =	shalt  }
0x70: {  	_ =	shalt  }
0x71: {  	_ =	shalt  }
0x72: {  	_ =	shalt  }
0x73: {  	_ =	shalt  }
0x74: {  	_ =	shalt  }
0x75: {  	_ =	shalt  }
0x76: {  	_ =	shalt  }
0x77: {  	_ =	shalt  }
0x78: {  	_ =	shalt  }
0x79: {  	_ =	shalt  }
0x7a: {  	_ =	shalt  }
0x7b: {  	_ =	shalt  }
0x7c: {  	_ =	shalt  }
0x7d: {  	_ =	shalt  }
0x7e: {  	_ =	shalt  }
0x7f: {  	_ =	shalt  }
0x80: {  	_ =	shalt  }
0x81: {  	_ =	shalt  }
0x82: {  	_ =	shalt  }
0x83: {  	_ =	shalt  }
0x84: {  	_ =	shalt  }
0x85: {  	_ =	shalt  }
0x86: {  	_ =	shalt  }
0x87: {  	_ =	shalt  }
.Lfunc_end0:
.L_simem_size_0:
called_computation_lowered:
.L_overlay_start_0:
0x88: {  	s2 =	sld [smem:$0x3FD9]  }
0x89: {  	s3 =	sld [smem:$0x3FFE];
	_ =	sdelay $0x1  }
0x8a: {  	s1 =	srdreg.scid  }
0x8b: {  	s0 =	sand.u32 $0x1, s1  }
0x8c: {  	s17 =	sshll.u32 s0, $0xA;
	s2 =	sadd.s32 s3, s2  }
0x8d: {  	s2 =	sadd.s32 s2, s17  }
0x8e: {  	[smem:$0x3FBC] =	sst s2  }
0x8f: {  	_ = 	snop  }
0x90: {  	s2 =	sld [smem:$0x3FC9];
	(tm) =	ssettm $0x1  }
0x91: {  	s18 =	sld [smem:$0x3FFB];
	_ =	sdelay $0x3  }
0x92: {  	_ =	strace s18  }
0x93: {  	s3 =	sld [smem:$0x3FFC];
	_ =	sdelay $0x3  }
0x94: {  	_ =	strace s3  }
0x95: {  	s3 =	sld [smem:$0x3FFD];
	_ =	sdelay $0x3  }
0x96: {  	_ =	strace s3  }
0x97: {  	_ =	strace $0x8FFFFFFF  }
0x98: {  	s19 =	sld [smem:$0x3FDB];
	_ =	sdelay $0x1  }
0x99: {  	s4 =	simm.s32 $_scs_section_size  }
0x9a: {  	s5 =	simm.s32 $_size__tile_overlayer_lowered;
	s6 =	simm.s32 $_tile_overlayer_lowered  }
0x9b: {  	s22 =	simm.s32 $0x1BFF;
	s21 =	sshll.u32 s6, $0x1;
	s3 =	sadd.s32 s4, s19  }
0x9c: {  	s7 =	simm.s32 $0x0;
	s20 =	sshll.u32 s5, $0x1;
	s5 =	sadd.s32 s21, s3  }
0x9d: {  	[timem:s7], [sflag:s22] =	dma.local [hbm:s5], s20  }
0x9e: {  	_ =	swait.ge [sflag:s22], s20  }
0x9f: {  	s4 =	ssub.s32 $0x0, s20;
	[sflag:s22] =	ssyncset.done $0x0  }
0xa0: {  	[sflag:s22] =	ssyncadd.s32 s4;
	_ =	sdelay $0x1  }
0xa1: {  	s23 =	simm.s32 $0x1B8B  }
0xa2: {  	_ =	swait.ge [sflag:s23], $0x1  }
0xa3: {  	[sflag:s23] =	ssyncset.done $0x0  }
0xa4: {  	s25 =	simm.s32 $0x1B8E;
	s24 =	sld [smem:$0x3FFE];
	[sflag:s23] =	ssyncadd.s32 $0xFFFFFFFF  }
0xa5: {  	s26 =	simm.s32 $execute0_lowered;
	[smem:$0x3FD2] =	sst s25  }
0xa6: {  	s5 =	sshll.u32 s26, $0x1;
	_ =	strace $0x80000046;
	[dreg:$0x1] =	wrdreg $0xFFFFFFFF  }
0xa7: {  	s28 =	simm.s32 $_size_execute0_lowered;
	s3 =	sadd.s32 s3, s5;
	[dreg:$0x0] =	wrdreg $0x0  }
0xa8: {  	s5 =	sshll.u32 s28, $0x1;
	[dreg:$0x2] =	wrdreg s3  }
0xa9: {  	[dreg:$0x3] =	wrdreg s5  }
0xaa: {  	[dreg:$0x4] =	wrdreg $0xC0  }
0xab: {  	_ =	task [dreg:s7], $0x5FFFF  }
0xac: {  	[dreg:$0x1] =	wrdreg $0xFFFFFFFF  }
0xad: {  	[dreg:$0x0] =	wrdreg $0x60  }
0xae: {  	[dreg:$0x2] =	wrdreg s24  }
0xaf: {  	[dreg:$0x3] =	wrdreg s2  }
0xb0: {  	[dreg:$0x4] =	wrdreg $0x12D800  }
0xb1: {  	[dreg:$0x5] =	wrdreg $0x9  }
0xb2: {  	_ =	task.clear_ibuf [dreg:s7], $0x6FFFF;
	_ =	strace $0x90000046  }
0xb3: {  	s29 =	simm.s32 $0x9;
	_ =	strace $0x80000048  }
0xb4: {  	_ =	swait.ge [sflag:s29], $0x1  }
0xb5: {  	[sflag:s29] =	ssyncadd.s32 $0xFFFFFFFF  }
0xb6: {  	_ =	strace $0x90000048  }
0xb7: {  	_ =	sfence  }
0xb8: {  	s30 =	sld [smem:$0x0];
	_ =	sdelay $0x2  }
0xb9: {  	s31 =	sshll.u32 s1, $0xD;
	s1 =	sshrl.u32 s1, $0x2  }
0xba: {  	s3 =	sand.u32 $0x4000, s31;
	s1 =	sadd.s32 s1, s30  }
0xbb: {  	s0 =	sor.u32 s3, s0;
	s1 =	sshll.u32 s1, $0x11  }
0xbc: {  	s0 =	sor.u32 s1, s0  }
0xbd: {  	s0 =	sadd.s32 $0x8F2B, s0  }
0xbe: {  	[sflag:s0] =	ssyncadd.remote.s32 $0x1  }
0xbf: {  	_ =	sfence.sel $0xFFFF  }
0xc0: {  	[dreg:$0x0] =	wrdreg $0xFFFFFFFF;
	(pc) =	sbr.abs _section_cstart, $3  }
0xc1: {  	[dreg:$0x1] =	wrdreg $0xFFFFFFFF  }
0xc2: {  	_ =	task.clear_ibuf [dreg:s7], $0x2FFFF;
	_ =	strace $0x9FFFFFFF  }
0xc3: {  	(tm) =	ssettm $0x7FFFFFFF  }
tec
execute0_lowered:
.L_overlay_start_1:
0x0: {  	(tag) =	ssettag $0x1  }
0x1: {  	s0 =	rddreg [dreg:$0x0]  }
0x2: {  	s1 =	srdreg.scid;
	s8 =	stileid.u32  }
0x3: {  	s3 =	rddreg [dreg:$0x2];
	s4 =	simm.s32 $0x0;
	s28 =	simm.s32 $0xCB80  }
0x4: {  	s29 =	simm.s32 $0x1;
	s30 =	simm.s32 $0x2;
	s31 =	simm.s32 $0xD380  }
0x5: {  	s15 =	simm.s32 $0xF380;
	s1 =	sand.u32 $0x1, s1;
	s2 =	smul.u32 $0xC800, s8  }
0x6: {  	[smem:$0x7FF] =	sst s4;
	s5 =	smul.u32 $0x190000, s1;
	s9 =	ssub.s32 $0x2, s1  }
0x7: {  	_ =	strace $0x80000047;
	s12 =	smul.u32 $0x61A8, s1;
	s10 =	sshrl.u32 s9, $0x1  }
0x8: {  	s6 =	sadd.s32 s2, s5;
	s5 =	sadd.s32 $0x2E00, s0;
	s16 =	ssub.s32 s9, s10  }
0x9: {  	s22 =	sadd.s32 $0x30D4, s12;
	s7 =	sshrl.u32 s6, $0x3;
	s6 =	sadd.s32 $0x1CE00, s0  }
0xa: {  	s26 =	smax.u32 s16, $0x1;
	s16 =	simm.s32 $0x3;
	s0 =	sadd.s32 s7, s0  }
0xb: {  	s7 =	smul.u32 $0xD000, s8;
	[dreg:$0xe] =	wrdreg s26;
	s18 =	sadd.s32 $0x36E00, s0  }
0xc: {  	s8 =	sadd.s32 s2, s3;
	s19 =	sadd.s32 $0x37440, s0;
	[dreg:$0x6] =	wrdreg s18  }
0xd: {  	s26 =	simm.s32 $0xC380;
	s20 =	sadd.s32 $0x37A80, s0;
	[dreg:$0x7] =	wrdreg s19  }
0xe: {  	s2 =	simm.s32 $0xE380;
	s21 =	sadd.s32 $0x380C0, s0;
	[dreg:$0x8] =	wrdreg s20  }
0xf: {  	s9 =	sadd.s32 $0x3200, s8;
	s23 =	sadd.s32 $0x4FE00, s0;
	[dreg:$0x9] =	wrdreg s21  }
0x10: {  	s10 =	sadd.s32 $0x6400, s8;
	s24 =	sadd.s32 $0x50440, s0;
	[dreg:$0xa] =	wrdreg s23  }
0x11: {  	s11 =	sadd.s32 $0x9600, s8;
	s25 =	sadd.s32 $0x50A80, s0;
	[dreg:$0xb] =	wrdreg s24  }
0x12: {  	s0 =	sadd.s32 $0x510C0, s0;
	s17 =	sshrl.u32 s7, $0x3;
	[dreg:$0xc] =	wrdreg s25  }
0x13: {  	s14 =	sadd.s32 $0x1000, s7;
	[dreg:$0xd] =	wrdreg s0;
	s24 =	simm.s32 $0x7  }
0x14: {  	s25 =	simm.s32 $0xFB80;
	s0 =	simm.s32 $0x800;
	s18 =	simm.s32 $0xEB80  }
0x15: {  	s19 =	simm.s32 $0x5;
	s20 =	simm.s32 $0x6;
	s13 =	sadd.s32 s5, s17  }
0x16: {  	v2 =	vimm.f32 $1.000000000e+00;
	s21 =	simm.s32 $0x0;
	s1 =	sadd.s32 s6, s17;
	[dreg:$0x4] =	wrdreg s13  }
0x17: {  	v3 =	vimm.f32 $0.0e+00;
	v0 =	vmov s12;
	v1 =	vmov s22;
	s17 =	simm.s32 $0x4;
	[dreg:$0x5] =	wrdreg s1;
	s1 =	simm.s32 $0xDB80  }
.LBB2_1:
0x18: {  	s12 =	simm.s32 $0x40;
	s13 =	simm.s32 $0x0  }
.LBB2_2:
0x19: {  	p0 =	sne.s32 s12, $0x1FC0;
	[tilespmem:s13+$0xF380] =	vst v2;
	s13 =	smov.u32 s12;
	s12 =	sadd.s32 $0x40, s12  }
.Ltmp0:
0x1a: {  	(pc) =	sbr.rel @p0 .LBB2_2-.Ltmp0, $2  }
0x1b: {  	_ =	sdelay $0x2  }
0x1c: {  	s13 =	sshra.s32 s13, $0x2  }
0x1d: {  	[tilespmem:s13+$0xF380] =	vst v2;
	s12 =	simm.s32 $0x0;
	s23 =	rddreg [dreg:$0x1]  }
0x1e: {  	[tilespmem:s12], [sflag:$0x7] =	stream.linear.gather [hbm4b:s23+s12], $0xC380, $0x38;
	[tilespmem:$0x1F580] =	vst v63  }
0x1f: {  	_ =	swait.ge [sflag:s24], $0xC380  }
0x20: {  	[sflag:s24] =	ssyncset.done $0x0  }
0x21: {  	s13 =	simm.s32 $0x0;
	s12 =	simm.s32 $0x40;
	[sflag:s24] =	ssyncadd.s32 $0xFFFF3C80  }
.LBB2_4:
0x22: {  	p0 =	sne.s32 s12, $0xC7C0;
	[tilespmem:s13+$0xFB80] =	vst v3;
	s13 =	smov.u32 s12;
	s12 =	sadd.s32 $0x40, s12  }
.Ltmp1:
0x23: {  	(pc) =	sbr.rel @p0 .LBB2_4-.Ltmp1, $2  }
0x24: {  	_ =	sdelay $0x2  }
0x25: {  	s13 =	sshra.s32 s13, $0x2  }
0x26: {  	[tilespmem:s13+$0xFB80] =	vst v3  }
0x27: {  	[spmem:s8] =	stream.linear.scatter [tilespmem:s25], [sflag:$0x7], $0x3200, $0x38;
	[tilespmem:$0x1F580] =	vst v63  }
0x28: {  	_ =	swait.ge [sflag:s24], $0x3200  }
0x29: {  	[sflag:s24] =	ssyncset.done $0x0  }
0x2a: {  	[sflag:s24] =	ssyncadd.s32 $0xFFFFCE00  }
0x2b: {  	[spmem:s9] =	stream.linear.scatter [tilespmem:s25], [sflag:$0x7], $0x3200, $0x38;
	[tilespmem:$0x1F580] =	vst v63  }
0x2c: {  	_ =	swait.ge [sflag:s24], $0x3200  }
0x2d: {  	[sflag:s24] =	ssyncset.done $0x0  }
0x2e: {  	[sflag:s24] =	ssyncadd.s32 $0xFFFFCE00  }
0x2f: {  	[spmem:s10] =	stream.linear.scatter [tilespmem:s25], [sflag:$0x7], $0x3200, $0x38;
	[tilespmem:$0x1F580] =	vst v63  }
0x30: {  	_ =	swait.ge [sflag:s24], $0x3200  }
0x31: {  	[sflag:s24] =	ssyncset.done $0x0  }
0x32: {  	[sflag:s24] =	ssyncadd.s32 $0xFFFFCE00  }
0x33: {  	[spmem:s11] =	stream.linear.scatter [tilespmem:s25], [sflag:$0x7], $0x3200, $0x38;
	[tilespmem:$0x1F580] =	vst v63  }
0x34: {  	_ =	swait.ge [sflag:s24], $0x3200  }
0x35: {  	[sflag:s24] =	ssyncset.done $0x0  }
0x36: {  	[sflag:s24] =	ssyncadd.s32 $0xFFFFCE00  }
0x37: {  	[bflag:$0x0] =	sbarrier.arrive $0xFFFF  }
0x38: {  	s22 =	simm.s32 $0x0;
	s12 =	rddreg [dreg:$0x4]  }
0x39: {  	[tilespmem:s26], [sflag:$0x1] =	stream.linear.gather [hbm4b:s12+s22], $0x800, $0x38;
	[tilespmem:$0x1F580] =	vst v63  }
0x3a: {  	s23 =	rddreg [dreg:$0x5]  }
0x3b: {  	[tilespmem:s28], [sflag:$0x2] =	stream.linear.gather [hbm4b:s23+s22], $0x800, $0x38;
	[tilespmem:$0x1F580] =	vst v63  }
.LBB2_6:
0x3c: {  	_ =	swait.ge [sflag:s29], $0x800  }
0x3d: {  	s12 =	sshll.u32 s22, $0xC;
	[sflag:s29] =	ssyncset.done $0x0  }
0x3e: {  	s12 =	sadd.s32 s7, s12;
	[sflag:s29] =	ssyncadd.s32 $0xFFFFF800  }
0x3f: {  	s12 =	sshrl.u32 s12, $0x3;
	_ =	swait.ge [sflag:s30], $0x800  }
0x40: {  	s12 =	sor.u32 $0x100, s12;
	[sflag:s30] =	ssyncset.done $0x0  }
0x41: {  	s13 =	sadd.s32 s5, s12;
	[sflag:s30] =	ssyncadd.s32 $0xFFFFF800  }
0x42: {  	[tilespmem:s31], [sflag:$0x3] =	stream.linear.gather [hbm4b:s13+s4], $0x800, $0x38;
	[tilespmem:$0x1F580] =	vst v63  }
0x43: {  	p0 =	seq.s32 s22, $0x0;
	s12 =	sadd.s32 s6, s12  }
0x44: {  	[tilespmem:s1], [sflag:$0x4] =	stream.linear.gather [hbm4b:s12+s4], $0x800, $0x38;
	[tilespmem:$0x1F580] =	vst v63  }
0x45: {  	s12 =	simm.s32 @!p0 $0x5  }
0x46: {  	_ =	swait.ge @!p0 [sflag:s12], $0x800  }
0x47: {  	[sflag:s12] =	ssyncset.done @!p0 $0x0  }
0x48: {  	[sflag:s12] =	ssyncadd.s32 @!p0 $0xFFFFF800;
	s12 =	simm.s32 $0x0  }
0x49: {  	v5 =	vld [tilespmem:s12+$0xC380];
	_ =	sdelay $0x6  }
0x4a: {  	v4 =	vld [tilespmem:s12+$0xCB80]  }
0x4b: {  	s23 =	simm.s32 $0x10;
	s13 =	simm.s32 $0x80;
	v5 =	vld.idx.msk [tilespmem:v5+s4+$0x0], $0xffff  }
.LBB2_7:
0x4c: {  	p1 =	sne.s32 s13, $0x1FC0;
	v6 =	vld [tilespmem:s23+$0xC380];
	_ =	sdelay $0x2  }
0x4d: {  	v4 =	vsub.s32 v4, v0  }
.Ltmp2:
0x4e: {  	v7 =	vshll.u32 v4, $0x6;
	(pc) =	sbr.rel @p1 .LBB2_7-.Ltmp2, $4  }
0x4f: {  	vm0 =	vlt.u32 v4, $0x30D4;
	v4 =	vadd.s32 v5, v7  }
0x50: {  	v5 =	vnsel vm0, $0xC3500, v4  }
0x51: {  	v4 =	vld [tilespmem:s23+$0xCB80];
	[tilespmem:s12+$0xE380] =	vst v5;
	s12 =	smov.u32 s23  }
0x52: {  	s23 =	sshra.s32 s13, $0x2;
	s13 =	sadd.s32 $0x40, s13;
	v5 =	vld.idx.msk [tilespmem:v6+s4+$0x0], $0xffff  }
0x53: {  	v6 =	vld [tilespmem:s23+$0xC380];
	_ =	sdelay $0x2  }
0x54: {  	v4 =	vsub.s32 v4, v0  }
0x55: {  	v7 =	vshll.u32 v4, $0x6  }
0x56: {  	vm0 =	vlt.u32 v4, $0x30D4;
	v4 =	vadd.s32 v5, v7  }
0x57: {  	v5 =	vld [tilespmem:s23+$0xCB80];
	v4 =	vnsel vm0, $0xC3500, v4  }
0x58: {  	[tilespmem:s12+$0xE380] =	vst v4  }
0x59: {  	v4 =	vld.idx.msk [tilespmem:v6+s4+$0x0], $0xffff;
	_ =	sdelay $0x2  }
0x5a: {  	v5 =	vsub.s32 v5, v0  }
0x5b: {  	v6 =	vshll.u32 v5, $0x6  }
0x5c: {  	vm15 =	vlt.u32 v5, $0x30D4;
	v4 =	vadd.s32 v4, v6  }
0x5d: {  	v4 =	vnsel vm15, $0xC3500, v4  }
0x5e: {  	[tilespmem:s23+$0xE380] =	vst v4;
	s23 =	sshll.u32 s22, $0x1  }
0x5f: {  	[spmem:s3] =	stream.indirect.scatter.add.f32 [tilespmem:s15], [sflag:$0x5], $0x1, s2, s0, $0xb8;
	[tilespmem:$0x1F580] =	vst v63  }
0x60: {  	s12 =	smin.u32 s23, $0x17  }
0x61: {  	s12 =	sshll.u32 s12, $0xB  }
0x62: {  	s12 =	sadd.s32 s12, s14  }
0x63: {  	s12 =	sshrl.u32 s12, $0x3  }
0x64: {  	s13 =	sadd.s32 s5, s12  }
0x65: {  	[tilespmem:s26], [sflag:$0x1] =	stream.linear.gather [hbm4b:s13+s4], $0x800, $0x38;
	[tilespmem:$0x1F580] =	vst v63  }
0x66: {  	s12 =	sadd.s32 s6, s12  }
0x67: {  	[tilespmem:s28], [sflag:$0x2] =	stream.linear.gather [hbm4b:s12+s4], $0x800, $0x38;
	[tilespmem:$0x1F580] =	vst v63  }
0x68: {  	_ =	swait.ge [sflag:s16], $0x800  }
0x69: {  	[sflag:s16] =	ssyncset.done $0x0  }
0x6a: {  	[sflag:s16] =	ssyncadd.s32 $0xFFFFF800  }
0x6b: {  	_ =	swait.ge [sflag:s17], $0x800  }
0x6c: {  	[sflag:s17] =	ssyncset.done $0x0  }
0x6d: {  	s12 =	simm.s32 @!p0 $0x6;
	[sflag:s17] =	ssyncadd.s32 $0xFFFFF800  }
0x6e: {  	_ =	swait.ge @!p0 [sflag:s12], $0x800  }
0x6f: {  	[sflag:s12] =	ssyncset.done @!p0 $0x0  }
0x70: {  	[sflag:s12] =	ssyncadd.s32 @!p0 $0xFFFFF800;
	s12 =	simm.s32 $0x0  }
0x71: {  	v5 =	vld [tilespmem:s12+$0xD380];
	_ =	sdelay $0x6  }
0x72: {  	v4 =	vld [tilespmem:s12+$0xDB80]  }
0x73: {  	s23 =	simm.s32 $0x10;
	s13 =	simm.s32 $0x80;
	v5 =	vld.idx.msk [tilespmem:v5+s4+$0x0], $0xffff  }
.LBB2_9:
0x74: {  	p0 =	sne.s32 s13, $0x1FC0;
	v6 =	vld [tilespmem:s23+$0xD380];
	_ =	sdelay $0x2  }
0x75: {  	v4 =	vsub.s32 v4, v0  }
.Ltmp3:
0x76: {  	v7 =	vshll.u32 v4, $0x6;
	(pc) =	sbr.rel @p0 .LBB2_9-.Ltmp3, $4  }
0x77: {  	vm0 =	vlt.u32 v4, $0x30D4;
	v4 =	vadd.s32 v5, v7  }
0x78: {  	v5 =	vnsel vm0, $0xC3500, v4  }
0x79: {  	v4 =	vld [tilespmem:s23+$0xDB80];
	[tilespmem:s12+$0xEB80] =	vst v5;
	s12 =	smov.u32 s23  }
0x7a: {  	s23 =	sshra.s32 s13, $0x2;
	s13 =	sadd.s32 $0x40, s13;
	v5 =	vld.idx.msk [tilespmem:v6+s4+$0x0], $0xffff  }
0x7b: {  	v6 =	vld [tilespmem:s23+$0xD380];
	_ =	sdelay $0x2  }
0x7c: {  	v4 =	vsub.s32 v4, v0  }
0x7d: {  	v7 =	vshll.u32 v4, $0x6  }
0x7e: {  	vm0 =	vlt.u32 v4, $0x30D4;
	v4 =	vadd.s32 v5, v7  }
0x7f: {  	v5 =	vld [tilespmem:s23+$0xDB80];
	v4 =	vnsel vm0, $0xC3500, v4  }
0x80: {  	[tilespmem:s12+$0xEB80] =	vst v4  }
0x81: {  	v4 =	vld.idx.msk [tilespmem:v6+s4+$0x0], $0xffff;
	_ =	sdelay $0x1  }
0x82: {  	s22 =	sadd.s32 $0x1, s22  }
0x83: {  	p0 =	sne.s32 s22, $0xD;
	v5 =	vsub.s32 v5, v0  }
.Ltmp4:
0x84: {  	v63 =	vshll.u32 v5, $0x6;
	(pc) =	sbr.rel @p0 .LBB2_6-.Ltmp4, $4  }
0x85: {  	vm15 =	vlt.u32 v5, $0x30D4;
	v4 =	vadd.s32 v4, v63  }
0x86: {  	v4 =	vnsel vm15, $0xC3500, v4  }
0x87: {  	[tilespmem:s23+$0xEB80] =	vst v4  }
0x88: {  	[spmem:s3] =	stream.indirect.scatter.add.f32 [tilespmem:s15], [sflag:$0x6], $0x1, s18, s0, $0xb8;
	[tilespmem:$0x1F580] =	vst v63  }
0x89: {  	_ =	swait.ge [sflag:s29], $0x800  }
0x8a: {  	[sflag:s29] =	ssyncset.done $0x0  }
0x8b: {  	[sflag:s29] =	ssyncadd.s32 $0xFFFFF800  }
0x8c: {  	_ =	swait.ge [sflag:s30], $0x800  }
0x8d: {  	[sflag:s30] =	ssyncset.done $0x0  }
0x8e: {  	[sflag:s30] =	ssyncadd.s32 $0xFFFFF800  }
0x8f: {  	_ =	swait.ge [sflag:s19], $0x800  }
0x90: {  	[sflag:s19] =	ssyncset.done $0x0  }
0x91: {  	[sflag:s19] =	ssyncadd.s32 $0xFFFFF800  }
0x92: {  	_ =	swait.ge [sflag:s20], $0x800  }
0x93: {  	[sflag:s20] =	ssyncset.done $0x0  }
0x94: {  	[sflag:s20] =	ssyncadd.s32 $0xFFFFF800  }
0x95: {  	[bflag:$0x0] =	sbarrier.arrive $0xFFFF  }
0x96: {  	[tilespmem:s25], [sflag:$0x7] =	stream.linear.gather [spmem:s8], $0x3200, $0x38;
	[tilespmem:$0x1F580] =	vst v63  }
0x97: {  	_ =	swait.ge [sflag:s24], $0x3200  }
0x98: {  	[sflag:s24] =	ssyncset.done $0x0  }
0x99: {  	s12 =	simm.s32 $0x0;
	s13 =	rddreg [dreg:$0x6];
	[sflag:s24] =	ssyncadd.s32 $0xFFFFCE00  }
0x9a: {  	[hbm4b:s13+s12] =	stream.linear.scatter [tilespmem:s25], [sflag:$0x7], $0x3200, $0x38;
	[tilespmem:$0x1F580] =	vst v63  }
0x9b: {  	_ =	swait.ge [sflag:s24], $0x3200  }
0x9c: {  	[sflag:s24] =	ssyncset.done $0x0  }
0x9d: {  	[sflag:s24] =	ssyncadd.s32 $0xFFFFCE00  }
0x9e: {  	[tilespmem:s25], [sflag:$0x7] =	stream.linear.gather [spmem:s9], $0x3200, $0x38;
	[tilespmem:$0x1F580] =	vst v63  }
0x9f: {  	_ =	swait.ge [sflag:s24], $0x3200  }
0xa0: {  	[sflag:s24] =	ssyncset.done $0x0  }
0xa1: {  	s23 =	rddreg [dreg:$0x7];
	[sflag:s24] =	ssyncadd.s32 $0xFFFFCE00  }
0xa2: {  	[hbm4b:s23+s12] =	stream.linear.scatter [tilespmem:s25], [sflag:$0x7], $0x3200, $0x38;
	[tilespmem:$0x1F580] =	vst v63  }
0xa3: {  	_ =	swait.ge [sflag:s24], $0x3200  }
0xa4: {  	[sflag:s24] =	ssyncset.done $0x0  }
0xa5: {  	[sflag:s24] =	ssyncadd.s32 $0xFFFFCE00  }
0xa6: {  	[tilespmem:s25], [sflag:$0x7] =	stream.linear.gather [spmem:s10], $0x3200, $0x38;
	[tilespmem:$0x1F580] =	vst v63  }
0xa7: {  	_ =	swait.ge [sflag:s24], $0x3200  }
0xa8: {  	[sflag:s24] =	ssyncset.done $0x0  }
0xa9: {  	s22 =	rddreg [dreg:$0x8];
	[sflag:s24] =	ssyncadd.s32 $0xFFFFCE00  }
0xaa: {  	[hbm4b:s22+s12] =	stream.linear.scatter [tilespmem:s25], [sflag:$0x7], $0x3200, $0x38;
	[tilespmem:$0x1F580] =	vst v63  }
0xab: {  	_ =	swait.ge [sflag:s24], $0x3200  }
0xac: {  	[sflag:s24] =	ssyncset.done $0x0  }
0xad: {  	[sflag:s24] =	ssyncadd.s32 $0xFFFFCE00  }
0xae: {  	[tilespmem:s25], [sflag:$0x7] =	stream.linear.gather [spmem:s11], $0x3200, $0x38;
	[tilespmem:$0x1F580] =	vst v63  }
0xaf: {  	_ =	swait.ge [sflag:s24], $0x3200  }
0xb0: {  	[sflag:s24] =	ssyncset.done $0x0  }
0xb1: {  	s23 =	rddreg [dreg:$0x9];
	[sflag:s24] =	ssyncadd.s32 $0xFFFFCE00  }
0xb2: {  	[hbm4b:s23+s12] =	stream.linear.scatter [tilespmem:s25], [sflag:$0x7], $0x3200, $0x38;
	[tilespmem:$0x1F580] =	vst v63  }
0xb3: {  	_ =	swait.ge [sflag:s24], $0x3200  }
0xb4: {  	[sflag:s24] =	ssyncset.done $0x0  }
0xb5: {  	s13 =	simm.s32 $0x0;
	s12 =	simm.s32 $0x40;
	[sflag:s24] =	ssyncadd.s32 $0xFFFFCE00  }
.LBB2_12:
0xb6: {  	p0 =	sne.s32 s12, $0xC7C0;
	[tilespmem:s13+$0xFB80] =	vst v3;
	s13 =	smov.u32 s12;
	s12 =	sadd.s32 $0x40, s12  }
.Ltmp5:
0xb7: {  	(pc) =	sbr.rel @p0 .LBB2_12-.Ltmp5, $2  }
0xb8: {  	_ =	sdelay $0x2  }
0xb9: {  	s13 =	sshra.s32 s13, $0x2  }
0xba: {  	[tilespmem:s13+$0xFB80] =	vst v3  }
0xbb: {  	[spmem:s8] =	stream.linear.scatter [tilespmem:s25], [sflag:$0x7], $0x3200, $0x38;
	[tilespmem:$0x1F580] =	vst v63  }
0xbc: {  	_ =	swait.ge [sflag:s24], $0x3200  }
0xbd: {  	[sflag:s24] =	ssyncset.done $0x0  }
0xbe: {  	[sflag:s24] =	ssyncadd.s32 $0xFFFFCE00  }
0xbf: {  	[spmem:s9] =	stream.linear.scatter [tilespmem:s25], [sflag:$0x7], $0x3200, $0x38;
	[tilespmem:$0x1F580] =	vst v63  }
0xc0: {  	_ =	swait.ge [sflag:s24], $0x3200  }
0xc1: {  	[sflag:s24] =	ssyncset.done $0x0  }
0xc2: {  	[sflag:s24] =	ssyncadd.s32 $0xFFFFCE00  }
0xc3: {  	[spmem:s10] =	stream.linear.scatter [tilespmem:s25], [sflag:$0x7], $0x3200, $0x38;
	[tilespmem:$0x1F580] =	vst v63  }
0xc4: {  	_ =	swait.ge [sflag:s24], $0x3200  }
0xc5: {  	[sflag:s24] =	ssyncset.done $0x0  }
0xc6: {  	[sflag:s24] =	ssyncadd.s32 $0xFFFFCE00  }
0xc7: {  	[spmem:s11] =	stream.linear.scatter [tilespmem:s25], [sflag:$0x7], $0x3200, $0x38;
	[tilespmem:$0x1F580] =	vst v63  }
0xc8: {  	_ =	swait.ge [sflag:s24], $0x3200  }
0xc9: {  	[sflag:s24] =	ssyncset.done $0x0  }
0xca: {  	[sflag:s24] =	ssyncadd.s32 $0xFFFFCE00  }
0xcb: {  	[bflag:$0x0] =	sbarrier.arrive $0xFFFF  }
0xcc: {  	s22 =	simm.s32 $0x0;
	s12 =	rddreg [dreg:$0x4]  }
0xcd: {  	[tilespmem:s26], [sflag:$0x1] =	stream.linear.gather [hbm4b:s12+s22], $0x800, $0x38;
	[tilespmem:$0x1F580] =	vst v63  }
0xce: {  	s23 =	rddreg [dreg:$0x5]  }
0xcf: {  	[tilespmem:s28], [sflag:$0x2] =	stream.linear.gather [hbm4b:s23+s22], $0x800, $0x38;
	[tilespmem:$0x1F580] =	vst v63  }
.LBB2_14:
0xd0: {  	_ =	swait.ge [sflag:s29], $0x800  }
0xd1: {  	s12 =	sshll.u32 s22, $0xC;
	[sflag:s29] =	ssyncset.done $0x0  }
0xd2: {  	s12 =	sadd.s32 s7, s12;
	[sflag:s29] =	ssyncadd.s32 $0xFFFFF800  }
0xd3: {  	s12 =	sshrl.u32 s12, $0x3;
	_ =	swait.ge [sflag:s30], $0x800  }
0xd4: {  	s12 =	sor.u32 $0x100, s12;
	[sflag:s30] =	ssyncset.done $0x0  }
0xd5: {  	s13 =	sadd.s32 s5, s12;
	[sflag:s30] =	ssyncadd.s32 $0xFFFFF800  }
0xd6: {  	[tilespmem:s31], [sflag:$0x3] =	stream.linear.gather [hbm4b:s13+s4], $0x800, $0x38;
	[tilespmem:$0x1F580] =	vst v63  }
0xd7: {  	p0 =	seq.s32 s22, $0x0;
	s12 =	sadd.s32 s6, s12  }
0xd8: {  	[tilespmem:s1], [sflag:$0x4] =	stream.linear.gather [hbm4b:s12+s4], $0x800, $0x38;
	[tilespmem:$0x1F580] =	vst v63  }
0xd9: {  	s12 =	simm.s32 @!p0 $0x5  }
0xda: {  	_ =	swait.ge @!p0 [sflag:s12], $0x800  }
0xdb: {  	[sflag:s12] =	ssyncset.done @!p0 $0x0  }
0xdc: {  	[sflag:s12] =	ssyncadd.s32 @!p0 $0xFFFFF800;
	s12 =	simm.s32 $0x0  }
0xdd: {  	v5 =	vld [tilespmem:s12+$0xC380];
	_ =	sdelay $0x6  }
0xde: {  	v4 =	vld [tilespmem:s12+$0xCB80]  }
0xdf: {  	s23 =	simm.s32 $0x10;
	s13 =	simm.s32 $0x80;
	v5 =	vld.idx.msk [tilespmem:v5+s4+$0x0], $0xffff  }
.LBB2_15:
0xe0: {  	p1 =	sne.s32 s13, $0x1FC0;
	v6 =	vld [tilespmem:s23+$0xC380];
	_ =	sdelay $0x2  }
0xe1: {  	v4 =	vsub.s32 v4, v1  }
.Ltmp6:
0xe2: {  	v7 =	vshll.u32 v4, $0x6;
	(pc) =	sbr.rel @p1 .LBB2_15-.Ltmp6, $4  }
0xe3: {  	vm0 =	vlt.u32 v4, $0x30D4;
	v4 =	vadd.s32 v5, v7  }
0xe4: {  	v5 =	vnsel vm0, $0xC3500, v4  }
0xe5: {  	v4 =	vld [tilespmem:s23+$0xCB80];
	[tilespmem:s12+$0xE380] =	vst v5;
	s12 =	smov.u32 s23  }
0xe6: {  	s23 =	sshra.s32 s13, $0x2;
	s13 =	sadd.s32 $0x40, s13;
	v5 =	vld.idx.msk [tilespmem:v6+s4+$0x0], $0xffff  }
0xe7: {  	v6 =	vld [tilespmem:s23+$0xC380];
	_ =	sdelay $0x2  }
0xe8: {  	v4 =	vsub.s32 v4, v1  }
0xe9: {  	v7 =	vshll.u32 v4, $0x6  }
0xea: {  	vm0 =	vlt.u32 v4, $0x30D4;
	v4 =	vadd.s32 v5, v7  }
0xeb: {  	v5 =	vld [tilespmem:s23+$0xCB80];
	v4 =	vnsel vm0, $0xC3500, v4  }
0xec: {  	[tilespmem:s12+$0xE380] =	vst v4  }
0xed: {  	v4 =	vld.idx.msk [tilespmem:v6+s4+$0x0], $0xffff;
	_ =	sdelay $0x2  }
0xee: {  	v5 =	vsub.s32 v5, v1  }
0xef: {  	v6 =	vshll.u32 v5, $0x6  }
0xf0: {  	vm15 =	vlt.u32 v5, $0x30D4;
	v4 =	vadd.s32 v4, v6  }
0xf1: {  	v4 =	vnsel vm15, $0xC3500, v4  }
0xf2: {  	[tilespmem:s23+$0xE380] =	vst v4;
	s23 =	sshll.u32 s22, $0x1  }
0xf3: {  	[spmem:s3] =	stream.indirect.scatter.add.f32 [tilespmem:s15], [sflag:$0x5], $0x1, s2, s0, $0xb8;
	[tilespmem:$0x1F580] =	vst v63  }
0xf4: {  	s12 =	smin.u32 s23, $0x17  }
0xf5: {  	s12 =	sshll.u32 s12, $0xB  }
0xf6: {  	s12 =	sadd.s32 s12, s14  }
0xf7: {  	s12 =	sshrl.u32 s12, $0x3  }
0xf8: {  	s13 =	sadd.s32 s5, s12  }
0xf9: {  	[tilespmem:s26], [sflag:$0x1] =	stream.linear.gather [hbm4b:s13+s4], $0x800, $0x38;
	[tilespmem:$0x1F580] =	vst v63  }
0xfa: {  	s12 =	sadd.s32 s6, s12  }
0xfb: {  	[tilespmem:s28], [sflag:$0x2] =	stream.linear.gather [hbm4b:s12+s4], $0x800, $0x38;
	[tilespmem:$0x1F580] =	vst v63  }
0xfc: {  	_ =	swait.ge [sflag:s16], $0x800  }
0xfd: {  	[sflag:s16] =	ssyncset.done $0x0  }
0xfe: {  	[sflag:s16] =	ssyncadd.s32 $0xFFFFF800  }
0xff: {  	_ =	swait.ge [sflag:s17], $0x800  }
0x100: {  	[sflag:s17] =	ssyncset.done $0x0  }
0x101: {  	s12 =	simm.s32 @!p0 $0x6;
	[sflag:s17] =	ssyncadd.s32 $0xFFFFF800  }
0x102: {  	_ =	swait.ge @!p0 [sflag:s12], $0x800  }
0x103: {  	[sflag:s12] =	ssyncset.done @!p0 $0x0  }
0x104: {  	[sflag:s12] =	ssyncadd.s32 @!p0 $0xFFFFF800;
	s12 =	simm.s32 $0x0  }
0x105: {  	v5 =	vld [tilespmem:s12+$0xD380];
	_ =	sdelay $0x6  }
0x106: {  	v4 =	vld [tilespmem:s12+$0xDB80]  }
0x107: {  	s23 =	simm.s32 $0x10;
	s13 =	simm.s32 $0x80;
	v5 =	vld.idx.msk [tilespmem:v5+s4+$0x0], $0xffff  }
.LBB2_17:
0x108: {  	p0 =	sne.s32 s13, $0x1FC0;
	v6 =	vld [tilespmem:s23+$0xD380];
	_ =	sdelay $0x2  }
0x109: {  	v4 =	vsub.s32 v4, v1  }
.Ltmp7:
0x10a: {  	v7 =	vshll.u32 v4, $0x6;
	(pc) =	sbr.rel @p0 .LBB2_17-.Ltmp7, $4  }
0x10b: {  	vm0 =	vlt.u32 v4, $0x30D4;
	v4 =	vadd.s32 v5, v7  }
0x10c: {  	v5 =	vnsel vm0, $0xC3500, v4  }
0x10d: {  	v4 =	vld [tilespmem:s23+$0xDB80];
	[tilespmem:s12+$0xEB80] =	vst v5;
	s12 =	smov.u32 s23  }
0x10e: {  	s23 =	sshra.s32 s13, $0x2;
	s13 =	sadd.s32 $0x40, s13;
	v5 =	vld.idx.msk [tilespmem:v6+s4+$0x0], $0xffff  }
0x10f: {  	v6 =	vld [tilespmem:s23+$0xD380];
	_ =	sdelay $0x2  }
0x110: {  	v4 =	vsub.s32 v4, v1  }
0x111: {  	v7 =	vshll.u32 v4, $0x6  }
0x112: {  	vm0 =	vlt.u32 v4, $0x30D4;
	v4 =	vadd.s32 v5, v7  }
0x113: {  	v5 =	vld [tilespmem:s23+$0xDB80];
	v4 =	vnsel vm0, $0xC3500, v4  }
0x114: {  	[tilespmem:s12+$0xEB80] =	vst v4  }
0x115: {  	v4 =	vld.idx.msk [tilespmem:v6+s4+$0x0], $0xffff;
	_ =	sdelay $0x1  }
0x116: {  	s22 =	sadd.s32 $0x1, s22  }
0x117: {  	p0 =	sne.s32 s22, $0xD;
	v5 =	vsub.s32 v5, v1  }
.Ltmp8:
0x118: {  	v63 =	vshll.u32 v5, $0x6;
	(pc) =	sbr.rel @p0 .LBB2_14-.Ltmp8, $4  }
0x119: {  	vm15 =	vlt.u32 v5, $0x30D4;
	v4 =	vadd.s32 v4, v63  }
0x11a: {  	v4 =	vnsel vm15, $0xC3500, v4  }
0x11b: {  	[tilespmem:s23+$0xEB80] =	vst v4  }
0x11c: {  	[spmem:s3] =	stream.indirect.scatter.add.f32 [tilespmem:s15], [sflag:$0x6], $0x1, s18, s0, $0xb8;
	[tilespmem:$0x1F580] =	vst v63  }
0x11d: {  	_ =	swait.ge [sflag:s29], $0x800  }
0x11e: {  	[sflag:s29] =	ssyncset.done $0x0  }
0x11f: {  	[sflag:s29] =	ssyncadd.s32 $0xFFFFF800  }
0x120: {  	_ =	swait.ge [sflag:s30], $0x800  }
0x121: {  	[sflag:s30] =	ssyncset.done $0x0  }
0x122: {  	[sflag:s30] =	ssyncadd.s32 $0xFFFFF800  }
0x123: {  	_ =	swait.ge [sflag:s19], $0x800  }
0x124: {  	[sflag:s19] =	ssyncset.done $0x0  }
0x125: {  	[sflag:s19] =	ssyncadd.s32 $0xFFFFF800  }
0x126: {  	_ =	swait.ge [sflag:s20], $0x800  }
0x127: {  	[sflag:s20] =	ssyncset.done $0x0  }
0x128: {  	[sflag:s20] =	ssyncadd.s32 $0xFFFFF800  }
0x129: {  	[bflag:$0x0] =	sbarrier.arrive $0xFFFF  }
0x12a: {  	[tilespmem:s25], [sflag:$0x7] =	stream.linear.gather [spmem:s8], $0x3200, $0x38;
	[tilespmem:$0x1F580] =	vst v63  }
0x12b: {  	_ =	swait.ge [sflag:s24], $0x3200  }
0x12c: {  	[sflag:s24] =	ssyncset.done $0x0  }
0x12d: {  	s12 =	rddreg [dreg:$0xa];
	[sflag:s24] =	ssyncadd.s32 $0xFFFFCE00  }
0x12e: {  	[hbm4b:s12+s4] =	stream.linear.scatter [tilespmem:s25], [sflag:$0x7], $0x3200, $0x38;
	[tilespmem:$0x1F580] =	vst v63  }
0x12f: {  	_ =	swait.ge [sflag:s24], $0x3200  }
0x130: {  	[sflag:s24] =	ssyncset.done $0x0  }
0x131: {  	[sflag:s24] =	ssyncadd.s32 $0xFFFFCE00  }
0x132: {  	[tilespmem:s25], [sflag:$0x7] =	stream.linear.gather [spmem:s9], $0x3200, $0x38;
	[tilespmem:$0x1F580] =	vst v63  }
0x133: {  	_ =	swait.ge [sflag:s24], $0x3200  }
0x134: {  	[sflag:s24] =	ssyncset.done $0x0  }
0x135: {  	s23 =	rddreg [dreg:$0xb];
	[sflag:s24] =	ssyncadd.s32 $0xFFFFCE00  }
0x136: {  	[hbm4b:s23+s4] =	stream.linear.scatter [tilespmem:s25], [sflag:$0x7], $0x3200, $0x38;
	[tilespmem:$0x1F580] =	vst v63  }
0x137: {  	_ =	swait.ge [sflag:s24], $0x3200  }
0x138: {  	[sflag:s24] =	ssyncset.done $0x0  }
0x139: {  	[sflag:s24] =	ssyncadd.s32 $0xFFFFCE00  }
0x13a: {  	[tilespmem:s25], [sflag:$0x7] =	stream.linear.gather [spmem:s10], $0x3200, $0x38;
	[tilespmem:$0x1F580] =	vst v63  }
0x13b: {  	_ =	swait.ge [sflag:s24], $0x3200  }
0x13c: {  	[sflag:s24] =	ssyncset.done $0x0  }
0x13d: {  	s13 =	rddreg [dreg:$0xc];
	[sflag:s24] =	ssyncadd.s32 $0xFFFFCE00  }
0x13e: {  	[hbm4b:s13+s4] =	stream.linear.scatter [tilespmem:s25], [sflag:$0x7], $0x3200, $0x38;
	[tilespmem:$0x1F580] =	vst v63  }
0x13f: {  	_ =	swait.ge [sflag:s24], $0x3200  }
0x140: {  	[sflag:s24] =	ssyncset.done $0x0  }
0x141: {  	[sflag:s24] =	ssyncadd.s32 $0xFFFFCE00  }
0x142: {  	[tilespmem:s25], [sflag:$0x7] =	stream.linear.gather [spmem:s11], $0x3200, $0x38;
	[tilespmem:$0x1F580] =	vst v63  }
0x143: {  	_ =	swait.ge [sflag:s24], $0x3200  }
0x144: {  	[sflag:s24] =	ssyncset.done $0x0  }
0x145: {  	s22 =	rddreg [dreg:$0xd];
	[sflag:s24] =	ssyncadd.s32 $0xFFFFCE00  }
0x146: {  	[hbm4b:s22+s4] =	stream.linear.scatter [tilespmem:s25], [sflag:$0x7], $0x3200, $0x38;
	[tilespmem:$0x1F580] =	vst v63  }
0x147: {  	_ =	swait.ge [sflag:s24], $0x3200  }
0x148: {  	s21 =	sadd.s32 $0x1, s21;
	s23 =	rddreg [dreg:$0xe]  }
0x149: {  	p0 =	sne.s32 s21, s23  }
.Ltmp9:
0x14a: {  	_ = 	snop;
	(pc) =	sbr.rel @p0 .LBB2_1-.Ltmp9, $3  }
0x14b: {  	_ =	sdelay $0x1  }
0x14c: {  	[sflag:s24] =	ssyncset.done $0x0  }
0x14d: {  	[sflag:s24] =	ssyncadd.s32 $0xFFFFCE00  }
0x14e: {  	_ =	sfence.sel $0x180000  }
0x14f: {  	[bflag:$0x0] =	sbarrier.arrive $0xFFFF  }
0x150: {  	_ =	strace $0x90000047  }
0x151: {  	s0 =	stileid.u32;
	[bflag:$0x2] =	sbarrier.arrive $0xFFFF  }
0x152: {  	p0 =	sne.s32 s0, $0x0;
	s0 =	rddreg [dreg:$0x3]  }
0x153: {  	s0 =	sadd.s32 @!p0 $0x100000, s0  }
0x154: {  	[sflag:s0] =	ssyncadd.tile.s32 @!p0 $0x1;
	_ =	shalt  }
.Lfunc_end2:
_tile_overlayer_lowered:
.L_overlay_start_2:
0x155: {  	(tag) =	ssettag $0x2  }
0x156: {  	s0 =	rddreg [dreg:$0x0];
	s2 =	stileid.u32  }
0x157: {  	s1 =	rddreg [dreg:$0x1];
	p0 =	sne.s32 s2, $0x0  }
0x158: {  	s3 =	rddreg [dreg:$0x2];
	[bflag:$0x3] =	sbarrier.arrive $0xFFFF;
	s2 =	simm.s32 @!p0 $0x1C07  }
0x159: {  	[timem:s3], [sflag:s2] =	dma.local @!p0 [hbm:s0], s1  }
0x15a: {  	s0 =	simm.s32 @!p0 $0x7  }
0x15b: {  	_ =	swait.ge @!p0 [sflag:s0], s1  }
0x15c: {  	s1 =	ssub.s32 @!p0 $0x0, s1;
	[sflag:s0] =	ssyncset.done @!p0 $0x0  }
0x15d: {  	[sflag:s0] =	ssyncadd.s32 @!p0 s1  }
0x15e: {  	[bflag:$0x3] =	sbarrier.arrive $0xFFFF  }
0x15f: {  	_ =	shalt  }

// kernel: kernel.9.cloned.1.call-start
scs
__scs_entry_jumppad:
0x0: {  	(pc) =	sbr.rel $0x88, $3  }
0x1: {  	(tag) =	ssettag $0x0;
	lr =	simm.s32 $0x1  }
0x2: {  	[smem:$0x3F95] =	sst lr;
	_ =	strace $0xD0000000  }
0x3: {  	_ = 	snop  }
0x4: {  	_ = 	snop  }
0x5: {  	_ = 	snop  }
0x6: {  	_ = 	snop  }
0x7: {  	_ = 	snop  }
__scs_overlays_trampoline_lowered:
0x8: {  	[smem:$0x3FA4] =	sst s0  }
0x9: {  	[smem:$0x3FA5] =	sst s1  }
0xa: {  	[smem:$0x3FA6] =	sst s2  }
0xb: {  	[smem:$0x3FA7] =	sst s3  }
0xc: {  	[smem:$0x3FA8] =	sst s4  }
0xd: {  	[smem:$0x3FA9] =	sst s5  }
0xe: {  	[smem:$0x3FAA] =	sst s6  }
0xf: {  	[smem:$0x3FAB] =	sst s7  }
0x10: {  	[smem:$0x3FAC] =	sst s8  }
0x11: {  	[smem:$0x3FAD] =	sst s9;
	s0 =	simm.s32 @!p0 $0x0  }
0x12: {  	s1 =	sld [smem:$0x3F93];
	s0 =	simm.s32 @p0 $0x1  }
0x13: {  	[smem:$0x3FAE] =	sst s0;
	s0 =	simm.s32 @!p1 $0x0  }
0x14: {  	s2 =	sld [smem:$0x3F92];
	s0 =	simm.s32 @p1 $0x1  }
0x15: {  	[smem:$0x3FAF] =	sst s0;
	s0 =	simm.s32 @!p2 $0x0  }
0x16: {  	s3 =	sld [smem:$0x3FDB];
	s0 =	simm.s32 @p2 $0x1  }
0x17: {  	s4 =	simm.s32 $0x1BF5;
	[smem:$0x3FB1] =	sst s0  }
0x18: {  	s0 =	sld [smem:$0x3F94];
	_ =	swait.ge [sflag:s4], $0x0  }
0x19: {  	s7 =	sld [smem:$0x3F95]  }
0x1a: {  	s8 =	sadd.s32 $0xFFFFE003, lr  }
0x1b: {  	s9 =	sadd.s32 $0xFFFFFEF7, lr;
	s5 =	simm.s32 $0xFFFFFFFF;
	p2 =	slt.u32 s8, $0xFFFFF086  }
0x1c: {  	p1 =	slt.u32 s9, $0xF7A;
	s5 =	simm.s32 @!p2 $0x0  }
0x1d: {  	s5 =	simm.s32 @p1 $0x1;
	p0 =	seq.s32 s7, s2  }
0x1e: {  	s7 =	smul.u32 @!p0 $0xF7A, s2;
	p2 =	seq.s32 @!p0 s5, $0x0  }
0x1f: {  	s9 =	smul.u32 $0xF7A, s1;
	s8 =	simm.s32 @!p0 $0x1BF5;
	p2 =	por !p2, p0  }
0x20: {  	[sflag:s8] =	ssyncset.s32 @!p0 $0xFFFFF086;
	s6 =	sadd.s32 @!p0 s3, s7;
	s7 =	simm.s32 @!p0 $0x108  }
0x21: {  	s3 =	sadd.s32 s3, s9;
	s6 =	sadd.s32 @!p0 $0x88, s6;
	s7 =	simm.s32 @p2 $0x1082  }
0x22: {  	[simem:s7], [sflag:s8] =	dma.local @!p0 [hbm:s6], $0xF7A  }
0x23: {  	s9 =	sor.u32 $0xD0000000, s2;
	s6 =	simm.s32 $0x108;
	_ =	swait.ge @!p0 [sflag:s8], $0x0  }
0x24: {  	s3 =	sadd.s32 $0x88, s3;
	s6 =	simm.s32 @!p1 $0x1082;
	[sflag:s4] =	ssyncset.s32 $0xFFFFF086  }
0x25: {  	[simem:s6], [sflag:s4] =	dma.local [hbm:s3], $0xF7A  }
0x26: {  	[smem:$0x3F95] =	sst s1;
	(tag) =	ssettag s2;
	_ =	strace s9  }
0x27: {  	s1 =	sld [smem:$0x3FA5]  }
0x28: {  	s2 =	sld [smem:$0x3FA6]  }
0x29: {  	s4 =	sld [smem:$0x3FA8]  }
0x2a: {  	p0 =	seq.s32 s5, $0x0;
	s5 =	sld [smem:$0x3FA9]  }
0x2b: {  	s6 =	sld [smem:$0x3FAA]  }
0x2c: {  	s7 =	sld [smem:$0x3FAB]  }
0x2d: {  	s3 =	simm.s32 $0x108;
	s8 =	sld [smem:$0x3FAC]  }
0x2e: {  	s3 =	simm.s32 @!p0 $0x1082;
	s9 =	sld [smem:$0x3FAD]  }
0x2f: {  	lr =	sadd.s32 s0, s3;
	s0 =	sld [smem:$0x3FA4]  }
0x30: {  	s3 =	sld [smem:$0x3FA7]  }
0x31: {  	[smem:$0x3FB0] =	sst s10  }
0x32: {  	s10 =	sld [smem:$0x3FAE];
	_ =	sdelay $0x3  }
0x33: {  	p0 =	seq.s32 s10, $0x1;
	s10 =	sld [smem:$0x3FB0];
	_ =	sdelay $0x3  }
0x34: {  	[smem:$0x3FB0] =	sst s10  }
0x35: {  	s10 =	sld [smem:$0x3FAF];
	_ =	sdelay $0x3  }
0x36: {  	p1 =	seq.s32 s10, $0x1;
	s10 =	sld [smem:$0x3FB0];
	_ =	sdelay $0x3  }
0x37: {  	[smem:$0x3FB0] =	sst s10  }
0x38: {  	s10 =	sld [smem:$0x3FB1]  }
0x39: {  	_ = 	snop;
	(pc) =	sbr.ind lr, $3  }
0x3a: {  	_ = 	snop  }
0x3b: {  	_ = 	snop  }
0x3c: {  	p2 =	seq.s32 s10, $0x1;
	s10 =	sld [smem:$0x3FB0]  }
0x3d: {  	_ =	shalt  }
0x3e: {  	_ =	shalt  }
0x3f: {  	_ =	shalt  }
0x40: {  	_ =	shalt  }
0x41: {  	_ =	shalt  }
0x42: {  	_ =	shalt  }
0x43: {  	_ =	shalt  }
0x44: {  	_ =	shalt  }
0x45: {  	_ =	shalt  }
0x46: {  	_ =	shalt  }
0x47: {  	_ =	shalt  }
0x48: {  	_ =	shalt  }
0x49: {  	_ =	shalt  }
0x4a: {  	_ =	shalt  }
0x4b: {  	_ =	shalt  }
0x4c: {  	_ =	shalt  }
0x4d: {  	_ =	shalt  }
0x4e: {  	_ =	shalt  }
0x4f: {  	_ =	shalt  }
0x50: {  	_ =	shalt  }
0x51: {  	_ =	shalt  }
0x52: {  	_ =	shalt  }
0x53: {  	_ =	shalt  }
0x54: {  	_ =	shalt  }
0x55: {  	_ =	shalt  }
0x56: {  	_ =	shalt  }
0x57: {  	_ =	shalt  }
0x58: {  	_ =	shalt  }
0x59: {  	_ =	shalt  }
0x5a: {  	_ =	shalt  }
0x5b: {  	_ =	shalt  }
0x5c: {  	_ =	shalt  }
0x5d: {  	_ =	shalt  }
0x5e: {  	_ =	shalt  }
0x5f: {  	_ =	shalt  }
0x60: {  	_ =	shalt  }
0x61: {  	_ =	shalt  }
0x62: {  	_ =	shalt  }
0x63: {  	_ =	shalt  }
0x64: {  	_ =	shalt  }
0x65: {  	_ =	shalt  }
0x66: {  	_ =	shalt  }
0x67: {  	_ =	shalt  }
0x68: {  	_ =	shalt  }
0x69: {  	_ =	shalt  }
0x6a: {  	_ =	shalt  }
0x6b: {  	_ =	shalt  }
0x6c: {  	_ =	shalt  }
0x6d: {  	_ =	shalt  }
0x6e: {  	_ =	shalt  }
0x6f: {  	_ =	shalt  }
0x70: {  	_ =	shalt  }
0x71: {  	_ =	shalt  }
0x72: {  	_ =	shalt  }
0x73: {  	_ =	shalt  }
0x74: {  	_ =	shalt  }
0x75: {  	_ =	shalt  }
0x76: {  	_ =	shalt  }
0x77: {  	_ =	shalt  }
0x78: {  	_ =	shalt  }
0x79: {  	_ =	shalt  }
0x7a: {  	_ =	shalt  }
0x7b: {  	_ =	shalt  }
0x7c: {  	_ =	shalt  }
0x7d: {  	_ =	shalt  }
0x7e: {  	_ =	shalt  }
0x7f: {  	_ =	shalt  }
0x80: {  	_ =	shalt  }
0x81: {  	_ =	shalt  }
0x82: {  	_ =	shalt  }
0x83: {  	_ =	shalt  }
0x84: {  	_ =	shalt  }
0x85: {  	_ =	shalt  }
0x86: {  	_ =	shalt  }
0x87: {  	_ =	shalt  }
.Lfunc_end0:
.L_simem_size_0:
called_computation.1_lowered:
.L_overlay_start_0:
0x88: {  	s2 =	sld [smem:$0x3FD9]  }
0x89: {  	s3 =	sld [smem:$0x3FFE];
	_ =	sdelay $0x1  }
0x8a: {  	s1 =	srdreg.scid  }
0x8b: {  	s0 =	sand.u32 $0x1, s1  }
0x8c: {  	s16 =	sshll.u32 s0, $0xA;
	s2 =	sadd.s32 s3, s2  }
0x8d: {  	s2 =	sadd.s32 s2, s16  }
0x8e: {  	[smem:$0x3FBC] =	sst s2  }
0x8f: {  	_ = 	snop  }
0x90: {  	(tm) =	ssettm $0x1  }
0x91: {  	s17 =	sld [smem:$0x3FFB];
	_ =	sdelay $0x3  }
0x92: {  	_ =	strace s17  }
0x93: {  	s2 =	sld [smem:$0x3FFC];
	_ =	sdelay $0x3  }
0x94: {  	_ =	strace s2  }
0x95: {  	s2 =	sld [smem:$0x3FFD];
	_ =	sdelay $0x3  }
0x96: {  	_ =	strace s2  }
0x97: {  	_ =	strace $0x8FFFFFFF  }
0x98: {  	s18 =	sld [smem:$0x3FDB];
	_ =	sdelay $0x1  }
0x99: {  	s19 =	simm.s32 $_scs_section_size  }
0x9a: {  	s4 =	simm.s32 $_size__tile_overlayer_lowered;
	s5 =	simm.s32 $_tile_overlayer_lowered  }
0x9b: {  	s22 =	simm.s32 $0x1BFF;
	s21 =	sshll.u32 s5, $0x1;
	s2 =	sadd.s32 s19, s18  }
0x9c: {  	s6 =	simm.s32 $0x0;
	s20 =	sshll.u32 s4, $0x1;
	s4 =	sadd.s32 s21, s2  }
0x9d: {  	[timem:s6], [sflag:s22] =	dma.local [hbm:s4], s20  }
0x9e: {  	_ =	swait.ge [sflag:s22], s20  }
0x9f: {  	s3 =	ssub.s32 $0x0, s20;
	[sflag:s22] =	ssyncset.done $0x0  }
0xa0: {  	[sflag:s22] =	ssyncadd.s32 s3;
	_ =	sdelay $0x1  }
0xa1: {  	s23 =	simm.s32 $0x1B8B  }
0xa2: {  	_ =	swait.ge [sflag:s23], $0x1  }
0xa3: {  	[sflag:s23] =	ssyncset.done $0x0  }
0xa4: {  	s25 =	simm.s32 $0x1B8E;
	s24 =	sld [smem:$0x3FFE];
	[sflag:s23] =	ssyncadd.s32 $0xFFFFFFFF  }
0xa5: {  	s26 =	simm.s32 $execute0_lowered;
	[smem:$0x3FD2] =	sst s25  }
0xa6: {  	s4 =	sshll.u32 s26, $0x1;
	_ =	strace $0x80000049;
	[dreg:$0x1] =	wrdreg $0xFFFFFFFF  }
0xa7: {  	s28 =	simm.s32 $_size_execute0_lowered;
	s2 =	sadd.s32 s2, s4;
	[dreg:$0x0] =	wrdreg $0x0  }
0xa8: {  	s4 =	sshll.u32 s28, $0x1;
	[dreg:$0x2] =	wrdreg s2  }
0xa9: {  	[dreg:$0x3] =	wrdreg s4  }
0xaa: {  	[dreg:$0x4] =	wrdreg $0xC0  }
0xab: {  	_ =	task [dreg:s6], $0x5FFFF  }
0xac: {  	[dreg:$0x1] =	wrdreg $0xFFFFFFFF  }
0xad: {  	[dreg:$0x0] =	wrdreg $0x60  }
0xae: {  	[dreg:$0x2] =	wrdreg s24  }
0xaf: {  	[dreg:$0x3] =	wrdreg $0x72000  }
0xb0: {  	[dreg:$0x4] =	wrdreg $0x9  }
0xb1: {  	_ =	task.clear_ibuf [dreg:s6], $0x5FFFF;
	_ =	strace $0x90000049  }
0xb2: {  	s29 =	simm.s32 $0x9;
	_ =	strace $0x8000004B  }
0xb3: {  	_ =	swait.ge [sflag:s29], $0x1  }
0xb4: {  	[sflag:s29] =	ssyncadd.s32 $0xFFFFFFFF  }
0xb5: {  	_ =	strace $0x9000004B  }
0xb6: {  	_ =	sfence  }
0xb7: {  	s30 =	sld [smem:$0x0];
	_ =	sdelay $0x2  }
0xb8: {  	s31 =	sshll.u32 s1, $0xD;
	s1 =	sshrl.u32 s1, $0x2  }
0xb9: {  	s3 =	sand.u32 $0x4000, s31;
	s1 =	sadd.s32 s1, s30  }
0xba: {  	s0 =	sor.u32 s3, s0;
	s1 =	sshll.u32 s1, $0x11  }
0xbb: {  	s0 =	sor.u32 s1, s0  }
0xbc: {  	s0 =	sadd.s32 $0x8F2B, s0  }
0xbd: {  	[sflag:s0] =	ssyncadd.remote.s32 $0x1  }
0xbe: {  	_ =	sfence.sel $0xFFFF  }
0xbf: {  	[dreg:$0x0] =	wrdreg $0xFFFFFFFF;
	(pc) =	sbr.abs _section_cstart, $3  }
0xc0: {  	[dreg:$0x1] =	wrdreg $0xFFFFFFFF  }
0xc1: {  	_ =	task.clear_ibuf [dreg:s6], $0x2FFFF;
	_ =	strace $0x9FFFFFFF  }
0xc2: {  	(tm) =	ssettm $0x7FFFFFFF  }
0xc3: {  	_ =	shalt  }
tec
execute0_lowered:
.L_overlay_start_1:
0x0: {  	(tag) =	ssettag $0x1  }
0x1: {  	s8 =	stileid.u32  }
0x2: {  	s0 =	rddreg [dreg:$0x0];
	s1 =	smul.u32 $0x1A00, s8  }
0x3: {  	s4 =	srdreg.scid;
	s5 =	smul.u32 $0x640, s8  }
0x4: {  	s3 =	simm.s32 $0x0;
	s6 =	sand.u32 $0x1, s4;
	s8 =	smul.u32 $0x32000, s8  }
0x5: {  	[smem:$0x7FF] =	sst s3;
	s4 =	sadd.s32 $0x2B1E00, s0;
	s7 =	smul.u32 $0xC800, s6  }
0x6: {  	s2 =	rddreg [dreg:$0x1];
	_ =	strace $0x8000004A;
	s9 =	smul.u32 $0x61A8, s6  }
0x7: {  	s6 =	ssub.s32 $0x2, s6;
	s1 =	sadd.s32 s1, s0;
	s8 =	sshrl.u32 s8, $0x2  }
0x8: {  	s22 =	sshrl.u32 s6, $0x1;
	s7 =	sadd.s32 s5, s7;
	s11 =	sadd.s32 s8, s2  }
0x9: {  	s5 =	sadd.s32 $0x281000, s0;
	s18 =	sadd.s32 $0x6400, s11;
	[dreg:$0x3] =	wrdreg s11  }
0xa: {  	s6 =	ssub.s32 s6, s22;
	s19 =	sadd.s32 $0x9600, s11;
	[dreg:$0x5] =	wrdreg s18  }
0xb: {  	s7 =	sshll.u32 s7, $0x2;
	s31 =	smax.u32 s6, $0x1;
	[dreg:$0x6] =	wrdreg s19  }
0xc: {  	s13 =	sadd.s32 $0x3200, s11;
	s0 =	sadd.s32 s7, s0;
	[dreg:$0xf] =	wrdreg s31  }
0xd: {  	[dreg:$0x4] =	wrdreg s13;
	s20 =	sadd.s32 $0x2E2C00, s0  }
0xe: {  	s21 =	sadd.s32 $0x2E3240, s0;
	[dreg:$0x7] =	wrdreg s20  }
0xf: {  	s29 =	simm.s32 $0x3000;
	s23 =	sadd.s32 $0x2E3880, s0;
	[dreg:$0x8] =	wrdreg s21  }
0x10: {  	s30 =	simm.s32 $0x1;
	s24 =	sadd.s32 $0x2E3EC0, s0;
	[dreg:$0x9] =	wrdreg s23  }
0x11: {  	s10 =	simm.s32 $0x2;
	s25 =	sadd.s32 $0x2FBC00, s0;
	[dreg:$0xa] =	wrdreg s24  }
0x12: {  	s12 =	simm.s32 $0x4;
	s26 =	sadd.s32 $0x2FC240, s0;
	[dreg:$0xb] =	wrdreg s25  }
0x13: {  	s22 =	simm.s32 $0x5;
	s28 =	sadd.s32 $0x2FC880, s0;
	[dreg:$0xc] =	wrdreg s26  }
0x14: {  	s19 =	sadd.s32 $0x1CE00, s1;
	s0 =	sadd.s32 $0x2FCEC0, s0;
	[dreg:$0xd] =	wrdreg s28  }
0x15: {  	[dreg:$0xe] =	wrdreg s0;
	s20 =	sadd.s32 $0x2E00, s1;
	s24 =	simm.s32 $0x80  }
0x16: {  	v1 =	vimm.f32 $0.0e+00;
	v0 =	vmov s9;
	s26 =	simm.s32 $0x2000;
	s0 =	simm.s32 $0x3;
	s1 =	simm.s32 $0x0  }
.LBB2_1:
0x17: {  	s21 =	sand.u32 $0xFF80, s3  }
0x18: {  	[dreg:$0x10] =	wrdreg s1;
	s23 =	sand.u32 $0x10, s3;
	s25 =	sshrl.u32 s21, $0x2  }
0x19: {  	s21 =	simm.s32 $0x40;
	s25 =	sor.u32 s23, s25;
	s23 =	simm.s32 $0x0  }
.LBB2_2:
0x1a: {  	p0 =	sne.s32 s21, $0xC7C0  }
0x1b: {  	[tilespmem:s25+$0x4000] =	vst v1;
	s23 =	sadd.s32 $0x10, s23;
	s25 =	smov.u32 s21;
	s21 =	sadd.s32 $0x40, s21  }
.Ltmp0:
0x1c: {  	(pc) =	sbr.rel @p0 .LBB2_2-.Ltmp0, $4  }
0x1d: {  	_ = 	snop  }
0x1e: {  	s25 =	sand.u32 $0xFF80, s25  }
0x1f: {  	s28 =	sand.u32 $0x10, s23;
	s25 =	sshrl.u32 s25, $0x2  }
0x20: {  	s25 =	sor.u32 s28, s25  }
0x21: {  	[tilespmem:s25+$0x4000] =	vst v1;
	s1 =	rddreg [dreg:$0x3];
	s23 =	simm.s32 $0x4000  }
0x22: {  	[spmem:s1] =	stream.linear.scatter [tilespmem:s23], [sflag:$0x5], $0x3200, $0x38;
	[tilespmem:$0x13A00] =	vst v63  }
0x23: {  	_ =	swait.ge [sflag:s22], $0x3200  }
0x24: {  	[sflag:s22] =	ssyncset.done $0x0  }
0x25: {  	s21 =	rddreg [dreg:$0x4];
	[sflag:s22] =	ssyncadd.s32 $0xFFFFCE00  }
0x26: {  	[spmem:s21] =	stream.linear.scatter [tilespmem:s23], [sflag:$0x5], $0x3200, $0x38;
	[tilespmem:$0x13A00] =	vst v63  }
0x27: {  	_ =	swait.ge [sflag:s22], $0x3200  }
0x28: {  	s11 =	simm.s32 $0x1C00;
	[sflag:s22] =	ssyncset.done $0x0  }
0x29: {  	s13 =	simm.s32 $0x1500;
	s21 =	rddreg [dreg:$0x5];
	[sflag:s22] =	ssyncadd.s32 $0xFFFFCE00  }
0x2a: {  	[spmem:s21] =	stream.linear.scatter [tilespmem:s23], [sflag:$0x5], $0x3200, $0x38;
	[tilespmem:$0x13A00] =	vst v63  }
0x2b: {  	s14 =	simm.s32 $0x1C80;
	s15 =	simm.s32 $0x1580;
	_ =	swait.ge [sflag:s22], $0x3200  }
0x2c: {  	s16 =	simm.s32 $0x1D00;
	s17 =	simm.s32 $0x1600;
	[sflag:s22] =	ssyncset.done $0x0  }
0x2d: {  	s18 =	simm.s32 $0x1D80;
	s25 =	rddreg [dreg:$0x6];
	[sflag:s22] =	ssyncadd.s32 $0xFFFFCE00  }
0x2e: {  	[spmem:s25] =	stream.linear.scatter [tilespmem:s23], [sflag:$0x5], $0x3200, $0x38;
	[tilespmem:$0x13A00] =	vst v63  }
0x2f: {  	s7 =	simm.s32 $0x1680;
	s8 =	simm.s32 $0x1E00;
	_ =	swait.ge [sflag:s22], $0x3200  }
0x30: {  	s9 =	simm.s32 $0x1700;
	s6 =	simm.s32 $0x1E80;
	[sflag:s22] =	ssyncset.done $0x0  }
0x31: {  	s28 =	simm.s32 $0x1780;
	s31 =	simm.s32 $0x1F80;
	[sflag:s22] =	ssyncadd.s32 $0xFFFFCE00  }
0x32: {  	s21 =	simm.s32 $0x0;
	s25 =	simm.s32 $0x1F00;
	[bflag:$0x0] =	sbarrier.arrive $0xFFFF  }
.LBB2_4:
0x33: {  	s23 =	sadd.s32 s21, s20  }
0x34: {  	[tilespmem:s3], [sflag:$0x5] =	stream.linear.gather [hbm4b:s23+s3], $0x800, $0x38;
	[tilespmem:$0x13A00] =	vst v63  }
0x35: {  	_ =	swait.ge [sflag:s22], $0x800  }
0x36: {  	[sflag:s22] =	ssyncset.done $0x0  }
0x37: {  	s1 =	simm.s32 $0x800;
	s23 =	sadd.s32 s21, s19;
	[sflag:s22] =	ssyncadd.s32 $0xFFFFF800  }
0x38: {  	[tilespmem:s1], [sflag:$0x5] =	stream.linear.gather [hbm4b:s23+s3], $0x800, $0x38;
	[tilespmem:$0x13A00] =	vst v63  }
0x39: {  	_ =	swait.ge [sflag:s22], $0x800  }
0x3a: {  	[sflag:s22] =	ssyncset.done $0x0  }
0x3b: {  	[sflag:s22] =	ssyncadd.s32 $0xFFFFF800  }
0x3c: {  	v2 =	vld [tilespmem:$0x800]  }
0x3d: {  	v3 =	vld [tilespmem:$0x0]  }
0x3e: {  	v4 =	vld [tilespmem:$0x810]  }
0x3f: {  	v5 =	vld [tilespmem:$0x10]  }
0x40: {  	v6 =	vld [tilespmem:$0x820]  }
0x41: {  	v7 =	vld [tilespmem:$0x20];
	v2 =	vsub.s32 v2, v0  }
0x42: {  	[tilespmem:$0x1000] =	vst v3;
	v3 =	vld [tilespmem:$0x830];
	v2 =	vmin.u32 v2, $0x61A8  }
0x43: {  	v31 =	vld [tilespmem:$0x30];
	[tilespmem:$0x1800] =	vst v2;
	v2 =	vsub.s32 v4, v0  }
0x44: {  	v32 =	vld [tilespmem:$0x840];
	[tilespmem:$0x1010] =	vst v5;
	v2 =	vmin.u32 v2, $0x61A8  }
0x45: {  	v33 =	vld [tilespmem:$0x40];
	[tilespmem:$0x1810] =	vst v2;
	v2 =	vsub.s32 v6, v0  }
0x46: {  	v34 =	vld [tilespmem:$0x850];
	[tilespmem:$0x1020] =	vst v7;
	v2 =	vmin.u32 v2, $0x61A8  }
0x47: {  	[tilespmem:$0x1820] =	vst v2;
	v2 =	vsub.s32 v3, v0;
	v3 =	vld [tilespmem:$0x50]  }
0x48: {  	v35 =	vld [tilespmem:$0x860];
	[tilespmem:$0x1030] =	vst v31;
	v2 =	vmin.u32 v2, $0x61A8  }
0x49: {  	v36 =	vld [tilespmem:$0x60];
	[tilespmem:$0x1830] =	vst v2;
	v2 =	vsub.s32 v32, v0  }
0x4a: {  	v37 =	vld [tilespmem:$0x870];
	[tilespmem:$0x1040] =	vst v33;
	v2 =	vmin.u32 v2, $0x61A8  }
0x4b: {  	v38 =	vld [tilespmem:$0x70];
	[tilespmem:$0x1840] =	vst v2;
	v2 =	vsub.s32 v34, v0  }
0x4c: {  	[tilespmem:$0x1050] =	vst v3;
	v2 =	vmin.u32 v2, $0x61A8;
	v3 =	vld [tilespmem:$0x880]  }
0x4d: {  	v39 =	vld [tilespmem:$0x80];
	[tilespmem:$0x1850] =	vst v2;
	v2 =	vsub.s32 v35, v0  }
0x4e: {  	v40 =	vld [tilespmem:$0x890];
	[tilespmem:$0x1060] =	vst v36;
	v2 =	vmin.u32 v2, $0x61A8  }
0x4f: {  	v41 =	vld [tilespmem:$0x90];
	[tilespmem:$0x1860] =	vst v2;
	v2 =	vsub.s32 v37, v0  }
0x50: {  	v42 =	vld [tilespmem:$0x8A0];
	[tilespmem:$0x1070] =	vst v38;
	v2 =	vmin.u32 v2, $0x61A8  }
0x51: {  	[tilespmem:$0x1870] =	vst v2;
	v2 =	vsub.s32 v3, v0;
	v3 =	vld [tilespmem:$0xA0]  }
0x52: {  	v43 =	vld [tilespmem:$0x8B0];
	[tilespmem:$0x1080] =	vst v39;
	v2 =	vmin.u32 v2, $0x61A8  }
0x53: {  	v44 =	vld [tilespmem:$0xB0];
	[tilespmem:$0x1880] =	vst v2;
	v2 =	vsub.s32 v40, v0  }
0x54: {  	v45 =	vld [tilespmem:$0x8C0];
	[tilespmem:$0x1090] =	vst v41;
	v2 =	vmin.u32 v2, $0x61A8  }
0x55: {  	v46 =	vld [tilespmem:$0xC0];
	[tilespmem:$0x1890] =	vst v2;
	v2 =	vsub.s32 v42, v0  }
0x56: {  	[tilespmem:$0x10A0] =	vst v3;
	v2 =	vmin.u32 v2, $0x61A8;
	v3 =	vld [tilespmem:$0x8D0]  }
0x57: {  	v47 =	vld [tilespmem:$0xD0];
	[tilespmem:$0x18A0] =	vst v2;
	v2 =	vsub.s32 v43, v0  }
0x58: {  	v48 =	vld [tilespmem:$0x8E0];
	[tilespmem:$0x10B0] =	vst v44;
	v2 =	vmin.u32 v2, $0x61A8  }
0x59: {  	v49 =	vld [tilespmem:$0xE0];
	[tilespmem:$0x18B0] =	vst v2;
	v2 =	vsub.s32 v45, v0  }
0x5a: {  	v50 =	vld [tilespmem:$0x8F0];
	[tilespmem:$0x10C0] =	vst v46;
	v2 =	vmin.u32 v2, $0x61A8  }
0x5b: {  	[tilespmem:$0x18C0] =	vst v2;
	v2 =	vsub.s32 v3, v0;
	v3 =	vld [tilespmem:$0xF0]  }
0x5c: {  	v51 =	vld [tilespmem:$0x900];
	[tilespmem:$0x10D0] =	vst v47;
	v2 =	vmin.u32 v2, $0x61A8  }
0x5d: {  	v52 =	vld [tilespmem:$0x100];
	[tilespmem:$0x18D0] =	vst v2;
	v2 =	vsub.s32 v48, v0  }
0x5e: {  	v53 =	vld [tilespmem:$0x910];
	[tilespmem:$0x10E0] =	vst v49;
	v2 =	vmin.u32 v2, $0x61A8  }
0x5f: {  	v54 =	vld [tilespmem:$0x110];
	[tilespmem:$0x18E0] =	vst v2;
	v2 =	vsub.s32 v50, v0  }
0x60: {  	[tilespmem:$0x10F0] =	vst v3;
	v2 =	vmin.u32 v2, $0x61A8;
	v3 =	vld [tilespmem:$0x920]  }
0x61: {  	v55 =	vld [tilespmem:$0x120];
	[tilespmem:$0x18F0] =	vst v2;
	v2 =	vsub.s32 v51, v0  }
0x62: {  	v56 =	vld [tilespmem:$0x930];
	[tilespmem:$0x1100] =	vst v52;
	v2 =	vmin.u32 v2, $0x61A8  }
0x63: {  	v57 =	vld [tilespmem:$0x130];
	[tilespmem:$0x1900] =	vst v2;
	v2 =	vsub.s32 v53, v0  }
0x64: {  	v58 =	vld [tilespmem:$0x940];
	[tilespmem:$0x1110] =	vst v54;
	v2 =	vmin.u32 v2, $0x61A8  }
0x65: {  	[tilespmem:$0x1910] =	vst v2;
	v2 =	vsub.s32 v3, v0;
	v3 =	vld [tilespmem:$0x140]  }
0x66: {  	v59 =	vld [tilespmem:$0x950];
	[tilespmem:$0x1120] =	vst v55;
	v2 =	vmin.u32 v2, $0x61A8  }
0x67: {  	v60 =	vld [tilespmem:$0x150];
	[tilespmem:$0x1920] =	vst v2;
	v2 =	vsub.s32 v56, v0  }
0x68: {  	v61 =	vld [tilespmem:$0x960];
	[tilespmem:$0x1130] =	vst v57;
	v2 =	vmin.u32 v2, $0x61A8  }
0x69: {  	v62 =	vld [tilespmem:$0x160];
	[tilespmem:$0x1930] =	vst v2;
	v2 =	vsub.s32 v58, v0  }
0x6a: {  	[tilespmem:$0x1140] =	vst v3;
	v2 =	vmin.u32 v2, $0x61A8;
	v3 =	vld [tilespmem:$0x970]  }
0x6b: {  	v63 =	vld [tilespmem:$0x170];
	[tilespmem:$0x1940] =	vst v2;
	v2 =	vsub.s32 v59, v0  }
0x6c: {  	v9 =	vld [tilespmem:$0x980];
	[tilespmem:$0x1150] =	vst v60;
	v2 =	vmin.u32 v2, $0x61A8  }
0x6d: {  	v10 =	vld [tilespmem:$0x180];
	[tilespmem:$0x1950] =	vst v2;
	v2 =	vsub.s32 v61, v0  }
0x6e: {  	v11 =	vld [tilespmem:$0x990];
	[tilespmem:$0x1160] =	vst v62;
	v2 =	vmin.u32 v2, $0x61A8  }
0x6f: {  	v13 =	vld [tilespmem:$0x1A0];
	[tilespmem:$0x1960] =	vst v2;
	v2 =	vsub.s32 v3, v0  }
0x70: {  	v12 =	vld [tilespmem:$0x9A0];
	[tilespmem:$0x1170] =	vst v63;
	v2 =	vmin.u32 v2, $0x61A8  }
0x71: {  	v3 =	vld [tilespmem:$0x190];
	[tilespmem:$0x1970] =	vst v2;
	v2 =	vsub.s32 v9, v0  }
0x72: {  	[tilespmem:$0x1180] =	vst v10;
	v2 =	vmin.u32 v2, $0x61A8  }
0x73: {  	[tilespmem:$0x1980] =	vst v2;
	v2 =	vsub.s32 v11, v0  }
0x74: {  	[tilespmem:$0x11A0] =	vst v13;
	v2 =	vmin.u32 v2, $0x61A8  }
0x75: {  	[tilespmem:$0x1990] =	vst v2;
	v2 =	vsub.s32 v12, v0  }
0x76: {  	[tilespmem:$0x1190] =	vst v3;
	v2 =	vmin.u32 v2, $0x61A8  }
0x77: {  	[tilespmem:$0x19A0] =	vst v2  }
0x78: {  	v2 =	vld [tilespmem:$0x1B0]  }
0x79: {  	v3 =	vld [tilespmem:$0x9B0];
	_ =	sdelay $0x1  }
0x7a: {  	v14 =	vld [tilespmem:$0x9C0]  }
0x7b: {  	v15 =	vld [tilespmem:$0x1C0]  }
0x7c: {  	v16 =	vld [tilespmem:$0x9D0]  }
0x7d: {  	v17 =	vld [tilespmem:$0x1D0];
	v3 =	vsub.s32 v3, v0  }
0x7e: {  	[tilespmem:$0x11B0] =	vst v2;
	v2 =	vmin.u32 v3, $0x61A8;
	v3 =	vld [tilespmem:$0x9E0]  }
0x7f: {  	v18 =	vld [tilespmem:$0x1E0];
	[tilespmem:$0x19B0] =	vst v2;
	v2 =	vsub.s32 v14, v0  }
0x80: {  	v19 =	vld [tilespmem:$0x9F0];
	[tilespmem:$0x11C0] =	vst v15;
	v2 =	vmin.u32 v2, $0x61A8  }
0x81: {  	v20 =	vld [tilespmem:$0x1F0];
	[tilespmem:$0x19C0] =	vst v2;
	v2 =	vsub.s32 v16, v0  }
0x82: {  	v21 =	vld [tilespmem:$0xA00];
	[tilespmem:$0x11D0] =	vst v17;
	v2 =	vmin.u32 v2, $0x61A8  }
0x83: {  	[tilespmem:$0x19D0] =	vst v2;
	v2 =	vsub.s32 v3, v0;
	v3 =	vld [tilespmem:$0x200]  }
0x84: {  	v22 =	vld [tilespmem:$0xA10];
	[tilespmem:$0x11E0] =	vst v18;
	v2 =	vmin.u32 v2, $0x61A8  }
0x85: {  	v23 =	vld [tilespmem:$0x210];
	[tilespmem:$0x19E0] =	vst v2;
	v2 =	vsub.s32 v19, v0  }
0x86: {  	v24 =	vld [tilespmem:$0xA20];
	[tilespmem:$0x11F0] =	vst v20;
	v2 =	vmin.u32 v2, $0x61A8  }
0x87: {  	v25 =	vld [tilespmem:$0x220];
	[tilespmem:$0x19F0] =	vst v2;
	v2 =	vsub.s32 v21, v0  }
0x88: {  	[tilespmem:$0x1200] =	vst v3;
	v2 =	vmin.u32 v2, $0x61A8;
	v3 =	vld [tilespmem:$0xA30]  }
0x89: {  	v26 =	vld [tilespmem:$0x230];
	[tilespmem:$0x1A00] =	vst v2;
	v2 =	vsub.s32 v22, v0  }
0x8a: {  	v27 =	vld [tilespmem:$0xA40];
	[tilespmem:$0x1210] =	vst v23;
	v2 =	vmin.u32 v2, $0x61A8  }
0x8b: {  	v28 =	vld [tilespmem:$0x240];
	[tilespmem:$0x1A10] =	vst v2;
	v2 =	vsub.s32 v24, v0  }
0x8c: {  	v29 =	vld [tilespmem:$0xA50];
	[tilespmem:$0x1220] =	vst v25;
	v2 =	vmin.u32 v2, $0x61A8  }
0x8d: {  	[tilespmem:$0x1A20] =	vst v2;
	v2 =	vsub.s32 v3, v0;
	v3 =	vld [tilespmem:$0x250]  }
0x8e: {  	v30 =	vld [tilespmem:$0xA60];
	[tilespmem:$0x1230] =	vst v26;
	v2 =	vmin.u32 v2, $0x61A8  }
0x8f: {  	v31 =	vld [tilespmem:$0x260];
	[tilespmem:$0x1A30] =	vst v2;
	v2 =	vsub.s32 v27, v0  }
0x90: {  	v32 =	vld [tilespmem:$0xA70];
	[tilespmem:$0x1240] =	vst v28;
	v2 =	vmin.u32 v2, $0x61A8  }
0x91: {  	v33 =	vld [tilespmem:$0x270];
	[tilespmem:$0x1A40] =	vst v2;
	v2 =	vsub.s32 v29, v0  }
0x92: {  	[tilespmem:$0x1250] =	vst v3;
	v2 =	vmin.u32 v2, $0x61A8;
	v3 =	vld [tilespmem:$0xA80]  }
0x93: {  	v34 =	vld [tilespmem:$0x280];
	[tilespmem:$0x1A50] =	vst v2;
	v2 =	vsub.s32 v30, v0  }
0x94: {  	v35 =	vld [tilespmem:$0xA90];
	[tilespmem:$0x1260] =	vst v31;
	v2 =	vmin.u32 v2, $0x61A8  }
0x95: {  	v36 =	vld [tilespmem:$0x290];
	[tilespmem:$0x1A60] =	vst v2;
	v2 =	vsub.s32 v32, v0  }
0x96: {  	v37 =	vld [tilespmem:$0xAA0];
	[tilespmem:$0x1270] =	vst v33;
	v2 =	vmin.u32 v2, $0x61A8  }
0x97: {  	[tilespmem:$0x1A70] =	vst v2;
	v2 =	vsub.s32 v3, v0;
	v3 =	vld [tilespmem:$0x2A0]  }
0x98: {  	v38 =	vld [tilespmem:$0xAB0];
	[tilespmem:$0x1280] =	vst v34;
	v2 =	vmin.u32 v2, $0x61A8  }
0x99: {  	v39 =	vld [tilespmem:$0x2B0];
	[tilespmem:$0x1A80] =	vst v2;
	v2 =	vsub.s32 v35, v0  }
0x9a: {  	v40 =	vld [tilespmem:$0xAC0];
	[tilespmem:$0x1290] =	vst v36;
	v2 =	vmin.u32 v2, $0x61A8  }
0x9b: {  	v41 =	vld [tilespmem:$0x2C0];
	[tilespmem:$0x1A90] =	vst v2;
	v2 =	vsub.s32 v37, v0  }
0x9c: {  	[tilespmem:$0x12A0] =	vst v3;
	v2 =	vmin.u32 v2, $0x61A8;
	v3 =	vld [tilespmem:$0xAD0]  }
0x9d: {  	v42 =	vld [tilespmem:$0x2D0];
	[tilespmem:$0x1AA0] =	vst v2;
	v2 =	vsub.s32 v38, v0  }
0x9e: {  	v43 =	vld [tilespmem:$0xAE0];
	[tilespmem:$0x12B0] =	vst v39;
	v2 =	vmin.u32 v2, $0x61A8  }
0x9f: {  	v44 =	vld [tilespmem:$0x2E0];
	[tilespmem:$0x1AB0] =	vst v2;
	v2 =	vsub.s32 v40, v0  }
0xa0: {  	v45 =	vld [tilespmem:$0xAF0];
	[tilespmem:$0x12C0] =	vst v41;
	v2 =	vmin.u32 v2, $0x61A8  }
0xa1: {  	[tilespmem:$0x1AC0] =	vst v2;
	v2 =	vsub.s32 v3, v0;
	v3 =	vld [tilespmem:$0x2F0]  }
0xa2: {  	v46 =	vld [tilespmem:$0xB00];
	[tilespmem:$0x12D0] =	vst v42;
	v2 =	vmin.u32 v2, $0x61A8  }
0xa3: {  	v47 =	vld [tilespmem:$0x300];
	[tilespmem:$0x1AD0] =	vst v2;
	v2 =	vsub.s32 v43, v0  }
0xa4: {  	v48 =	vld [tilespmem:$0xB10];
	[tilespmem:$0x12E0] =	vst v44;
	v2 =	vmin.u32 v2, $0x61A8  }
0xa5: {  	v49 =	vld [tilespmem:$0x310];
	[tilespmem:$0x1AE0] =	vst v2;
	v2 =	vsub.s32 v45, v0  }
0xa6: {  	[tilespmem:$0x12F0] =	vst v3;
	v2 =	vmin.u32 v2, $0x61A8;
	v3 =	vld [tilespmem:$0xB20]  }
0xa7: {  	v50 =	vld [tilespmem:$0x320];
	[tilespmem:$0x1AF0] =	vst v2;
	v2 =	vsub.s32 v46, v0  }
0xa8: {  	v51 =	vld [tilespmem:$0xB30];
	[tilespmem:$0x1300] =	vst v47;
	v2 =	vmin.u32 v2, $0x61A8  }
0xa9: {  	v52 =	vld [tilespmem:$0x330];
	[tilespmem:$0x1B00] =	vst v2;
	v2 =	vsub.s32 v48, v0  }
0xaa: {  	v53 =	vld [tilespmem:$0xB40];
	[tilespmem:$0x1310] =	vst v49;
	v2 =	vmin.u32 v2, $0x61A8  }
0xab: {  	[tilespmem:$0x1B10] =	vst v2;
	v2 =	vsub.s32 v3, v0;
	v3 =	vld [tilespmem:$0x340]  }
0xac: {  	v54 =	vld [tilespmem:$0xB50];
	[tilespmem:$0x1320] =	vst v50;
	v2 =	vmin.u32 v2, $0x61A8  }
0xad: {  	v55 =	vld [tilespmem:$0x350];
	[tilespmem:$0x1B20] =	vst v2;
	v2 =	vsub.s32 v51, v0  }
0xae: {  	v56 =	vld [tilespmem:$0xB60];
	[tilespmem:$0x1330] =	vst v52;
	v2 =	vmin.u32 v2, $0x61A8  }
0xaf: {  	v57 =	vld [tilespmem:$0x360];
	[tilespmem:$0x1B30] =	vst v2;
	v2 =	vsub.s32 v53, v0  }
0xb0: {  	[tilespmem:$0x1340] =	vst v3;
	v2 =	vmin.u32 v2, $0x61A8;
	v3 =	vld [tilespmem:$0xB70]  }
0xb1: {  	v58 =	vld [tilespmem:$0x370];
	[tilespmem:$0x1B40] =	vst v2;
	v2 =	vsub.s32 v54, v0  }
0xb2: {  	v59 =	vld [tilespmem:$0xB80];
	[tilespmem:$0x1350] =	vst v55;
	v2 =	vmin.u32 v2, $0x61A8  }
0xb3: {  	v60 =	vld [tilespmem:$0x380];
	[tilespmem:$0x1B50] =	vst v2;
	v2 =	vsub.s32 v56, v0  }
0xb4: {  	v61 =	vld [tilespmem:$0xB90];
	[tilespmem:$0x1360] =	vst v57;
	v2 =	vmin.u32 v2, $0x61A8  }
0xb5: {  	[tilespmem:$0x1B60] =	vst v2;
	v2 =	vsub.s32 v3, v0;
	v3 =	vld [tilespmem:$0x390]  }
0xb6: {  	v62 =	vld [tilespmem:$0xBA0];
	[tilespmem:$0x1370] =	vst v58;
	v2 =	vmin.u32 v2, $0x61A8  }
0xb7: {  	v63 =	vld [tilespmem:$0x3A0];
	[tilespmem:$0x1B70] =	vst v2;
	v2 =	vsub.s32 v59, v0  }
0xb8: {  	v9 =	vld [tilespmem:$0xBB0];
	[tilespmem:$0x1380] =	vst v60;
	v2 =	vmin.u32 v2, $0x61A8  }
0xb9: {  	v10 =	vld [tilespmem:$0x3B0];
	[tilespmem:$0x1B80] =	vst v2;
	v2 =	vsub.s32 v61, v0  }
0xba: {  	[tilespmem:$0x1390] =	vst v3;
	v2 =	vmin.u32 v2, $0x61A8;
	v3 =	vld [tilespmem:$0xBC0]  }
0xbb: {  	v11 =	vld [tilespmem:$0x3C0];
	[tilespmem:$0x1B90] =	vst v2;
	v2 =	vsub.s32 v62, v0  }
0xbc: {  	v12 =	vld [tilespmem:$0xBD0];
	[tilespmem:$0x13A0] =	vst v63;
	v2 =	vmin.u32 v2, $0x61A8  }
0xbd: {  	v13 =	vld [tilespmem:$0x3D0];
	[tilespmem:$0x1BA0] =	vst v2;
	v2 =	vsub.s32 v9, v0  }
0xbe: {  	[tilespmem:$0x13B0] =	vst v10;
	v14 =	vld [tilespmem:$0xBE0];
	v2 =	vmin.u32 v2, $0x61A8  }
0xbf: {  	[tilespmem:$0x1BB0] =	vst v2;
	v2 =	vsub.s32 v3, v0;
	v3 =	vld [tilespmem:$0x3E0]  }
0xc0: {  	[tilespmem:$0x13C0] =	vst v11;
	v15 =	vld [tilespmem:$0xBF0];
	v2 =	vmin.u32 v2, $0x61A8  }
0xc1: {  	v18 =	vld [tilespmem:$0x400];
	[tilespmem:$0x1BC0] =	vst v2;
	v2 =	vsub.s32 v12, v0  }
0xc2: {  	[tilespmem:$0x13D0] =	vst v13;
	v17 =	vld [tilespmem:$0xC00];
	v2 =	vmin.u32 v2, $0x61A8  }
0xc3: {  	v26 =	vld [tilespmem:$0x450];
	[tilespmem:$0x1BD0] =	vst v2;
	v2 =	vsub.s32 v14, v0  }
0xc4: {  	[tilespmem:$0x13E0] =	vst v3;
	v2 =	vmin.u32 v2, $0x61A8;
	v3 =	vld [tilespmem:$0xC10]  }
0xc5: {  	v34 =	vld [tilespmem:$0x4A0];
	[tilespmem:$0x1BE0] =	vst v2;
	v2 =	vsub.s32 v15, v0  }
0xc6: {  	v20 =	vld [tilespmem:$0xC20];
	[tilespmem:$0x1400] =	vst v18;
	v2 =	vmin.u32 v2, $0x61A8  }
0xc7: {  	v42 =	vld [tilespmem:$0x4F0];
	[tilespmem:$0x1BF0] =	vst v2;
	v2 =	vsub.s32 v17, v0  }
0xc8: {  	[tilespmem:$0x1450] =	vst v26;
	v22 =	vld [tilespmem:$0xC30];
	v2 =	vmin.u32 v2, $0x61A8  }
0xc9: {  	[tilespmem:$0x1C00] =	vst v2;
	v2 =	vsub.s32 v3, v0;
	v3 =	vld [tilespmem:$0x430]  }
0xca: {  	v23 =	vld [tilespmem:$0xC40];
	[tilespmem:$0x14A0] =	vst v34;
	v2 =	vmin.u32 v2, $0x61A8  }
0xcb: {  	v50 =	vld [tilespmem:$0x540];
	[tilespmem:$0x1C10] =	vst v2;
	v2 =	vsub.s32 v20, v0  }
0xcc: {  	v25 =	vld [tilespmem:$0xC50];
	[tilespmem:$0x14F0] =	vst v42;
	v2 =	vmin.u32 v2, $0x61A8  }
0xcd: {  	v58 =	vld [tilespmem:$0x590];
	[tilespmem:$0x1C20] =	vst v2;
	v2 =	vsub.s32 v22, v0  }
0xce: {  	[tilespmem:$0x1430] =	vst v3;
	v2 =	vmin.u32 v2, $0x61A8;
	v3 =	vld [tilespmem:$0xC60]  }
0xcf: {  	v11 =	vld [tilespmem:$0x5E0];
	[tilespmem:$0x1C30] =	vst v2;
	v2 =	vsub.s32 v23, v0  }
0xd0: {  	v28 =	vld [tilespmem:$0xC70];
	[tilespmem:$0x1540] =	vst v50;
	v2 =	vmin.u32 v2, $0x61A8  }
0xd1: {  	v19 =	vld [tilespmem:$0x410];
	[tilespmem:$0x1C40] =	vst v2;
	v2 =	vsub.s32 v25, v0  }
0xd2: {  	[tilespmem:$0x1590] =	vst v58;
	v30 =	vld [tilespmem:$0xC80];
	v2 =	vmin.u32 v2, $0x61A8  }
0xd3: {  	[tilespmem:$0x1C50] =	vst v2;
	v2 =	vsub.s32 v3, v0;
	v3 =	vld [tilespmem:$0x480]  }
0xd4: {  	v31 =	vld [tilespmem:$0xC90];
	[tilespmem:$0x15E0] =	vst v11;
	v2 =	vmin.u32 v2, $0x61A8  }
0xd5: {  	v16 =	vld [tilespmem:$0x3F0];
	[tilespmem:$0x1C60] =	vst v2;
	v2 =	vsub.s32 v28, v0  }
0xd6: {  	v33 =	vld [tilespmem:$0xCA0];
	[tilespmem:$0x1410] =	vst v19;
	v2 =	vmin.u32 v2, $0x61A8  }
0xd7: {  	v21 =	vld [tilespmem:$0x420];
	[tilespmem:$0x1C70] =	vst v2;
	v2 =	vsub.s32 v30, v0  }
0xd8: {  	[tilespmem:$0x1480] =	vst v3;
	v2 =	vmin.u32 v2, $0x61A8;
	v3 =	vld [tilespmem:$0xCB0]  }
0xd9: {  	v19 =	vld [tilespmem:$0x630];
	[tilespmem:$0x1C80] =	vst v2;
	v2 =	vsub.s32 v31, v0  }
0xda: {  	v36 =	vld [tilespmem:$0xCC0];
	[tilespmem:$0x13F0] =	vst v16;
	v2 =	vmin.u32 v2, $0x61A8  }
0xdb: {  	v27 =	vld [tilespmem:$0x460];
	[tilespmem:$0x1C90] =	vst v2;
	v2 =	vsub.s32 v33, v0  }
0xdc: {  	[tilespmem:$0x1420] =	vst v21;
	v38 =	vld [tilespmem:$0xCD0];
	v2 =	vmin.u32 v2, $0x61A8  }
0xdd: {  	[tilespmem:$0x1CA0] =	vst v2;
	v2 =	vsub.s32 v3, v0;
	v3 =	vld [tilespmem:$0x4D0]  }
0xde: {  	v39 =	vld [tilespmem:$0xCE0];
	[tilespmem:$0x1630] =	vst v19;
	v2 =	vmin.u32 v2, $0x61A8  }
0xdf: {  	v24 =	vld [tilespmem:$0x440];
	[tilespmem:$0x1CB0] =	vst v2;
	v2 =	vsub.s32 v36, v0  }
0xe0: {  	v41 =	vld [tilespmem:$0xCF0];
	[tilespmem:$0x1460] =	vst v27;
	v2 =	vmin.u32 v2, $0x61A8  }
0xe1: {  	v29 =	vld [tilespmem:$0x470];
	[tilespmem:$0x1CC0] =	vst v2;
	v2 =	vsub.s32 v38, v0  }
0xe2: {  	[tilespmem:$0x14D0] =	vst v3;
	v2 =	vmin.u32 v2, $0x61A8;
	v3 =	vld [tilespmem:$0xD00]  }
0xe3: {  	v27 =	vld [tilespmem:$0x680];
	[tilespmem:$0x1CD0] =	vst v2;
	v2 =	vsub.s32 v39, v0  }
0xe4: {  	v44 =	vld [tilespmem:$0xD10];
	[tilespmem:$0x1440] =	vst v24;
	v2 =	vmin.u32 v2, $0x61A8  }
0xe5: {  	v35 =	vld [tilespmem:$0x4B0];
	[tilespmem:$0x1CE0] =	vst v2;
	v2 =	vsub.s32 v41, v0  }
0xe6: {  	[tilespmem:$0x1470] =	vst v29;
	v46 =	vld [tilespmem:$0xD20];
	v2 =	vmin.u32 v2, $0x61A8  }
0xe7: {  	[tilespmem:$0x1CF0] =	vst v2;
	v2 =	vsub.s32 v3, v0;
	v3 =	vld [tilespmem:$0x520]  }
0xe8: {  	v47 =	vld [tilespmem:$0xD30];
	[tilespmem:$0x1680] =	vst v27;
	v2 =	vmin.u32 v2, $0x61A8  }
0xe9: {  	v32 =	vld [tilespmem:$0x490];
	[tilespmem:$0x1D00] =	vst v2;
	v2 =	vsub.s32 v44, v0  }
0xea: {  	v49 =	vld [tilespmem:$0xD40];
	[tilespmem:$0x14B0] =	vst v35;
	v2 =	vmin.u32 v2, $0x61A8  }
0xeb: {  	v37 =	vld [tilespmem:$0x4C0];
	[tilespmem:$0x1D10] =	vst v2;
	v2 =	vsub.s32 v46, v0  }
0xec: {  	[tilespmem:$0x1520] =	vst v3;
	v2 =	vmin.u32 v2, $0x61A8;
	v3 =	vld [tilespmem:$0xD50]  }
0xed: {  	v35 =	vld [tilespmem:$0x6D0];
	[tilespmem:$0x1D20] =	vst v2;
	v2 =	vsub.s32 v47, v0  }
0xee: {  	v52 =	vld [tilespmem:$0xD60];
	[tilespmem:$0x1490] =	vst v32;
	v2 =	vmin.u32 v2, $0x61A8  }
0xef: {  	v43 =	vld [tilespmem:$0x500];
	[tilespmem:$0x1D30] =	vst v2;
	v2 =	vsub.s32 v49, v0  }
0xf0: {  	[tilespmem:$0x14C0] =	vst v37;
	v54 =	vld [tilespmem:$0xD70];
	v2 =	vmin.u32 v2, $0x61A8  }
0xf1: {  	[tilespmem:$0x1D40] =	vst v2;
	v2 =	vsub.s32 v3, v0;
	v3 =	vld [tilespmem:$0x570]  }
0xf2: {  	v55 =	vld [tilespmem:$0xD80];
	[tilespmem:$0x16D0] =	vst v35;
	v2 =	vmin.u32 v2, $0x61A8  }
0xf3: {  	v40 =	vld [tilespmem:$0x4E0];
	[tilespmem:$0x1D50] =	vst v2;
	v2 =	vsub.s32 v52, v0  }
0xf4: {  	v57 =	vld [tilespmem:$0xD90];
	[tilespmem:$0x1500] =	vst v43;
	v2 =	vmin.u32 v2, $0x61A8  }
0xf5: {  	v45 =	vld [tilespmem:$0x510];
	[tilespmem:$0x1D60] =	vst v2;
	v2 =	vsub.s32 v54, v0  }
0xf6: {  	[tilespmem:$0x1570] =	vst v3;
	v2 =	vmin.u32 v2, $0x61A8;
	v3 =	vld [tilespmem:$0xDA0]  }
0xf7: {  	v43 =	vld [tilespmem:$0x720];
	[tilespmem:$0x1D70] =	vst v2;
	v2 =	vsub.s32 v55, v0  }
0xf8: {  	v60 =	vld [tilespmem:$0xDB0];
	[tilespmem:$0x14E0] =	vst v40;
	v2 =	vmin.u32 v2, $0x61A8  }
0xf9: {  	v51 =	vld [tilespmem:$0x550];
	[tilespmem:$0x1D80] =	vst v2;
	v2 =	vsub.s32 v57, v0  }
0xfa: {  	[tilespmem:$0x1510] =	vst v45;
	v62 =	vld [tilespmem:$0xDC0];
	v2 =	vmin.u32 v2, $0x61A8  }
0xfb: {  	[tilespmem:$0x1D90] =	vst v2;
	v2 =	vsub.s32 v3, v0;
	v3 =	vld [tilespmem:$0x5C0]  }
0xfc: {  	v63 =	vld [tilespmem:$0xDD0];
	[tilespmem:$0x1720] =	vst v43;
	v2 =	vmin.u32 v2, $0x61A8  }
0xfd: {  	v48 =	vld [tilespmem:$0x530];
	[tilespmem:$0x1DA0] =	vst v2;
	v2 =	vsub.s32 v60, v0  }
0xfe: {  	v10 =	vld [tilespmem:$0xDE0];
	[tilespmem:$0x1550] =	vst v51;
	v2 =	vmin.u32 v2, $0x61A8  }
0xff: {  	v53 =	vld [tilespmem:$0x560];
	[tilespmem:$0x1DB0] =	vst v2;
	v2 =	vsub.s32 v62, v0  }
0x100: {  	[tilespmem:$0x15C0] =	vst v3;
	v2 =	vmin.u32 v2, $0x61A8;
	v3 =	vld [tilespmem:$0xDF0]  }
0x101: {  	v51 =	vld [tilespmem:$0x770];
	[tilespmem:$0x1DC0] =	vst v2;
	v2 =	vsub.s32 v63, v0  }
0x102: {  	v13 =	vld [tilespmem:$0xE00];
	[tilespmem:$0x1530] =	vst v48;
	v2 =	vmin.u32 v2, $0x61A8  }
0x103: {  	v59 =	vld [tilespmem:$0x5A0];
	[tilespmem:$0x1DD0] =	vst v2;
	v2 =	vsub.s32 v10, v0  }
0x104: {  	[tilespmem:$0x1560] =	vst v53;
	v15 =	vld [tilespmem:$0xE10];
	v2 =	vmin.u32 v2, $0x61A8  }
0x105: {  	[tilespmem:$0x1DE0] =	vst v2;
	v2 =	vsub.s32 v3, v0;
	v3 =	vld [tilespmem:$0x610]  }
0x106: {  	v16 =	vld [tilespmem:$0xE20];
	[tilespmem:$0x1770] =	vst v51;
	v2 =	vmin.u32 v2, $0x61A8  }
0x107: {  	v56 =	vld [tilespmem:$0x580];
	[tilespmem:$0x1DF0] =	vst v2;
	v2 =	vsub.s32 v13, v0  }
0x108: {  	v18 =	vld [tilespmem:$0xE30];
	[tilespmem:$0x15A0] =	vst v59;
	v2 =	vmin.u32 v2, $0x61A8  }
0x109: {  	v61 =	vld [tilespmem:$0x5B0];
	[tilespmem:$0x1E00] =	vst v2;
	v2 =	vsub.s32 v15, v0  }
0x10a: {  	[tilespmem:$0x1610] =	vst v3;
	v2 =	vmin.u32 v2, $0x61A8;
	v3 =	vld [tilespmem:$0xE40]  }
0x10b: {  	v59 =	vld [tilespmem:$0x7C0];
	[tilespmem:$0x1E10] =	vst v2;
	v2 =	vsub.s32 v16, v0  }
0x10c: {  	v21 =	vld [tilespmem:$0xE50];
	[tilespmem:$0x1580] =	vst v56;
	v2 =	vmin.u32 v2, $0x61A8  }
0x10d: {  	v9 =	vld [tilespmem:$0x5D0];
	[tilespmem:$0x1E20] =	vst v2;
	v2 =	vsub.s32 v18, v0  }
0x10e: {  	[tilespmem:$0x15B0] =	vst v61;
	v23 =	vld [tilespmem:$0xE60];
	v2 =	vmin.u32 v2, $0x61A8  }
0x10f: {  	[tilespmem:$0x1E30] =	vst v2;
	v2 =	vsub.s32 v3, v0;
	v3 =	vld [tilespmem:$0x660]  }
0x110: {  	v24 =	vld [tilespmem:$0xE70];
	[tilespmem:$0x17C0] =	vst v59;
	v2 =	vmin.u32 v2, $0x61A8  }
0x111: {  	v12 =	vld [tilespmem:$0x5F0];
	[tilespmem:$0x1E40] =	vst v2;
	v2 =	vsub.s32 v21, v0  }
0x112: {  	v26 =	vld [tilespmem:$0xE80];
	[tilespmem:$0x15D0] =	vst v9;
	v2 =	vmin.u32 v2, $0x61A8  }
0x113: {  	v14 =	vld [tilespmem:$0x600];
	[tilespmem:$0x1E50] =	vst v2;
	v2 =	vsub.s32 v23, v0  }
0x114: {  	[tilespmem:$0x1660] =	vst v3;
	v2 =	vmin.u32 v2, $0x61A8;
	v3 =	vld [tilespmem:$0xE90]  }
0x115: {  	v17 =	vld [tilespmem:$0x620];
	[tilespmem:$0x1E60] =	vst v2;
	v2 =	vsub.s32 v24, v0  }
0x116: {  	v29 =	vld [tilespmem:$0xEA0];
	[tilespmem:$0x15F0] =	vst v12;
	v2 =	vmin.u32 v2, $0x61A8  }
0x117: {  	v20 =	vld [tilespmem:$0x640];
	[tilespmem:$0x1E70] =	vst v2;
	v2 =	vsub.s32 v26, v0  }
0x118: {  	[tilespmem:$0x1600] =	vst v14;
	v31 =	vld [tilespmem:$0xEB0];
	v2 =	vmin.u32 v2, $0x61A8  }
0x119: {  	[tilespmem:$0x1E80] =	vst v2;
	v2 =	vsub.s32 v3, v0;
	v3 =	vld [tilespmem:$0x6B0]  }
0x11a: {  	v32 =	vld [tilespmem:$0xEC0];
	[tilespmem:$0x1620] =	vst v17;
	v2 =	vmin.u32 v2, $0x61A8  }
0x11b: {  	v22 =	vld [tilespmem:$0x650];
	[tilespmem:$0x1E90] =	vst v2;
	v2 =	vsub.s32 v29, v0  }
0x11c: {  	v34 =	vld [tilespmem:$0xED0];
	[tilespmem:$0x1640] =	vst v20;
	v2 =	vmin.u32 v2, $0x61A8  }
0x11d: {  	v25 =	vld [tilespmem:$0x670];
	[tilespmem:$0x1EA0] =	vst v2;
	v2 =	vsub.s32 v31, v0  }
0x11e: {  	[tilespmem:$0x16B0] =	vst v3;
	v2 =	vmin.u32 v2, $0x61A8;
	v3 =	vld [tilespmem:$0xEE0]  }
0x11f: {  	v28 =	vld [tilespmem:$0x690];
	[tilespmem:$0x1EB0] =	vst v2;
	v2 =	vsub.s32 v32, v0  }
0x120: {  	v37 =	vld [tilespmem:$0xEF0];
	[tilespmem:$0x1650] =	vst v22;
	v2 =	vmin.u32 v2, $0x61A8  }
0x121: {  	v30 =	vld [tilespmem:$0x6A0];
	[tilespmem:$0x1EC0] =	vst v2;
	v2 =	vsub.s32 v34, v0  }
0x122: {  	[tilespmem:$0x1670] =	vst v25;
	v39 =	vld [tilespmem:$0xF00];
	v2 =	vmin.u32 v2, $0x61A8  }
0x123: {  	[tilespmem:$0x1ED0] =	vst v2;
	v2 =	vsub.s32 v3, v0;
	v3 =	vld [tilespmem:$0x700]  }
0x124: {  	v40 =	vld [tilespmem:$0xF10];
	[tilespmem:$0x1690] =	vst v28;
	v2 =	vmin.u32 v2, $0x61A8  }
0x125: {  	v33 =	vld [tilespmem:$0x6C0];
	[tilespmem:$0x1EE0] =	vst v2;
	v2 =	vsub.s32 v37, v0  }
0x126: {  	v42 =	vld [tilespmem:$0xF20];
	[tilespmem:$0x16A0] =	vst v30;
	v2 =	vmin.u32 v2, $0x61A8  }
0x127: {  	v36 =	vld [tilespmem:$0x6E0];
	[tilespmem:$0x1EF0] =	vst v2;
	v2 =	vsub.s32 v39, v0  }
0x128: {  	[tilespmem:$0x1700] =	vst v3;
	v2 =	vmin.u32 v2, $0x61A8;
	v3 =	vld [tilespmem:$0xF30]  }
0x129: {  	v38 =	vld [tilespmem:$0x6F0];
	[tilespmem:$0x1F00] =	vst v2;
	v2 =	vsub.s32 v40, v0  }
0x12a: {  	v45 =	vld [tilespmem:$0xF40];
	[tilespmem:$0x16C0] =	vst v33;
	v2 =	vmin.u32 v2, $0x61A8  }
0x12b: {  	v41 =	vld [tilespmem:$0x710];
	[tilespmem:$0x1F10] =	vst v2;
	v2 =	vsub.s32 v42, v0  }
0x12c: {  	[tilespmem:$0x16E0] =	vst v36;
	v47 =	vld [tilespmem:$0xF50];
	v2 =	vmin.u32 v2, $0x61A8  }
0x12d: {  	[tilespmem:$0x1F20] =	vst v2;
	v2 =	vsub.s32 v3, v0;
	v3 =	vld [tilespmem:$0x750]  }
0x12e: {  	v48 =	vld [tilespmem:$0xF60];
	[tilespmem:$0x16F0] =	vst v38;
	v2 =	vmin.u32 v2, $0x61A8  }
0x12f: {  	v44 =	vld [tilespmem:$0x730];
	[tilespmem:$0x1F30] =	vst v2;
	v2 =	vsub.s32 v45, v0  }
0x130: {  	v50 =	vld [tilespmem:$0xF70];
	[tilespmem:$0x1710] =	vst v41;
	v2 =	vmin.u32 v2, $0x61A8  }
0x131: {  	v46 =	vld [tilespmem:$0x740];
	[tilespmem:$0x1F40] =	vst v2;
	v2 =	vsub.s32 v47, v0  }
0x132: {  	[tilespmem:$0x1750] =	vst v3;
	v2 =	vmin.u32 v2, $0x61A8;
	v3 =	vld [tilespmem:$0xF80]  }
0x133: {  	v49 =	vld [tilespmem:$0x760];
	[tilespmem:$0x1F50] =	vst v2;
	v2 =	vsub.s32 v48, v0  }
0x134: {  	v53 =	vld [tilespmem:$0xF90];
	[tilespmem:$0x1730] =	vst v44;
	v2 =	vmin.u32 v2, $0x61A8  }
0x135: {  	v52 =	vld [tilespmem:$0x780];
	[tilespmem:$0x1F60] =	vst v2;
	v2 =	vsub.s32 v50, v0  }
0x136: {  	[tilespmem:$0x1740] =	vst v46;
	v55 =	vld [tilespmem:$0xFA0];
	v2 =	vmin.u32 v2, $0x61A8  }
0x137: {  	[tilespmem:$0x1F70] =	vst v2;
	v2 =	vsub.s32 v3, v0;
	v3 =	vld [tilespmem:$0x7A0]  }
0x138: {  	v56 =	vld [tilespmem:$0xFB0];
	[tilespmem:$0x1760] =	vst v49;
	v2 =	vmin.u32 v2, $0x61A8  }
0x139: {  	v54 =	vld [tilespmem:$0x790];
	[tilespmem:$0x1F80] =	vst v2;
	v2 =	vsub.s32 v53, v0  }
0x13a: {  	v58 =	vld [tilespmem:$0xFC0];
	[tilespmem:$0x1780] =	vst v52;
	v2 =	vmin.u32 v2, $0x61A8  }
0x13b: {  	v57 =	vld [tilespmem:$0x7B0];
	[tilespmem:$0x1F90] =	vst v2;
	v2 =	vsub.s32 v55, v0  }
0x13c: {  	[tilespmem:$0x17A0] =	vst v3;
	v2 =	vmin.u32 v2, $0x61A8;
	v3 =	vld [tilespmem:$0xFD0]  }
0x13d: {  	v60 =	vld [tilespmem:$0x7D0];
	[tilespmem:$0x1FA0] =	vst v2;
	v2 =	vsub.s32 v56, v0  }
0x13e: {  	v61 =	vld [tilespmem:$0xFE0];
	[tilespmem:$0x1790] =	vst v54;
	v2 =	vmin.u32 v2, $0x61A8  }
0x13f: {  	v62 =	vld [tilespmem:$0x7E0];
	[tilespmem:$0x1FB0] =	vst v2;
	v2 =	vsub.s32 v58, v0  }
0x140: {  	[tilespmem:$0x17B0] =	vst v57;
	v63 =	vld [tilespmem:$0xFF0];
	v2 =	vmin.u32 v2, $0x61A8  }
0x141: {  	[tilespmem:$0x1FC0] =	vst v2;
	v2 =	vsub.s32 v3, v0;
	v3 =	vld [tilespmem:$0x7F0]  }
0x142: {  	[tilespmem:$0x17D0] =	vst v60;
	v2 =	vmin.u32 v2, $0x61A8  }
0x143: {  	[tilespmem:$0x1FD0] =	vst v2;
	v2 =	vsub.s32 v61, v0  }
0x144: {  	[tilespmem:$0x17E0] =	vst v62;
	v2 =	vmin.u32 v2, $0x61A8  }
0x145: {  	[tilespmem:$0x1FE0] =	vst v2;
	v2 =	vsub.s32 v63, v0  }
0x146: {  	[tilespmem:$0x17F0] =	vst v3;
	v2 =	vmin.u32 v2, $0x61A8  }
0x147: {  	s23 =	simm.s32 $0x1000;
	[tilespmem:$0x1FF0] =	vst v2  }
0x148: {  	[tilespmem:s26], [sflag:$0x1] =	stream.indirect.gather [hbm4b:s4+s24], $0x20, s23, s24, $0xb8;
	[tilespmem:$0x13A00] =	vst v63  }
0x149: {  	s23 =	simm.s32 $0x1080  }
0x14a: {  	[tilespmem:s29], [sflag:$0x2] =	stream.indirect.gather [hbm4b:s4+s24], $0x20, s23, s24, $0xb8;
	[tilespmem:$0x13A00] =	vst v63  }
0x14b: {  	_ =	swait.ge [sflag:s30], $0x1000  }
0x14c: {  	[sflag:s30] =	ssyncset.done $0x0  }
0x14d: {  	s23 =	simm.s32 $0x1800;
	[sflag:s30] =	ssyncadd.s32 $0xFFFFF000  }
0x14e: {  	[spmem:s2] =	stream.indirect.scatter.add.f32 [tilespmem:s26], [sflag:$0x3], $0x20, s23, s24, $0xb8;
	[tilespmem:$0x13A00] =	vst v63  }
0x14f: {  	_ =	swait.ge [sflag:s0], $0x1000  }
0x150: {  	[sflag:s0] =	ssyncset.done $0x0  }
0x151: {  	s23 =	simm.s32 $0x1100;
	[sflag:s0] =	ssyncadd.s32 $0xFFFFF000  }
0x152: {  	[tilespmem:s26], [sflag:$0x1] =	stream.indirect.gather [hbm4b:s4+s24], $0x20, s23, s24, $0xb8;
	[tilespmem:$0x13A00] =	vst v63  }
0x153: {  	_ =	swait.ge [sflag:s10], $0x1000  }
0x154: {  	[sflag:s10] =	ssyncset.done $0x0  }
0x155: {  	s23 =	simm.s32 $0x1880;
	[sflag:s10] =	ssyncadd.s32 $0xFFFFF000  }
0x156: {  	[spmem:s2] =	stream.indirect.scatter.add.f32 [tilespmem:s29], [sflag:$0x4], $0x20, s23, s24, $0xb8;
	[tilespmem:$0x13A00] =	vst v63  }
0x157: {  	_ =	swait.ge [sflag:s12], $0x1000  }
0x158: {  	[sflag:s12] =	ssyncset.done $0x0  }
0x159: {  	s23 =	simm.s32 $0x1180;
	[sflag:s12] =	ssyncadd.s32 $0xFFFFF000  }
0x15a: {  	[tilespmem:s29], [sflag:$0x2] =	stream.indirect.gather [hbm4b:s4+s24], $0x20, s23, s24, $0xb8;
	[tilespmem:$0x13A00] =	vst v63  }
0x15b: {  	_ =	swait.ge [sflag:s30], $0x1000  }
0x15c: {  	[sflag:s30] =	ssyncset.done $0x0  }
0x15d: {  	s23 =	simm.s32 $0x1900;
	[sflag:s30] =	ssyncadd.s32 $0xFFFFF000  }
0x15e: {  	[spmem:s2] =	stream.indirect.scatter.add.f32 [tilespmem:s26], [sflag:$0x3], $0x20, s23, s24, $0xb8;
	[tilespmem:$0x13A00] =	vst v63  }
0x15f: {  	_ =	swait.ge [sflag:s0], $0x1000  }
0x160: {  	[sflag:s0] =	ssyncset.done $0x0  }
0x161: {  	s23 =	simm.s32 $0x1200;
	[sflag:s0] =	ssyncadd.s32 $0xFFFFF000  }
0x162: {  	[tilespmem:s26], [sflag:$0x1] =	stream.indirect.gather [hbm4b:s4+s24], $0x20, s23, s24, $0xb8;
	[tilespmem:$0x13A00] =	vst v63  }
0x163: {  	_ =	swait.ge [sflag:s10], $0x1000  }
0x164: {  	[sflag:s10] =	ssyncset.done $0x0  }
0x165: {  	s23 =	simm.s32 $0x1980;
	[sflag:s10] =	ssyncadd.s32 $0xFFFFF000  }
0x166: {  	[spmem:s2] =	stream.indirect.scatter.add.f32 [tilespmem:s29], [sflag:$0x4], $0x20, s23, s24, $0xb8;
	[tilespmem:$0x13A00] =	vst v63  }
0x167: {  	_ =	swait.ge [sflag:s12], $0x1000  }
0x168: {  	[sflag:s12] =	ssyncset.done $0x0  }
0x169: {  	s23 =	simm.s32 $0x1280;
	[sflag:s12] =	ssyncadd.s32 $0xFFFFF000  }
0x16a: {  	[tilespmem:s29], [sflag:$0x2] =	stream.indirect.gather [hbm4b:s4+s24], $0x20, s23, s24, $0xb8;
	[tilespmem:$0x13A00] =	vst v63  }
0x16b: {  	_ =	swait.ge [sflag:s30], $0x1000  }
0x16c: {  	[sflag:s30] =	ssyncset.done $0x0  }
0x16d: {  	s23 =	simm.s32 $0x1A00;
	[sflag:s30] =	ssyncadd.s32 $0xFFFFF000  }
0x16e: {  	[spmem:s2] =	stream.indirect.scatter.add.f32 [tilespmem:s26], [sflag:$0x3], $0x20, s23, s24, $0xb8;
	[tilespmem:$0x13A00] =	vst v63  }
0x16f: {  	_ =	swait.ge [sflag:s0], $0x1000  }
0x170: {  	[sflag:s0] =	ssyncset.done $0x0  }
0x171: {  	s23 =	simm.s32 $0x1300;
	[sflag:s0] =	ssyncadd.s32 $0xFFFFF000  }
0x172: {  	[tilespmem:s26], [sflag:$0x1] =	stream.indirect.gather [hbm4b:s4+s24], $0x20, s23, s24, $0xb8;
	[tilespmem:$0x13A00] =	vst v63  }
0x173: {  	_ =	swait.ge [sflag:s10], $0x1000  }
0x174: {  	[sflag:s10] =	ssyncset.done $0x0  }
0x175: {  	s23 =	simm.s32 $0x1A80;
	[sflag:s10] =	ssyncadd.s32 $0xFFFFF000  }
0x176: {  	[spmem:s2] =	stream.indirect.scatter.add.f32 [tilespmem:s29], [sflag:$0x4], $0x20, s23, s24, $0xb8;
	[tilespmem:$0x13A00] =	vst v63  }
0x177: {  	_ =	swait.ge [sflag:s12], $0x1000  }
0x178: {  	[sflag:s12] =	ssyncset.done $0x0  }
0x179: {  	s23 =	simm.s32 $0x1380;
	[sflag:s12] =	ssyncadd.s32 $0xFFFFF000  }
0x17a: {  	[tilespmem:s29], [sflag:$0x2] =	stream.indirect.gather [hbm4b:s4+s24], $0x20, s23, s24, $0xb8;
	[tilespmem:$0x13A00] =	vst v63  }
0x17b: {  	_ =	swait.ge [sflag:s30], $0x1000  }
0x17c: {  	[sflag:s30] =	ssyncset.done $0x0  }
0x17d: {  	s23 =	simm.s32 $0x1B00;
	[sflag:s30] =	ssyncadd.s32 $0xFFFFF000  }
0x17e: {  	[spmem:s2] =	stream.indirect.scatter.add.f32 [tilespmem:s26], [sflag:$0x3], $0x20, s23, s24, $0xb8;
	[tilespmem:$0x13A00] =	vst v63  }
0x17f: {  	_ =	swait.ge [sflag:s0], $0x1000  }
0x180: {  	[sflag:s0] =	ssyncset.done $0x0  }
0x181: {  	s23 =	simm.s32 $0x1400;
	[sflag:s0] =	ssyncadd.s32 $0xFFFFF000  }
0x182: {  	[tilespmem:s26], [sflag:$0x1] =	stream.indirect.gather [hbm4b:s4+s24], $0x20, s23, s24, $0xb8;
	[tilespmem:$0x13A00] =	vst v63  }
0x183: {  	_ =	swait.ge [sflag:s10], $0x1000  }
0x184: {  	[sflag:s10] =	ssyncset.done $0x0  }
0x185: {  	s23 =	simm.s32 $0x1B80;
	[sflag:s10] =	ssyncadd.s32 $0xFFFFF000  }
0x186: {  	[spmem:s2] =	stream.indirect.scatter.add.f32 [tilespmem:s29], [sflag:$0x4], $0x20, s23, s24, $0xb8;
	[tilespmem:$0x13A00] =	vst v63  }
0x187: {  	_ =	swait.ge [sflag:s12], $0x1000  }
0x188: {  	[sflag:s12] =	ssyncset.done $0x0  }
0x189: {  	s23 =	simm.s32 $0x1480;
	[sflag:s12] =	ssyncadd.s32 $0xFFFFF000  }
0x18a: {  	[tilespmem:s29], [sflag:$0x2] =	stream.indirect.gather [hbm4b:s4+s24], $0x20, s23, s24, $0xb8;
	[tilespmem:$0x13A00] =	vst v63  }
0x18b: {  	_ =	swait.ge [sflag:s30], $0x1000  }
0x18c: {  	[sflag:s30] =	ssyncset.done $0x0  }
0x18d: {  	[sflag:s30] =	ssyncadd.s32 $0xFFFFF000  }
0x18e: {  	[spmem:s2] =	stream.indirect.scatter.add.f32 [tilespmem:s26], [sflag:$0x3], $0x20, s11, s24, $0xb8;
	[tilespmem:$0x13A00] =	vst v63  }
0x18f: {  	_ =	swait.ge [sflag:s0], $0x1000  }
0x190: {  	[sflag:s0] =	ssyncset.done $0x0  }
0x191: {  	[sflag:s0] =	ssyncadd.s32 $0xFFFFF000  }
0x192: {  	[tilespmem:s26], [sflag:$0x1] =	stream.indirect.gather [hbm4b:s4+s24], $0x20, s13, s24, $0xb8;
	[tilespmem:$0x13A00] =	vst v63  }
0x193: {  	_ =	swait.ge [sflag:s10], $0x1000  }
0x194: {  	[sflag:s10] =	ssyncset.done $0x0  }
0x195: {  	[sflag:s10] =	ssyncadd.s32 $0xFFFFF000  }
0x196: {  	[spmem:s2] =	stream.indirect.scatter.add.f32 [tilespmem:s29], [sflag:$0x4], $0x20, s14, s24, $0xb8;
	[tilespmem:$0x13A00] =	vst v63  }
0x197: {  	_ =	swait.ge [sflag:s12], $0x1000  }
0x198: {  	[sflag:s12] =	ssyncset.done $0x0  }
0x199: {  	[sflag:s12] =	ssyncadd.s32 $0xFFFFF000  }
0x19a: {  	[tilespmem:s29], [sflag:$0x2] =	stream.indirect.gather [hbm4b:s4+s24], $0x20, s15, s24, $0xb8;
	[tilespmem:$0x13A00] =	vst v63  }
0x19b: {  	_ =	swait.ge [sflag:s30], $0x1000  }
0x19c: {  	[sflag:s30] =	ssyncset.done $0x0  }
0x19d: {  	[sflag:s30] =	ssyncadd.s32 $0xFFFFF000  }
0x19e: {  	[spmem:s2] =	stream.indirect.scatter.add.f32 [tilespmem:s26], [sflag:$0x3], $0x20, s16, s24, $0xb8;
	[tilespmem:$0x13A00] =	vst v63  }
0x19f: {  	_ =	swait.ge [sflag:s0], $0x1000  }
0x1a0: {  	[sflag:s0] =	ssyncset.done $0x0  }
0x1a1: {  	[sflag:s0] =	ssyncadd.s32 $0xFFFFF000  }
0x1a2: {  	[tilespmem:s26], [sflag:$0x1] =	stream.indirect.gather [hbm4b:s4+s24], $0x20, s17, s24, $0xb8;
	[tilespmem:$0x13A00] =	vst v63  }
0x1a3: {  	_ =	swait.ge [sflag:s10], $0x1000  }
0x1a4: {  	[sflag:s10] =	ssyncset.done $0x0  }
0x1a5: {  	[sflag:s10] =	ssyncadd.s32 $0xFFFFF000  }
0x1a6: {  	[spmem:s2] =	stream.indirect.scatter.add.f32 [tilespmem:s29], [sflag:$0x4], $0x20, s18, s24, $0xb8;
	[tilespmem:$0x13A00] =	vst v63  }
0x1a7: {  	_ =	swait.ge [sflag:s12], $0x1000  }
0x1a8: {  	[sflag:s12] =	ssyncset.done $0x0  }
0x1a9: {  	[sflag:s12] =	ssyncadd.s32 $0xFFFFF000  }
0x1aa: {  	[tilespmem:s29], [sflag:$0x2] =	stream.indirect.gather [hbm4b:s4+s24], $0x20, s7, s24, $0xb8;
	[tilespmem:$0x13A00] =	vst v63  }
0x1ab: {  	_ =	swait.ge [sflag:s30], $0x1000  }
0x1ac: {  	[sflag:s30] =	ssyncset.done $0x0  }
0x1ad: {  	[sflag:s30] =	ssyncadd.s32 $0xFFFFF000  }
0x1ae: {  	[spmem:s2] =	stream.indirect.scatter.add.f32 [tilespmem:s26], [sflag:$0x3], $0x20, s8, s24, $0xb8;
	[tilespmem:$0x13A00] =	vst v63  }
0x1af: {  	_ =	swait.ge [sflag:s0], $0x1000  }
0x1b0: {  	[sflag:s0] =	ssyncset.done $0x0  }
0x1b1: {  	[sflag:s0] =	ssyncadd.s32 $0xFFFFF000  }
0x1b2: {  	[tilespmem:s26], [sflag:$0x1] =	stream.indirect.gather [hbm4b:s4+s24], $0x20, s9, s24, $0xb8;
	[tilespmem:$0x13A00] =	vst v63  }
0x1b3: {  	_ =	swait.ge [sflag:s10], $0x1000  }
0x1b4: {  	[sflag:s10] =	ssyncset.done $0x0  }
0x1b5: {  	[sflag:s10] =	ssyncadd.s32 $0xFFFFF000  }
0x1b6: {  	[spmem:s2] =	stream.indirect.scatter.add.f32 [tilespmem:s29], [sflag:$0x4], $0x20, s6, s24, $0xb8;
	[tilespmem:$0x13A00] =	vst v63  }
0x1b7: {  	_ =	swait.ge [sflag:s12], $0x1000  }
0x1b8: {  	[sflag:s12] =	ssyncset.done $0x0  }
0x1b9: {  	[sflag:s12] =	ssyncadd.s32 $0xFFFFF000  }
0x1ba: {  	[tilespmem:s29], [sflag:$0x2] =	stream.indirect.gather [hbm4b:s4+s24], $0x20, s28, s24, $0xb8;
	[tilespmem:$0x13A00] =	vst v63  }
0x1bb: {  	_ =	swait.ge [sflag:s30], $0x1000  }
0x1bc: {  	[sflag:s30] =	ssyncset.done $0x0  }
0x1bd: {  	[sflag:s30] =	ssyncadd.s32 $0xFFFFF000  }
0x1be: {  	[spmem:s2] =	stream.indirect.scatter.add.f32 [tilespmem:s26], [sflag:$0x3], $0x20, s25, s24, $0xb8;
	[tilespmem:$0x13A00] =	vst v63  }
0x1bf: {  	_ =	swait.ge [sflag:s10], $0x1000  }
0x1c0: {  	[sflag:s10] =	ssyncset.done $0x0  }
0x1c1: {  	[sflag:s10] =	ssyncadd.s32 $0xFFFFF000  }
0x1c2: {  	[spmem:s2] =	stream.indirect.scatter.add.f32 [tilespmem:s29], [sflag:$0x4], $0x20, s31, s24, $0xb8;
	[tilespmem:$0x13A00] =	vst v63  }
0x1c3: {  	p0 =	sne.s32 s21, $0x1900;
	_ =	swait.ge [sflag:s0], $0x1000  }
.Ltmp1:
0x1c4: {  	[sflag:s0] =	ssyncset.done $0x0;
	(pc) =	sbr.rel @p0 .LBB2_4-.Ltmp1, $4  }
0x1c5: {  	[sflag:s0] =	ssyncadd.s32 $0xFFFFF000  }
0x1c6: {  	_ =	swait.ge [sflag:s12], $0x1000  }
0x1c7: {  	[sflag:s12] =	ssyncset.done $0x0  }
0x1c8: {  	s21 =	sadd.s32 $0x100, s21;
	[sflag:s12] =	ssyncadd.s32 $0xFFFFF000  }
0x1c9: {  	[bflag:$0x0] =	sbarrier.arrive $0xFFFF  }
0x1ca: {  	s28 =	simm.s32 $0x4000;
	s1 =	rddreg [dreg:$0x3]  }
0x1cb: {  	[tilespmem:s28], [sflag:$0x5] =	stream.linear.gather [spmem:s1], $0x3200, $0x38;
	[tilespmem:$0x13A00] =	vst v63  }
0x1cc: {  	_ =	swait.ge [sflag:s22], $0x3200  }
0x1cd: {  	[sflag:s22] =	ssyncset.done $0x0  }
0x1ce: {  	s21 =	simm.s32 $0x0;
	s23 =	rddreg [dreg:$0x7];
	[sflag:s22] =	ssyncadd.s32 $0xFFFFCE00  }
0x1cf: {  	[hbm4b:s23+s21] =	stream.linear.scatter [tilespmem:s28], [sflag:$0x5], $0x3200, $0x38;
	[tilespmem:$0x13A00] =	vst v63  }
0x1d0: {  	_ =	swait.ge [sflag:s22], $0x3200  }
0x1d1: {  	[sflag:s22] =	ssyncset.done $0x0  }
0x1d2: {  	s14 =	rddreg [dreg:$0x4];
	[sflag:s22] =	ssyncadd.s32 $0xFFFFCE00  }
0x1d3: {  	[tilespmem:s28], [sflag:$0x5] =	stream.linear.gather [spmem:s14], $0x3200, $0x38;
	[tilespmem:$0x13A00] =	vst v63  }
0x1d4: {  	_ =	swait.ge [sflag:s22], $0x3200  }
0x1d5: {  	[sflag:s22] =	ssyncset.done $0x0  }
0x1d6: {  	s15 =	rddreg [dreg:$0x8];
	[sflag:s22] =	ssyncadd.s32 $0xFFFFCE00  }
0x1d7: {  	[hbm4b:s15+s21] =	stream.linear.scatter [tilespmem:s28], [sflag:$0x5], $0x3200, $0x38;
	[tilespmem:$0x13A00] =	vst v63  }
0x1d8: {  	_ =	swait.ge [sflag:s22], $0x3200  }
0x1d9: {  	[sflag:s22] =	ssyncset.done $0x0  }
0x1da: {  	s16 =	rddreg [dreg:$0x5];
	[sflag:s22] =	ssyncadd.s32 $0xFFFFCE00  }
0x1db: {  	[tilespmem:s28], [sflag:$0x5] =	stream.linear.gather [spmem:s16], $0x3200, $0x38;
	[tilespmem:$0x13A00] =	vst v63  }
0x1dc: {  	_ =	swait.ge [sflag:s22], $0x3200  }
0x1dd: {  	[sflag:s22] =	ssyncset.done $0x0  }
0x1de: {  	s17 =	rddreg [dreg:$0x9];
	[sflag:s22] =	ssyncadd.s32 $0xFFFFCE00  }
0x1df: {  	[hbm4b:s17+s21] =	stream.linear.scatter [tilespmem:s28], [sflag:$0x5], $0x3200, $0x38;
	[tilespmem:$0x13A00] =	vst v63  }
0x1e0: {  	_ =	swait.ge [sflag:s22], $0x3200  }
0x1e1: {  	[sflag:s22] =	ssyncset.done $0x0  }
0x1e2: {  	s18 =	rddreg [dreg:$0x6];
	[sflag:s22] =	ssyncadd.s32 $0xFFFFCE00  }
0x1e3: {  	[tilespmem:s28], [sflag:$0x5] =	stream.linear.gather [spmem:s18], $0x3200, $0x38;
	[tilespmem:$0x13A00] =	vst v63  }
0x1e4: {  	_ =	swait.ge [sflag:s22], $0x3200  }
0x1e5: {  	[sflag:s22] =	ssyncset.done $0x0  }
0x1e6: {  	s25 =	rddreg [dreg:$0xa];
	[sflag:s22] =	ssyncadd.s32 $0xFFFFCE00  }
0x1e7: {  	[hbm4b:s25+s21] =	stream.linear.scatter [tilespmem:s28], [sflag:$0x5], $0x3200, $0x38;
	[tilespmem:$0x13A00] =	vst v63  }
0x1e8: {  	s28 =	sand.u32 $0xFF80, s21;
	_ =	swait.ge [sflag:s22], $0x3200  }
0x1e9: {  	s25 =	sand.u32 $0x10, s21;
	s31 =	sshrl.u32 s28, $0x2;
	[sflag:s22] =	ssyncset.done $0x0  }
0x1ea: {  	s23 =	simm.s32 $0x40;
	s25 =	sor.u32 s25, s31;
	[sflag:s22] =	ssyncadd.s32 $0xFFFFCE00  }
.LBB2_6:
0x1eb: {  	p0 =	sne.s32 s23, $0xC7C0  }
0x1ec: {  	[tilespmem:s25+$0x4000] =	vst v1;
	s21 =	sadd.s32 $0x10, s21;
	s25 =	smov.u32 s23;
	s23 =	sadd.s32 $0x40, s23  }
.Ltmp2:
0x1ed: {  	(pc) =	sbr.rel @p0 .LBB2_6-.Ltmp2, $4  }
0x1ee: {  	_ = 	snop  }
0x1ef: {  	s25 =	sand.u32 $0xFF80, s25  }
0x1f0: {  	s28 =	sand.u32 $0x10, s21;
	s25 =	sshrl.u32 s25, $0x2  }
0x1f1: {  	s25 =	sor.u32 s28, s25  }
0x1f2: {  	[tilespmem:s25+$0x4000] =	vst v1;
	s1 =	rddreg [dreg:$0x3];
	s23 =	simm.s32 $0x4000  }
0x1f3: {  	[spmem:s1] =	stream.linear.scatter [tilespmem:s23], [sflag:$0x5], $0x3200, $0x38;
	[tilespmem:$0x13A00] =	vst v63  }
0x1f4: {  	_ =	swait.ge [sflag:s22], $0x3200  }
0x1f5: {  	[sflag:s22] =	ssyncset.done $0x0  }
0x1f6: {  	s21 =	rddreg [dreg:$0x4];
	[sflag:s22] =	ssyncadd.s32 $0xFFFFCE00  }
0x1f7: {  	[spmem:s21] =	stream.linear.scatter [tilespmem:s23], [sflag:$0x5], $0x3200, $0x38;
	[tilespmem:$0x13A00] =	vst v63  }
0x1f8: {  	_ =	swait.ge [sflag:s22], $0x3200  }
0x1f9: {  	s11 =	simm.s32 $0x1C00;
	[sflag:s22] =	ssyncset.done $0x0  }
0x1fa: {  	s13 =	simm.s32 $0x1500;
	s21 =	rddreg [dreg:$0x5];
	[sflag:s22] =	ssyncadd.s32 $0xFFFFCE00  }
0x1fb: {  	[spmem:s21] =	stream.linear.scatter [tilespmem:s23], [sflag:$0x5], $0x3200, $0x38;
	[tilespmem:$0x13A00] =	vst v63  }
0x1fc: {  	s14 =	simm.s32 $0x1C80;
	s15 =	simm.s32 $0x1580;
	_ =	swait.ge [sflag:s22], $0x3200  }
0x1fd: {  	s16 =	simm.s32 $0x1D00;
	s17 =	simm.s32 $0x1600;
	[sflag:s22] =	ssyncset.done $0x0  }
0x1fe: {  	s18 =	simm.s32 $0x1D80;
	s25 =	rddreg [dreg:$0x6];
	[sflag:s22] =	ssyncadd.s32 $0xFFFFCE00  }
0x1ff: {  	[spmem:s25] =	stream.linear.scatter [tilespmem:s23], [sflag:$0x5], $0x3200, $0x38;
	[tilespmem:$0x13A00] =	vst v63  }
0x200: {  	s7 =	simm.s32 $0x1680;
	s8 =	simm.s32 $0x1E00;
	_ =	swait.ge [sflag:s22], $0x3200  }
0x201: {  	s9 =	simm.s32 $0x1700;
	s6 =	simm.s32 $0x1E80;
	[sflag:s22] =	ssyncset.done $0x0  }
0x202: {  	s28 =	simm.s32 $0x1780;
	s31 =	simm.s32 $0x1F80;
	[sflag:s22] =	ssyncadd.s32 $0xFFFFCE00  }
0x203: {  	s21 =	simm.s32 $0x0;
	s25 =	simm.s32 $0x1F00;
	[bflag:$0x0] =	sbarrier.arrive $0xFFFF  }
.LBB2_8:
0x204: {  	s23 =	sadd.s32 s21, s20  }
0x205: {  	[tilespmem:s3], [sflag:$0x5] =	stream.linear.gather [hbm4b:s23+s3], $0x800, $0x38;
	[tilespmem:$0x13A00] =	vst v63  }
0x206: {  	_ =	swait.ge [sflag:s22], $0x800  }
0x207: {  	[sflag:s22] =	ssyncset.done $0x0  }
0x208: {  	s1 =	simm.s32 $0x800;
	s23 =	sadd.s32 s21, s19;
	[sflag:s22] =	ssyncadd.s32 $0xFFFFF800  }
0x209: {  	[tilespmem:s1], [sflag:$0x5] =	stream.linear.gather [hbm4b:s23+s3], $0x800, $0x38;
	[tilespmem:$0x13A00] =	vst v63  }
0x20a: {  	_ =	swait.ge [sflag:s22], $0x800  }
0x20b: {  	[sflag:s22] =	ssyncset.done $0x0  }
0x20c: {  	[sflag:s22] =	ssyncadd.s32 $0xFFFFF800  }
0x20d: {  	v2 =	vld [tilespmem:$0x800]  }
0x20e: {  	v3 =	vld [tilespmem:$0x0]  }
0x20f: {  	v4 =	vld [tilespmem:$0x810]  }
0x210: {  	v5 =	vld [tilespmem:$0x10]  }
0x211: {  	v6 =	vld [tilespmem:$0x820]  }
0x212: {  	v7 =	vld [tilespmem:$0x20];
	v2 =	vsub.s32 v2, v0  }
0x213: {  	[tilespmem:$0x1000] =	vst v3;
	v3 =	vld [tilespmem:$0x830];
	v2 =	vmin.u32 v2, $0x61A8  }
0x214: {  	v31 =	vld [tilespmem:$0x30];
	[tilespmem:$0x1800] =	vst v2;
	v2 =	vsub.s32 v4, v0  }
0x215: {  	v32 =	vld [tilespmem:$0x840];
	[tilespmem:$0x1010] =	vst v5;
	v2 =	vmin.u32 v2, $0x61A8  }
0x216: {  	v33 =	vld [tilespmem:$0x40];
	[tilespmem:$0x1810] =	vst v2;
	v2 =	vsub.s32 v6, v0  }
0x217: {  	v34 =	vld [tilespmem:$0x850];
	[tilespmem:$0x1020] =	vst v7;
	v2 =	vmin.u32 v2, $0x61A8  }
0x218: {  	[tilespmem:$0x1820] =	vst v2;
	v2 =	vsub.s32 v3, v0;
	v3 =	vld [tilespmem:$0x50]  }
0x219: {  	v35 =	vld [tilespmem:$0x860];
	[tilespmem:$0x1030] =	vst v31;
	v2 =	vmin.u32 v2, $0x61A8  }
0x21a: {  	v36 =	vld [tilespmem:$0x60];
	[tilespmem:$0x1830] =	vst v2;
	v2 =	vsub.s32 v32, v0  }
0x21b: {  	v37 =	vld [tilespmem:$0x870];
	[tilespmem:$0x1040] =	vst v33;
	v2 =	vmin.u32 v2, $0x61A8  }
0x21c: {  	v38 =	vld [tilespmem:$0x70];
	[tilespmem:$0x1840] =	vst v2;
	v2 =	vsub.s32 v34, v0  }
0x21d: {  	[tilespmem:$0x1050] =	vst v3;
	v2 =	vmin.u32 v2, $0x61A8;
	v3 =	vld [tilespmem:$0x880]  }
0x21e: {  	v39 =	vld [tilespmem:$0x80];
	[tilespmem:$0x1850] =	vst v2;
	v2 =	vsub.s32 v35, v0  }
0x21f: {  	v40 =	vld [tilespmem:$0x890];
	[tilespmem:$0x1060] =	vst v36;
	v2 =	vmin.u32 v2, $0x61A8  }
0x220: {  	v41 =	vld [tilespmem:$0x90];
	[tilespmem:$0x1860] =	vst v2;
	v2 =	vsub.s32 v37, v0  }
0x221: {  	v42 =	vld [tilespmem:$0x8A0];
	[tilespmem:$0x1070] =	vst v38;
	v2 =	vmin.u32 v2, $0x61A8  }
0x222: {  	[tilespmem:$0x1870] =	vst v2;
	v2 =	vsub.s32 v3, v0;
	v3 =	vld [tilespmem:$0xA0]  }
0x223: {  	v43 =	vld [tilespmem:$0x8B0];
	[tilespmem:$0x1080] =	vst v39;
	v2 =	vmin.u32 v2, $0x61A8  }
0x224: {  	v44 =	vld [tilespmem:$0xB0];
	[tilespmem:$0x1880] =	vst v2;
	v2 =	vsub.s32 v40, v0  }
0x225: {  	v45 =	vld [tilespmem:$0x8C0];
	[tilespmem:$0x1090] =	vst v41;
	v2 =	vmin.u32 v2, $0x61A8  }
0x226: {  	v46 =	vld [tilespmem:$0xC0];
	[tilespmem:$0x1890] =	vst v2;
	v2 =	vsub.s32 v42, v0  }
0x227: {  	[tilespmem:$0x10A0] =	vst v3;
	v2 =	vmin.u32 v2, $0x61A8;
	v3 =	vld [tilespmem:$0x8D0]  }
0x228: {  	v47 =	vld [tilespmem:$0xD0];
	[tilespmem:$0x18A0] =	vst v2;
	v2 =	vsub.s32 v43, v0  }
0x229: {  	v48 =	vld [tilespmem:$0x8E0];
	[tilespmem:$0x10B0] =	vst v44;
	v2 =	vmin.u32 v2, $0x61A8  }
0x22a: {  	v49 =	vld [tilespmem:$0xE0];
	[tilespmem:$0x18B0] =	vst v2;
	v2 =	vsub.s32 v45, v0  }
0x22b: {  	v50 =	vld [tilespmem:$0x8F0];
	[tilespmem:$0x10C0] =	vst v46;
	v2 =	vmin.u32 v2, $0x61A8  }
0x22c: {  	[tilespmem:$0x18C0] =	vst v2;
	v2 =	vsub.s32 v3, v0;
	v3 =	vld [tilespmem:$0xF0]  }
0x22d: {  	v51 =	vld [tilespmem:$0x900];
	[tilespmem:$0x10D0] =	vst v47;
	v2 =	vmin.u32 v2, $0x61A8  }
0x22e: {  	v52 =	vld [tilespmem:$0x100];
	[tilespmem:$0x18D0] =	vst v2;
	v2 =	vsub.s32 v48, v0  }
0x22f: {  	v53 =	vld [tilespmem:$0x910];
	[tilespmem:$0x10E0] =	vst v49;
	v2 =	vmin.u32 v2, $0x61A8  }
0x230: {  	v54 =	vld [tilespmem:$0x110];
	[tilespmem:$0x18E0] =	vst v2;
	v2 =	vsub.s32 v50, v0  }
0x231: {  	[tilespmem:$0x10F0] =	vst v3;
	v2 =	vmin.u32 v2, $0x61A8;
	v3 =	vld [tilespmem:$0x920]  }
0x232: {  	v55 =	vld [tilespmem:$0x120];
	[tilespmem:$0x18F0] =	vst v2;
	v2 =	vsub.s32 v51, v0  }
0x233: {  	v56 =	vld [tilespmem:$0x930];
	[tilespmem:$0x1100] =	vst v52;
	v2 =	vmin.u32 v2, $0x61A8  }
0x234: {  	v57 =	vld [tilespmem:$0x130];
	[tilespmem:$0x1900] =	vst v2;
	v2 =	vsub.s32 v53, v0  }
0x235: {  	v58 =	vld [tilespmem:$0x940];
	[tilespmem:$0x1110] =	vst v54;
	v2 =	vmin.u32 v2, $0x61A8  }
0x236: {  	[tilespmem:$0x1910] =	vst v2;
	v2 =	vsub.s32 v3, v0;
	v3 =	vld [tilespmem:$0x140]  }
0x237: {  	v59 =	vld [tilespmem:$0x950];
	[tilespmem:$0x1120] =	vst v55;
	v2 =	vmin.u32 v2, $0x61A8  }
0x238: {  	v60 =	vld [tilespmem:$0x150];
	[tilespmem:$0x1920] =	vst v2;
	v2 =	vsub.s32 v56, v0  }
0x239: {  	v61 =	vld [tilespmem:$0x960];
	[tilespmem:$0x1130] =	vst v57;
	v2 =	vmin.u32 v2, $0x61A8  }
0x23a: {  	v62 =	vld [tilespmem:$0x160];
	[tilespmem:$0x1930] =	vst v2;
	v2 =	vsub.s32 v58, v0  }
0x23b: {  	[tilespmem:$0x1140] =	vst v3;
	v2 =	vmin.u32 v2, $0x61A8;
	v3 =	vld [tilespmem:$0x970]  }
0x23c: {  	v63 =	vld [tilespmem:$0x170];
	[tilespmem:$0x1940] =	vst v2;
	v2 =	vsub.s32 v59, v0  }
0x23d: {  	v9 =	vld [tilespmem:$0x980];
	[tilespmem:$0x1150] =	vst v60;
	v2 =	vmin.u32 v2, $0x61A8  }
0x23e: {  	v10 =	vld [tilespmem:$0x180];
	[tilespmem:$0x1950] =	vst v2;
	v2 =	vsub.s32 v61, v0  }
0x23f: {  	v11 =	vld [tilespmem:$0x990];
	[tilespmem:$0x1160] =	vst v62;
	v2 =	vmin.u32 v2, $0x61A8  }
0x240: {  	v13 =	vld [tilespmem:$0x1A0];
	[tilespmem:$0x1960] =	vst v2;
	v2 =	vsub.s32 v3, v0  }
0x241: {  	v12 =	vld [tilespmem:$0x9A0];
	[tilespmem:$0x1170] =	vst v63;
	v2 =	vmin.u32 v2, $0x61A8  }
0x242: {  	v3 =	vld [tilespmem:$0x190];
	[tilespmem:$0x1970] =	vst v2;
	v2 =	vsub.s32 v9, v0  }
0x243: {  	[tilespmem:$0x1180] =	vst v10;
	v2 =	vmin.u32 v2, $0x61A8  }
0x244: {  	[tilespmem:$0x1980] =	vst v2;
	v2 =	vsub.s32 v11, v0  }
0x245: {  	[tilespmem:$0x11A0] =	vst v13;
	v2 =	vmin.u32 v2, $0x61A8  }
0x246: {  	[tilespmem:$0x1990] =	vst v2;
	v2 =	vsub.s32 v12, v0  }
0x247: {  	[tilespmem:$0x1190] =	vst v3;
	v2 =	vmin.u32 v2, $0x61A8  }
0x248: {  	[tilespmem:$0x19A0] =	vst v2  }
0x249: {  	v2 =	vld [tilespmem:$0x1B0]  }
0x24a: {  	v3 =	vld [tilespmem:$0x9B0];
	_ =	sdelay $0x1  }
0x24b: {  	v14 =	vld [tilespmem:$0x9C0]  }
0x24c: {  	v15 =	vld [tilespmem:$0x1C0]  }
0x24d: {  	v16 =	vld [tilespmem:$0x9D0]  }
0x24e: {  	v17 =	vld [tilespmem:$0x1D0];
	v3 =	vsub.s32 v3, v0  }
0x24f: {  	[tilespmem:$0x11B0] =	vst v2;
	v2 =	vmin.u32 v3, $0x61A8;
	v3 =	vld [tilespmem:$0x9E0]  }
0x250: {  	v18 =	vld [tilespmem:$0x1E0];
	[tilespmem:$0x19B0] =	vst v2;
	v2 =	vsub.s32 v14, v0  }
0x251: {  	v19 =	vld [tilespmem:$0x9F0];
	[tilespmem:$0x11C0] =	vst v15;
	v2 =	vmin.u32 v2, $0x61A8  }
0x252: {  	v20 =	vld [tilespmem:$0x1F0];
	[tilespmem:$0x19C0] =	vst v2;
	v2 =	vsub.s32 v16, v0  }
0x253: {  	v21 =	vld [tilespmem:$0xA00];
	[tilespmem:$0x11D0] =	vst v17;
	v2 =	vmin.u32 v2, $0x61A8  }
0x254: {  	[tilespmem:$0x19D0] =	vst v2;
	v2 =	vsub.s32 v3, v0;
	v3 =	vld [tilespmem:$0x200]  }
0x255: {  	v22 =	vld [tilespmem:$0xA10];
	[tilespmem:$0x11E0] =	vst v18;
	v2 =	vmin.u32 v2, $0x61A8  }
0x256: {  	v23 =	vld [tilespmem:$0x210];
	[tilespmem:$0x19E0] =	vst v2;
	v2 =	vsub.s32 v19, v0  }
0x257: {  	v24 =	vld [tilespmem:$0xA20];
	[tilespmem:$0x11F0] =	vst v20;
	v2 =	vmin.u32 v2, $0x61A8  }
0x258: {  	v25 =	vld [tilespmem:$0x220];
	[tilespmem:$0x19F0] =	vst v2;
	v2 =	vsub.s32 v21, v0  }
0x259: {  	[tilespmem:$0x1200] =	vst v3;
	v2 =	vmin.u32 v2, $0x61A8;
	v3 =	vld [tilespmem:$0xA30]  }
0x25a: {  	v26 =	vld [tilespmem:$0x230];
	[tilespmem:$0x1A00] =	vst v2;
	v2 =	vsub.s32 v22, v0  }
0x25b: {  	v27 =	vld [tilespmem:$0xA40];
	[tilespmem:$0x1210] =	vst v23;
	v2 =	vmin.u32 v2, $0x61A8  }
0x25c: {  	v28 =	vld [tilespmem:$0x240];
	[tilespmem:$0x1A10] =	vst v2;
	v2 =	vsub.s32 v24, v0  }
0x25d: {  	v29 =	vld [tilespmem:$0xA50];
	[tilespmem:$0x1220] =	vst v25;
	v2 =	vmin.u32 v2, $0x61A8  }
0x25e: {  	[tilespmem:$0x1A20] =	vst v2;
	v2 =	vsub.s32 v3, v0;
	v3 =	vld [tilespmem:$0x250]  }
0x25f: {  	v30 =	vld [tilespmem:$0xA60];
	[tilespmem:$0x1230] =	vst v26;
	v2 =	vmin.u32 v2, $0x61A8  }
0x260: {  	v31 =	vld [tilespmem:$0x260];
	[tilespmem:$0x1A30] =	vst v2;
	v2 =	vsub.s32 v27, v0  }
0x261: {  	v32 =	vld [tilespmem:$0xA70];
	[tilespmem:$0x1240] =	vst v28;
	v2 =	vmin.u32 v2, $0x61A8  }
0x262: {  	v33 =	vld [tilespmem:$0x270];
	[tilespmem:$0x1A40] =	vst v2;
	v2 =	vsub.s32 v29, v0  }
0x263: {  	[tilespmem:$0x1250] =	vst v3;
	v2 =	vmin.u32 v2, $0x61A8;
	v3 =	vld [tilespmem:$0xA80]  }
0x264: {  	v34 =	vld [tilespmem:$0x280];
	[tilespmem:$0x1A50] =	vst v2;
	v2 =	vsub.s32 v30, v0  }
0x265: {  	v35 =	vld [tilespmem:$0xA90];
	[tilespmem:$0x1260] =	vst v31;
	v2 =	vmin.u32 v2, $0x61A8  }
0x266: {  	v36 =	vld [tilespmem:$0x290];
	[tilespmem:$0x1A60] =	vst v2;
	v2 =	vsub.s32 v32, v0  }
0x267: {  	v37 =	vld [tilespmem:$0xAA0];
	[tilespmem:$0x1270] =	vst v33;
	v2 =	vmin.u32 v2, $0x61A8  }
0x268: {  	[tilespmem:$0x1A70] =	vst v2;
	v2 =	vsub.s32 v3, v0;
	v3 =	vld [tilespmem:$0x2A0]  }
0x269: {  	v38 =	vld [tilespmem:$0xAB0];
	[tilespmem:$0x1280] =	vst v34;
	v2 =	vmin.u32 v2, $0x61A8  }
0x26a: {  	v39 =	vld [tilespmem:$0x2B0];
	[tilespmem:$0x1A80] =	vst v2;
	v2 =	vsub.s32 v35, v0  }
0x26b: {  	v40 =	vld [tilespmem:$0xAC0];
	[tilespmem:$0x1290] =	vst v36;
	v2 =	vmin.u32 v2, $0x61A8  }
0x26c: {  	v41 =	vld [tilespmem:$0x2C0];
	[tilespmem:$0x1A90] =	vst v2;
	v2 =	vsub.s32 v37, v0  }
0x26d: {  	[tilespmem:$0x12A0] =	vst v3;
	v2 =	vmin.u32 v2, $0x61A8;
	v3 =	vld [tilespmem:$0xAD0]  }
0x26e: {  	v42 =	vld [tilespmem:$0x2D0];
	[tilespmem:$0x1AA0] =	vst v2;
	v2 =	vsub.s32 v38, v0  }
0x26f: {  	v43 =	vld [tilespmem:$0xAE0];
	[tilespmem:$0x12B0] =	vst v39;
	v2 =	vmin.u32 v2, $0x61A8  }
0x270: {  	v44 =	vld [tilespmem:$0x2E0];
	[tilespmem:$0x1AB0] =	vst v2;
	v2 =	vsub.s32 v40, v0  }
0x271: {  	v45 =	vld [tilespmem:$0xAF0];
	[tilespmem:$0x12C0] =	vst v41;
	v2 =	vmin.u32 v2, $0x61A8  }
0x272: {  	[tilespmem:$0x1AC0] =	vst v2;
	v2 =	vsub.s32 v3, v0;
	v3 =	vld [tilespmem:$0x2F0]  }
0x273: {  	v46 =	vld [tilespmem:$0xB00];
	[tilespmem:$0x12D0] =	vst v42;
	v2 =	vmin.u32 v2, $0x61A8  }
0x274: {  	v47 =	vld [tilespmem:$0x300];
	[tilespmem:$0x1AD0] =	vst v2;
	v2 =	vsub.s32 v43, v0  }
0x275: {  	v48 =	vld [tilespmem:$0xB10];
	[tilespmem:$0x12E0] =	vst v44;
	v2 =	vmin.u32 v2, $0x61A8  }
0x276: {  	v49 =	vld [tilespmem:$0x310];
	[tilespmem:$0x1AE0] =	vst v2;
	v2 =	vsub.s32 v45, v0  }
0x277: {  	[tilespmem:$0x12F0] =	vst v3;
	v2 =	vmin.u32 v2, $0x61A8;
	v3 =	vld [tilespmem:$0xB20]  }
0x278: {  	v50 =	vld [tilespmem:$0x320];
	[tilespmem:$0x1AF0] =	vst v2;
	v2 =	vsub.s32 v46, v0  }
0x279: {  	v51 =	vld [tilespmem:$0xB30];
	[tilespmem:$0x1300] =	vst v47;
	v2 =	vmin.u32 v2, $0x61A8  }
0x27a: {  	v52 =	vld [tilespmem:$0x330];
	[tilespmem:$0x1B00] =	vst v2;
	v2 =	vsub.s32 v48, v0  }
0x27b: {  	v53 =	vld [tilespmem:$0xB40];
	[tilespmem:$0x1310] =	vst v49;
	v2 =	vmin.u32 v2, $0x61A8  }
0x27c: {  	[tilespmem:$0x1B10] =	vst v2;
	v2 =	vsub.s32 v3, v0;
	v3 =	vld [tilespmem:$0x340]  }
0x27d: {  	v54 =	vld [tilespmem:$0xB50];
	[tilespmem:$0x1320] =	vst v50;
	v2 =	vmin.u32 v2, $0x61A8  }
0x27e: {  	v55 =	vld [tilespmem:$0x350];
	[tilespmem:$0x1B20] =	vst v2;
	v2 =	vsub.s32 v51, v0  }
0x27f: {  	v56 =	vld [tilespmem:$0xB60];
	[tilespmem:$0x1330] =	vst v52;
	v2 =	vmin.u32 v2, $0x61A8  }
0x280: {  	v57 =	vld [tilespmem:$0x360];
	[tilespmem:$0x1B30] =	vst v2;
	v2 =	vsub.s32 v53, v0  }
0x281: {  	[tilespmem:$0x1340] =	vst v3;
	v2 =	vmin.u32 v2, $0x61A8;
	v3 =	vld [tilespmem:$0xB70]  }
0x282: {  	v58 =	vld [tilespmem:$0x370];
	[tilespmem:$0x1B40] =	vst v2;
	v2 =	vsub.s32 v54, v0  }
0x283: {  	v59 =	vld [tilespmem:$0xB80];
	[tilespmem:$0x1350] =	vst v55;
	v2 =	vmin.u32 v2, $0x61A8  }
0x284: {  	v60 =	vld [tilespmem:$0x380];
	[tilespmem:$0x1B50] =	vst v2;
	v2 =	vsub.s32 v56, v0  }
0x285: {  	v61 =	vld [tilespmem:$0xB90];
	[tilespmem:$0x1360] =	vst v57;
	v2 =	vmin.u32 v2, $0x61A8  }
0x286: {  	[tilespmem:$0x1B60] =	vst v2;
	v2 =	vsub.s32 v3, v0;
	v3 =	vld [tilespmem:$0x390]  }
0x287: {  	v62 =	vld [tilespmem:$0xBA0];
	[tilespmem:$0x1370] =	vst v58;
	v2 =	vmin.u32 v2, $0x61A8  }
0x288: {  	v63 =	vld [tilespmem:$0x3A0];
	[tilespmem:$0x1B70] =	vst v2;
	v2 =	vsub.s32 v59, v0  }
0x289: {  	v9 =	vld [tilespmem:$0xBB0];
	[tilespmem:$0x1380] =	vst v60;
	v2 =	vmin.u32 v2, $0x61A8  }
0x28a: {  	v10 =	vld [tilespmem:$0x3B0];
	[tilespmem:$0x1B80] =	vst v2;
	v2 =	vsub.s32 v61, v0  }
0x28b: {  	[tilespmem:$0x1390] =	vst v3;
	v2 =	vmin.u32 v2, $0x61A8;
	v3 =	vld [tilespmem:$0xBC0]  }
0x28c: {  	v11 =	vld [tilespmem:$0x3C0];
	[tilespmem:$0x1B90] =	vst v2;
	v2 =	vsub.s32 v62, v0  }
0x28d: {  	v12 =	vld [tilespmem:$0xBD0];
	[tilespmem:$0x13A0] =	vst v63;
	v2 =	vmin.u32 v2, $0x61A8  }
0x28e: {  	v13 =	vld [tilespmem:$0x3D0];
	[tilespmem:$0x1BA0] =	vst v2;
	v2 =	vsub.s32 v9, v0  }
0x28f: {  	[tilespmem:$0x13B0] =	vst v10;
	v14 =	vld [tilespmem:$0xBE0];
	v2 =	vmin.u32 v2, $0x61A8  }
0x290: {  	[tilespmem:$0x1BB0] =	vst v2;
	v2 =	vsub.s32 v3, v0;
	v3 =	vld [tilespmem:$0x3E0]  }
0x291: {  	[tilespmem:$0x13C0] =	vst v11;
	v15 =	vld [tilespmem:$0xBF0];
	v2 =	vmin.u32 v2, $0x61A8  }
0x292: {  	v18 =	vld [tilespmem:$0x400];
	[tilespmem:$0x1BC0] =	vst v2;
	v2 =	vsub.s32 v12, v0  }
0x293: {  	[tilespmem:$0x13D0] =	vst v13;
	v17 =	vld [tilespmem:$0xC00];
	v2 =	vmin.u32 v2, $0x61A8  }
0x294: {  	v26 =	vld [tilespmem:$0x450];
	[tilespmem:$0x1BD0] =	vst v2;
	v2 =	vsub.s32 v14, v0  }
0x295: {  	[tilespmem:$0x13E0] =	vst v3;
	v2 =	vmin.u32 v2, $0x61A8;
	v3 =	vld [tilespmem:$0xC10]  }
0x296: {  	v34 =	vld [tilespmem:$0x4A0];
	[tilespmem:$0x1BE0] =	vst v2;
	v2 =	vsub.s32 v15, v0  }
0x297: {  	v20 =	vld [tilespmem:$0xC20];
	[tilespmem:$0x1400] =	vst v18;
	v2 =	vmin.u32 v2, $0x61A8  }
0x298: {  	v42 =	vld [tilespmem:$0x4F0];
	[tilespmem:$0x1BF0] =	vst v2;
	v2 =	vsub.s32 v17, v0  }
0x299: {  	[tilespmem:$0x1450] =	vst v26;
	v22 =	vld [tilespmem:$0xC30];
	v2 =	vmin.u32 v2, $0x61A8  }
0x29a: {  	[tilespmem:$0x1C00] =	vst v2;
	v2 =	vsub.s32 v3, v0;
	v3 =	vld [tilespmem:$0x430]  }
0x29b: {  	v23 =	vld [tilespmem:$0xC40];
	[tilespmem:$0x14A0] =	vst v34;
	v2 =	vmin.u32 v2, $0x61A8  }
0x29c: {  	v50 =	vld [tilespmem:$0x540];
	[tilespmem:$0x1C10] =	vst v2;
	v2 =	vsub.s32 v20, v0  }
0x29d: {  	v25 =	vld [tilespmem:$0xC50];
	[tilespmem:$0x14F0] =	vst v42;
	v2 =	vmin.u32 v2, $0x61A8  }
0x29e: {  	v58 =	vld [tilespmem:$0x590];
	[tilespmem:$0x1C20] =	vst v2;
	v2 =	vsub.s32 v22, v0  }
0x29f: {  	[tilespmem:$0x1430] =	vst v3;
	v2 =	vmin.u32 v2, $0x61A8;
	v3 =	vld [tilespmem:$0xC60]  }
0x2a0: {  	v11 =	vld [tilespmem:$0x5E0];
	[tilespmem:$0x1C30] =	vst v2;
	v2 =	vsub.s32 v23, v0  }
0x2a1: {  	v28 =	vld [tilespmem:$0xC70];
	[tilespmem:$0x1540] =	vst v50;
	v2 =	vmin.u32 v2, $0x61A8  }
0x2a2: {  	v19 =	vld [tilespmem:$0x410];
	[tilespmem:$0x1C40] =	vst v2;
	v2 =	vsub.s32 v25, v0  }
0x2a3: {  	[tilespmem:$0x1590] =	vst v58;
	v30 =	vld [tilespmem:$0xC80];
	v2 =	vmin.u32 v2, $0x61A8  }
0x2a4: {  	[tilespmem:$0x1C50] =	vst v2;
	v2 =	vsub.s32 v3, v0;
	v3 =	vld [tilespmem:$0x480]  }
0x2a5: {  	v31 =	vld [tilespmem:$0xC90];
	[tilespmem:$0x15E0] =	vst v11;
	v2 =	vmin.u32 v2, $0x61A8  }
0x2a6: {  	v16 =	vld [tilespmem:$0x3F0];
	[tilespmem:$0x1C60] =	vst v2;
	v2 =	vsub.s32 v28, v0  }
0x2a7: {  	v33 =	vld [tilespmem:$0xCA0];
	[tilespmem:$0x1410] =	vst v19;
	v2 =	vmin.u32 v2, $0x61A8  }
0x2a8: {  	v21 =	vld [tilespmem:$0x420];
	[tilespmem:$0x1C70] =	vst v2;
	v2 =	vsub.s32 v30, v0  }
0x2a9: {  	[tilespmem:$0x1480] =	vst v3;
	v2 =	vmin.u32 v2, $0x61A8;
	v3 =	vld [tilespmem:$0xCB0]  }
0x2aa: {  	v19 =	vld [tilespmem:$0x630];
	[tilespmem:$0x1C80] =	vst v2;
	v2 =	vsub.s32 v31, v0  }
0x2ab: {  	v36 =	vld [tilespmem:$0xCC0];
	[tilespmem:$0x13F0] =	vst v16;
	v2 =	vmin.u32 v2, $0x61A8  }
0x2ac: {  	v27 =	vld [tilespmem:$0x460];
	[tilespmem:$0x1C90] =	vst v2;
	v2 =	vsub.s32 v33, v0  }
0x2ad: {  	[tilespmem:$0x1420] =	vst v21;
	v38 =	vld [tilespmem:$0xCD0];
	v2 =	vmin.u32 v2, $0x61A8  }
0x2ae: {  	[tilespmem:$0x1CA0] =	vst v2;
	v2 =	vsub.s32 v3, v0;
	v3 =	vld [tilespmem:$0x4D0]  }
0x2af: {  	v39 =	vld [tilespmem:$0xCE0];
	[tilespmem:$0x1630] =	vst v19;
	v2 =	vmin.u32 v2, $0x61A8  }
0x2b0: {  	v24 =	vld [tilespmem:$0x440];
	[tilespmem:$0x1CB0] =	vst v2;
	v2 =	vsub.s32 v36, v0  }
0x2b1: {  	v41 =	vld [tilespmem:$0xCF0];
	[tilespmem:$0x1460] =	vst v27;
	v2 =	vmin.u32 v2, $0x61A8  }
0x2b2: {  	v29 =	vld [tilespmem:$0x470];
	[tilespmem:$0x1CC0] =	vst v2;
	v2 =	vsub.s32 v38, v0  }
0x2b3: {  	[tilespmem:$0x14D0] =	vst v3;
	v2 =	vmin.u32 v2, $0x61A8;
	v3 =	vld [tilespmem:$0xD00]  }
0x2b4: {  	v27 =	vld [tilespmem:$0x680];
	[tilespmem:$0x1CD0] =	vst v2;
	v2 =	vsub.s32 v39, v0  }
0x2b5: {  	v44 =	vld [tilespmem:$0xD10];
	[tilespmem:$0x1440] =	vst v24;
	v2 =	vmin.u32 v2, $0x61A8  }
0x2b6: {  	v35 =	vld [tilespmem:$0x4B0];
	[tilespmem:$0x1CE0] =	vst v2;
	v2 =	vsub.s32 v41, v0  }
0x2b7: {  	[tilespmem:$0x1470] =	vst v29;
	v46 =	vld [tilespmem:$0xD20];
	v2 =	vmin.u32 v2, $0x61A8  }
0x2b8: {  	[tilespmem:$0x1CF0] =	vst v2;
	v2 =	vsub.s32 v3, v0;
	v3 =	vld [tilespmem:$0x520]  }
0x2b9: {  	v47 =	vld [tilespmem:$0xD30];
	[tilespmem:$0x1680] =	vst v27;
	v2 =	vmin.u32 v2, $0x61A8  }
0x2ba: {  	v32 =	vld [tilespmem:$0x490];
	[tilespmem:$0x1D00] =	vst v2;
	v2 =	vsub.s32 v44, v0  }
0x2bb: {  	v49 =	vld [tilespmem:$0xD40];
	[tilespmem:$0x14B0] =	vst v35;
	v2 =	vmin.u32 v2, $0x61A8  }
0x2bc: {  	v37 =	vld [tilespmem:$0x4C0];
	[tilespmem:$0x1D10] =	vst v2;
	v2 =	vsub.s32 v46, v0  }
0x2bd: {  	[tilespmem:$0x1520] =	vst v3;
	v2 =	vmin.u32 v2, $0x61A8;
	v3 =	vld [tilespmem:$0xD50]  }
0x2be: {  	v35 =	vld [tilespmem:$0x6D0];
	[tilespmem:$0x1D20] =	vst v2;
	v2 =	vsub.s32 v47, v0  }
0x2bf: {  	v52 =	vld [tilespmem:$0xD60];
	[tilespmem:$0x1490] =	vst v32;
	v2 =	vmin.u32 v2, $0x61A8  }
0x2c0: {  	v43 =	vld [tilespmem:$0x500];
	[tilespmem:$0x1D30] =	vst v2;
	v2 =	vsub.s32 v49, v0  }
0x2c1: {  	[tilespmem:$0x14C0] =	vst v37;
	v54 =	vld [tilespmem:$0xD70];
	v2 =	vmin.u32 v2, $0x61A8  }
0x2c2: {  	[tilespmem:$0x1D40] =	vst v2;
	v2 =	vsub.s32 v3, v0;
	v3 =	vld [tilespmem:$0x570]  }
0x2c3: {  	v55 =	vld [tilespmem:$0xD80];
	[tilespmem:$0x16D0] =	vst v35;
	v2 =	vmin.u32 v2, $0x61A8  }
0x2c4: {  	v40 =	vld [tilespmem:$0x4E0];
	[tilespmem:$0x1D50] =	vst v2;
	v2 =	vsub.s32 v52, v0  }
0x2c5: {  	v57 =	vld [tilespmem:$0xD90];
	[tilespmem:$0x1500] =	vst v43;
	v2 =	vmin.u32 v2, $0x61A8  }
0x2c6: {  	v45 =	vld [tilespmem:$0x510];
	[tilespmem:$0x1D60] =	vst v2;
	v2 =	vsub.s32 v54, v0  }
0x2c7: {  	[tilespmem:$0x1570] =	vst v3;
	v2 =	vmin.u32 v2, $0x61A8;
	v3 =	vld [tilespmem:$0xDA0]  }
0x2c8: {  	v43 =	vld [tilespmem:$0x720];
	[tilespmem:$0x1D70] =	vst v2;
	v2 =	vsub.s32 v55, v0  }
0x2c9: {  	v60 =	vld [tilespmem:$0xDB0];
	[tilespmem:$0x14E0] =	vst v40;
	v2 =	vmin.u32 v2, $0x61A8  }
0x2ca: {  	v51 =	vld [tilespmem:$0x550];
	[tilespmem:$0x1D80] =	vst v2;
	v2 =	vsub.s32 v57, v0  }
0x2cb: {  	[tilespmem:$0x1510] =	vst v45;
	v62 =	vld [tilespmem:$0xDC0];
	v2 =	vmin.u32 v2, $0x61A8  }
0x2cc: {  	[tilespmem:$0x1D90] =	vst v2;
	v2 =	vsub.s32 v3, v0;
	v3 =	vld [tilespmem:$0x5C0]  }
0x2cd: {  	v63 =	vld [tilespmem:$0xDD0];
	[tilespmem:$0x1720] =	vst v43;
	v2 =	vmin.u32 v2, $0x61A8  }
0x2ce: {  	v48 =	vld [tilespmem:$0x530];
	[tilespmem:$0x1DA0] =	vst v2;
	v2 =	vsub.s32 v60, v0  }
0x2cf: {  	v10 =	vld [tilespmem:$0xDE0];
	[tilespmem:$0x1550] =	vst v51;
	v2 =	vmin.u32 v2, $0x61A8  }
0x2d0: {  	v53 =	vld [tilespmem:$0x560];
	[tilespmem:$0x1DB0] =	vst v2;
	v2 =	vsub.s32 v62, v0  }
0x2d1: {  	[tilespmem:$0x15C0] =	vst v3;
	v2 =	vmin.u32 v2, $0x61A8;
	v3 =	vld [tilespmem:$0xDF0]  }
0x2d2: {  	v51 =	vld [tilespmem:$0x770];
	[tilespmem:$0x1DC0] =	vst v2;
	v2 =	vsub.s32 v63, v0  }
0x2d3: {  	v13 =	vld [tilespmem:$0xE00];
	[tilespmem:$0x1530] =	vst v48;
	v2 =	vmin.u32 v2, $0x61A8  }
0x2d4: {  	v59 =	vld [tilespmem:$0x5A0];
	[tilespmem:$0x1DD0] =	vst v2;
	v2 =	vsub.s32 v10, v0  }
0x2d5: {  	[tilespmem:$0x1560] =	vst v53;
	v15 =	vld [tilespmem:$0xE10];
	v2 =	vmin.u32 v2, $0x61A8  }
0x2d6: {  	[tilespmem:$0x1DE0] =	vst v2;
	v2 =	vsub.s32 v3, v0;
	v3 =	vld [tilespmem:$0x610]  }
0x2d7: {  	v16 =	vld [tilespmem:$0xE20];
	[tilespmem:$0x1770] =	vst v51;
	v2 =	vmin.u32 v2, $0x61A8  }
0x2d8: {  	v56 =	vld [tilespmem:$0x580];
	[tilespmem:$0x1DF0] =	vst v2;
	v2 =	vsub.s32 v13, v0  }
0x2d9: {  	v18 =	vld [tilespmem:$0xE30];
	[tilespmem:$0x15A0] =	vst v59;
	v2 =	vmin.u32 v2, $0x61A8  }
0x2da: {  	v61 =	vld [tilespmem:$0x5B0];
	[tilespmem:$0x1E00] =	vst v2;
	v2 =	vsub.s32 v15, v0  }
0x2db: {  	[tilespmem:$0x1610] =	vst v3;
	v2 =	vmin.u32 v2, $0x61A8;
	v3 =	vld [tilespmem:$0xE40]  }
0x2dc: {  	v59 =	vld [tilespmem:$0x7C0];
	[tilespmem:$0x1E10] =	vst v2;
	v2 =	vsub.s32 v16, v0  }
0x2dd: {  	v21 =	vld [tilespmem:$0xE50];
	[tilespmem:$0x1580] =	vst v56;
	v2 =	vmin.u32 v2, $0x61A8  }
0x2de: {  	v9 =	vld [tilespmem:$0x5D0];
	[tilespmem:$0x1E20] =	vst v2;
	v2 =	vsub.s32 v18, v0  }
0x2df: {  	[tilespmem:$0x15B0] =	vst v61;
	v23 =	vld [tilespmem:$0xE60];
	v2 =	vmin.u32 v2, $0x61A8  }
0x2e0: {  	[tilespmem:$0x1E30] =	vst v2;
	v2 =	vsub.s32 v3, v0;
	v3 =	vld [tilespmem:$0x660]  }
0x2e1: {  	v24 =	vld [tilespmem:$0xE70];
	[tilespmem:$0x17C0] =	vst v59;
	v2 =	vmin.u32 v2, $0x61A8  }
0x2e2: {  	v12 =	vld [tilespmem:$0x5F0];
	[tilespmem:$0x1E40] =	vst v2;
	v2 =	vsub.s32 v21, v0  }
0x2e3: {  	v26 =	vld [tilespmem:$0xE80];
	[tilespmem:$0x15D0] =	vst v9;
	v2 =	vmin.u32 v2, $0x61A8  }
0x2e4: {  	v14 =	vld [tilespmem:$0x600];
	[tilespmem:$0x1E50] =	vst v2;
	v2 =	vsub.s32 v23, v0  }
0x2e5: {  	[tilespmem:$0x1660] =	vst v3;
	v2 =	vmin.u32 v2, $0x61A8;
	v3 =	vld [tilespmem:$0xE90]  }
0x2e6: {  	v17 =	vld [tilespmem:$0x620];
	[tilespmem:$0x1E60] =	vst v2;
	v2 =	vsub.s32 v24, v0  }
0x2e7: {  	v29 =	vld [tilespmem:$0xEA0];
	[tilespmem:$0x15F0] =	vst v12;
	v2 =	vmin.u32 v2, $0x61A8  }
0x2e8: {  	v20 =	vld [tilespmem:$0x640];
	[tilespmem:$0x1E70] =	vst v2;
	v2 =	vsub.s32 v26, v0  }
0x2e9: {  	[tilespmem:$0x1600] =	vst v14;
	v31 =	vld [tilespmem:$0xEB0];
	v2 =	vmin.u32 v2, $0x61A8  }
0x2ea: {  	[tilespmem:$0x1E80] =	vst v2;
	v2 =	vsub.s32 v3, v0;
	v3 =	vld [tilespmem:$0x6B0]  }
0x2eb: {  	v32 =	vld [tilespmem:$0xEC0];
	[tilespmem:$0x1620] =	vst v17;
	v2 =	vmin.u32 v2, $0x61A8  }
0x2ec: {  	v22 =	vld [tilespmem:$0x650];
	[tilespmem:$0x1E90] =	vst v2;
	v2 =	vsub.s32 v29, v0  }
0x2ed: {  	v34 =	vld [tilespmem:$0xED0];
	[tilespmem:$0x1640] =	vst v20;
	v2 =	vmin.u32 v2, $0x61A8  }
0x2ee: {  	v25 =	vld [tilespmem:$0x670];
	[tilespmem:$0x1EA0] =	vst v2;
	v2 =	vsub.s32 v31, v0  }
0x2ef: {  	[tilespmem:$0x16B0] =	vst v3;
	v2 =	vmin.u32 v2, $0x61A8;
	v3 =	vld [tilespmem:$0xEE0]  }
0x2f0: {  	v28 =	vld [tilespmem:$0x690];
	[tilespmem:$0x1EB0] =	vst v2;
	v2 =	vsub.s32 v32, v0  }
0x2f1: {  	v37 =	vld [tilespmem:$0xEF0];
	[tilespmem:$0x1650] =	vst v22;
	v2 =	vmin.u32 v2, $0x61A8  }
0x2f2: {  	v30 =	vld [tilespmem:$0x6A0];
	[tilespmem:$0x1EC0] =	vst v2;
	v2 =	vsub.s32 v34, v0  }
0x2f3: {  	[tilespmem:$0x1670] =	vst v25;
	v39 =	vld [tilespmem:$0xF00];
	v2 =	vmin.u32 v2, $0x61A8  }
0x2f4: {  	[tilespmem:$0x1ED0] =	vst v2;
	v2 =	vsub.s32 v3, v0;
	v3 =	vld [tilespmem:$0x700]  }
0x2f5: {  	v40 =	vld [tilespmem:$0xF10];
	[tilespmem:$0x1690] =	vst v28;
	v2 =	vmin.u32 v2, $0x61A8  }
0x2f6: {  	v33 =	vld [tilespmem:$0x6C0];
	[tilespmem:$0x1EE0] =	vst v2;
	v2 =	vsub.s32 v37, v0  }
0x2f7: {  	v42 =	vld [tilespmem:$0xF20];
	[tilespmem:$0x16A0] =	vst v30;
	v2 =	vmin.u32 v2, $0x61A8  }
0x2f8: {  	v36 =	vld [tilespmem:$0x6E0];
	[tilespmem:$0x1EF0] =	vst v2;
	v2 =	vsub.s32 v39, v0  }
0x2f9: {  	[tilespmem:$0x1700] =	vst v3;
	v2 =	vmin.u32 v2, $0x61A8;
	v3 =	vld [tilespmem:$0xF30]  }
0x2fa: {  	v38 =	vld [tilespmem:$0x6F0];
	[tilespmem:$0x1F00] =	vst v2;
	v2 =	vsub.s32 v40, v0  }
0x2fb: {  	v45 =	vld [tilespmem:$0xF40];
	[tilespmem:$0x16C0] =	vst v33;
	v2 =	vmin.u32 v2, $0x61A8  }
0x2fc: {  	v41 =	vld [tilespmem:$0x710];
	[tilespmem:$0x1F10] =	vst v2;
	v2 =	vsub.s32 v42, v0  }
0x2fd: {  	[tilespmem:$0x16E0] =	vst v36;
	v47 =	vld [tilespmem:$0xF50];
	v2 =	vmin.u32 v2, $0x61A8  }
0x2fe: {  	[tilespmem:$0x1F20] =	vst v2;
	v2 =	vsub.s32 v3, v0;
	v3 =	vld [tilespmem:$0x750]  }
0x2ff: {  	v48 =	vld [tilespmem:$0xF60];
	[tilespmem:$0x16F0] =	vst v38;
	v2 =	vmin.u32 v2, $0x61A8  }
0x300: {  	v44 =	vld [tilespmem:$0x730];
	[tilespmem:$0x1F30] =	vst v2;
	v2 =	vsub.s32 v45, v0  }
0x301: {  	v50 =	vld [tilespmem:$0xF70];
	[tilespmem:$0x1710] =	vst v41;
	v2 =	vmin.u32 v2, $0x61A8  }
0x302: {  	v46 =	vld [tilespmem:$0x740];
	[tilespmem:$0x1F40] =	vst v2;
	v2 =	vsub.s32 v47, v0  }
0x303: {  	[tilespmem:$0x1750] =	vst v3;
	v2 =	vmin.u32 v2, $0x61A8;
	v3 =	vld [tilespmem:$0xF80]  }
0x304: {  	v49 =	vld [tilespmem:$0x760];
	[tilespmem:$0x1F50] =	vst v2;
	v2 =	vsub.s32 v48, v0  }
0x305: {  	v53 =	vld [tilespmem:$0xF90];
	[tilespmem:$0x1730] =	vst v44;
	v2 =	vmin.u32 v2, $0x61A8  }
0x306: {  	v52 =	vld [tilespmem:$0x780];
	[tilespmem:$0x1F60] =	vst v2;
	v2 =	vsub.s32 v50, v0  }
0x307: {  	[tilespmem:$0x1740] =	vst v46;
	v55 =	vld [tilespmem:$0xFA0];
	v2 =	vmin.u32 v2, $0x61A8  }
0x308: {  	[tilespmem:$0x1F70] =	vst v2;
	v2 =	vsub.s32 v3, v0;
	v3 =	vld [tilespmem:$0x7A0]  }
0x309: {  	v56 =	vld [tilespmem:$0xFB0];
	[tilespmem:$0x1760] =	vst v49;
	v2 =	vmin.u32 v2, $0x61A8  }
0x30a: {  	v54 =	vld [tilespmem:$0x790];
	[tilespmem:$0x1F80] =	vst v2;
	v2 =	vsub.s32 v53, v0  }
0x30b: {  	v58 =	vld [tilespmem:$0xFC0];
	[tilespmem:$0x1780] =	vst v52;
	v2 =	vmin.u32 v2, $0x61A8  }
0x30c: {  	v57 =	vld [tilespmem:$0x7B0];
	[tilespmem:$0x1F90] =	vst v2;
	v2 =	vsub.s32 v55, v0  }
0x30d: {  	[tilespmem:$0x17A0] =	vst v3;
	v2 =	vmin.u32 v2, $0x61A8;
	v3 =	vld [tilespmem:$0xFD0]  }
0x30e: {  	v60 =	vld [tilespmem:$0x7D0];
	[tilespmem:$0x1FA0] =	vst v2;
	v2 =	vsub.s32 v56, v0  }
0x30f: {  	v61 =	vld [tilespmem:$0xFE0];
	[tilespmem:$0x1790] =	vst v54;
	v2 =	vmin.u32 v2, $0x61A8  }
0x310: {  	v62 =	vld [tilespmem:$0x7E0];
	[tilespmem:$0x1FB0] =	vst v2;
	v2 =	vsub.s32 v58, v0  }
0x311: {  	[tilespmem:$0x17B0] =	vst v57;
	v63 =	vld [tilespmem:$0xFF0];
	v2 =	vmin.u32 v2, $0x61A8  }
0x312: {  	[tilespmem:$0x1FC0] =	vst v2;
	v2 =	vsub.s32 v3, v0;
	v3 =	vld [tilespmem:$0x7F0]  }
0x313: {  	[tilespmem:$0x17D0] =	vst v60;
	v2 =	vmin.u32 v2, $0x61A8  }
0x314: {  	[tilespmem:$0x1FD0] =	vst v2;
	v2 =	vsub.s32 v61, v0  }
0x315: {  	[tilespmem:$0x17E0] =	vst v62;
	v2 =	vmin.u32 v2, $0x61A8  }
0x316: {  	[tilespmem:$0x1FE0] =	vst v2;
	v2 =	vsub.s32 v63, v0  }
0x317: {  	[tilespmem:$0x17F0] =	vst v3;
	v2 =	vmin.u32 v2, $0x61A8  }
0x318: {  	s23 =	simm.s32 $0x1000;
	[tilespmem:$0x1FF0] =	vst v2  }
0x319: {  	[tilespmem:s26], [sflag:$0x1] =	stream.indirect.gather [hbm4b:s5+s24], $0x20, s23, s24, $0xb8;
	[tilespmem:$0x13A00] =	vst v63  }
0x31a: {  	s23 =	simm.s32 $0x1080  }
0x31b: {  	[tilespmem:s29], [sflag:$0x2] =	stream.indirect.gather [hbm4b:s5+s24], $0x20, s23, s24, $0xb8;
	[tilespmem:$0x13A00] =	vst v63  }
0x31c: {  	_ =	swait.ge [sflag:s30], $0x1000  }
0x31d: {  	[sflag:s30] =	ssyncset.done $0x0  }
0x31e: {  	s23 =	simm.s32 $0x1800;
	[sflag:s30] =	ssyncadd.s32 $0xFFFFF000  }
0x31f: {  	[spmem:s2] =	stream.indirect.scatter.add.f32 [tilespmem:s26], [sflag:$0x3], $0x20, s23, s24, $0xb8;
	[tilespmem:$0x13A00] =	vst v63  }
0x320: {  	_ =	swait.ge [sflag:s0], $0x1000  }
0x321: {  	[sflag:s0] =	ssyncset.done $0x0  }
0x322: {  	s23 =	simm.s32 $0x1100;
	[sflag:s0] =	ssyncadd.s32 $0xFFFFF000  }
0x323: {  	[tilespmem:s26], [sflag:$0x1] =	stream.indirect.gather [hbm4b:s5+s24], $0x20, s23, s24, $0xb8;
	[tilespmem:$0x13A00] =	vst v63  }
0x324: {  	_ =	swait.ge [sflag:s10], $0x1000  }
0x325: {  	[sflag:s10] =	ssyncset.done $0x0  }
0x326: {  	s23 =	simm.s32 $0x1880;
	[sflag:s10] =	ssyncadd.s32 $0xFFFFF000  }
0x327: {  	[spmem:s2] =	stream.indirect.scatter.add.f32 [tilespmem:s29], [sflag:$0x4], $0x20, s23, s24, $0xb8;
	[tilespmem:$0x13A00] =	vst v63  }
0x328: {  	_ =	swait.ge [sflag:s12], $0x1000  }
0x329: {  	[sflag:s12] =	ssyncset.done $0x0  }
0x32a: {  	s23 =	simm.s32 $0x1180;
	[sflag:s12] =	ssyncadd.s32 $0xFFFFF000  }
0x32b: {  	[tilespmem:s29], [sflag:$0x2] =	stream.indirect.gather [hbm4b:s5+s24], $0x20, s23, s24, $0xb8;
	[tilespmem:$0x13A00] =	vst v63  }
0x32c: {  	_ =	swait.ge [sflag:s30], $0x1000  }
0x32d: {  	[sflag:s30] =	ssyncset.done $0x0  }
0x32e: {  	s23 =	simm.s32 $0x1900;
	[sflag:s30] =	ssyncadd.s32 $0xFFFFF000  }
0x32f: {  	[spmem:s2] =	stream.indirect.scatter.add.f32 [tilespmem:s26], [sflag:$0x3], $0x20, s23, s24, $0xb8;
	[tilespmem:$0x13A00] =	vst v63  }
0x330: {  	_ =	swait.ge [sflag:s0], $0x1000  }
0x331: {  	[sflag:s0] =	ssyncset.done $0x0  }
0x332: {  	s23 =	simm.s32 $0x1200;
	[sflag:s0] =	ssyncadd.s32 $0xFFFFF000  }
0x333: {  	[tilespmem:s26], [sflag:$0x1] =	stream.indirect.gather [hbm4b:s5+s24], $0x20, s23, s24, $0xb8;
	[tilespmem:$0x13A00] =	vst v63  }
0x334: {  	_ =	swait.ge [sflag:s10], $0x1000  }
0x335: {  	[sflag:s10] =	ssyncset.done $0x0  }
0x336: {  	s23 =	simm.s32 $0x1980;
	[sflag:s10] =	ssyncadd.s32 $0xFFFFF000  }
0x337: {  	[spmem:s2] =	stream.indirect.scatter.add.f32 [tilespmem:s29], [sflag:$0x4], $0x20, s23, s24, $0xb8;
	[tilespmem:$0x13A00] =	vst v63  }
0x338: {  	_ =	swait.ge [sflag:s12], $0x1000  }
0x339: {  	[sflag:s12] =	ssyncset.done $0x0  }
0x33a: {  	s23 =	simm.s32 $0x1280;
	[sflag:s12] =	ssyncadd.s32 $0xFFFFF000  }
0x33b: {  	[tilespmem:s29], [sflag:$0x2] =	stream.indirect.gather [hbm4b:s5+s24], $0x20, s23, s24, $0xb8;
	[tilespmem:$0x13A00] =	vst v63  }
0x33c: {  	_ =	swait.ge [sflag:s30], $0x1000  }
0x33d: {  	[sflag:s30] =	ssyncset.done $0x0  }
0x33e: {  	s23 =	simm.s32 $0x1A00;
	[sflag:s30] =	ssyncadd.s32 $0xFFFFF000  }
0x33f: {  	[spmem:s2] =	stream.indirect.scatter.add.f32 [tilespmem:s26], [sflag:$0x3], $0x20, s23, s24, $0xb8;
	[tilespmem:$0x13A00] =	vst v63  }
0x340: {  	_ =	swait.ge [sflag:s0], $0x1000  }
0x341: {  	[sflag:s0] =	ssyncset.done $0x0  }
0x342: {  	s23 =	simm.s32 $0x1300;
	[sflag:s0] =	ssyncadd.s32 $0xFFFFF000  }
0x343: {  	[tilespmem:s26], [sflag:$0x1] =	stream.indirect.gather [hbm4b:s5+s24], $0x20, s23, s24, $0xb8;
	[tilespmem:$0x13A00] =	vst v63  }
0x344: {  	_ =	swait.ge [sflag:s10], $0x1000  }
0x345: {  	[sflag:s10] =	ssyncset.done $0x0  }
0x346: {  	s23 =	simm.s32 $0x1A80;
	[sflag:s10] =	ssyncadd.s32 $0xFFFFF000  }
0x347: {  	[spmem:s2] =	stream.indirect.scatter.add.f32 [tilespmem:s29], [sflag:$0x4], $0x20, s23, s24, $0xb8;
	[tilespmem:$0x13A00] =	vst v63  }
0x348: {  	_ =	swait.ge [sflag:s12], $0x1000  }
0x349: {  	[sflag:s12] =	ssyncset.done $0x0  }
0x34a: {  	s23 =	simm.s32 $0x1380;
	[sflag:s12] =	ssyncadd.s32 $0xFFFFF000  }
0x34b: {  	[tilespmem:s29], [sflag:$0x2] =	stream.indirect.gather [hbm4b:s5+s24], $0x20, s23, s24, $0xb8;
	[tilespmem:$0x13A00] =	vst v63  }
0x34c: {  	_ =	swait.ge [sflag:s30], $0x1000  }
0x34d: {  	[sflag:s30] =	ssyncset.done $0x0  }
0x34e: {  	s23 =	simm.s32 $0x1B00;
	[sflag:s30] =	ssyncadd.s32 $0xFFFFF000  }
0x34f: {  	[spmem:s2] =	stream.indirect.scatter.add.f32 [tilespmem:s26], [sflag:$0x3], $0x20, s23, s24, $0xb8;
	[tilespmem:$0x13A00] =	vst v63  }
0x350: {  	_ =	swait.ge [sflag:s0], $0x1000  }
0x351: {  	[sflag:s0] =	ssyncset.done $0x0  }
0x352: {  	s23 =	simm.s32 $0x1400;
	[sflag:s0] =	ssyncadd.s32 $0xFFFFF000  }
0x353: {  	[tilespmem:s26], [sflag:$0x1] =	stream.indirect.gather [hbm4b:s5+s24], $0x20, s23, s24, $0xb8;
	[tilespmem:$0x13A00] =	vst v63  }
0x354: {  	_ =	swait.ge [sflag:s10], $0x1000  }
0x355: {  	[sflag:s10] =	ssyncset.done $0x0  }
0x356: {  	s23 =	simm.s32 $0x1B80;
	[sflag:s10] =	ssyncadd.s32 $0xFFFFF000  }
0x357: {  	[spmem:s2] =	stream.indirect.scatter.add.f32 [tilespmem:s29], [sflag:$0x4], $0x20, s23, s24, $0xb8;
	[tilespmem:$0x13A00] =	vst v63  }
0x358: {  	_ =	swait.ge [sflag:s12], $0x1000  }
0x359: {  	[sflag:s12] =	ssyncset.done $0x0  }
0x35a: {  	s23 =	simm.s32 $0x1480;
	[sflag:s12] =	ssyncadd.s32 $0xFFFFF000  }
0x35b: {  	[tilespmem:s29], [sflag:$0x2] =	stream.indirect.gather [hbm4b:s5+s24], $0x20, s23, s24, $0xb8;
	[tilespmem:$0x13A00] =	vst v63  }
0x35c: {  	_ =	swait.ge [sflag:s30], $0x1000  }
0x35d: {  	[sflag:s30] =	ssyncset.done $0x0  }
0x35e: {  	[sflag:s30] =	ssyncadd.s32 $0xFFFFF000  }
0x35f: {  	[spmem:s2] =	stream.indirect.scatter.add.f32 [tilespmem:s26], [sflag:$0x3], $0x20, s11, s24, $0xb8;
	[tilespmem:$0x13A00] =	vst v63  }
0x360: {  	_ =	swait.ge [sflag:s0], $0x1000  }
0x361: {  	[sflag:s0] =	ssyncset.done $0x0  }
0x362: {  	[sflag:s0] =	ssyncadd.s32 $0xFFFFF000  }
0x363: {  	[tilespmem:s26], [sflag:$0x1] =	stream.indirect.gather [hbm4b:s5+s24], $0x20, s13, s24, $0xb8;
	[tilespmem:$0x13A00] =	vst v63  }
0x364: {  	_ =	swait.ge [sflag:s10], $0x1000  }
0x365: {  	[sflag:s10] =	ssyncset.done $0x0  }
0x366: {  	[sflag:s10] =	ssyncadd.s32 $0xFFFFF000  }
0x367: {  	[spmem:s2] =	stream.indirect.scatter.add.f32 [tilespmem:s29], [sflag:$0x4], $0x20, s14, s24, $0xb8;
	[tilespmem:$0x13A00] =	vst v63  }
0x368: {  	_ =	swait.ge [sflag:s12], $0x1000  }
0x369: {  	[sflag:s12] =	ssyncset.done $0x0  }
0x36a: {  	[sflag:s12] =	ssyncadd.s32 $0xFFFFF000  }
0x36b: {  	[tilespmem:s29], [sflag:$0x2] =	stream.indirect.gather [hbm4b:s5+s24], $0x20, s15, s24, $0xb8;
	[tilespmem:$0x13A00] =	vst v63  }
0x36c: {  	_ =	swait.ge [sflag:s30], $0x1000  }
0x36d: {  	[sflag:s30] =	ssyncset.done $0x0  }
0x36e: {  	[sflag:s30] =	ssyncadd.s32 $0xFFFFF000  }
0x36f: {  	[spmem:s2] =	stream.indirect.scatter.add.f32 [tilespmem:s26], [sflag:$0x3], $0x20, s16, s24, $0xb8;
	[tilespmem:$0x13A00] =	vst v63  }
0x370: {  	_ =	swait.ge [sflag:s0], $0x1000  }
0x371: {  	[sflag:s0] =	ssyncset.done $0x0  }
0x372: {  	[sflag:s0] =	ssyncadd.s32 $0xFFFFF000  }
0x373: {  	[tilespmem:s26], [sflag:$0x1] =	stream.indirect.gather [hbm4b:s5+s24], $0x20, s17, s24, $0xb8;
	[tilespmem:$0x13A00] =	vst v63  }
0x374: {  	_ =	swait.ge [sflag:s10], $0x1000  }
0x375: {  	[sflag:s10] =	ssyncset.done $0x0  }
0x376: {  	[sflag:s10] =	ssyncadd.s32 $0xFFFFF000  }
0x377: {  	[spmem:s2] =	stream.indirect.scatter.add.f32 [tilespmem:s29], [sflag:$0x4], $0x20, s18, s24, $0xb8;
	[tilespmem:$0x13A00] =	vst v63  }
0x378: {  	_ =	swait.ge [sflag:s12], $0x1000  }
0x379: {  	[sflag:s12] =	ssyncset.done $0x0  }
0x37a: {  	[sflag:s12] =	ssyncadd.s32 $0xFFFFF000  }
0x37b: {  	[tilespmem:s29], [sflag:$0x2] =	stream.indirect.gather [hbm4b:s5+s24], $0x20, s7, s24, $0xb8;
	[tilespmem:$0x13A00] =	vst v63  }
0x37c: {  	_ =	swait.ge [sflag:s30], $0x1000  }
0x37d: {  	[sflag:s30] =	ssyncset.done $0x0  }
0x37e: {  	[sflag:s30] =	ssyncadd.s32 $0xFFFFF000  }
0x37f: {  	[spmem:s2] =	stream.indirect.scatter.add.f32 [tilespmem:s26], [sflag:$0x3], $0x20, s8, s24, $0xb8;
	[tilespmem:$0x13A00] =	vst v63  }
0x380: {  	_ =	swait.ge [sflag:s0], $0x1000  }
0x381: {  	[sflag:s0] =	ssyncset.done $0x0  }
0x382: {  	[sflag:s0] =	ssyncadd.s32 $0xFFFFF000  }
0x383: {  	[tilespmem:s26], [sflag:$0x1] =	stream.indirect.gather [hbm4b:s5+s24], $0x20, s9, s24, $0xb8;
	[tilespmem:$0x13A00] =	vst v63  }
0x384: {  	_ =	swait.ge [sflag:s10], $0x1000  }
0x385: {  	[sflag:s10] =	ssyncset.done $0x0  }
0x386: {  	[sflag:s10] =	ssyncadd.s32 $0xFFFFF000  }
0x387: {  	[spmem:s2] =	stream.indirect.scatter.add.f32 [tilespmem:s29], [sflag:$0x4], $0x20, s6, s24, $0xb8;
	[tilespmem:$0x13A00] =	vst v63  }
0x388: {  	_ =	swait.ge [sflag:s12], $0x1000  }
0x389: {  	[sflag:s12] =	ssyncset.done $0x0  }
0x38a: {  	[sflag:s12] =	ssyncadd.s32 $0xFFFFF000  }
0x38b: {  	[tilespmem:s29], [sflag:$0x2] =	stream.indirect.gather [hbm4b:s5+s24], $0x20, s28, s24, $0xb8;
	[tilespmem:$0x13A00] =	vst v63  }
0x38c: {  	_ =	swait.ge [sflag:s30], $0x1000  }
0x38d: {  	[sflag:s30] =	ssyncset.done $0x0  }
0x38e: {  	[sflag:s30] =	ssyncadd.s32 $0xFFFFF000  }
0x38f: {  	[spmem:s2] =	stream.indirect.scatter.add.f32 [tilespmem:s26], [sflag:$0x3], $0x20, s25, s24, $0xb8;
	[tilespmem:$0x13A00] =	vst v63  }
0x390: {  	_ =	swait.ge [sflag:s10], $0x1000  }
0x391: {  	[sflag:s10] =	ssyncset.done $0x0  }
0x392: {  	[sflag:s10] =	ssyncadd.s32 $0xFFFFF000  }
0x393: {  	[spmem:s2] =	stream.indirect.scatter.add.f32 [tilespmem:s29], [sflag:$0x4], $0x20, s31, s24, $0xb8;
	[tilespmem:$0x13A00] =	vst v63  }
0x394: {  	p0 =	sne.s32 s21, $0x1900;
	_ =	swait.ge [sflag:s0], $0x1000  }
.Ltmp3:
0x395: {  	[sflag:s0] =	ssyncset.done $0x0;
	(pc) =	sbr.rel @p0 .LBB2_8-.Ltmp3, $4  }
0x396: {  	[sflag:s0] =	ssyncadd.s32 $0xFFFFF000  }
0x397: {  	_ =	swait.ge [sflag:s12], $0x1000  }
0x398: {  	[sflag:s12] =	ssyncset.done $0x0  }
0x399: {  	s21 =	sadd.s32 $0x100, s21;
	[sflag:s12] =	ssyncadd.s32 $0xFFFFF000  }
0x39a: {  	[bflag:$0x0] =	sbarrier.arrive $0xFFFF  }
0x39b: {  	s23 =	simm.s32 $0x4000;
	s11 =	rddreg [dreg:$0x3]  }
0x39c: {  	[tilespmem:s23], [sflag:$0x5] =	stream.linear.gather [spmem:s11], $0x3200, $0x38;
	[tilespmem:$0x13A00] =	vst v63  }
0x39d: {  	_ =	swait.ge [sflag:s22], $0x3200  }
0x39e: {  	[sflag:s22] =	ssyncset.done $0x0  }
0x39f: {  	s21 =	rddreg [dreg:$0xb];
	[sflag:s22] =	ssyncadd.s32 $0xFFFFCE00  }
0x3a0: {  	[hbm4b:s21+s3] =	stream.linear.scatter [tilespmem:s23], [sflag:$0x5], $0x3200, $0x38;
	[tilespmem:$0x13A00] =	vst v63  }
0x3a1: {  	_ =	swait.ge [sflag:s22], $0x3200  }
0x3a2: {  	[sflag:s22] =	ssyncset.done $0x0  }
0x3a3: {  	s13 =	rddreg [dreg:$0x4];
	[sflag:s22] =	ssyncadd.s32 $0xFFFFCE00  }
0x3a4: {  	[tilespmem:s23], [sflag:$0x5] =	stream.linear.gather [spmem:s13], $0x3200, $0x38;
	[tilespmem:$0x13A00] =	vst v63  }
0x3a5: {  	_ =	swait.ge [sflag:s22], $0x3200  }
0x3a6: {  	[sflag:s22] =	ssyncset.done $0x0  }
0x3a7: {  	s16 =	rddreg [dreg:$0xc];
	[sflag:s22] =	ssyncadd.s32 $0xFFFFCE00  }
0x3a8: {  	[hbm4b:s16+s3] =	stream.linear.scatter [tilespmem:s23], [sflag:$0x5], $0x3200, $0x38;
	[tilespmem:$0x13A00] =	vst v63  }
0x3a9: {  	_ =	swait.ge [sflag:s22], $0x3200  }
0x3aa: {  	[sflag:s22] =	ssyncset.done $0x0  }
0x3ab: {  	s17 =	rddreg [dreg:$0x5];
	[sflag:s22] =	ssyncadd.s32 $0xFFFFCE00  }
0x3ac: {  	[tilespmem:s23], [sflag:$0x5] =	stream.linear.gather [spmem:s17], $0x3200, $0x38;
	[tilespmem:$0x13A00] =	vst v63  }
0x3ad: {  	_ =	swait.ge [sflag:s22], $0x3200  }
0x3ae: {  	[sflag:s22] =	ssyncset.done $0x0  }
0x3af: {  	s18 =	rddreg [dreg:$0xd];
	[sflag:s22] =	ssyncadd.s32 $0xFFFFCE00  }
0x3b0: {  	[hbm4b:s18+s3] =	stream.linear.scatter [tilespmem:s23], [sflag:$0x5], $0x3200, $0x38;
	[tilespmem:$0x13A00] =	vst v63  }
0x3b1: {  	_ =	swait.ge [sflag:s22], $0x3200  }
0x3b2: {  	[sflag:s22] =	ssyncset.done $0x0  }
0x3b3: {  	s25 =	rddreg [dreg:$0x6];
	[sflag:s22] =	ssyncadd.s32 $0xFFFFCE00  }
0x3b4: {  	[tilespmem:s23], [sflag:$0x5] =	stream.linear.gather [spmem:s25], $0x3200, $0x38;
	[tilespmem:$0x13A00] =	vst v63  }
0x3b5: {  	_ =	swait.ge [sflag:s22], $0x3200  }
0x3b6: {  	[sflag:s22] =	ssyncset.done $0x0  }
0x3b7: {  	s28 =	rddreg [dreg:$0xe];
	[sflag:s22] =	ssyncadd.s32 $0xFFFFCE00  }
0x3b8: {  	[hbm4b:s28+s3] =	stream.linear.scatter [tilespmem:s23], [sflag:$0x5], $0x3200, $0x38;
	[tilespmem:$0x13A00] =	vst v63  }
0x3b9: {  	_ =	swait.ge [sflag:s22], $0x3200  }
0x3ba: {  	s1 =	rddreg [dreg:$0x10]  }
0x3bb: {  	s31 =	rddreg [dreg:$0xf];
	s1 =	sadd.s32 $0x1, s1  }
0x3bc: {  	p0 =	sne.s32 s1, s31  }
.Ltmp4:
0x3bd: {  	_ = 	snop;
	(pc) =	sbr.rel @p0 .LBB2_1-.Ltmp4, $3  }
0x3be: {  	_ =	sdelay $0x1  }
0x3bf: {  	[sflag:s22] =	ssyncset.done $0x0  }
0x3c0: {  	[sflag:s22] =	ssyncadd.s32 $0xFFFFCE00  }
0x3c1: {  	_ =	sfence.sel $0x180000  }
0x3c2: {  	[bflag:$0x0] =	sbarrier.arrive $0xFFFF  }
0x3c3: {  	_ =	strace $0x9000004A  }
0x3c4: {  	s0 =	stileid.u32;
	[bflag:$0x2] =	sbarrier.arrive $0xFFFF  }
0x3c5: {  	p0 =	sne.s32 s0, $0x0;
	s0 =	rddreg [dreg:$0x2]  }
0x3c6: {  	s0 =	sadd.s32 @!p0 $0x100000, s0  }
0x3c7: {  	[sflag:s0] =	ssyncadd.tile.s32 @!p0 $0x1;
	_ =	shalt  }
.Lfunc_end2:
_tile_overlayer_lowered:
.L_overlay_start_2:
0x3c8: {  	(tag) =	ssettag $0x2  }
0x3c9: {  	s0 =	rddreg [dreg:$0x0];
	s2 =	stileid.u32  }
0x3ca: {  	s1 =	rddreg [dreg:$0x1];
	p0 =	sne.s32 s2, $0x0  }
0x3cb: {  	s3 =	rddreg [dreg:$0x2];
	[bflag:$0x3] =	sbarrier.arrive $0xFFFF;
	s2 =	simm.s32 @!p0 $0x1C05  }
0x3cc: {  	[timem:s3], [sflag:s2] =	dma.local @!p0 [hbm:s0], s1  }
0x3cd: {  	s0 =	simm.s32 @!p0 $0x5  }
0x3ce: {  	_ =	swait.ge @!p0 [sflag:s0], s1  }
0x3cf: {  	s1 =	ssub.s32 @!p0 $0x0, s1;
	[sflag:s0] =	ssyncset.done @!p0 $0x0  }
0x3d0: {  	[sflag:s0] =	ssyncadd.s32 @!p0 s1  }
0x3d1: {  	[bflag:$0x3] =	sbarrier.arrive $0xFFFF  }
0x3d2: {  	_ =	shalt  }

</sc_bundles>
